<compile_context>
chip_gen: v7x
topology: tpu7x:2x2x1
jax: 0.10.2.dev20260603
libtpu: 0.0.44.dev20260713+nightly
codegen_flags: <defaults>
</compile_context>

<pallas_src>
import functools

import jax
import jax.numpy as jnp
from jax import lax
from jax.experimental import pallas as pl
from jax.experimental.pallas import tpu as pltpu
from jax.experimental.pallas import tpu_sc as plsc

NC = 2
NS = 16
IB = 125
RC = 8
NG = 500
F32 = jnp.float32


def _sc_mesh():
    return plsc.VectorSubcoreMesh(core_axis_name="c", subcore_axis_name="s")


_SC_PARAMS = pltpu.CompilerParams(use_tc_tiling_on_sc=False)


def _sc_gather(table, idx2d):
    n, h = table.shape
    h2 = h // NC
    r = idx2d.shape[0]
    rc = 2
    per_t = r // NS
    chunks = per_t // rc
    n2 = chunks // 2
    n_t = n // NS

    @functools.partial(
        pl.kernel,
        out_type=jax.ShapeDtypeStruct((r, IB, h), F32),
        mesh=_sc_mesh(),
        scratch_types=[
            pltpu.VMEM_SHARED((n, h2), F32),
            pltpu.VMEM((2, rc, IB), jnp.int32),
            pltpu.VMEM((2, rc, IB, h2), F32),
            pltpu.SemaphoreType.DMA,
            pltpu.SemaphoreType.DMA,
            pltpu.SemaphoreType.DMA,
        ],
        compiler_params=_SC_PARAMS,
    )
    def k(table_h, idx_h, out_h, table_s, idx_v, rows_v, sem_i0, sem_i1, sem_g):
        c = lax.axis_index("c")
        s = lax.axis_index("s")
        sem_i = (sem_i0, sem_i1)

        pltpu.sync_copy(
            table_h.at[pl.ds(s * n_t, n_t), pl.ds(c * h2, h2)],
            table_s.at[pl.ds(s * n_t, n_t)],
        )
        plsc.subcore_barrier()

        def start(t, b):
            rb = s * per_t + t * rc
            pltpu.async_copy(idx_h.at[pl.ds(rb, rc)], idx_v.at[b], sem_i[b])

        def finish(t, b):
            rb = s * per_t + t * rc
            pltpu.make_async_copy(
                idx_h.at[pl.ds(rb, rc)], idx_v.at[b], sem_i[b]
            ).wait()
            ds_ = [
                pltpu.async_copy(
                    table_s.at[idx_v.at[b].at[j]], rows_v.at[b].at[j], sem_g
                )
                for j in range(rc)
            ]
            for d in ds_:
                d.wait()
            pltpu.sync_copy(
                rows_v.at[b], out_h.at[pl.ds(rb, rc), :, pl.ds(c * h2, h2)]
            )

        start(0, 0)

        def body(p, carry):
            t0 = 2 * p
            start(t0 + 1, 1)
            finish(t0, 0)

            @pl.when(p + 1 < n2)
            def _():
                start(t0 + 2, 0)

            finish(t0 + 1, 1)
            return carry

        lax.fori_loop(0, n2, body, 0)

    return k(table, idx2d)


def _sc_scatter_add(msg3d, idx2d, zeros_h, n):
    r, _, h = msg3d.shape
    h2 = h // NC
    rc = 2
    per_t = r // NS
    chunks = per_t // rc
    n2 = chunks // 2
    n_t = n // NS

    @functools.partial(
        pl.kernel,
        out_type=jax.ShapeDtypeStruct((n, h), F32),
        mesh=_sc_mesh(),
        scratch_types=[
            pltpu.VMEM_SHARED((n, h2), F32),
            pltpu.VMEM((2, rc, IB), jnp.int32),
            pltpu.VMEM((2, rc, IB, h2), F32),
            pltpu.SemaphoreType.DMA,
            pltpu.SemaphoreType.DMA,
            pltpu.SemaphoreType.DMA,
            pltpu.SemaphoreType.DMA,
            pltpu.SemaphoreType.DMA,
        ],
        compiler_params=_SC_PARAMS,
    )
    def k(msg_h, idx_h, z_h, out_h, table_s, idx_v, rows_v,
          sem_i0, sem_i1, sem_m0, sem_m1, sem_s):
        c = lax.axis_index("c")
        s = lax.axis_index("s")
        sem_i = (sem_i0, sem_i1)
        sem_m = (sem_m0, sem_m1)
        pltpu.sync_copy(z_h, table_s.at[pl.ds(s * n_t, n_t)])
        plsc.subcore_barrier()

        def start(t, b):
            rb = s * per_t + t * rc
            pltpu.async_copy(idx_h.at[pl.ds(rb, rc)], idx_v.at[b], sem_i[b])
            pltpu.async_copy(
                msg_h.at[pl.ds(rb, rc), :, pl.ds(c * h2, h2)], rows_v.at[b],
                sem_m[b],
            )

        def finish(t, b):
            rb = s * per_t + t * rc
            pltpu.make_async_copy(
                idx_h.at[pl.ds(rb, rc)], idx_v.at[b], sem_i[b]
            ).wait()
            pltpu.make_async_copy(
                msg_h.at[pl.ds(rb, rc), :, pl.ds(c * h2, h2)], rows_v.at[b],
                sem_m[b],
            ).wait()
            ds_ = [
                pltpu.async_copy(
                    rows_v.at[b].at[j], table_s.at[idx_v.at[b].at[j]], sem_s,
                    add=True,
                )
                for j in range(rc)
            ]
            for d in ds_:
                d.wait()

        start(0, 0)

        def body(p, carry):
            t0 = 2 * p
            start(t0 + 1, 1)
            finish(t0, 0)

            @pl.when(p + 1 < n2)
            def _():
                start(t0 + 2, 0)

            finish(t0 + 1, 1)
            return carry

        lax.fori_loop(0, n2, body, 0)
        plsc.subcore_barrier()
        pltpu.sync_copy(
            table_s.at[pl.ds(s * n_t, n_t)],
            out_h.at[pl.ds(s * n_t, n_t), pl.ds(c * h2, h2)],
        )

    return k(msg3d, idx2d, zeros_h)


def _sc_scatter_gather(msg3d, dst2d, src2d, zeros_h, n):
    r, _, h = msg3d.shape
    h2 = h // NC
    rc = 2
    per_t = r // NS
    chunks = per_t // rc
    n2 = chunks // 2
    n_t = n // NS

    @functools.partial(
        pl.kernel,
        out_type=jax.ShapeDtypeStruct((r, IB, h), F32),
        mesh=_sc_mesh(),
        scratch_types=[
            pltpu.VMEM_SHARED((n, h2), F32),
            pltpu.VMEM((2, rc, IB), jnp.int32),
            pltpu.VMEM((2, rc, IB, h2), F32),
            pltpu.SemaphoreType.DMA,
            pltpu.SemaphoreType.DMA,
            pltpu.SemaphoreType.DMA,
            pltpu.SemaphoreType.DMA,
            pltpu.SemaphoreType.DMA,
        ],
        compiler_params=_SC_PARAMS,
    )
    def k(msg_h, dst_h, src_h, z_h, out_h, table_s, idx_v, rows_v,
          sem_i0, sem_i1, sem_m0, sem_m1, sem_s):
        c = lax.axis_index("c")
        s = lax.axis_index("s")
        sem_i = (sem_i0, sem_i1)
        sem_m = (sem_m0, sem_m1)

        pltpu.sync_copy(z_h, table_s.at[pl.ds(s * n_t, n_t)])
        plsc.subcore_barrier()

        def s_start(t, b):
            rb = s * per_t + t * rc
            pltpu.async_copy(dst_h.at[pl.ds(rb, rc)], idx_v.at[b], sem_i[b])
            pltpu.async_copy(
                msg_h.at[pl.ds(rb, rc), :, pl.ds(c * h2, h2)], rows_v.at[b],
                sem_m[b],
            )

        def s_finish(t, b):
            rb = s * per_t + t * rc
            pltpu.make_async_copy(
                dst_h.at[pl.ds(rb, rc)], idx_v.at[b], sem_i[b]
            ).wait()
            pltpu.make_async_copy(
                msg_h.at[pl.ds(rb, rc), :, pl.ds(c * h2, h2)], rows_v.at[b],
                sem_m[b],
            ).wait()
            ds_ = [
                pltpu.async_copy(
                    rows_v.at[b].at[j], table_s.at[idx_v.at[b].at[j]], sem_s,
                    add=True,
                )
                for j in range(rc)
            ]
            for d in ds_:
                d.wait()

        s_start(0, 0)

        def s_body(p, carry):
            t0 = 2 * p
            s_start(t0 + 1, 1)
            s_finish(t0, 0)

            @pl.when(p + 1 < n2)
            def _():
                s_start(t0 + 2, 0)

            s_finish(t0 + 1, 1)
            return carry

        lax.fori_loop(0, n2, s_body, 0)
        plsc.subcore_barrier()

        def g_start(t, b):
            rb = s * per_t + t * rc
            pltpu.async_copy(src_h.at[pl.ds(rb, rc)], idx_v.at[b], sem_i[b])

        def g_finish(t, b):
            rb = s * per_t + t * rc
            pltpu.make_async_copy(
                src_h.at[pl.ds(rb, rc)], idx_v.at[b], sem_i[b]
            ).wait()
            ds_ = [
                pltpu.async_copy(
                    table_s.at[idx_v.at[b].at[j]], rows_v.at[b].at[j], sem_s
                )
                for j in range(rc)
            ]
            for d in ds_:
                d.wait()
            pltpu.sync_copy(
                rows_v.at[b], out_h.at[pl.ds(rb, rc), :, pl.ds(c * h2, h2)]
            )

        g_start(0, 0)

        def g_body(p, carry):
            t0 = 2 * p
            g_start(t0 + 1, 1)
            g_finish(t0, 0)

            @pl.when(p + 1 < n2)
            def _():
                g_start(t0 + 2, 0)

            g_finish(t0 + 1, 1)
            return carry

        lax.fori_loop(0, n2, g_body, 0)

    return k(msg3d, dst2d, src2d, zeros_h)


def _tc_prep(x, wi_t, wo_t, b_o):
    n, af = x.shape
    h = wi_t.shape[1]
    bn = 2000
    grid = n // bn

    def body(x_ref, wi_ref, wo_ref, bo_ref, xw_ref, xo_ref):
        xb = x_ref[...]
        xw_ref[...] = jnp.dot(xb, wi_ref[...], preferred_element_type=F32)
        xo_ref[...] = (
            jnp.dot(xb, wo_ref[...], preferred_element_type=F32) + bo_ref[...]
        )

    return pl.pallas_call(
        body,
        grid=(grid,),
        in_specs=[
            pl.BlockSpec((bn, af), lambda i: (i, 0)),
            pl.BlockSpec((af, h), lambda i: (0, 0)),
            pl.BlockSpec((af, h), lambda i: (0, 0)),
            pl.BlockSpec((1, h), lambda i: (0, 0)),
        ],
        out_specs=[
            pl.BlockSpec((bn, h), lambda i: (i, 0)),
            pl.BlockSpec((bn, h), lambda i: (i, 0)),
        ],
        out_shape=[
            jax.ShapeDtypeStruct((n, h), F32),
            jax.ShapeDtypeStruct((n, h), F32),
        ],
    )(x, wi_t, wo_t, b_o.reshape(1, h))


def _tc_edge_init(gx2, ea2, wib2):
    e2, h2 = gx2.shape
    bf2 = ea2.shape[1]
    bp = 2000
    grid = e2 // bp

    def body(gx_ref, ea_ref, w_ref, mi_ref, m_ref):
        mi = gx_ref[...] + jnp.dot(ea_ref[...], w_ref[...],
                                   preferred_element_type=F32)
        mi_ref[...] = mi
        m_ref[...] = jnp.maximum(mi, 0.0)

    return pl.pallas_call(
        body,
        grid=(grid,),
        in_specs=[
            pl.BlockSpec((bp, h2), lambda i: (i, 0)),
            pl.BlockSpec((bp, bf2), lambda i: (i, 0)),
            pl.BlockSpec((bf2, h2), lambda i: (0, 0)),
        ],
        out_specs=[
            pl.BlockSpec((bp, h2), lambda i: (i, 0)),
            pl.BlockSpec((bp, h2), lambda i: (i, 0)),
        ],
        out_shape=[
            jax.ShapeDtypeStruct((e2, h2), F32),
            jax.ShapeDtypeStruct((e2, h2), F32),
        ],
    )(gx2, ea2, wib2)


def _tc_edge_update(mi2, gath2, msg2, wh2):
    e2, h2 = mi2.shape
    h = h2 // 2
    bp = 2000
    grid = e2 // bp

    def body(mi_ref, g_ref, *rest):
        if len(rest) == 3:
            m_ref, w_ref, o_ref = rest
            m = m_ref[...]
            mi = mi_ref[...]
        else:
            w_ref, o_ref = rest
            mi = mi_ref[...]
            m = jnp.maximum(mi, 0.0)
        sw = jnp.concatenate([m[:, h:], m[:, :h]], axis=1)
        a = g_ref[...] - sw
        o_ref[...] = jnp.maximum(
            mi + jnp.dot(a, w_ref[...], preferred_element_type=F32), 0.0
        )

    edge_spec = pl.BlockSpec((bp, h2), lambda i: (i, 0))
    w_spec = pl.BlockSpec((h2, h2), lambda i: (0, 0))
    in_specs = [edge_spec, edge_spec]
    args = [mi2, gath2]
    if msg2 is not None:
        in_specs.append(edge_spec)
        args.append(msg2)
    in_specs.append(w_spec)
    args.append(wh2)

    return pl.pallas_call(
        body,
        grid=(grid,),
        in_specs=in_specs,
        out_specs=edge_spec,
        out_shape=jax.ShapeDtypeStruct((e2, h2), F32),
    )(*args)


def _tc_readout(xo, m, gid2d, wo_b):
    n, h = xo.shape
    bn = 2000
    grid = n // bn
    gpad = 512

    def body(xo_ref, m_ref, gid_ref, w_ref, out_ref, acc_ref):
        i = pl.program_id(0)

        @pl.when(i == 0)
        def _():
            acc_ref[...] = jnp.zeros_like(acc_ref)

        hb = jnp.maximum(
            xo_ref[...] + jnp.dot(m_ref[...], w_ref[...], preferred_element_type=F32),
            0.0,
        )
        h2 = jnp.concatenate(
            [hb, jnp.ones((bn, 1), F32), jnp.zeros((bn, 2 * h - 1 - h), F32)], axis=1
        )
        gid = gid_ref[...]
        iota = lax.broadcasted_iota(jnp.int32, (bn, gpad), 1)
        oh = (gid == iota).astype(F32)
        acc_ref[...] += lax.dot_general(
            oh, h2, (((0,), (0,)), ((), ())), preferred_element_type=F32
        )

        @pl.when(i == grid - 1)
        def _():
            acc = acc_ref[...]
            out_ref[...] = acc[:, :h] / jnp.maximum(acc[:, h : h + 1], 1.0)

    return pl.pallas_call(
        body,
        grid=(grid,),
        in_specs=[
            pl.BlockSpec((bn, h), lambda i: (i, 0)),
            pl.BlockSpec((bn, h), lambda i: (i, 0)),
            pl.BlockSpec((bn, 1), lambda i: (i, 0)),
            pl.BlockSpec((h, h), lambda i: (0, 0)),
        ],
        out_specs=pl.BlockSpec((gpad, h), lambda i: (0, 0)),
        out_shape=jax.ShapeDtypeStruct((gpad, h), F32),
        scratch_shapes=[pltpu.VMEM((gpad, 2 * h), F32)],
    )(xo, m, gid2d, wo_b)


def kernel(x, edge_index, edge_attr, graph_ids, W_i, W_h, W_o, b_o):
    n, af = x.shape
    e, bf = edge_attr.shape
    h = W_h.shape[0]
    depth = 3

    src2d = edge_index[0].reshape(e // IB, IB)
    dst2d = edge_index[1].reshape(e // IB, IB)
    zeros_h = jnp.zeros((n // NS, h // NC), F32)

    wh2 = (
        jnp.zeros((2 * h, 2 * h), F32)
        .at[:h, :h].set(W_h)
        .at[h:, h:].set(W_h)
    )

    wib2 = (
        jnp.zeros((2 * bf, 2 * h), F32)
        .at[:bf, :h].set(W_i[af:])
        .at[bf:, h:].set(W_i[af:])
    )

    xw, xo = _tc_prep(x, W_i[:af], W_o[:af], b_o)
    gx2 = _sc_gather(xw, src2d).reshape(e // 2, 2 * h)
    mi2, msg2 = _tc_edge_init(gx2, edge_attr.reshape(e // 2, 2 * bf), wib2)

    for it in range(depth - 1):
        gath2 = _sc_scatter_gather(
            msg2.reshape(e // IB, IB, h), dst2d, src2d, zeros_h, n
        ).reshape(e // 2, 2 * h)
        msg2 = _tc_edge_update(mi2, gath2, msg2 if it > 0 else None, wh2)

    m = _sc_scatter_add(msg2.reshape(e // IB, IB, h), dst2d, zeros_h, n)
    g = _tc_readout(xo, m, graph_ids.reshape(n, 1), W_o[af:])
    return g[:NG]

# --- scband reference (transcript-rebuilt; emitter-appended) ---
"""Pipeline reference for scband-dglmpn-56221121904822 (READ-ONLY COPY).

The authoritative reference and input builder live on the scoring server;
editing this copy changes nothing except your own understanding.
"""

import jax, jax.numpy as jnp
import numpy as np

N = 50000
E = 800000
N_GRAPHS = 500
HIDDEN = 64
DEPTH = 3
ATOM_FDIM = 39
BOND_FDIM = 11


def setup_inputs(seed: int = 0) -> dict:
    key = jax.random.key(seed)
    k = jax.random.split(key, 10)
    x = jax.random.normal(k[0], (N, ATOM_FDIM), dtype=jnp.float32)
    # Build directed edges in reverse-pairs so rev(e) = e ^ 1, matching a
    # molecular graph where every bond yields two directed edges.
    e_half = E // 2
    src_h = jax.random.randint(k[1], (e_half,), 0, N)
    dst_h = jax.random.randint(k[2], (e_half,), 0, N)
    src = jnp.stack([src_h, dst_h], axis=1).reshape(-1)
    dst = jnp.stack([dst_h, src_h], axis=1).reshape(-1)
    edge_index = jnp.stack([src, dst], axis=0).astype(jnp.int32)
    # bond features shared between the two directions of a bond
    battr = jax.random.normal(k[3], (e_half, BOND_FDIM), dtype=jnp.float32)
    edge_attr = jnp.repeat(battr, 2, axis=0)
    graph_ids = jnp.sort(jax.random.randint(k[4], (N,), 0, N_GRAPHS)).astype(jnp.int32)
    W_i = jax.random.normal(k[5], (ATOM_FDIM + BOND_FDIM, HIDDEN), dtype=jnp.float32) * 0.05
    W_h = jax.random.normal(k[6], (HIDDEN, HIDDEN), dtype=jnp.float32) * 0.05
    W_o = jax.random.normal(k[7], (ATOM_FDIM + HIDDEN, HIDDEN), dtype=jnp.float32) * 0.05
    b_o = jnp.zeros((HIDDEN,), dtype=jnp.float32)
    return {"x": x, "edge_index": edge_index, "edge_attr": edge_attr,
            "graph_ids": graph_ids, "W_i": W_i, "W_h": W_h, "W_o": W_o, "b_o": b_o}


def reference(x, edge_index, edge_attr, graph_ids, W_i, W_h, W_o, b_o):
    src = edge_index[0]
    dst = edge_index[1]
    n_e = src.shape[0]
    rev = jnp.arange(n_e) ^ 1  # reverse-edge index (edges stored in pairs)

    # apply_edges: src_x = x[src]; line-graph node features = [src_x, bond_x]
    src_x = jnp.take(x, src, axis=0)
    features = jnp.concatenate([src_x, edge_attr], axis=1)
    msg_input = features @ W_i  # W_i has no bias
    msg = jax.nn.relu(msg_input)

    # loopy BP on the non-backtracking line graph:
    # accum_msg(e) = sum_{e': dst(e')==src(e), e' != rev(e)} msg(e')
    for _ in range(DEPTH - 1):
        node_in = jax.ops.segment_sum(msg, dst, num_segments=N)
        accum_msg = jnp.take(node_in, src, axis=0) - jnp.take(msg, rev, axis=0)
        msg_delta = accum_msg @ W_h  # W_h has no bias
        msg = jax.nn.relu(msg_input + msg_delta)

    # gather: m[v] = sum of incoming edge messages; h = relu(W_o [x, m])
    m = jax.ops.segment_sum(msg, dst, num_segments=N)
    h = jax.nn.relu(jnp.concatenate([x, m], axis=1) @ W_o + b_o)

    # mean_nodes readout over the batched graph
    sums = jax.ops.segment_sum(h, graph_ids, num_segments=N_GRAPHS)
    counts = jax.ops.segment_sum(jnp.ones((N, 1), jnp.float32), graph_ids, num_segments=N_GRAPHS)
    g_repr = sums / jnp.maximum(counts, 1.0)
    return g_repr

if __name__ == "__main__":
    import jax
    _d = setup_inputs()
    print(jax.jit(kernel)(*tuple(_d.values())))

</pallas_src>

<mosaic_0001>
#map = affine_map<(d0, d1) -> (0, 0, 0)>
#map1 = affine_map<(d0, d1) -> (0, 0)>
module attributes {stable_mosaic.version = 14 : i64} {
  func.func @k(%arg0: i32, %arg1: i32, %arg2: memref<6400x125x64xf32, #tpu.memory_space<hbm>>, %arg3: memref<6400x125xi32, #tpu.memory_space<hbm>>, %arg4: memref<6400x125xi32, #tpu.memory_space<hbm>>, %arg5: memref<3125x32xf32, #tpu.memory_space<hbm>>, %arg6: memref<6400x125x64xf32, #tpu.memory_space<hbm>>, %arg7: memref<50000x32xf32, #tpu.memory_space<vmem_shared>>, %arg8: memref<2x2x125xi32, #tpu.memory_space<vmem>>, %arg9: memref<2x2x125x32xf32, #tpu.memory_space<vmem>>, %arg10: memref<!tpu.dma_semaphore, #tpu.memory_space<semaphore_mem>>, %arg11: memref<!tpu.dma_semaphore, #tpu.memory_space<semaphore_mem>>, %arg12: memref<!tpu.dma_semaphore, #tpu.memory_space<semaphore_mem>>, %arg13: memref<!tpu.dma_semaphore, #tpu.memory_space<semaphore_mem>>, %arg14: memref<!tpu.dma_semaphore, #tpu.memory_space<semaphore_mem>>) attributes {dimension_semantics = [#tpu.dimension_semantics<core_parallel>, #tpu.dimension_semantics<subcore_parallel>], iteration_bounds = array<i64: 2, 16>, scalar_prefetch = 0 : i64, scratch_operands = 8 : i64, tpu.core_type = #tpu.core_type<sc_vector_subcore>, window_params = [{transform_indices = #map}, {transform_indices = #map1}, {transform_indices = #map1}, {transform_indices = #map1}, {transform_indices = #map}]} {
    %mul3A = arith.constant 3125 : i32
    %mul3A_0 = arith.muli %arg1, %mul3A : i32
    "tpu.region"() ({
      %run_scoped3A = tpu.sem_alloc : memref<!tpu.dma_semaphore, #tpu.memory_space<semaphore_mem>>
      %dma_start3A_62 = arith.constant 0 : i32
      %dma_start3A_63 = tpu.memref_slice %arg7[%mul3A_0, %dma_start3A_62] : memref<50000x32xf32, #tpu.memory_space<vmem_shared>> -> memref<3125x32xf32, #tpu.memory_space<vmem_shared>>
      tpu.enqueue_dma source(%arg5 : memref<3125x32xf32, #tpu.memory_space<hbm>>) target(%dma_start3A_63 : memref<3125x32xf32, #tpu.memory_space<vmem_shared>>) target_semaphore(%run_scoped3A : memref<!tpu.dma_semaphore, #tpu.memory_space<semaphore_mem>>)
      %dma_wait3A = arith.constant 0 : i32
      %dma_wait3A_64 = tpu.memref_slice %arg7[%mul3A_0, %dma_wait3A] : memref<50000x32xf32, #tpu.memory_space<vmem_shared>> -> memref<3125x32xf32, #tpu.memory_space<vmem_shared>>
      tpu.wait_dma2 semaphore(%run_scoped3A : memref<!tpu.dma_semaphore, #tpu.memory_space<semaphore_mem>>) src(%arg5 : memref<3125x32xf32, #tpu.memory_space<hbm>>) dst(%dma_wait3A_64 : memref<3125x32xf32, #tpu.memory_space<vmem_shared>>)
      tpu.yield
    }) : () -> ()
    %barrier3A = arith.constant 0 : index
    tpu.barrier barrier_id(%barrier3A)
    %mul3A_1 = arith.constant 400 : i32
    %mul3A_2 = arith.muli %arg1, %mul3A_1 : i32
    %add3A = arith.constant 0 : i32
    %add3A_3 = arith.addi %mul3A_2, %add3A : i32
    %dma_start3A = arith.constant 0 : i32
    %dma_start3A_4 = arith.constant 0 : i32
    %dma_start3A_5 = arith.constant 0 : i32
    %dma_start3A_6 = tpu.memref_slice %arg8[%dma_start3A, %dma_start3A_4, %dma_start3A_5] : memref<2x2x125xi32, #tpu.memory_space<vmem>> -> memref<1x2x125xi32, #tpu.memory_space<vmem>>
    %dma_start3A_7 = tpu.memref_squeeze %dma_start3A_6 : memref<1x2x125xi32, #tpu.memory_space<vmem>> -> memref<2x125xi32, #tpu.memory_space<vmem>>
    %dma_start3A_8 = arith.constant 0 : i32
    %dma_start3A_9 = tpu.memref_slice %arg3[%add3A_3, %dma_start3A_8] : memref<6400x125xi32, #tpu.memory_space<hbm>> -> memref<2x125xi32, #tpu.memory_space<hbm>>
    %dma_start3A_10 = arith.constant 0 : i32
    %dma_start3A_11 = arith.constant 0 : i32
    %dma_start3A_12 = tpu.memref_slice %arg8[%dma_start3A, %dma_start3A_10, %dma_start3A_11] : memref<2x2x125xi32, #tpu.memory_space<vmem>> -> memref<1x2x125xi32, #tpu.memory_space<vmem>>
    %dma_start3A_13 = tpu.memref_squeeze %dma_start3A_12 : memref<1x2x125xi32, #tpu.memory_space<vmem>> -> memref<2x125xi32, #tpu.memory_space<vmem>>
    %dma_start3A_14 = arith.constant 0 : i32
    %dma_start3A_15 = tpu.memref_slice %arg3[%add3A_3, %dma_start3A_14] : memref<6400x125xi32, #tpu.memory_space<hbm>> -> memref<2x125xi32, #tpu.memory_space<hbm>>
    tpu.enqueue_dma source(%dma_start3A_15 : memref<2x125xi32, #tpu.memory_space<hbm>>) target(%dma_start3A_13 : memref<2x125xi32, #tpu.memory_space<vmem>>) target_semaphore(%arg10 : memref<!tpu.dma_semaphore, #tpu.memory_space<semaphore_mem>>)
    %mul3A_16 = arith.constant 32 : i32
    %mul3A_17 = arith.muli %arg0, %mul3A_16 : i32
    %dma_start3A_18 = arith.constant 0 : i32
    %dma_start3A_19 = arith.constant 0 : i32
    %dma_start3A_20 = arith.constant 0 : i32
    %dma_start3A_21 = arith.constant 0 : i32
    %dma_start3A_22 = tpu.memref_slice %arg9[%dma_start3A_18, %dma_start3A_19, %dma_start3A_20, %dma_start3A_21] : memref<2x2x125x32xf32, #tpu.memory_space<vmem>> -> memref<1x2x125x32xf32, #tpu.memory_space<vmem>>
    %dma_start3A_23 = tpu.memref_squeeze %dma_start3A_22 : memref<1x2x125x32xf32, #tpu.memory_space<vmem>> -> memref<2x125x32xf32, #tpu.memory_space<vmem>>
    %dma_start3A_24 = arith.constant 0 : i32
    %dma_start3A_25 = tpu.memref_slice %arg2[%add3A_3, %dma_start3A_24, %mul3A_17] : memref<6400x125x64xf32, #tpu.memory_space<hbm>> -> memref<2x125x32xf32, #tpu.memory_space<hbm>>
    %dma_start3A_26 = arith.constant 0 : i32
    %dma_start3A_27 = arith.constant 0 : i32
    %dma_start3A_28 = arith.constant 0 : i32
    %dma_start3A_29 = tpu.memref_slice %arg9[%dma_start3A_18, %dma_start3A_26, %dma_start3A_27, %dma_start3A_28] : memref<2x2x125x32xf32, #tpu.memory_space<vmem>> -> memref<1x2x125x32xf32, #tpu.memory_space<vmem>>
    %dma_start3A_30 = tpu.memref_squeeze %dma_start3A_29 : memref<1x2x125x32xf32, #tpu.memory_space<vmem>> -> memref<2x125x32xf32, #tpu.memory_space<vmem>>
    %dma_start3A_31 = arith.constant 0 : i32
    %dma_start3A_32 = tpu.memref_slice %arg2[%add3A_3, %dma_start3A_31, %mul3A_17] : memref<6400x125x64xf32, #tpu.memory_space<hbm>> -> memref<2x125x32xf32, #tpu.memory_space<hbm>>
    tpu.enqueue_dma source(%dma_start3A_32 : memref<2x125x32xf32, #tpu.memory_space<hbm>>) target(%dma_start3A_30 : memref<2x125x32xf32, #tpu.memory_space<vmem>>) target_semaphore(%arg12 : memref<!tpu.dma_semaphore, #tpu.memory_space<semaphore_mem>>)
    %scan3A = arith.constant 0 : i32
    %scan3A_33 = arith.constant 0 : i32
    %scan3A_34 = arith.constant 100 : i32
    %scan3A_35 = arith.addi %scan3A_33, %scan3A_34 : i32
    %scan3A_36 = arith.constant 1 : i32
    scf.for %scan3A_62 = %scan3A_33 to %scan3A_35 step %scan3A_36  : i32 {
      %mul3A_63 = arith.constant 2 : i32
      %mul3A_64 = arith.muli %mul3A_63, %scan3A_62 : i32
      %add3A_65 = arith.constant 1 : i32
      %add3A_66 = arith.addi %mul3A_64, %add3A_65 : i32
      %mul3A_67 = arith.constant 400 : i32
      %mul3A_68 = arith.muli %arg1, %mul3A_67 : i32
      %mul3A_69 = arith.constant 2 : i32
      %mul3A_70 = arith.muli %add3A_66, %mul3A_69 : i32
      %add3A_71 = arith.addi %mul3A_68, %mul3A_70 : i32
      %dma_start3A_72 = arith.constant 1 : i32
      %dma_start3A_73 = arith.constant 0 : i32
      %dma_start3A_74 = arith.constant 0 : i32
      %dma_start3A_75 = tpu.memref_slice %arg8[%dma_start3A_72, %dma_start3A_73, %dma_start3A_74] : memref<2x2x125xi32, #tpu.memory_space<vmem>> -> memref<1x2x125xi32, #tpu.memory_space<vmem>>
      %dma_start3A_76 = tpu.memref_squeeze %dma_start3A_75 : memref<1x2x125xi32, #tpu.memory_space<vmem>> -> memref<2x125xi32, #tpu.memory_space<vmem>>
      %dma_start3A_77 = arith.constant 0 : i32
      %dma_start3A_78 = tpu.memref_slice %arg3[%add3A_71, %dma_start3A_77] : memref<6400x125xi32, #tpu.memory_space<hbm>> -> memref<2x125xi32, #tpu.memory_space<hbm>>
      %dma_start3A_79 = arith.constant 0 : i32
      %dma_start3A_80 = arith.constant 0 : i32
      %dma_start3A_81 = tpu.memref_slice %arg8[%dma_start3A_72, %dma_start3A_79, %dma_start3A_80] : memref<2x2x125xi32, #tpu.memory_space<vmem>> -> memref<1x2x125xi32, #tpu.memory_space<vmem>>
      %dma_start3A_82 = tpu.memref_squeeze %dma_start3A_81 : memref<1x2x125xi32, #tpu.memory_space<vmem>> -> memref<2x125xi32, #tpu.memory_space<vmem>>
      %dma_start3A_83 = arith.constant 0 : i32
      %dma_start3A_84 = tpu.memref_slice %arg3[%add3A_71, %dma_start3A_83] : memref<6400x125xi32, #tpu.memory_space<hbm>> -> memref<2x125xi32, #tpu.memory_space<hbm>>
      tpu.enqueue_dma source(%dma_start3A_84 : memref<2x125xi32, #tpu.memory_space<hbm>>) target(%dma_start3A_82 : memref<2x125xi32, #tpu.memory_space<vmem>>) target_semaphore(%arg11 : memref<!tpu.dma_semaphore, #tpu.memory_space<semaphore_mem>>)
      %mul3A_85 = arith.constant 32 : i32
      %mul3A_86 = arith.muli %arg0, %mul3A_85 : i32
      %dma_start3A_87 = arith.constant 1 : i32
      %dma_start3A_88 = arith.constant 0 : i32
      %dma_start3A_89 = arith.constant 0 : i32
      %dma_start3A_90 = arith.constant 0 : i32
      %dma_start3A_91 = tpu.memref_slice %arg9[%dma_start3A_87, %dma_start3A_88, %dma_start3A_89, %dma_start3A_90] : memref<2x2x125x32xf32, #tpu.memory_space<vmem>> -> memref<1x2x125x32xf32, #tpu.memory_space<vmem>>
      %dma_start3A_92 = tpu.memref_squeeze %dma_start3A_91 : memref<1x2x125x32xf32, #tpu.memory_space<vmem>> -> memref<2x125x32xf32, #tpu.memory_space<vmem>>
      %dma_start3A_93 = arith.constant 0 : i32
      %dma_start3A_94 = tpu.memref_slice %arg2[%add3A_71, %dma_start3A_93, %mul3A_86] : memref<6400x125x64xf32, #tpu.memory_space<hbm>> -> memref<2x125x32xf32, #tpu.memory_space<hbm>>
      %dma_start3A_95 = arith.constant 0 : i32
      %dma_start3A_96 = arith.constant 0 : i32
      %dma_start3A_97 = arith.constant 0 : i32
      %dma_start3A_98 = tpu.memref_slice %arg9[%dma_start3A_87, %dma_start3A_95, %dma_start3A_96, %dma_start3A_97] : memref<2x2x125x32xf32, #tpu.memory_space<vmem>> -> memref<1x2x125x32xf32, #tpu.memory_space<vmem>>
      %dma_start3A_99 = tpu.memref_squeeze %dma_start3A_98 : memref<1x2x125x32xf32, #tpu.memory_space<vmem>> -> memref<2x125x32xf32, #tpu.memory_space<vmem>>
      %dma_start3A_100 = arith.constant 0 : i32
      %dma_start3A_101 = tpu.memref_slice %arg2[%add3A_71, %dma_start3A_100, %mul3A_86] : memref<6400x125x64xf32, #tpu.memory_space<hbm>> -> memref<2x125x32xf32, #tpu.memory_space<hbm>>
      tpu.enqueue_dma source(%dma_start3A_101 : memref<2x125x32xf32, #tpu.memory_space<hbm>>) target(%dma_start3A_99 : memref<2x125x32xf32, #tpu.memory_space<vmem>>) target_semaphore(%arg13 : memref<!tpu.dma_semaphore, #tpu.memory_space<semaphore_mem>>)
      %mul3A_102 = arith.constant 400 : i32
      %mul3A_103 = arith.muli %arg1, %mul3A_102 : i32
      %mul3A_104 = arith.constant 2 : i32
      %mul3A_105 = arith.muli %mul3A_64, %mul3A_104 : i32
      %add3A_106 = arith.addi %mul3A_103, %mul3A_105 : i32
      %dma_wait3A = arith.constant 0 : i32
      %dma_wait3A_107 = arith.constant 0 : i32
      %dma_wait3A_108 = arith.constant 0 : i32
      %dma_wait3A_109 = tpu.memref_slice %arg8[%dma_wait3A, %dma_wait3A_107, %dma_wait3A_108] : memref<2x2x125xi32, #tpu.memory_space<vmem>> -> memref<1x2x125xi32, #tpu.memory_space<vmem>>
      %dma_wait3A_110 = tpu.memref_squeeze %dma_wait3A_109 : memref<1x2x125xi32, #tpu.memory_space<vmem>> -> memref<2x125xi32, #tpu.memory_space<vmem>>
      %dma_wait3A_111 = arith.constant 0 : i32
      %dma_wait3A_112 = tpu.memref_slice %arg3[%add3A_106, %dma_wait3A_111] : memref<6400x125xi32, #tpu.memory_space<hbm>> -> memref<2x125xi32, #tpu.memory_space<hbm>>
      %dma_wait3A_113 = arith.constant 0 : i32
      %dma_wait3A_114 = arith.constant 0 : i32
      %dma_wait3A_115 = tpu.memref_slice %arg8[%dma_wait3A, %dma_wait3A_113, %dma_wait3A_114] : memref<2x2x125xi32, #tpu.memory_space<vmem>> -> memref<1x2x125xi32, #tpu.memory_space<vmem>>
      %dma_wait3A_116 = tpu.memref_squeeze %dma_wait3A_115 : memref<1x2x125xi32, #tpu.memory_space<vmem>> -> memref<2x125xi32, #tpu.memory_space<vmem>>
      %dma_wait3A_117 = arith.constant 0 : i32
      %dma_wait3A_118 = tpu.memref_slice %arg3[%add3A_106, %dma_wait3A_117] : memref<6400x125xi32, #tpu.memory_space<hbm>> -> memref<2x125xi32, #tpu.memory_space<hbm>>
      tpu.wait_dma2 semaphore(%arg10 : memref<!tpu.dma_semaphore, #tpu.memory_space<semaphore_mem>>) src(%dma_wait3A_118 : memref<2x125xi32, #tpu.memory_space<hbm>>) dst(%dma_wait3A_116 : memref<2x125xi32, #tpu.memory_space<vmem>>)
      %mul3A_119 = arith.constant 32 : i32
      %mul3A_120 = arith.muli %arg0, %mul3A_119 : i32
      %dma_wait3A_121 = arith.constant 0 : i32
      %dma_wait3A_122 = arith.constant 0 : i32
      %dma_wait3A_123 = arith.constant 0 : i32
      %dma_wait3A_124 = arith.constant 0 : i32
      %dma_wait3A_125 = tpu.memref_slice %arg9[%dma_wait3A_121, %dma_wait3A_122, %dma_wait3A_123, %dma_wait3A_124] : memref<2x2x125x32xf32, #tpu.memory_space<vmem>> -> memref<1x2x125x32xf32, #tpu.memory_space<vmem>>
      %dma_wait3A_126 = tpu.memref_squeeze %dma_wait3A_125 : memref<1x2x125x32xf32, #tpu.memory_space<vmem>> -> memref<2x125x32xf32, #tpu.memory_space<vmem>>
      %dma_wait3A_127 = arith.constant 0 : i32
      %dma_wait3A_128 = tpu.memref_slice %arg2[%add3A_106, %dma_wait3A_127, %mul3A_120] : memref<6400x125x64xf32, #tpu.memory_space<hbm>> -> memref<2x125x32xf32, #tpu.memory_space<hbm>>
      %dma_wait3A_129 = arith.constant 0 : i32
      %dma_wait3A_130 = arith.constant 0 : i32
      %dma_wait3A_131 = arith.constant 0 : i32
      %dma_wait3A_132 = tpu.memref_slice %arg9[%dma_wait3A_121, %dma_wait3A_129, %dma_wait3A_130, %dma_wait3A_131] : memref<2x2x125x32xf32, #tpu.memory_space<vmem>> -> memref<1x2x125x32xf32, #tpu.memory_space<vmem>>
      %dma_wait3A_133 = tpu.memref_squeeze %dma_wait3A_132 : memref<1x2x125x32xf32, #tpu.memory_space<vmem>> -> memref<2x125x32xf32, #tpu.memory_space<vmem>>
      %dma_wait3A_134 = arith.constant 0 : i32
      %dma_wait3A_135 = tpu.memref_slice %arg2[%add3A_106, %dma_wait3A_134, %mul3A_120] : memref<6400x125x64xf32, #tpu.memory_space<hbm>> -> memref<2x125x32xf32, #tpu.memory_space<hbm>>
      tpu.wait_dma2 semaphore(%arg12 : memref<!tpu.dma_semaphore, #tpu.memory_space<semaphore_mem>>) src(%dma_wait3A_135 : memref<2x125x32xf32, #tpu.memory_space<hbm>>) dst(%dma_wait3A_133 : memref<2x125x32xf32, #tpu.memory_space<vmem>>)
      %dma_start3A_136 = arith.constant 0 : i32
      %dma_start3A_137 = arith.constant 0 : i32
      %dma_start3A_138 = arith.constant 0 : i32
      %dma_start3A_139 = arith.constant 0 : i32
      %dma_start3A_140 = arith.constant 0 : i32
      %dma_start3A_141 = arith.constant 0 : i32
      %dma_start3A_142 = arith.constant 0 : i32
      %dma_start3A_143 = tpu.memref_slice %arg9[%dma_start3A_136, %dma_start3A_140, %dma_start3A_141, %dma_start3A_142] : memref<2x2x125x32xf32, #tpu.memory_space<vmem>> -> memref<1x2x125x32xf32, #tpu.memory_space<vmem>>
      %dma_start3A_144 = tpu.memref_squeeze %dma_start3A_143 : memref<1x2x125x32xf32, #tpu.memory_space<vmem>> -> memref<2x125x32xf32, #tpu.memory_space<vmem>>
      %dma_start3A_145 = arith.constant 0 : i32
      %dma_start3A_146 = arith.constant 0 : i32
      %dma_start3A_147 = tpu.memref_slice %dma_start3A_144[%dma_start3A_137, %dma_start3A_145, %dma_start3A_146] : memref<2x125x32xf32, #tpu.memory_space<vmem>> -> memref<1x125x32xf32, #tpu.memory_space<vmem>>
      %dma_start3A_148 = tpu.memref_squeeze %dma_start3A_147 : memref<1x125x32xf32, #tpu.memory_space<vmem>> -> memref<125x32xf32, #tpu.memory_space<vmem>>
      %dma_start3A_149 = arith.constant 0 : i32
      %dma_start3A_150 = arith.constant 0 : i32
      %dma_start3A_151 = tpu.memref_slice %arg8[%dma_start3A_138, %dma_start3A_149, %dma_start3A_150] : memref<2x2x125xi32, #tpu.memory_space<vmem>> -> memref<1x2x125xi32, #tpu.memory_space<vmem>>
      %dma_start3A_152 = tpu.memref_squeeze %dma_start3A_151 : memref<1x2x125xi32, #tpu.memory_space<vmem>> -> memref<2x125xi32, #tpu.memory_space<vmem>>
      %dma_start3A_153 = arith.constant 0 : i32
      %dma_start3A_154 = tpu.memref_slice %dma_start3A_152[%dma_start3A_139, %dma_start3A_153] : memref<2x125xi32, #tpu.memory_space<vmem>> -> memref<1x125xi32, #tpu.memory_space<vmem>>
      %dma_start3A_155 = tpu.memref_squeeze %dma_start3A_154 : memref<1x125xi32, #tpu.memory_space<vmem>> -> memref<125xi32, #tpu.memory_space<vmem>>
      %dma_start3A_156 = arith.constant 0 : i32
      %dma_start3A_157 = arith.constant 0 : i32
      %dma_start3A_158 = tpu.memref_slice %arg7[%dma_start3A_156, %dma_start3A_157] : memref<50000x32xf32, #tpu.memory_space<vmem_shared>> -> memref<50000x32xf32, #tpu.memory_space<vmem_shared>>
      tpu.enqueue_indirect_dma source(%dma_start3A_148 : memref<125x32xf32, #tpu.memory_space<vmem>>) target(%dma_start3A_158 : memref<50000x32xf32, #tpu.memory_space<vmem_shared>>) offsets(%dma_start3A_155 : memref<125xi32, #tpu.memory_space<vmem>>) semaphore(%arg14 : memref<!tpu.dma_semaphore, #tpu.memory_space<semaphore_mem>>) {add = true}
      %dma_start3A_159 = arith.constant 0 : i32
      %dma_start3A_160 = arith.constant 1 : i32
      %dma_start3A_161 = arith.constant 0 : i32
      %dma_start3A_162 = arith.constant 1 : i32
      %dma_start3A_163 = arith.constant 0 : i32
      %dma_start3A_164 = arith.constant 0 : i32
      %dma_start3A_165 = arith.constant 0 : i32
      %dma_start3A_166 = tpu.memref_slice %arg9[%dma_start3A_159, %dma_start3A_163, %dma_start3A_164, %dma_start3A_165] : memref<2x2x125x32xf32, #tpu.memory_space<vmem>> -> memref<1x2x125x32xf32, #tpu.memory_space<vmem>>
      %dma_start3A_167 = tpu.memref_squeeze %dma_start3A_166 : memref<1x2x125x32xf32, #tpu.memory_space<vmem>> -> memref<2x125x32xf32, #tpu.memory_space<vmem>>
      %dma_start3A_168 = arith.constant 0 : i32
      %dma_start3A_169 = arith.constant 0 : i32
      %dma_start3A_170 = tpu.memref_slice %dma_start3A_167[%dma_start3A_160, %dma_start3A_168, %dma_start3A_169] : memref<2x125x32xf32, #tpu.memory_space<vmem>> -> memref<1x125x32xf32, #tpu.memory_space<vmem>>
      %dma_start3A_171 = tpu.memref_squeeze %dma_start3A_170 : memref<1x125x32xf32, #tpu.memory_space<vmem>> -> memref<125x32xf32, #tpu.memory_space<vmem>>
      %dma_start3A_172 = arith.constant 0 : i32
      %dma_start3A_173 = arith.constant 0 : i32
      %dma_start3A_174 = tpu.memref_slice %arg8[%dma_start3A_161, %dma_start3A_172, %dma_start3A_173] : memref<2x2x125xi32, #tpu.memory_space<vmem>> -> memref<1x2x125xi32, #tpu.memory_space<vmem>>
      %dma_start3A_175 = tpu.memref_squeeze %dma_start3A_174 : memref<1x2x125xi32, #tpu.memory_space<vmem>> -> memref<2x125xi32, #tpu.memory_space<vmem>>
      %dma_start3A_176 = arith.constant 0 : i32
      %dma_start3A_177 = tpu.memref_slice %dma_start3A_175[%dma_start3A_162, %dma_start3A_176] : memref<2x125xi32, #tpu.memory_space<vmem>> -> memref<1x125xi32, #tpu.memory_space<vmem>>
      %dma_start3A_178 = tpu.memref_squeeze %dma_start3A_177 : memref<1x125xi32, #tpu.memory_space<vmem>> -> memref<125xi32, #tpu.memory_space<vmem>>
      %dma_start3A_179 = arith.constant 0 : i32
      %dma_start3A_180 = arith.constant 0 : i32
      %dma_start3A_181 = tpu.memref_slice %arg7[%dma_start3A_179, %dma_start3A_180] : memref<50000x32xf32, #tpu.memory_space<vmem_shared>> -> memref<50000x32xf32, #tpu.memory_space<vmem_shared>>
      tpu.enqueue_indirect_dma source(%dma_start3A_171 : memref<125x32xf32, #tpu.memory_space<vmem>>) target(%dma_start3A_181 : memref<50000x32xf32, #tpu.memory_space<vmem_shared>>) offsets(%dma_start3A_178 : memref<125xi32, #tpu.memory_space<vmem>>) semaphore(%arg14 : memref<!tpu.dma_semaphore, #tpu.memory_space<semaphore_mem>>) {add = true}
      %dma_wait3A_182 = arith.constant 0 : i32
      %dma_wait3A_183 = arith.constant 0 : i32
      %dma_wait3A_184 = arith.constant 0 : i32
      %dma_wait3A_185 = arith.constant 0 : i32
      %dma_wait3A_186 = arith.constant 0 : i32
      %dma_wait3A_187 = arith.constant 0 : i32
      %dma_wait3A_188 = arith.constant 0 : i32
      %dma_wait3A_189 = tpu.memref_slice %arg9[%dma_wait3A_182, %dma_wait3A_186, %dma_wait3A_187, %dma_wait3A_188] : memref<2x2x125x32xf32, #tpu.memory_space<vmem>> -> memref<1x2x125x32xf32, #tpu.memory_space<vmem>>
      %dma_wait3A_190 = tpu.memref_squeeze %dma_wait3A_189 : memref<1x2x125x32xf32, #tpu.memory_space<vmem>> -> memref<2x125x32xf32, #tpu.memory_space<vmem>>
      %dma_wait3A_191 = arith.constant 0 : i32
      %dma_wait3A_192 = arith.constant 0 : i32
      %dma_wait3A_193 = tpu.memref_slice %dma_wait3A_190[%dma_wait3A_183, %dma_wait3A_191, %dma_wait3A_192] : memref<2x125x32xf32, #tpu.memory_space<vmem>> -> memref<1x125x32xf32, #tpu.memory_space<vmem>>
      %dma_wait3A_194 = tpu.memref_squeeze %dma_wait3A_193 : memref<1x125x32xf32, #tpu.memory_space<vmem>> -> memref<125x32xf32, #tpu.memory_space<vmem>>
      %dma_wait3A_195 = arith.constant 0 : i32
      %dma_wait3A_196 = arith.constant 0 : i32
      %dma_wait3A_197 = tpu.memref_slice %arg8[%dma_wait3A_184, %dma_wait3A_195, %dma_wait3A_196] : memref<2x2x125xi32, #tpu.memory_space<vmem>> -> memref<1x2x125xi32, #tpu.memory_space<vmem>>
      %dma_wait3A_198 = tpu.memref_squeeze %dma_wait3A_197 : memref<1x2x125xi32, #tpu.memory_space<vmem>> -> memref<2x125xi32, #tpu.memory_space<vmem>>
      %dma_wait3A_199 = arith.constant 0 : i32
      %dma_wait3A_200 = tpu.memref_slice %dma_wait3A_198[%dma_wait3A_185, %dma_wait3A_199] : memref<2x125xi32, #tpu.memory_space<vmem>> -> memref<1x125xi32, #tpu.memory_space<vmem>>
      %dma_wait3A_201 = tpu.memref_squeeze %dma_wait3A_200 : memref<1x125xi32, #tpu.memory_space<vmem>> -> memref<125xi32, #tpu.memory_space<vmem>>
      %dma_wait3A_202 = arith.constant 0 : i32
      %dma_wait3A_203 = arith.constant 0 : i32
      %dma_wait3A_204 = tpu.memref_slice %arg7[%dma_wait3A_202, %dma_wait3A_203] : memref<50000x32xf32, #tpu.memory_space<vmem_shared>> -> memref<50000x32xf32, #tpu.memory_space<vmem_shared>>
      tpu.wait_indirect_dma semaphore(%arg14 : memref<!tpu.dma_semaphore, #tpu.memory_space<semaphore_mem>>) src(%dma_wait3A_194 : memref<125x32xf32, #tpu.memory_space<vmem>>) dst(%dma_wait3A_204 : memref<50000x32xf32, #tpu.memory_space<vmem_shared>>)
      %dma_wait3A_205 = arith.constant 0 : i32
      %dma_wait3A_206 = arith.constant 1 : i32
      %dma_wait3A_207 = arith.constant 0 : i32
      %dma_wait3A_208 = arith.constant 1 : i32
      %dma_wait3A_209 = arith.constant 0 : i32
      %dma_wait3A_210 = arith.constant 0 : i32
      %dma_wait3A_211 = arith.constant 0 : i32
      %dma_wait3A_212 = tpu.memref_slice %arg9[%dma_wait3A_205, %dma_wait3A_209, %dma_wait3A_210, %dma_wait3A_211] : memref<2x2x125x32xf32, #tpu.memory_space<vmem>> -> memref<1x2x125x32xf32, #tpu.memory_space<vmem>>
      %dma_wait3A_213 = tpu.memref_squeeze %dma_wait3A_212 : memref<1x2x125x32xf32, #tpu.memory_space<vmem>> -> memref<2x125x32xf32, #tpu.memory_space<vmem>>
      %dma_wait3A_214 = arith.constant 0 : i32
      %dma_wait3A_215 = arith.constant 0 : i32
      %dma_wait3A_216 = tpu.memref_slice %dma_wait3A_213[%dma_wait3A_206, %dma_wait3A_214, %dma_wait3A_215] : memref<2x125x32xf32, #tpu.memory_space<vmem>> -> memref<1x125x32xf32, #tpu.memory_space<vmem>>
      %dma_wait3A_217 = tpu.memref_squeeze %dma_wait3A_216 : memref<1x125x32xf32, #tpu.memory_space<vmem>> -> memref<125x32xf32, #tpu.memory_space<vmem>>
      %dma_wait3A_218 = arith.constant 0 : i32
      %dma_wait3A_219 = arith.constant 0 : i32
      %dma_wait3A_220 = tpu.memref_slice %arg8[%dma_wait3A_207, %dma_wait3A_218, %dma_wait3A_219] : memref<2x2x125xi32, #tpu.memory_space<vmem>> -> memref<1x2x125xi32, #tpu.memory_space<vmem>>
      %dma_wait3A_221 = tpu.memref_squeeze %dma_wait3A_220 : memref<1x2x125xi32, #tpu.memory_space<vmem>> -> memref<2x125xi32, #tpu.memory_space<vmem>>
      %dma_wait3A_222 = arith.constant 0 : i32
      %dma_wait3A_223 = tpu.memref_slice %dma_wait3A_221[%dma_wait3A_208, %dma_wait3A_222] : memref<2x125xi32, #tpu.memory_space<vmem>> -> memref<1x125xi32, #tpu.memory_space<vmem>>
      %dma_wait3A_224 = tpu.memref_squeeze %dma_wait3A_223 : memref<1x125xi32, #tpu.memory_space<vmem>> -> memref<125xi32, #tpu.memory_space<vmem>>
      %dma_wait3A_225 = arith.constant 0 : i32
      %dma_wait3A_226 = arith.constant 0 : i32
      %dma_wait3A_227 = tpu.memref_slice %arg7[%dma_wait3A_225, %dma_wait3A_226] : memref<50000x32xf32, #tpu.memory_space<vmem_shared>> -> memref<50000x32xf32, #tpu.memory_space<vmem_shared>>
      tpu.wait_indirect_dma semaphore(%arg14 : memref<!tpu.dma_semaphore, #tpu.memory_space<semaphore_mem>>) src(%dma_wait3A_217 : memref<125x32xf32, #tpu.memory_space<vmem>>) dst(%dma_wait3A_227 : memref<50000x32xf32, #tpu.memory_space<vmem_shared>>)
      %add3A_228 = arith.constant 1 : i32
      %add3A_229 = arith.addi %scan3A_62, %add3A_228 : i32
      %lt3A = arith.constant 100 : i32
      %lt3A_230 = arith.cmpi slt, %add3A_229, %lt3A : i32
      %convert_element_type3A = arith.extui %lt3A_230 : i1 to i32
      %cond3A = arith.constant 0 : i32
      %cond3A_231 = arith.cmpi ne, %convert_element_type3A, %cond3A : i32
      scf.if %cond3A_231 {
        %add3A_361 = arith.constant 2 : i32
        %add3A_362 = arith.addi %mul3A_64, %add3A_361 : i32
        %mul3A_363 = arith.constant 400 : i32
        %mul3A_364 = arith.muli %arg1, %mul3A_363 : i32
        %mul3A_365 = arith.constant 2 : i32
        %mul3A_366 = arith.muli %add3A_362, %mul3A_365 : i32
        %add3A_367 = arith.addi %mul3A_364, %mul3A_366 : i32
        %dma_start3A_368 = arith.constant 0 : i32
        %dma_start3A_369 = arith.constant 0 : i32
        %dma_start3A_370 = arith.constant 0 : i32
        %dma_start3A_371 = tpu.memref_slice %arg8[%dma_start3A_368, %dma_start3A_369, %dma_start3A_370] : memref<2x2x125xi32, #tpu.memory_space<vmem>> -> memref<1x2x125xi32, #tpu.memory_space<vmem>>
        %dma_start3A_372 = tpu.memref_squeeze %dma_start3A_371 : memref<1x2x125xi32, #tpu.memory_space<vmem>> -> memref<2x125xi32, #tpu.memory_space<vmem>>
        %dma_start3A_373 = arith.constant 0 : i32
        %dma_start3A_374 = tpu.memref_slice %arg3[%add3A_367, %dma_start3A_373] : memref<6400x125xi32, #tpu.memory_space<hbm>> -> memref<2x125xi32, #tpu.memory_space<hbm>>
        %dma_start3A_375 = arith.constant 0 : i32
        %dma_start3A_376 = arith.constant 0 : i32
        %dma_start3A_377 = tpu.memref_slice %arg8[%dma_start3A_368, %dma_start3A_375, %dma_start3A_376] : memref<2x2x125xi32, #tpu.memory_space<vmem>> -> memref<1x2x125xi32, #tpu.memory_space<vmem>>
        %dma_start3A_378 = tpu.memref_squeeze %dma_start3A_377 : memref<1x2x125xi32, #tpu.memory_space<vmem>> -> memref<2x125xi32, #tpu.memory_space<vmem>>
        %dma_start3A_379 = arith.constant 0 : i32
        %dma_start3A_380 = tpu.memref_slice %arg3[%add3A_367, %dma_start3A_379] : memref<6400x125xi32, #tpu.memory_space<hbm>> -> memref<2x125xi32, #tpu.memory_space<hbm>>
        tpu.enqueue_dma source(%dma_start3A_380 : memref<2x125xi32, #tpu.memory_space<hbm>>) target(%dma_start3A_378 : memref<2x125xi32, #tpu.memory_space<vmem>>) target_semaphore(%arg10 : memref<!tpu.dma_semaphore, #tpu.memory_space<semaphore_mem>>)
        %mul3A_381 = arith.constant 32 : i32
        %mul3A_382 = arith.muli %arg0, %mul3A_381 : i32
        %dma_start3A_383 = arith.constant 0 : i32
        %dma_start3A_384 = arith.constant 0 : i32
        %dma_start3A_385 = arith.constant 0 : i32
        %dma_start3A_386 = arith.constant 0 : i32
        %dma_start3A_387 = tpu.memref_slice %arg9[%dma_start3A_383, %dma_start3A_384, %dma_start3A_385, %dma_start3A_386] : memref<2x2x125x32xf32, #tpu.memory_space<vmem>> -> memref<1x2x125x32xf32, #tpu.memory_space<vmem>>
        %dma_start3A_388 = tpu.memref_squeeze %dma_start3A_387 : memref<1x2x125x32xf32, #tpu.memory_space<vmem>> -> memref<2x125x32xf32, #tpu.memory_space<vmem>>
        %dma_start3A_389 = arith.constant 0 : i32
        %dma_start3A_390 = tpu.memref_slice %arg2[%add3A_367, %dma_start3A_389, %mul3A_382] : memref<6400x125x64xf32, #tpu.memory_space<hbm>> -> memref<2x125x32xf32, #tpu.memory_space<hbm>>
        %dma_start3A_391 = arith.constant 0 : i32
        %dma_start3A_392 = arith.constant 0 : i32
        %dma_start3A_393 = arith.constant 0 : i32
        %dma_start3A_394 = tpu.memref_slice %arg9[%dma_start3A_383, %dma_start3A_391, %dma_start3A_392, %dma_start3A_393] : memref<2x2x125x32xf32, #tpu.memory_space<vmem>> -> memref<1x2x125x32xf32, #tpu.memory_space<vmem>>
        %dma_start3A_395 = tpu.memref_squeeze %dma_start3A_394 : memref<1x2x125x32xf32, #tpu.memory_space<vmem>> -> memref<2x125x32xf32, #tpu.memory_space<vmem>>
        %dma_start3A_396 = arith.constant 0 : i32
        %dma_start3A_397 = tpu.memref_slice %arg2[%add3A_367, %dma_start3A_396, %mul3A_382] : memref<6400x125x64xf32, #tpu.memory_space<hbm>> -> memref<2x125x32xf32, #tpu.memory_space<hbm>>
        tpu.enqueue_dma source(%dma_start3A_397 : memref<2x125x32xf32, #tpu.memory_space<hbm>>) target(%dma_start3A_395 : memref<2x125x32xf32, #tpu.memory_space<vmem>>) target_semaphore(%arg12 : memref<!tpu.dma_semaphore, #tpu.memory_space<semaphore_mem>>)
      } else {
      }
      %add3A_232 = arith.constant 1 : i32
      %add3A_233 = arith.addi %mul3A_64, %add3A_232 : i32
      %mul3A_234 = arith.constant 400 : i32
      %mul3A_235 = arith.muli %arg1, %mul3A_234 : i32
      %mul3A_236 = arith.constant 2 : i32
      %mul3A_237 = arith.muli %add3A_233, %mul3A_236 : i32
      %add3A_238 = arith.addi %mul3A_235, %mul3A_237 : i32
      %dma_wait3A_239 = arith.constant 1 : i32
      %dma_wait3A_240 = arith.constant 0 : i32
      %dma_wait3A_241 = arith.constant 0 : i32
      %dma_wait3A_242 = tpu.memref_slice %arg8[%dma_wait3A_239, %dma_wait3A_240, %dma_wait3A_241] : memref<2x2x125xi32, #tpu.memory_space<vmem>> -> memref<1x2x125xi32, #tpu.memory_space<vmem>>
      %dma_wait3A_243 = tpu.memref_squeeze %dma_wait3A_242 : memref<1x2x125xi32, #tpu.memory_space<vmem>> -> memref<2x125xi32, #tpu.memory_space<vmem>>
      %dma_wait3A_244 = arith.constant 0 : i32
      %dma_wait3A_245 = tpu.memref_slice %arg3[%add3A_238, %dma_wait3A_244] : memref<6400x125xi32, #tpu.memory_space<hbm>> -> memref<2x125xi32, #tpu.memory_space<hbm>>
      %dma_wait3A_246 = arith.constant 0 : i32
      %dma_wait3A_247 = arith.constant 0 : i32
      %dma_wait3A_248 = tpu.memref_slice %arg8[%dma_wait3A_239, %dma_wait3A_246, %dma_wait3A_247] : memref<2x2x125xi32, #tpu.memory_space<vmem>> -> memref<1x2x125xi32, #tpu.memory_space<vmem>>
      %dma_wait3A_249 = tpu.memref_squeeze %dma_wait3A_248 : memref<1x2x125xi32, #tpu.memory_space<vmem>> -> memref<2x125xi32, #tpu.memory_space<vmem>>
      %dma_wait3A_250 = arith.constant 0 : i32
      %dma_wait3A_251 = tpu.memref_slice %arg3[%add3A_238, %dma_wait3A_250] : memref<6400x125xi32, #tpu.memory_space<hbm>> -> memref<2x125xi32, #tpu.memory_space<hbm>>
      tpu.wait_dma2 semaphore(%arg11 : memref<!tpu.dma_semaphore, #tpu.memory_space<semaphore_mem>>) src(%dma_wait3A_251 : memref<2x125xi32, #tpu.memory_space<hbm>>) dst(%dma_wait3A_249 : memref<2x125xi32, #tpu.memory_space<vmem>>)
      %mul3A_252 = arith.constant 32 : i32
      %mul3A_253 = arith.muli %arg0, %mul3A_252 : i32
      %dma_wait3A_254 = arith.constant 1 : i32
      %dma_wait3A_255 = arith.constant 0 : i32
      %dma_wait3A_256 = arith.constant 0 : i32
      %dma_wait3A_257 = arith.constant 0 : i32
      %dma_wait3A_258 = tpu.memref_slice %arg9[%dma_wait3A_254, %dma_wait3A_255, %dma_wait3A_256, %dma_wait3A_257] : memref<2x2x125x32xf32, #tpu.memory_space<vmem>> -> memref<1x2x125x32xf32, #tpu.memory_space<vmem>>
      %dma_wait3A_259 = tpu.memref_squeeze %dma_wait3A_258 : memref<1x2x125x32xf32, #tpu.memory_space<vmem>> -> memref<2x125x32xf32, #tpu.memory_space<vmem>>
      %dma_wait3A_260 = arith.constant 0 : i32
      %dma_wait3A_261 = tpu.memref_slice %arg2[%add3A_238, %dma_wait3A_260, %mul3A_253] : memref<6400x125x64xf32, #tpu.memory_space<hbm>> -> memref<2x125x32xf32, #tpu.memory_space<hbm>>
      %dma_wait3A_262 = arith.constant 0 : i32
      %dma_wait3A_263 = arith.constant 0 : i32
      %dma_wait3A_264 = arith.constant 0 : i32
      %dma_wait3A_265 = tpu.memref_slice %arg9[%dma_wait3A_254, %dma_wait3A_262, %dma_wait3A_263, %dma_wait3A_264] : memref<2x2x125x32xf32, #tpu.memory_space<vmem>> -> memref<1x2x125x32xf32, #tpu.memory_space<vmem>>
      %dma_wait3A_266 = tpu.memref_squeeze %dma_wait3A_265 : memref<1x2x125x32xf32, #tpu.memory_space<vmem>> -> memref<2x125x32xf32, #tpu.memory_space<vmem>>
      %dma_wait3A_267 = arith.constant 0 : i32
      %dma_wait3A_268 = tpu.memref_slice %arg2[%add3A_238, %dma_wait3A_267, %mul3A_253] : memref<6400x125x64xf32, #tpu.memory_space<hbm>> -> memref<2x125x32xf32, #tpu.memory_space<hbm>>
      tpu.wait_dma2 semaphore(%arg13 : memref<!tpu.dma_semaphore, #tpu.memory_space<semaphore_mem>>) src(%dma_wait3A_268 : memref<2x125x32xf32, #tpu.memory_space<hbm>>) dst(%dma_wait3A_266 : memref<2x125x32xf32, #tpu.memory_space<vmem>>)
      %dma_start3A_269 = arith.constant 1 : i32
      %dma_start3A_270 = arith.constant 0 : i32
      %dma_start3A_271 = arith.constant 1 : i32
      %dma_start3A_272 = arith.constant 0 : i32
      %dma_start3A_273 = arith.constant 0 : i32
      %dma_start3A_274 = arith.constant 0 : i32
      %dma_start3A_275 = arith.constant 0 : i32
      %dma_start3A_276 = tpu.memref_slice %arg9[%dma_start3A_269, %dma_start3A_273, %dma_start3A_274, %dma_start3A_275] : memref<2x2x125x32xf32, #tpu.memory_space<vmem>> -> memref<1x2x125x32xf32, #tpu.memory_space<vmem>>
      %dma_start3A_277 = tpu.memref_squeeze %dma_start3A_276 : memref<1x2x125x32xf32, #tpu.memory_space<vmem>> -> memref<2x125x32xf32, #tpu.memory_space<vmem>>
      %dma_start3A_278 = arith.constant 0 : i32
      %dma_start3A_279 = arith.constant 0 : i32
      %dma_start3A_280 = tpu.memref_slice %dma_start3A_277[%dma_start3A_270, %dma_start3A_278, %dma_start3A_279] : memref<2x125x32xf32, #tpu.memory_space<vmem>> -> memref<1x125x32xf32, #tpu.memory_space<vmem>>
      %dma_start3A_281 = tpu.memref_squeeze %dma_start3A_280 : memref<1x125x32xf32, #tpu.memory_space<vmem>> -> memref<125x32xf32, #tpu.memory_space<vmem>>
      %dma_start3A_282 = arith.constant 0 : i32
      %dma_start3A_283 = arith.constant 0 : i32
      %dma_start3A_284 = tpu.memref_slice %arg8[%dma_start3A_271, %dma_start3A_282, %dma_start3A_283] : memref<2x2x125xi32, #tpu.memory_space<vmem>> -> memref<1x2x125xi32, #tpu.memory_space<vmem>>
      %dma_start3A_285 = tpu.memref_squeeze %dma_start3A_284 : memref<1x2x125xi32, #tpu.memory_space<vmem>> -> memref<2x125xi32, #tpu.memory_space<vmem>>
      %dma_start3A_286 = arith.constant 0 : i32
      %dma_start3A_287 = tpu.memref_slice %dma_start3A_285[%dma_start3A_272, %dma_start3A_286] : memref<2x125xi32, #tpu.memory_space<vmem>> -> memref<1x125xi32, #tpu.memory_space<vmem>>
      %dma_start3A_288 = tpu.memref_squeeze %dma_start3A_287 : memref<1x125xi32, #tpu.memory_space<vmem>> -> memref<125xi32, #tpu.memory_space<vmem>>
      %dma_start3A_289 = arith.constant 0 : i32
      %dma_start3A_290 = arith.constant 0 : i32
      %dma_start3A_291 = tpu.memref_slice %arg7[%dma_start3A_289, %dma_start3A_290] : memref<50000x32xf32, #tpu.memory_space<vmem_shared>> -> memref<50000x32xf32, #tpu.memory_space<vmem_shared>>
      tpu.enqueue_indirect_dma source(%dma_start3A_281 : memref<125x32xf32, #tpu.memory_space<vmem>>) target(%dma_start3A_291 : memref<50000x32xf32, #tpu.memory_space<vmem_shared>>) offsets(%dma_start3A_288 : memref<125xi32, #tpu.memory_space<vmem>>) semaphore(%arg14 : memref<!tpu.dma_semaphore, #tpu.memory_space<semaphore_mem>>) {add = true}
      %dma_start3A_292 = arith.constant 1 : i32
      %dma_start3A_293 = arith.constant 1 : i32
      %dma_start3A_294 = arith.constant 1 : i32
      %dma_start3A_295 = arith.constant 1 : i32
      %dma_start3A_296 = arith.constant 0 : i32
      %dma_start3A_297 = arith.constant 0 : i32
      %dma_start3A_298 = arith.constant 0 : i32
      %dma_start3A_299 = tpu.memref_slice %arg9[%dma_start3A_292, %dma_start3A_296, %dma_start3A_297, %dma_start3A_298] : memref<2x2x125x32xf32, #tpu.memory_space<vmem>> -> memref<1x2x125x32xf32, #tpu.memory_space<vmem>>
      %dma_start3A_300 = tpu.memref_squeeze %dma_start3A_299 : memref<1x2x125x32xf32, #tpu.memory_space<vmem>> -> memref<2x125x32xf32, #tpu.memory_space<vmem>>
      %dma_start3A_301 = arith.constant 0 : i32
      %dma_start3A_302 = arith.constant 0 : i32
      %dma_start3A_303 = tpu.memref_slice %dma_start3A_300[%dma_start3A_293, %dma_start3A_301, %dma_start3A_302] : memref<2x125x32xf32, #tpu.memory_space<vmem>> -> memref<1x125x32xf32, #tpu.memory_space<vmem>>
      %dma_start3A_304 = tpu.memref_squeeze %dma_start3A_303 : memref<1x125x32xf32, #tpu.memory_space<vmem>> -> memref<125x32xf32, #tpu.memory_space<vmem>>
      %dma_start3A_305 = arith.constant 0 : i32
      %dma_start3A_306 = arith.constant 0 : i32
      %dma_start3A_307 = tpu.memref_slice %arg8[%dma_start3A_294, %dma_start3A_305, %dma_start3A_306] : memref<2x2x125xi32, #tpu.memory_space<vmem>> -> memref<1x2x125xi32, #tpu.memory_space<vmem>>
      %dma_start3A_308 = tpu.memref_squeeze %dma_start3A_307 : memref<1x2x125xi32, #tpu.memory_space<vmem>> -> memref<2x125xi32, #tpu.memory_space<vmem>>
      %dma_start3A_309 = arith.constant 0 : i32
      %dma_start3A_310 = tpu.memref_slice %dma_start3A_308[%dma_start3A_295, %dma_start3A_309] : memref<2x125xi32, #tpu.memory_space<vmem>> -> memref<1x125xi32, #tpu.memory_space<vmem>>
      %dma_start3A_311 = tpu.memref_squeeze %dma_start3A_310 : memref<1x125xi32, #tpu.memory_space<vmem>> -> memref<125xi32, #tpu.memory_space<vmem>>
      %dma_start3A_312 = arith.constant 0 : i32
      %dma_start3A_313 = arith.constant 0 : i32
      %dma_start3A_314 = tpu.memref_slice %arg7[%dma_start3A_312, %dma_start3A_313] : memref<50000x32xf32, #tpu.memory_space<vmem_shared>> -> memref<50000x32xf32, #tpu.memory_space<vmem_shared>>
      tpu.enqueue_indirect_dma source(%dma_start3A_304 : memref<125x32xf32, #tpu.memory_space<vmem>>) target(%dma_start3A_314 : memref<50000x32xf32, #tpu.memory_space<vmem_shared>>) offsets(%dma_start3A_311 : memref<125xi32, #tpu.memory_space<vmem>>) semaphore(%arg14 : memref<!tpu.dma_semaphore, #tpu.memory_space<semaphore_mem>>) {add = true}
      %dma_wait3A_315 = arith.constant 1 : i32
      %dma_wait3A_316 = arith.constant 0 : i32
      %dma_wait3A_317 = arith.constant 1 : i32
      %dma_wait3A_318 = arith.constant 0 : i32
      %dma_wait3A_319 = arith.constant 0 : i32
      %dma_wait3A_320 = arith.constant 0 : i32
      %dma_wait3A_321 = arith.constant 0 : i32
      %dma_wait3A_322 = tpu.memref_slice %arg9[%dma_wait3A_315, %dma_wait3A_319, %dma_wait3A_320, %dma_wait3A_321] : memref<2x2x125x32xf32, #tpu.memory_space<vmem>> -> memref<1x2x125x32xf32, #tpu.memory_space<vmem>>
      %dma_wait3A_323 = tpu.memref_squeeze %dma_wait3A_322 : memref<1x2x125x32xf32, #tpu.memory_space<vmem>> -> memref<2x125x32xf32, #tpu.memory_space<vmem>>
      %dma_wait3A_324 = arith.constant 0 : i32
      %dma_wait3A_325 = arith.constant 0 : i32
      %dma_wait3A_326 = tpu.memref_slice %dma_wait3A_323[%dma_wait3A_316, %dma_wait3A_324, %dma_wait3A_325] : memref<2x125x32xf32, #tpu.memory_space<vmem>> -> memref<1x125x32xf32, #tpu.memory_space<vmem>>
      %dma_wait3A_327 = tpu.memref_squeeze %dma_wait3A_326 : memref<1x125x32xf32, #tpu.memory_space<vmem>> -> memref<125x32xf32, #tpu.memory_space<vmem>>
      %dma_wait3A_328 = arith.constant 0 : i32
      %dma_wait3A_329 = arith.constant 0 : i32
      %dma_wait3A_330 = tpu.memref_slice %arg8[%dma_wait3A_317, %dma_wait3A_328, %dma_wait3A_329] : memref<2x2x125xi32, #tpu.memory_space<vmem>> -> memref<1x2x125xi32, #tpu.memory_space<vmem>>
      %dma_wait3A_331 = tpu.memref_squeeze %dma_wait3A_330 : memref<1x2x125xi32, #tpu.memory_space<vmem>> -> memref<2x125xi32, #tpu.memory_space<vmem>>
      %dma_wait3A_332 = arith.constant 0 : i32
      %dma_wait3A_333 = tpu.memref_slice %dma_wait3A_331[%dma_wait3A_318, %dma_wait3A_332] : memref<2x125xi32, #tpu.memory_space<vmem>> -> memref<1x125xi32, #tpu.memory_space<vmem>>
      %dma_wait3A_334 = tpu.memref_squeeze %dma_wait3A_333 : memref<1x125xi32, #tpu.memory_space<vmem>> -> memref<125xi32, #tpu.memory_space<vmem>>
      %dma_wait3A_335 = arith.constant 0 : i32
      %dma_wait3A_336 = arith.constant 0 : i32
      %dma_wait3A_337 = tpu.memref_slice %arg7[%dma_wait3A_335, %dma_wait3A_336] : memref<50000x32xf32, #tpu.memory_space<vmem_shared>> -> memref<50000x32xf32, #tpu.memory_space<vmem_shared>>
      tpu.wait_indirect_dma semaphore(%arg14 : memref<!tpu.dma_semaphore, #tpu.memory_space<semaphore_mem>>) src(%dma_wait3A_327 : memref<125x32xf32, #tpu.memory_space<vmem>>) dst(%dma_wait3A_337 : memref<50000x32xf32, #tpu.memory_space<vmem_shared>>)
      %dma_wait3A_338 = arith.constant 1 : i32
      %dma_wait3A_339 = arith.constant 1 : i32
      %dma_wait3A_340 = arith.constant 1 : i32
      %dma_wait3A_341 = arith.constant 1 : i32
      %dma_wait3A_342 = arith.constant 0 : i32
      %dma_wait3A_343 = arith.constant 0 : i32
      %dma_wait3A_344 = arith.constant 0 : i32
      %dma_wait3A_345 = tpu.memref_slice %arg9[%dma_wait3A_338, %dma_wait3A_342, %dma_wait3A_343, %dma_wait3A_344] : memref<2x2x125x32xf32, #tpu.memory_space<vmem>> -> memref<1x2x125x32xf32, #tpu.memory_space<vmem>>
      %dma_wait3A_346 = tpu.memref_squeeze %dma_wait3A_345 : memref<1x2x125x32xf32, #tpu.memory_space<vmem>> -> memref<2x125x32xf32, #tpu.memory_space<vmem>>
      %dma_wait3A_347 = arith.constant 0 : i32
      %dma_wait3A_348 = arith.constant 0 : i32
      %dma_wait3A_349 = tpu.memref_slice %dma_wait3A_346[%dma_wait3A_339, %dma_wait3A_347, %dma_wait3A_348] : memref<2x125x32xf32, #tpu.memory_space<vmem>> -> memref<1x125x32xf32, #tpu.memory_space<vmem>>
      %dma_wait3A_350 = tpu.memref_squeeze %dma_wait3A_349 : memref<1x125x32xf32, #tpu.memory_space<vmem>> -> memref<125x32xf32, #tpu.memory_space<vmem>>
      %dma_wait3A_351 = arith.constant 0 : i32
      %dma_wait3A_352 = arith.constant 0 : i32
      %dma_wait3A_353 = tpu.memref_slice %arg8[%dma_wait3A_340, %dma_wait3A_351, %dma_wait3A_352] : memref<2x2x125xi32, #tpu.memory_space<vmem>> -> memref<1x2x125xi32, #tpu.memory_space<vmem>>
      %dma_wait3A_354 = tpu.memref_squeeze %dma_wait3A_353 : memref<1x2x125xi32, #tpu.memory_space<vmem>> -> memref<2x125xi32, #tpu.memory_space<vmem>>
      %dma_wait3A_355 = arith.constant 0 : i32
      %dma_wait3A_356 = tpu.memref_slice %dma_wait3A_354[%dma_wait3A_341, %dma_wait3A_355] : memref<2x125xi32, #tpu.memory_space<vmem>> -> memref<1x125xi32, #tpu.memory_space<vmem>>
      %dma_wait3A_357 = tpu.memref_squeeze %dma_wait3A_356 : memref<1x125xi32, #tpu.memory_space<vmem>> -> memref<125xi32, #tpu.memory_space<vmem>>
      %dma_wait3A_358 = arith.constant 0 : i32
      %dma_wait3A_359 = arith.constant 0 : i32
      %dma_wait3A_360 = tpu.memref_slice %arg7[%dma_wait3A_358, %dma_wait3A_359] : memref<50000x32xf32, #tpu.memory_space<vmem_shared>> -> memref<50000x32xf32, #tpu.memory_space<vmem_shared>>
      tpu.wait_indirect_dma semaphore(%arg14 : memref<!tpu.dma_semaphore, #tpu.memory_space<semaphore_mem>>) src(%dma_wait3A_350 : memref<125x32xf32, #tpu.memory_space<vmem>>) dst(%dma_wait3A_360 : memref<50000x32xf32, #tpu.memory_space<vmem_shared>>)
    }
    %scan3A_37 = arith.constant 100 : i32
    %barrier3A_38 = arith.constant 0 : index
    tpu.barrier barrier_id(%barrier3A_38)
    %mul3A_39 = arith.constant 400 : i32
    %mul3A_40 = arith.muli %arg1, %mul3A_39 : i32
    %add3A_41 = arith.constant 0 : i32
    %add3A_42 = arith.addi %mul3A_40, %add3A_41 : i32
    %dma_start3A_43 = arith.constant 0 : i32
    %dma_start3A_44 = arith.constant 0 : i32
    %dma_start3A_45 = arith.constant 0 : i32
    %dma_start3A_46 = tpu.memref_slice %arg8[%dma_start3A_43, %dma_start3A_44, %dma_start3A_45] : memref<2x2x125xi32, #tpu.memory_space<vmem>> -> memref<1x2x125xi32, #tpu.memory_space<vmem>>
    %dma_start3A_47 = tpu.memref_squeeze %dma_start3A_46 : memref<1x2x125xi32, #tpu.memory_space<vmem>> -> memref<2x125xi32, #tpu.memory_space<vmem>>
    %dma_start3A_48 = arith.constant 0 : i32
    %dma_start3A_49 = tpu.memref_slice %arg4[%add3A_42, %dma_start3A_48] : memref<6400x125xi32, #tpu.memory_space<hbm>> -> memref<2x125xi32, #tpu.memory_space<hbm>>
    %dma_start3A_50 = arith.constant 0 : i32
    %dma_start3A_51 = arith.constant 0 : i32
    %dma_start3A_52 = tpu.memref_slice %arg8[%dma_start3A_43, %dma_start3A_50, %dma_start3A_51] : memref<2x2x125xi32, #tpu.memory_space<vmem>> -> memref<1x2x125xi32, #tpu.memory_space<vmem>>
    %dma_start3A_53 = tpu.memref_squeeze %dma_start3A_52 : memref<1x2x125xi32, #tpu.memory_space<vmem>> -> memref<2x125xi32, #tpu.memory_space<vmem>>
    %dma_start3A_54 = arith.constant 0 : i32
    %dma_start3A_55 = tpu.memref_slice %arg4[%add3A_42, %dma_start3A_54] : memref<6400x125xi32, #tpu.memory_space<hbm>> -> memref<2x125xi32, #tpu.memory_space<hbm>>
    tpu.enqueue_dma source(%dma_start3A_55 : memref<2x125xi32, #tpu.memory_space<hbm>>) target(%dma_start3A_53 : memref<2x125xi32, #tpu.memory_space<vmem>>) target_semaphore(%arg10 : memref<!tpu.dma_semaphore, #tpu.memory_space<semaphore_mem>>)
    %scan3A_56 = arith.constant 0 : i32
    %scan3A_57 = arith.constant 0 : i32
    %scan3A_58 = arith.constant 100 : i32
    %scan3A_59 = arith.addi %scan3A_57, %scan3A_58 : i32
    %scan3A_60 = arith.constant 1 : i32
    scf.for %scan3A_62 = %scan3A_57 to %scan3A_59 step %scan3A_60  : i32 {
      %mul3A_63 = arith.constant 2 : i32
      %mul3A_64 = arith.muli %mul3A_63, %scan3A_62 : i32
      %add3A_65 = arith.constant 1 : i32
      %add3A_66 = arith.addi %mul3A_64, %add3A_65 : i32
      %mul3A_67 = arith.constant 400 : i32
      %mul3A_68 = arith.muli %arg1, %mul3A_67 : i32
      %mul3A_69 = arith.constant 2 : i32
      %mul3A_70 = arith.muli %add3A_66, %mul3A_69 : i32
      %add3A_71 = arith.addi %mul3A_68, %mul3A_70 : i32
      %dma_start3A_72 = arith.constant 1 : i32
      %dma_start3A_73 = arith.constant 0 : i32
      %dma_start3A_74 = arith.constant 0 : i32
      %dma_start3A_75 = tpu.memref_slice %arg8[%dma_start3A_72, %dma_start3A_73, %dma_start3A_74] : memref<2x2x125xi32, #tpu.memory_space<vmem>> -> memref<1x2x125xi32, #tpu.memory_space<vmem>>
      %dma_start3A_76 = tpu.memref_squeeze %dma_start3A_75 : memref<1x2x125xi32, #tpu.memory_space<vmem>> -> memref<2x125xi32, #tpu.memory_space<vmem>>
      %dma_start3A_77 = arith.constant 0 : i32
      %dma_start3A_78 = tpu.memref_slice %arg4[%add3A_71, %dma_start3A_77] : memref<6400x125xi32, #tpu.memory_space<hbm>> -> memref<2x125xi32, #tpu.memory_space<hbm>>
      %dma_start3A_79 = arith.constant 0 : i32
      %dma_start3A_80 = arith.constant 0 : i32
      %dma_start3A_81 = tpu.memref_slice %arg8[%dma_start3A_72, %dma_start3A_79, %dma_start3A_80] : memref<2x2x125xi32, #tpu.memory_space<vmem>> -> memref<1x2x125xi32, #tpu.memory_space<vmem>>
      %dma_start3A_82 = tpu.memref_squeeze %dma_start3A_81 : memref<1x2x125xi32, #tpu.memory_space<vmem>> -> memref<2x125xi32, #tpu.memory_space<vmem>>
      %dma_start3A_83 = arith.constant 0 : i32
      %dma_start3A_84 = tpu.memref_slice %arg4[%add3A_71, %dma_start3A_83] : memref<6400x125xi32, #tpu.memory_space<hbm>> -> memref<2x125xi32, #tpu.memory_space<hbm>>
      tpu.enqueue_dma source(%dma_start3A_84 : memref<2x125xi32, #tpu.memory_space<hbm>>) target(%dma_start3A_82 : memref<2x125xi32, #tpu.memory_space<vmem>>) target_semaphore(%arg11 : memref<!tpu.dma_semaphore, #tpu.memory_space<semaphore_mem>>)
      %mul3A_85 = arith.constant 400 : i32
      %mul3A_86 = arith.muli %arg1, %mul3A_85 : i32
      %mul3A_87 = arith.constant 2 : i32
      %mul3A_88 = arith.muli %mul3A_64, %mul3A_87 : i32
      %add3A_89 = arith.addi %mul3A_86, %mul3A_88 : i32
      %dma_wait3A = arith.constant 0 : i32
      %dma_wait3A_90 = arith.constant 0 : i32
      %dma_wait3A_91 = arith.constant 0 : i32
      %dma_wait3A_92 = tpu.memref_slice %arg8[%dma_wait3A, %dma_wait3A_90, %dma_wait3A_91] : memref<2x2x125xi32, #tpu.memory_space<vmem>> -> memref<1x2x125xi32, #tpu.memory_space<vmem>>
      %dma_wait3A_93 = tpu.memref_squeeze %dma_wait3A_92 : memref<1x2x125xi32, #tpu.memory_space<vmem>> -> memref<2x125xi32, #tpu.memory_space<vmem>>
      %dma_wait3A_94 = arith.constant 0 : i32
      %dma_wait3A_95 = tpu.memref_slice %arg4[%add3A_89, %dma_wait3A_94] : memref<6400x125xi32, #tpu.memory_space<hbm>> -> memref<2x125xi32, #tpu.memory_space<hbm>>
      %dma_wait3A_96 = arith.constant 0 : i32
      %dma_wait3A_97 = arith.constant 0 : i32
      %dma_wait3A_98 = tpu.memref_slice %arg8[%dma_wait3A, %dma_wait3A_96, %dma_wait3A_97] : memref<2x2x125xi32, #tpu.memory_space<vmem>> -> memref<1x2x125xi32, #tpu.memory_space<vmem>>
      %dma_wait3A_99 = tpu.memref_squeeze %dma_wait3A_98 : memref<1x2x125xi32, #tpu.memory_space<vmem>> -> memref<2x125xi32, #tpu.memory_space<vmem>>
      %dma_wait3A_100 = arith.constant 0 : i32
      %dma_wait3A_101 = tpu.memref_slice %arg4[%add3A_89, %dma_wait3A_100] : memref<6400x125xi32, #tpu.memory_space<hbm>> -> memref<2x125xi32, #tpu.memory_space<hbm>>
      tpu.wait_dma2 semaphore(%arg10 : memref<!tpu.dma_semaphore, #tpu.memory_space<semaphore_mem>>) src(%dma_wait3A_101 : memref<2x125xi32, #tpu.memory_space<hbm>>) dst(%dma_wait3A_99 : memref<2x125xi32, #tpu.memory_space<vmem>>)
      %dma_start3A_102 = arith.constant 0 : i32
      %dma_start3A_103 = arith.constant 0 : i32
      %dma_start3A_104 = arith.constant 0 : i32
      %dma_start3A_105 = arith.constant 0 : i32
      %dma_start3A_106 = arith.constant 0 : i32
      %dma_start3A_107 = arith.constant 0 : i32
      %dma_start3A_108 = arith.constant 0 : i32
      %dma_start3A_109 = tpu.memref_slice %arg9[%dma_start3A_104, %dma_start3A_106, %dma_start3A_107, %dma_start3A_108] : memref<2x2x125x32xf32, #tpu.memory_space<vmem>> -> memref<1x2x125x32xf32, #tpu.memory_space<vmem>>
      %dma_start3A_110 = tpu.memref_squeeze %dma_start3A_109 : memref<1x2x125x32xf32, #tpu.memory_space<vmem>> -> memref<2x125x32xf32, #tpu.memory_space<vmem>>
      %dma_start3A_111 = arith.constant 0 : i32
      %dma_start3A_112 = arith.constant 0 : i32
      %dma_start3A_113 = tpu.memref_slice %dma_start3A_110[%dma_start3A_105, %dma_start3A_111, %dma_start3A_112] : memref<2x125x32xf32, #tpu.memory_space<vmem>> -> memref<1x125x32xf32, #tpu.memory_space<vmem>>
      %dma_start3A_114 = tpu.memref_squeeze %dma_start3A_113 : memref<1x125x32xf32, #tpu.memory_space<vmem>> -> memref<125x32xf32, #tpu.memory_space<vmem>>
      %dma_start3A_115 = arith.constant 0 : i32
      %dma_start3A_116 = arith.constant 0 : i32
      %dma_start3A_117 = tpu.memref_slice %arg8[%dma_start3A_102, %dma_start3A_115, %dma_start3A_116] : memref<2x2x125xi32, #tpu.memory_space<vmem>> -> memref<1x2x125xi32, #tpu.memory_space<vmem>>
      %dma_start3A_118 = tpu.memref_squeeze %dma_start3A_117 : memref<1x2x125xi32, #tpu.memory_space<vmem>> -> memref<2x125xi32, #tpu.memory_space<vmem>>
      %dma_start3A_119 = arith.constant 0 : i32
      %dma_start3A_120 = tpu.memref_slice %dma_start3A_118[%dma_start3A_103, %dma_start3A_119] : memref<2x125xi32, #tpu.memory_space<vmem>> -> memref<1x125xi32, #tpu.memory_space<vmem>>
      %dma_start3A_121 = tpu.memref_squeeze %dma_start3A_120 : memref<1x125xi32, #tpu.memory_space<vmem>> -> memref<125xi32, #tpu.memory_space<vmem>>
      %dma_start3A_122 = arith.constant 0 : i32
      %dma_start3A_123 = arith.constant 0 : i32
      %dma_start3A_124 = tpu.memref_slice %arg7[%dma_start3A_122, %dma_start3A_123] : memref<50000x32xf32, #tpu.memory_space<vmem_shared>> -> memref<50000x32xf32, #tpu.memory_space<vmem_shared>>
      tpu.enqueue_indirect_dma source(%dma_start3A_124 : memref<50000x32xf32, #tpu.memory_space<vmem_shared>>) target(%dma_start3A_114 : memref<125x32xf32, #tpu.memory_space<vmem>>) offsets(%dma_start3A_121 : memref<125xi32, #tpu.memory_space<vmem>>) semaphore(%arg14 : memref<!tpu.dma_semaphore, #tpu.memory_space<semaphore_mem>>)
      %dma_start3A_125 = arith.constant 0 : i32
      %dma_start3A_126 = arith.constant 1 : i32
      %dma_start3A_127 = arith.constant 0 : i32
      %dma_start3A_128 = arith.constant 1 : i32
      %dma_start3A_129 = arith.constant 0 : i32
      %dma_start3A_130 = arith.constant 0 : i32
      %dma_start3A_131 = arith.constant 0 : i32
      %dma_start3A_132 = tpu.memref_slice %arg9[%dma_start3A_127, %dma_start3A_129, %dma_start3A_130, %dma_start3A_131] : memref<2x2x125x32xf32, #tpu.memory_space<vmem>> -> memref<1x2x125x32xf32, #tpu.memory_space<vmem>>
      %dma_start3A_133 = tpu.memref_squeeze %dma_start3A_132 : memref<1x2x125x32xf32, #tpu.memory_space<vmem>> -> memref<2x125x32xf32, #tpu.memory_space<vmem>>
      %dma_start3A_134 = arith.constant 0 : i32
      %dma_start3A_135 = arith.constant 0 : i32
      %dma_start3A_136 = tpu.memref_slice %dma_start3A_133[%dma_start3A_128, %dma_start3A_134, %dma_start3A_135] : memref<2x125x32xf32, #tpu.memory_space<vmem>> -> memref<1x125x32xf32, #tpu.memory_space<vmem>>
      %dma_start3A_137 = tpu.memref_squeeze %dma_start3A_136 : memref<1x125x32xf32, #tpu.memory_space<vmem>> -> memref<125x32xf32, #tpu.memory_space<vmem>>
      %dma_start3A_138 = arith.constant 0 : i32
      %dma_start3A_139 = arith.constant 0 : i32
      %dma_start3A_140 = tpu.memref_slice %arg8[%dma_start3A_125, %dma_start3A_138, %dma_start3A_139] : memref<2x2x125xi32, #tpu.memory_space<vmem>> -> memref<1x2x125xi32, #tpu.memory_space<vmem>>
      %dma_start3A_141 = tpu.memref_squeeze %dma_start3A_140 : memref<1x2x125xi32, #tpu.memory_space<vmem>> -> memref<2x125xi32, #tpu.memory_space<vmem>>
      %dma_start3A_142 = arith.constant 0 : i32
      %dma_start3A_143 = tpu.memref_slice %dma_start3A_141[%dma_start3A_126, %dma_start3A_142] : memref<2x125xi32, #tpu.memory_space<vmem>> -> memref<1x125xi32, #tpu.memory_space<vmem>>
      %dma_start3A_144 = tpu.memref_squeeze %dma_start3A_143 : memref<1x125xi32, #tpu.memory_space<vmem>> -> memref<125xi32, #tpu.memory_space<vmem>>
      %dma_start3A_145 = arith.constant 0 : i32
      %dma_start3A_146 = arith.constant 0 : i32
      %dma_start3A_147 = tpu.memref_slice %arg7[%dma_start3A_145, %dma_start3A_146] : memref<50000x32xf32, #tpu.memory_space<vmem_shared>> -> memref<50000x32xf32, #tpu.memory_space<vmem_shared>>
      tpu.enqueue_indirect_dma source(%dma_start3A_147 : memref<50000x32xf32, #tpu.memory_space<vmem_shared>>) target(%dma_start3A_137 : memref<125x32xf32, #tpu.memory_space<vmem>>) offsets(%dma_start3A_144 : memref<125xi32, #tpu.memory_space<vmem>>) semaphore(%arg14 : memref<!tpu.dma_semaphore, #tpu.memory_space<semaphore_mem>>)
      %dma_wait3A_148 = arith.constant 0 : i32
      %dma_wait3A_149 = arith.constant 0 : i32
      %dma_wait3A_150 = arith.constant 0 : i32
      %dma_wait3A_151 = arith.constant 0 : i32
      %dma_wait3A_152 = arith.constant 0 : i32
      %dma_wait3A_153 = arith.constant 0 : i32
      %dma_wait3A_154 = arith.constant 0 : i32
      %dma_wait3A_155 = tpu.memref_slice %arg9[%dma_wait3A_150, %dma_wait3A_152, %dma_wait3A_153, %dma_wait3A_154] : memref<2x2x125x32xf32, #tpu.memory_space<vmem>> -> memref<1x2x125x32xf32, #tpu.memory_space<vmem>>
      %dma_wait3A_156 = tpu.memref_squeeze %dma_wait3A_155 : memref<1x2x125x32xf32, #tpu.memory_space<vmem>> -> memref<2x125x32xf32, #tpu.memory_space<vmem>>
      %dma_wait3A_157 = arith.constant 0 : i32
      %dma_wait3A_158 = arith.constant 0 : i32
      %dma_wait3A_159 = tpu.memref_slice %dma_wait3A_156[%dma_wait3A_151, %dma_wait3A_157, %dma_wait3A_158] : memref<2x125x32xf32, #tpu.memory_space<vmem>> -> memref<1x125x32xf32, #tpu.memory_space<vmem>>
      %dma_wait3A_160 = tpu.memref_squeeze %dma_wait3A_159 : memref<1x125x32xf32, #tpu.memory_space<vmem>> -> memref<125x32xf32, #tpu.memory_space<vmem>>
      %dma_wait3A_161 = arith.constant 0 : i32
      %dma_wait3A_162 = arith.constant 0 : i32
      %dma_wait3A_163 = tpu.memref_slice %arg8[%dma_wait3A_148, %dma_wait3A_161, %dma_wait3A_162] : memref<2x2x125xi32, #tpu.memory_space<vmem>> -> memref<1x2x125xi32, #tpu.memory_space<vmem>>
      %dma_wait3A_164 = tpu.memref_squeeze %dma_wait3A_163 : memref<1x2x125xi32, #tpu.memory_space<vmem>> -> memref<2x125xi32, #tpu.memory_space<vmem>>
      %dma_wait3A_165 = arith.constant 0 : i32
      %dma_wait3A_166 = tpu.memref_slice %dma_wait3A_164[%dma_wait3A_149, %dma_wait3A_165] : memref<2x125xi32, #tpu.memory_space<vmem>> -> memref<1x125xi32, #tpu.memory_space<vmem>>
      %dma_wait3A_167 = tpu.memref_squeeze %dma_wait3A_166 : memref<1x125xi32, #tpu.memory_space<vmem>> -> memref<125xi32, #tpu.memory_space<vmem>>
      %dma_wait3A_168 = arith.constant 0 : i32
      %dma_wait3A_169 = arith.constant 0 : i32
      %dma_wait3A_170 = tpu.memref_slice %arg7[%dma_wait3A_168, %dma_wait3A_169] : memref<50000x32xf32, #tpu.memory_space<vmem_shared>> -> memref<50000x32xf32, #tpu.memory_space<vmem_shared>>
      tpu.wait_indirect_dma semaphore(%arg14 : memref<!tpu.dma_semaphore, #tpu.memory_space<semaphore_mem>>) src(%dma_wait3A_170 : memref<50000x32xf32, #tpu.memory_space<vmem_shared>>) dst(%dma_wait3A_160 : memref<125x32xf32, #tpu.memory_space<vmem>>)
      %dma_wait3A_171 = arith.constant 0 : i32
      %dma_wait3A_172 = arith.constant 1 : i32
      %dma_wait3A_173 = arith.constant 0 : i32
      %dma_wait3A_174 = arith.constant 1 : i32
      %dma_wait3A_175 = arith.constant 0 : i32
      %dma_wait3A_176 = arith.constant 0 : i32
      %dma_wait3A_177 = arith.constant 0 : i32
      %dma_wait3A_178 = tpu.memref_slice %arg9[%dma_wait3A_173, %dma_wait3A_175, %dma_wait3A_176, %dma_wait3A_177] : memref<2x2x125x32xf32, #tpu.memory_space<vmem>> -> memref<1x2x125x32xf32, #tpu.memory_space<vmem>>
      %dma_wait3A_179 = tpu.memref_squeeze %dma_wait3A_178 : memref<1x2x125x32xf32, #tpu.memory_space<vmem>> -> memref<2x125x32xf32, #tpu.memory_space<vmem>>
      %dma_wait3A_180 = arith.constant 0 : i32
      %dma_wait3A_181 = arith.constant 0 : i32
      %dma_wait3A_182 = tpu.memref_slice %dma_wait3A_179[%dma_wait3A_174, %dma_wait3A_180, %dma_wait3A_181] : memref<2x125x32xf32, #tpu.memory_space<vmem>> -> memref<1x125x32xf32, #tpu.memory_space<vmem>>
      %dma_wait3A_183 = tpu.memref_squeeze %dma_wait3A_182 : memref<1x125x32xf32, #tpu.memory_space<vmem>> -> memref<125x32xf32, #tpu.memory_space<vmem>>
      %dma_wait3A_184 = arith.constant 0 : i32
      %dma_wait3A_185 = arith.constant 0 : i32
      %dma_wait3A_186 = tpu.memref_slice %arg8[%dma_wait3A_171, %dma_wait3A_184, %dma_wait3A_185] : memref<2x2x125xi32, #tpu.memory_space<vmem>> -> memref<1x2x125xi32, #tpu.memory_space<vmem>>
      %dma_wait3A_187 = tpu.memref_squeeze %dma_wait3A_186 : memref<1x2x125xi32, #tpu.memory_space<vmem>> -> memref<2x125xi32, #tpu.memory_space<vmem>>
      %dma_wait3A_188 = arith.constant 0 : i32
      %dma_wait3A_189 = tpu.memref_slice %dma_wait3A_187[%dma_wait3A_172, %dma_wait3A_188] : memref<2x125xi32, #tpu.memory_space<vmem>> -> memref<1x125xi32, #tpu.memory_space<vmem>>
      %dma_wait3A_190 = tpu.memref_squeeze %dma_wait3A_189 : memref<1x125xi32, #tpu.memory_space<vmem>> -> memref<125xi32, #tpu.memory_space<vmem>>
      %dma_wait3A_191 = arith.constant 0 : i32
      %dma_wait3A_192 = arith.constant 0 : i32
      %dma_wait3A_193 = tpu.memref_slice %arg7[%dma_wait3A_191, %dma_wait3A_192] : memref<50000x32xf32, #tpu.memory_space<vmem_shared>> -> memref<50000x32xf32, #tpu.memory_space<vmem_shared>>
      tpu.wait_indirect_dma semaphore(%arg14 : memref<!tpu.dma_semaphore, #tpu.memory_space<semaphore_mem>>) src(%dma_wait3A_193 : memref<50000x32xf32, #tpu.memory_space<vmem_shared>>) dst(%dma_wait3A_183 : memref<125x32xf32, #tpu.memory_space<vmem>>)
      %mul3A_194 = arith.constant 32 : i32
      %mul3A_195 = arith.muli %arg0, %mul3A_194 : i32
      %run_scoped3A = arith.constant 0 : i32
      "tpu.region"() ({
        %run_scoped3A_315 = tpu.sem_alloc : memref<!tpu.dma_semaphore, #tpu.memory_space<semaphore_mem>>
        %dma_start3A_316 = arith.constant 0 : i32
        %dma_start3A_317 = arith.constant 0 : i32
        %dma_start3A_318 = arith.constant 0 : i32
        %dma_start3A_319 = tpu.memref_slice %arg9[%run_scoped3A, %dma_start3A_316, %dma_start3A_317, %dma_start3A_318] : memref<2x2x125x32xf32, #tpu.memory_space<vmem>> -> memref<1x2x125x32xf32, #tpu.memory_space<vmem>>
        %dma_start3A_320 = tpu.memref_squeeze %dma_start3A_319 : memref<1x2x125x32xf32, #tpu.memory_space<vmem>> -> memref<2x125x32xf32, #tpu.memory_space<vmem>>
        %dma_start3A_321 = arith.constant 0 : i32
        %dma_start3A_322 = tpu.memref_slice %arg6[%add3A_89, %dma_start3A_321, %mul3A_195] : memref<6400x125x64xf32, #tpu.memory_space<hbm>> -> memref<2x125x32xf32, #tpu.memory_space<hbm>>
        %dma_start3A_323 = arith.constant 0 : i32
        %dma_start3A_324 = tpu.memref_slice %arg6[%add3A_89, %dma_start3A_323, %mul3A_195] : memref<6400x125x64xf32, #tpu.memory_space<hbm>> -> memref<2x125x32xf32, #tpu.memory_space<hbm>>
        %dma_start3A_325 = arith.constant 0 : i32
        %dma_start3A_326 = arith.constant 0 : i32
        %dma_start3A_327 = arith.constant 0 : i32
        %dma_start3A_328 = tpu.memref_slice %arg9[%run_scoped3A, %dma_start3A_325, %dma_start3A_326, %dma_start3A_327] : memref<2x2x125x32xf32, #tpu.memory_space<vmem>> -> memref<1x2x125x32xf32, #tpu.memory_space<vmem>>
        %dma_start3A_329 = tpu.memref_squeeze %dma_start3A_328 : memref<1x2x125x32xf32, #tpu.memory_space<vmem>> -> memref<2x125x32xf32, #tpu.memory_space<vmem>>
        tpu.enqueue_dma source(%dma_start3A_329 : memref<2x125x32xf32, #tpu.memory_space<vmem>>) target(%dma_start3A_324 : memref<2x125x32xf32, #tpu.memory_space<hbm>>) target_semaphore(%run_scoped3A_315 : memref<!tpu.dma_semaphore, #tpu.memory_space<semaphore_mem>>)
        %dma_wait3A_330 = arith.constant 0 : i32
        %dma_wait3A_331 = arith.constant 0 : i32
        %dma_wait3A_332 = arith.constant 0 : i32
        %dma_wait3A_333 = tpu.memref_slice %arg9[%run_scoped3A, %dma_wait3A_330, %dma_wait3A_331, %dma_wait3A_332] : memref<2x2x125x32xf32, #tpu.memory_space<vmem>> -> memref<1x2x125x32xf32, #tpu.memory_space<vmem>>
        %dma_wait3A_334 = tpu.memref_squeeze %dma_wait3A_333 : memref<1x2x125x32xf32, #tpu.memory_space<vmem>> -> memref<2x125x32xf32, #tpu.memory_space<vmem>>
        %dma_wait3A_335 = arith.constant 0 : i32
        %dma_wait3A_336 = tpu.memref_slice %arg6[%add3A_89, %dma_wait3A_335, %mul3A_195] : memref<6400x125x64xf32, #tpu.memory_space<hbm>> -> memref<2x125x32xf32, #tpu.memory_space<hbm>>
        %dma_wait3A_337 = arith.constant 0 : i32
        %dma_wait3A_338 = tpu.memref_slice %arg6[%add3A_89, %dma_wait3A_337, %mul3A_195] : memref<6400x125x64xf32, #tpu.memory_space<hbm>> -> memref<2x125x32xf32, #tpu.memory_space<hbm>>
        %dma_wait3A_339 = arith.constant 0 : i32
        %dma_wait3A_340 = arith.constant 0 : i32
        %dma_wait3A_341 = arith.constant 0 : i32
        %dma_wait3A_342 = tpu.memref_slice %arg9[%run_scoped3A, %dma_wait3A_339, %dma_wait3A_340, %dma_wait3A_341] : memref<2x2x125x32xf32, #tpu.memory_space<vmem>> -> memref<1x2x125x32xf32, #tpu.memory_space<vmem>>
        %dma_wait3A_343 = tpu.memref_squeeze %dma_wait3A_342 : memref<1x2x125x32xf32, #tpu.memory_space<vmem>> -> memref<2x125x32xf32, #tpu.memory_space<vmem>>
        tpu.wait_dma2 semaphore(%run_scoped3A_315 : memref<!tpu.dma_semaphore, #tpu.memory_space<semaphore_mem>>) src(%dma_wait3A_343 : memref<2x125x32xf32, #tpu.memory_space<vmem>>) dst(%dma_wait3A_338 : memref<2x125x32xf32, #tpu.memory_space<hbm>>)
        tpu.yield
      }) : () -> ()
      %add3A_196 = arith.constant 1 : i32
      %add3A_197 = arith.addi %scan3A_62, %add3A_196 : i32
      %lt3A = arith.constant 100 : i32
      %lt3A_198 = arith.cmpi slt, %add3A_197, %lt3A : i32
      %convert_element_type3A = arith.extui %lt3A_198 : i1 to i32
      %cond3A = arith.constant 0 : i32
      %cond3A_199 = arith.cmpi ne, %convert_element_type3A, %cond3A : i32
      scf.if %cond3A_199 {
        %add3A_315 = arith.constant 2 : i32
        %add3A_316 = arith.addi %mul3A_64, %add3A_315 : i32
        %mul3A_317 = arith.constant 400 : i32
        %mul3A_318 = arith.muli %arg1, %mul3A_317 : i32
        %mul3A_319 = arith.constant 2 : i32
        %mul3A_320 = arith.muli %add3A_316, %mul3A_319 : i32
        %add3A_321 = arith.addi %mul3A_318, %mul3A_320 : i32
        %dma_start3A_322 = arith.constant 0 : i32
        %dma_start3A_323 = arith.constant 0 : i32
        %dma_start3A_324 = arith.constant 0 : i32
        %dma_start3A_325 = tpu.memref_slice %arg8[%dma_start3A_322, %dma_start3A_323, %dma_start3A_324] : memref<2x2x125xi32, #tpu.memory_space<vmem>> -> memref<1x2x125xi32, #tpu.memory_space<vmem>>
        %dma_start3A_326 = tpu.memref_squeeze %dma_start3A_325 : memref<1x2x125xi32, #tpu.memory_space<vmem>> -> memref<2x125xi32, #tpu.memory_space<vmem>>
        %dma_start3A_327 = arith.constant 0 : i32
        %dma_start3A_328 = tpu.memref_slice %arg4[%add3A_321, %dma_start3A_327] : memref<6400x125xi32, #tpu.memory_space<hbm>> -> memref<2x125xi32, #tpu.memory_space<hbm>>
        %dma_start3A_329 = arith.constant 0 : i32
        %dma_start3A_330 = arith.constant 0 : i32
        %dma_start3A_331 = tpu.memref_slice %arg8[%dma_start3A_322, %dma_start3A_329, %dma_start3A_330] : memref<2x2x125xi32, #tpu.memory_space<vmem>> -> memref<1x2x125xi32, #tpu.memory_space<vmem>>
        %dma_start3A_332 = tpu.memref_squeeze %dma_start3A_331 : memref<1x2x125xi32, #tpu.memory_space<vmem>> -> memref<2x125xi32, #tpu.memory_space<vmem>>
        %dma_start3A_333 = arith.constant 0 : i32
        %dma_start3A_334 = tpu.memref_slice %arg4[%add3A_321, %dma_start3A_333] : memref<6400x125xi32, #tpu.memory_space<hbm>> -> memref<2x125xi32, #tpu.memory_space<hbm>>
        tpu.enqueue_dma source(%dma_start3A_334 : memref<2x125xi32, #tpu.memory_space<hbm>>) target(%dma_start3A_332 : memref<2x125xi32, #tpu.memory_space<vmem>>) target_semaphore(%arg10 : memref<!tpu.dma_semaphore, #tpu.memory_space<semaphore_mem>>)
      } else {
      }
      %add3A_200 = arith.constant 1 : i32
      %add3A_201 = arith.addi %mul3A_64, %add3A_200 : i32
      %mul3A_202 = arith.constant 400 : i32
      %mul3A_203 = arith.muli %arg1, %mul3A_202 : i32
      %mul3A_204 = arith.constant 2 : i32
      %mul3A_205 = arith.muli %add3A_201, %mul3A_204 : i32
      %add3A_206 = arith.addi %mul3A_203, %mul3A_205 : i32
      %dma_wait3A_207 = arith.constant 1 : i32
      %dma_wait3A_208 = arith.constant 0 : i32
      %dma_wait3A_209 = arith.constant 0 : i32
      %dma_wait3A_210 = tpu.memref_slice %arg8[%dma_wait3A_207, %dma_wait3A_208, %dma_wait3A_209] : memref<2x2x125xi32, #tpu.memory_space<vmem>> -> memref<1x2x125xi32, #tpu.memory_space<vmem>>
      %dma_wait3A_211 = tpu.memref_squeeze %dma_wait3A_210 : memref<1x2x125xi32, #tpu.memory_space<vmem>> -> memref<2x125xi32, #tpu.memory_space<vmem>>
      %dma_wait3A_212 = arith.constant 0 : i32
      %dma_wait3A_213 = tpu.memref_slice %arg4[%add3A_206, %dma_wait3A_212] : memref<6400x125xi32, #tpu.memory_space<hbm>> -> memref<2x125xi32, #tpu.memory_space<hbm>>
      %dma_wait3A_214 = arith.constant 0 : i32
      %dma_wait3A_215 = arith.constant 0 : i32
      %dma_wait3A_216 = tpu.memref_slice %arg8[%dma_wait3A_207, %dma_wait3A_214, %dma_wait3A_215] : memref<2x2x125xi32, #tpu.memory_space<vmem>> -> memref<1x2x125xi32, #tpu.memory_space<vmem>>
      %dma_wait3A_217 = tpu.memref_squeeze %dma_wait3A_216 : memref<1x2x125xi32, #tpu.memory_space<vmem>> -> memref<2x125xi32, #tpu.memory_space<vmem>>
      %dma_wait3A_218 = arith.constant 0 : i32
      %dma_wait3A_219 = tpu.memref_slice %arg4[%add3A_206, %dma_wait3A_218] : memref<6400x125xi32, #tpu.memory_space<hbm>> -> memref<2x125xi32, #tpu.memory_space<hbm>>
      tpu.wait_dma2 semaphore(%arg11 : memref<!tpu.dma_semaphore, #tpu.memory_space<semaphore_mem>>) src(%dma_wait3A_219 : memref<2x125xi32, #tpu.memory_space<hbm>>) dst(%dma_wait3A_217 : memref<2x125xi32, #tpu.memory_space<vmem>>)
      %dma_start3A_220 = arith.constant 1 : i32
      %dma_start3A_221 = arith.constant 0 : i32
      %dma_start3A_222 = arith.constant 1 : i32
      %dma_start3A_223 = arith.constant 0 : i32
      %dma_start3A_224 = arith.constant 0 : i32
      %dma_start3A_225 = arith.constant 0 : i32
      %dma_start3A_226 = arith.constant 0 : i32
      %dma_start3A_227 = tpu.memref_slice %arg9[%dma_start3A_222, %dma_start3A_224, %dma_start3A_225, %dma_start3A_226] : memref<2x2x125x32xf32, #tpu.memory_space<vmem>> -> memref<1x2x125x32xf32, #tpu.memory_space<vmem>>
      %dma_start3A_228 = tpu.memref_squeeze %dma_start3A_227 : memref<1x2x125x32xf32, #tpu.memory_space<vmem>> -> memref<2x125x32xf32, #tpu.memory_space<vmem>>
      %dma_start3A_229 = arith.constant 0 : i32
      %dma_start3A_230 = arith.constant 0 : i32
      %dma_start3A_231 = tpu.memref_slice %dma_start3A_228[%dma_start3A_223, %dma_start3A_229, %dma_start3A_230] : memref<2x125x32xf32, #tpu.memory_space<vmem>> -> memref<1x125x32xf32, #tpu.memory_space<vmem>>
      %dma_start3A_232 = tpu.memref_squeeze %dma_start3A_231 : memref<1x125x32xf32, #tpu.memory_space<vmem>> -> memref<125x32xf32, #tpu.memory_space<vmem>>
      %dma_start3A_233 = arith.constant 0 : i32
      %dma_start3A_234 = arith.constant 0 : i32
      %dma_start3A_235 = tpu.memref_slice %arg8[%dma_start3A_220, %dma_start3A_233, %dma_start3A_234] : memref<2x2x125xi32, #tpu.memory_space<vmem>> -> memref<1x2x125xi32, #tpu.memory_space<vmem>>
      %dma_start3A_236 = tpu.memref_squeeze %dma_start3A_235 : memref<1x2x125xi32, #tpu.memory_space<vmem>> -> memref<2x125xi32, #tpu.memory_space<vmem>>
      %dma_start3A_237 = arith.constant 0 : i32
      %dma_start3A_238 = tpu.memref_slice %dma_start3A_236[%dma_start3A_221, %dma_start3A_237] : memref<2x125xi32, #tpu.memory_space<vmem>> -> memref<1x125xi32, #tpu.memory_space<vmem>>
      %dma_start3A_239 = tpu.memref_squeeze %dma_start3A_238 : memref<1x125xi32, #tpu.memory_space<vmem>> -> memref<125xi32, #tpu.memory_space<vmem>>
      %dma_start3A_240 = arith.constant 0 : i32
      %dma_start3A_241 = arith.constant 0 : i32
      %dma_start3A_242 = tpu.memref_slice %arg7[%dma_start3A_240, %dma_start3A_241] : memref<50000x32xf32, #tpu.memory_space<vmem_shared>> -> memref<50000x32xf32, #tpu.memory_space<vmem_shared>>
      tpu.enqueue_indirect_dma source(%dma_start3A_242 : memref<50000x32xf32, #tpu.memory_space<vmem_shared>>) target(%dma_start3A_232 : memref<125x32xf32, #tpu.memory_space<vmem>>) offsets(%dma_start3A_239 : memref<125xi32, #tpu.memory_space<vmem>>) semaphore(%arg14 : memref<!tpu.dma_semaphore, #tpu.memory_space<semaphore_mem>>)
      %dma_start3A_243 = arith.constant 1 : i32
      %dma_start3A_244 = arith.constant 1 : i32
      %dma_start3A_245 = arith.constant 1 : i32
      %dma_start3A_246 = arith.constant 1 : i32
      %dma_start3A_247 = arith.constant 0 : i32
      %dma_start3A_248 = arith.constant 0 : i32
      %dma_start3A_249 = arith.constant 0 : i32
      %dma_start3A_250 = tpu.memref_slice %arg9[%dma_start3A_245, %dma_start3A_247, %dma_start3A_248, %dma_start3A_249] : memref<2x2x125x32xf32, #tpu.memory_space<vmem>> -> memref<1x2x125x32xf32, #tpu.memory_space<vmem>>
      %dma_start3A_251 = tpu.memref_squeeze %dma_start3A_250 : memref<1x2x125x32xf32, #tpu.memory_space<vmem>> -> memref<2x125x32xf32, #tpu.memory_space<vmem>>
      %dma_start3A_252 = arith.constant 0 : i32
      %dma_start3A_253 = arith.constant 0 : i32
      %dma_start3A_254 = tpu.memref_slice %dma_start3A_251[%dma_start3A_246, %dma_start3A_252, %dma_start3A_253] : memref<2x125x32xf32, #tpu.memory_space<vmem>> -> memref<1x125x32xf32, #tpu.memory_space<vmem>>
      %dma_start3A_255 = tpu.memref_squeeze %dma_start3A_254 : memref<1x125x32xf32, #tpu.memory_space<vmem>> -> memref<125x32xf32, #tpu.memory_space<vmem>>
      %dma_start3A_256 = arith.constant 0 : i32
      %dma_start3A_257 = arith.constant 0 : i32
      %dma_start3A_258 = tpu.memref_slice %arg8[%dma_start3A_243, %dma_start3A_256, %dma_start3A_257] : memref<2x2x125xi32, #tpu.memory_space<vmem>> -> memref<1x2x125xi32, #tpu.memory_space<vmem>>
      %dma_start3A_259 = tpu.memref_squeeze %dma_start3A_258 : memref<1x2x125xi32, #tpu.memory_space<vmem>> -> memref<2x125xi32, #tpu.memory_space<vmem>>
      %dma_start3A_260 = arith.constant 0 : i32
      %dma_start3A_261 = tpu.memref_slice %dma_start3A_259[%dma_start3A_244, %dma_start3A_260] : memref<2x125xi32, #tpu.memory_space<vmem>> -> memref<1x125xi32, #tpu.memory_space<vmem>>
      %dma_start3A_262 = tpu.memref_squeeze %dma_start3A_261 : memref<1x125xi32, #tpu.memory_space<vmem>> -> memref<125xi32, #tpu.memory_space<vmem>>
      %dma_start3A_263 = arith.constant 0 : i32
      %dma_start3A_264 = arith.constant 0 : i32
      %dma_start3A_265 = tpu.memref_slice %arg7[%dma_start3A_263, %dma_start3A_264] : memref<50000x32xf32, #tpu.memory_space<vmem_shared>> -> memref<50000x32xf32, #tpu.memory_space<vmem_shared>>
      tpu.enqueue_indirect_dma source(%dma_start3A_265 : memref<50000x32xf32, #tpu.memory_space<vmem_shared>>) target(%dma_start3A_255 : memref<125x32xf32, #tpu.memory_space<vmem>>) offsets(%dma_start3A_262 : memref<125xi32, #tpu.memory_space<vmem>>) semaphore(%arg14 : memref<!tpu.dma_semaphore, #tpu.memory_space<semaphore_mem>>)
      %dma_wait3A_266 = arith.constant 1 : i32
      %dma_wait3A_267 = arith.constant 0 : i32
      %dma_wait3A_268 = arith.constant 1 : i32
      %dma_wait3A_269 = arith.constant 0 : i32
      %dma_wait3A_270 = arith.constant 0 : i32
      %dma_wait3A_271 = arith.constant 0 : i32
      %dma_wait3A_272 = arith.constant 0 : i32
      %dma_wait3A_273 = tpu.memref_slice %arg9[%dma_wait3A_268, %dma_wait3A_270, %dma_wait3A_271, %dma_wait3A_272] : memref<2x2x125x32xf32, #tpu.memory_space<vmem>> -> memref<1x2x125x32xf32, #tpu.memory_space<vmem>>
      %dma_wait3A_274 = tpu.memref_squeeze %dma_wait3A_273 : memref<1x2x125x32xf32, #tpu.memory_space<vmem>> -> memref<2x125x32xf32, #tpu.memory_space<vmem>>
      %dma_wait3A_275 = arith.constant 0 : i32
      %dma_wait3A_276 = arith.constant 0 : i32
      %dma_wait3A_277 = tpu.memref_slice %dma_wait3A_274[%dma_wait3A_269, %dma_wait3A_275, %dma_wait3A_276] : memref<2x125x32xf32, #tpu.memory_space<vmem>> -> memref<1x125x32xf32, #tpu.memory_space<vmem>>
      %dma_wait3A_278 = tpu.memref_squeeze %dma_wait3A_277 : memref<1x125x32xf32, #tpu.memory_space<vmem>> -> memref<125x32xf32, #tpu.memory_space<vmem>>
      %dma_wait3A_279 = arith.constant 0 : i32
      %dma_wait3A_280 = arith.constant 0 : i32
      %dma_wait3A_281 = tpu.memref_slice %arg8[%dma_wait3A_266, %dma_wait3A_279, %dma_wait3A_280] : memref<2x2x125xi32, #tpu.memory_space<vmem>> -> memref<1x2x125xi32, #tpu.memory_space<vmem>>
      %dma_wait3A_282 = tpu.memref_squeeze %dma_wait3A_281 : memref<1x2x125xi32, #tpu.memory_space<vmem>> -> memref<2x125xi32, #tpu.memory_space<vmem>>
      %dma_wait3A_283 = arith.constant 0 : i32
      %dma_wait3A_284 = tpu.memref_slice %dma_wait3A_282[%dma_wait3A_267, %dma_wait3A_283] : memref<2x125xi32, #tpu.memory_space<vmem>> -> memref<1x125xi32, #tpu.memory_space<vmem>>
      %dma_wait3A_285 = tpu.memref_squeeze %dma_wait3A_284 : memref<1x125xi32, #tpu.memory_space<vmem>> -> memref<125xi32, #tpu.memory_space<vmem>>
      %dma_wait3A_286 = arith.constant 0 : i32
      %dma_wait3A_287 = arith.constant 0 : i32
      %dma_wait3A_288 = tpu.memref_slice %arg7[%dma_wait3A_286, %dma_wait3A_287] : memref<50000x32xf32, #tpu.memory_space<vmem_shared>> -> memref<50000x32xf32, #tpu.memory_space<vmem_shared>>
      tpu.wait_indirect_dma semaphore(%arg14 : memref<!tpu.dma_semaphore, #tpu.memory_space<semaphore_mem>>) src(%dma_wait3A_288 : memref<50000x32xf32, #tpu.memory_space<vmem_shared>>) dst(%dma_wait3A_278 : memref<125x32xf32, #tpu.memory_space<vmem>>)
      %dma_wait3A_289 = arith.constant 1 : i32
      %dma_wait3A_290 = arith.constant 1 : i32
      %dma_wait3A_291 = arith.constant 1 : i32
      %dma_wait3A_292 = arith.constant 1 : i32
      %dma_wait3A_293 = arith.constant 0 : i32
      %dma_wait3A_294 = arith.constant 0 : i32
      %dma_wait3A_295 = arith.constant 0 : i32
      %dma_wait3A_296 = tpu.memref_slice %arg9[%dma_wait3A_291, %dma_wait3A_293, %dma_wait3A_294, %dma_wait3A_295] : memref<2x2x125x32xf32, #tpu.memory_space<vmem>> -> memref<1x2x125x32xf32, #tpu.memory_space<vmem>>
      %dma_wait3A_297 = tpu.memref_squeeze %dma_wait3A_296 : memref<1x2x125x32xf32, #tpu.memory_space<vmem>> -> memref<2x125x32xf32, #tpu.memory_space<vmem>>
      %dma_wait3A_298 = arith.constant 0 : i32
      %dma_wait3A_299 = arith.constant 0 : i32
      %dma_wait3A_300 = tpu.memref_slice %dma_wait3A_297[%dma_wait3A_292, %dma_wait3A_298, %dma_wait3A_299] : memref<2x125x32xf32, #tpu.memory_space<vmem>> -> memref<1x125x32xf32, #tpu.memory_space<vmem>>
      %dma_wait3A_301 = tpu.memref_squeeze %dma_wait3A_300 : memref<1x125x32xf32, #tpu.memory_space<vmem>> -> memref<125x32xf32, #tpu.memory_space<vmem>>
      %dma_wait3A_302 = arith.constant 0 : i32
      %dma_wait3A_303 = arith.constant 0 : i32
      %dma_wait3A_304 = tpu.memref_slice %arg8[%dma_wait3A_289, %dma_wait3A_302, %dma_wait3A_303] : memref<2x2x125xi32, #tpu.memory_space<vmem>> -> memref<1x2x125xi32, #tpu.memory_space<vmem>>
      %dma_wait3A_305 = tpu.memref_squeeze %dma_wait3A_304 : memref<1x2x125xi32, #tpu.memory_space<vmem>> -> memref<2x125xi32, #tpu.memory_space<vmem>>
      %dma_wait3A_306 = arith.constant 0 : i32
      %dma_wait3A_307 = tpu.memref_slice %dma_wait3A_305[%dma_wait3A_290, %dma_wait3A_306] : memref<2x125xi32, #tpu.memory_space<vmem>> -> memref<1x125xi32, #tpu.memory_space<vmem>>
      %dma_wait3A_308 = tpu.memref_squeeze %dma_wait3A_307 : memref<1x125xi32, #tpu.memory_space<vmem>> -> memref<125xi32, #tpu.memory_space<vmem>>
      %dma_wait3A_309 = arith.constant 0 : i32
      %dma_wait3A_310 = arith.constant 0 : i32
      %dma_wait3A_311 = tpu.memref_slice %arg7[%dma_wait3A_309, %dma_wait3A_310] : memref<50000x32xf32, #tpu.memory_space<vmem_shared>> -> memref<50000x32xf32, #tpu.memory_space<vmem_shared>>
      tpu.wait_indirect_dma semaphore(%arg14 : memref<!tpu.dma_semaphore, #tpu.memory_space<semaphore_mem>>) src(%dma_wait3A_311 : memref<50000x32xf32, #tpu.memory_space<vmem_shared>>) dst(%dma_wait3A_301 : memref<125x32xf32, #tpu.memory_space<vmem>>)
      %mul3A_312 = arith.constant 32 : i32
      %mul3A_313 = arith.muli %arg0, %mul3A_312 : i32
      %run_scoped3A_314 = arith.constant 1 : i32
      "tpu.region"() ({
        %run_scoped3A_315 = tpu.sem_alloc : memref<!tpu.dma_semaphore, #tpu.memory_space<semaphore_mem>>
        %dma_start3A_316 = arith.constant 0 : i32
        %dma_start3A_317 = arith.constant 0 : i32
        %dma_start3A_318 = arith.constant 0 : i32
        %dma_start3A_319 = tpu.memref_slice %arg9[%run_scoped3A_314, %dma_start3A_316, %dma_start3A_317, %dma_start3A_318] : memref<2x2x125x32xf32, #tpu.memory_space<vmem>> -> memref<1x2x125x32xf32, #tpu.memory_space<vmem>>
        %dma_start3A_320 = tpu.memref_squeeze %dma_start3A_319 : memref<1x2x125x32xf32, #tpu.memory_space<vmem>> -> memref<2x125x32xf32, #tpu.memory_space<vmem>>
        %dma_start3A_321 = arith.constant 0 : i32
        %dma_start3A_322 = tpu.memref_slice %arg6[%add3A_206, %dma_start3A_321, %mul3A_313] : memref<6400x125x64xf32, #tpu.memory_space<hbm>> -> memref<2x125x32xf32, #tpu.memory_space<hbm>>
        %dma_start3A_323 = arith.constant 0 : i32
        %dma_start3A_324 = tpu.memref_slice %arg6[%add3A_206, %dma_start3A_323, %mul3A_313] : memref<6400x125x64xf32, #tpu.memory_space<hbm>> -> memref<2x125x32xf32, #tpu.memory_space<hbm>>
        %dma_start3A_325 = arith.constant 0 : i32
        %dma_start3A_326 = arith.constant 0 : i32
        %dma_start3A_327 = arith.constant 0 : i32
        %dma_start3A_328 = tpu.memref_slice %arg9[%run_scoped3A_314, %dma_start3A_325, %dma_start3A_326, %dma_start3A_327] : memref<2x2x125x32xf32, #tpu.memory_space<vmem>> -> memref<1x2x125x32xf32, #tpu.memory_space<vmem>>
        %dma_start3A_329 = tpu.memref_squeeze %dma_start3A_328 : memref<1x2x125x32xf32, #tpu.memory_space<vmem>> -> memref<2x125x32xf32, #tpu.memory_space<vmem>>
        tpu.enqueue_dma source(%dma_start3A_329 : memref<2x125x32xf32, #tpu.memory_space<vmem>>) target(%dma_start3A_324 : memref<2x125x32xf32, #tpu.memory_space<hbm>>) target_semaphore(%run_scoped3A_315 : memref<!tpu.dma_semaphore, #tpu.memory_space<semaphore_mem>>)
        %dma_wait3A_330 = arith.constant 0 : i32
        %dma_wait3A_331 = arith.constant 0 : i32
        %dma_wait3A_332 = arith.constant 0 : i32
        %dma_wait3A_333 = tpu.memref_slice %arg9[%run_scoped3A_314, %dma_wait3A_330, %dma_wait3A_331, %dma_wait3A_332] : memref<2x2x125x32xf32, #tpu.memory_space<vmem>> -> memref<1x2x125x32xf32, #tpu.memory_space<vmem>>
        %dma_wait3A_334 = tpu.memref_squeeze %dma_wait3A_333 : memref<1x2x125x32xf32, #tpu.memory_space<vmem>> -> memref<2x125x32xf32, #tpu.memory_space<vmem>>
        %dma_wait3A_335 = arith.constant 0 : i32
        %dma_wait3A_336 = tpu.memref_slice %arg6[%add3A_206, %dma_wait3A_335, %mul3A_313] : memref<6400x125x64xf32, #tpu.memory_space<hbm>> -> memref<2x125x32xf32, #tpu.memory_space<hbm>>
        %dma_wait3A_337 = arith.constant 0 : i32
        %dma_wait3A_338 = tpu.memref_slice %arg6[%add3A_206, %dma_wait3A_337, %mul3A_313] : memref<6400x125x64xf32, #tpu.memory_space<hbm>> -> memref<2x125x32xf32, #tpu.memory_space<hbm>>
        %dma_wait3A_339 = arith.constant 0 : i32
        %dma_wait3A_340 = arith.constant 0 : i32
        %dma_wait3A_341 = arith.constant 0 : i32
        %dma_wait3A_342 = tpu.memref_slice %arg9[%run_scoped3A_314, %dma_wait3A_339, %dma_wait3A_340, %dma_wait3A_341] : memref<2x2x125x32xf32, #tpu.memory_space<vmem>> -> memref<1x2x125x32xf32, #tpu.memory_space<vmem>>
        %dma_wait3A_343 = tpu.memref_squeeze %dma_wait3A_342 : memref<1x2x125x32xf32, #tpu.memory_space<vmem>> -> memref<2x125x32xf32, #tpu.memory_space<vmem>>
        tpu.wait_dma2 semaphore(%run_scoped3A_315 : memref<!tpu.dma_semaphore, #tpu.memory_space<semaphore_mem>>) src(%dma_wait3A_343 : memref<2x125x32xf32, #tpu.memory_space<vmem>>) dst(%dma_wait3A_338 : memref<2x125x32xf32, #tpu.memory_space<hbm>>)
        tpu.yield
      }) : () -> ()
    }
    %scan3A_61 = arith.constant 100 : i32
    return
  }
}

#map = affine_map<(d0, d1) -> (0, 0, 0)>
#map1 = affine_map<(d0, d1) -> (0, 0)>
module attributes {stable_mosaic.version = 14 : i64} {
  func.func @k(%arg0: i32, %arg1: i32, %arg2: memref<6400x125x64xf32, #tpu.memory_space<hbm>>, %arg3: memref<6400x125xi32, #tpu.memory_space<hbm>>, %arg4: memref<3125x32xf32, #tpu.memory_space<hbm>>, %arg5: memref<50000x64xf32, #tpu.memory_space<hbm>>, %arg6: memref<50000x32xf32, #tpu.memory_space<vmem_shared>>, %arg7: memref<2x2x125xi32, #tpu.memory_space<vmem>>, %arg8: memref<2x2x125x32xf32, #tpu.memory_space<vmem>>, %arg9: memref<!tpu.dma_semaphore, #tpu.memory_space<semaphore_mem>>, %arg10: memref<!tpu.dma_semaphore, #tpu.memory_space<semaphore_mem>>, %arg11: memref<!tpu.dma_semaphore, #tpu.memory_space<semaphore_mem>>, %arg12: memref<!tpu.dma_semaphore, #tpu.memory_space<semaphore_mem>>, %arg13: memref<!tpu.dma_semaphore, #tpu.memory_space<semaphore_mem>>) attributes {dimension_semantics = [#tpu.dimension_semantics<core_parallel>, #tpu.dimension_semantics<subcore_parallel>], iteration_bounds = array<i64: 2, 16>, scalar_prefetch = 0 : i64, scratch_operands = 8 : i64, tpu.core_type = #tpu.core_type<sc_vector_subcore>, window_params = [{transform_indices = #map}, {transform_indices = #map1}, {transform_indices = #map1}, {transform_indices = #map1}]} {
    %mul3A = arith.constant 3125 : i32
    %mul3A_0 = arith.muli %arg1, %mul3A : i32
    "tpu.region"() ({
      %run_scoped3A = tpu.sem_alloc : memref<!tpu.dma_semaphore, #tpu.memory_space<semaphore_mem>>
      %dma_start3A_45 = arith.constant 0 : i32
      %dma_start3A_46 = tpu.memref_slice %arg6[%mul3A_0, %dma_start3A_45] : memref<50000x32xf32, #tpu.memory_space<vmem_shared>> -> memref<3125x32xf32, #tpu.memory_space<vmem_shared>>
      tpu.enqueue_dma source(%arg4 : memref<3125x32xf32, #tpu.memory_space<hbm>>) target(%dma_start3A_46 : memref<3125x32xf32, #tpu.memory_space<vmem_shared>>) target_semaphore(%run_scoped3A : memref<!tpu.dma_semaphore, #tpu.memory_space<semaphore_mem>>)
      %dma_wait3A = arith.constant 0 : i32
      %dma_wait3A_47 = tpu.memref_slice %arg6[%mul3A_0, %dma_wait3A] : memref<50000x32xf32, #tpu.memory_space<vmem_shared>> -> memref<3125x32xf32, #tpu.memory_space<vmem_shared>>
      tpu.wait_dma2 semaphore(%run_scoped3A : memref<!tpu.dma_semaphore, #tpu.memory_space<semaphore_mem>>) src(%arg4 : memref<3125x32xf32, #tpu.memory_space<hbm>>) dst(%dma_wait3A_47 : memref<3125x32xf32, #tpu.memory_space<vmem_shared>>)
      tpu.yield
    }) : () -> ()
    %barrier3A = arith.constant 0 : index
    tpu.barrier barrier_id(%barrier3A)
    %mul3A_1 = arith.constant 400 : i32
    %mul3A_2 = arith.muli %arg1, %mul3A_1 : i32
    %add3A = arith.constant 0 : i32
    %add3A_3 = arith.addi %mul3A_2, %add3A : i32
    %dma_start3A = arith.constant 0 : i32
    %dma_start3A_4 = arith.constant 0 : i32
    %dma_start3A_5 = arith.constant 0 : i32
    %dma_start3A_6 = tpu.memref_slice %arg7[%dma_start3A, %dma_start3A_4, %dma_start3A_5] : memref<2x2x125xi32, #tpu.memory_space<vmem>> -> memref<1x2x125xi32, #tpu.memory_space<vmem>>
    %dma_start3A_7 = tpu.memref_squeeze %dma_start3A_6 : memref<1x2x125xi32, #tpu.memory_space<vmem>> -> memref<2x125xi32, #tpu.memory_space<vmem>>
    %dma_start3A_8 = arith.constant 0 : i32
    %dma_start3A_9 = tpu.memref_slice %arg3[%add3A_3, %dma_start3A_8] : memref<6400x125xi32, #tpu.memory_space<hbm>> -> memref<2x125xi32, #tpu.memory_space<hbm>>
    %dma_start3A_10 = arith.constant 0 : i32
    %dma_start3A_11 = arith.constant 0 : i32
    %dma_start3A_12 = tpu.memref_slice %arg7[%dma_start3A, %dma_start3A_10, %dma_start3A_11] : memref<2x2x125xi32, #tpu.memory_space<vmem>> -> memref<1x2x125xi32, #tpu.memory_space<vmem>>
    %dma_start3A_13 = tpu.memref_squeeze %dma_start3A_12 : memref<1x2x125xi32, #tpu.memory_space<vmem>> -> memref<2x125xi32, #tpu.memory_space<vmem>>
    %dma_start3A_14 = arith.constant 0 : i32
    %dma_start3A_15 = tpu.memref_slice %arg3[%add3A_3, %dma_start3A_14] : memref<6400x125xi32, #tpu.memory_space<hbm>> -> memref<2x125xi32, #tpu.memory_space<hbm>>
    tpu.enqueue_dma source(%dma_start3A_15 : memref<2x125xi32, #tpu.memory_space<hbm>>) target(%dma_start3A_13 : memref<2x125xi32, #tpu.memory_space<vmem>>) target_semaphore(%arg9 : memref<!tpu.dma_semaphore, #tpu.memory_space<semaphore_mem>>)
    %mul3A_16 = arith.constant 32 : i32
    %mul3A_17 = arith.muli %arg0, %mul3A_16 : i32
    %dma_start3A_18 = arith.constant 0 : i32
    %dma_start3A_19 = arith.constant 0 : i32
    %dma_start3A_20 = arith.constant 0 : i32
    %dma_start3A_21 = arith.constant 0 : i32
    %dma_start3A_22 = tpu.memref_slice %arg8[%dma_start3A_18, %dma_start3A_19, %dma_start3A_20, %dma_start3A_21] : memref<2x2x125x32xf32, #tpu.memory_space<vmem>> -> memref<1x2x125x32xf32, #tpu.memory_space<vmem>>
    %dma_start3A_23 = tpu.memref_squeeze %dma_start3A_22 : memref<1x2x125x32xf32, #tpu.memory_space<vmem>> -> memref<2x125x32xf32, #tpu.memory_space<vmem>>
    %dma_start3A_24 = arith.constant 0 : i32
    %dma_start3A_25 = tpu.memref_slice %arg2[%add3A_3, %dma_start3A_24, %mul3A_17] : memref<6400x125x64xf32, #tpu.memory_space<hbm>> -> memref<2x125x32xf32, #tpu.memory_space<hbm>>
    %dma_start3A_26 = arith.constant 0 : i32
    %dma_start3A_27 = arith.constant 0 : i32
    %dma_start3A_28 = arith.constant 0 : i32
    %dma_start3A_29 = tpu.memref_slice %arg8[%dma_start3A_18, %dma_start3A_26, %dma_start3A_27, %dma_start3A_28] : memref<2x2x125x32xf32, #tpu.memory_space<vmem>> -> memref<1x2x125x32xf32, #tpu.memory_space<vmem>>
    %dma_start3A_30 = tpu.memref_squeeze %dma_start3A_29 : memref<1x2x125x32xf32, #tpu.memory_space<vmem>> -> memref<2x125x32xf32, #tpu.memory_space<vmem>>
    %dma_start3A_31 = arith.constant 0 : i32
    %dma_start3A_32 = tpu.memref_slice %arg2[%add3A_3, %dma_start3A_31, %mul3A_17] : memref<6400x125x64xf32, #tpu.memory_space<hbm>> -> memref<2x125x32xf32, #tpu.memory_space<hbm>>
    tpu.enqueue_dma source(%dma_start3A_32 : memref<2x125x32xf32, #tpu.memory_space<hbm>>) target(%dma_start3A_30 : memref<2x125x32xf32, #tpu.memory_space<vmem>>) target_semaphore(%arg11 : memref<!tpu.dma_semaphore, #tpu.memory_space<semaphore_mem>>)
    %scan3A = arith.constant 0 : i32
    %scan3A_33 = arith.constant 0 : i32
    %scan3A_34 = arith.constant 100 : i32
    %scan3A_35 = arith.addi %scan3A_33, %scan3A_34 : i32
    %scan3A_36 = arith.constant 1 : i32
    scf.for %scan3A_45 = %scan3A_33 to %scan3A_35 step %scan3A_36  : i32 {
      %mul3A_46 = arith.constant 2 : i32
      %mul3A_47 = arith.muli %mul3A_46, %scan3A_45 : i32
      %add3A_48 = arith.constant 1 : i32
      %add3A_49 = arith.addi %mul3A_47, %add3A_48 : i32
      %mul3A_50 = arith.constant 400 : i32
      %mul3A_51 = arith.muli %arg1, %mul3A_50 : i32
      %mul3A_52 = arith.constant 2 : i32
      %mul3A_53 = arith.muli %add3A_49, %mul3A_52 : i32
      %add3A_54 = arith.addi %mul3A_51, %mul3A_53 : i32
      %dma_start3A_55 = arith.constant 1 : i32
      %dma_start3A_56 = arith.constant 0 : i32
      %dma_start3A_57 = arith.constant 0 : i32
      %dma_start3A_58 = tpu.memref_slice %arg7[%dma_start3A_55, %dma_start3A_56, %dma_start3A_57] : memref<2x2x125xi32, #tpu.memory_space<vmem>> -> memref<1x2x125xi32, #tpu.memory_space<vmem>>
      %dma_start3A_59 = tpu.memref_squeeze %dma_start3A_58 : memref<1x2x125xi32, #tpu.memory_space<vmem>> -> memref<2x125xi32, #tpu.memory_space<vmem>>
      %dma_start3A_60 = arith.constant 0 : i32
      %dma_start3A_61 = tpu.memref_slice %arg3[%add3A_54, %dma_start3A_60] : memref<6400x125xi32, #tpu.memory_space<hbm>> -> memref<2x125xi32, #tpu.memory_space<hbm>>
      %dma_start3A_62 = arith.constant 0 : i32
      %dma_start3A_63 = arith.constant 0 : i32
      %dma_start3A_64 = tpu.memref_slice %arg7[%dma_start3A_55, %dma_start3A_62, %dma_start3A_63] : memref<2x2x125xi32, #tpu.memory_space<vmem>> -> memref<1x2x125xi32, #tpu.memory_space<vmem>>
      %dma_start3A_65 = tpu.memref_squeeze %dma_start3A_64 : memref<1x2x125xi32, #tpu.memory_space<vmem>> -> memref<2x125xi32, #tpu.memory_space<vmem>>
      %dma_start3A_66 = arith.constant 0 : i32
      %dma_start3A_67 = tpu.memref_slice %arg3[%add3A_54, %dma_start3A_66] : memref<6400x125xi32, #tpu.memory_space<hbm>> -> memref<2x125xi32, #tpu.memory_space<hbm>>
      tpu.enqueue_dma source(%dma_start3A_67 : memref<2x125xi32, #tpu.memory_space<hbm>>) target(%dma_start3A_65 : memref<2x125xi32, #tpu.memory_space<vmem>>) target_semaphore(%arg10 : memref<!tpu.dma_semaphore, #tpu.memory_space<semaphore_mem>>)
      %mul3A_68 = arith.constant 32 : i32
      %mul3A_69 = arith.muli %arg0, %mul3A_68 : i32
      %dma_start3A_70 = arith.constant 1 : i32
      %dma_start3A_71 = arith.constant 0 : i32
      %dma_start3A_72 = arith.constant 0 : i32
      %dma_start3A_73 = arith.constant 0 : i32
      %dma_start3A_74 = tpu.memref_slice %arg8[%dma_start3A_70, %dma_start3A_71, %dma_start3A_72, %dma_start3A_73] : memref<2x2x125x32xf32, #tpu.memory_space<vmem>> -> memref<1x2x125x32xf32, #tpu.memory_space<vmem>>
      %dma_start3A_75 = tpu.memref_squeeze %dma_start3A_74 : memref<1x2x125x32xf32, #tpu.memory_space<vmem>> -> memref<2x125x32xf32, #tpu.memory_space<vmem>>
      %dma_start3A_76 = arith.constant 0 : i32
      %dma_start3A_77 = tpu.memref_slice %arg2[%add3A_54, %dma_start3A_76, %mul3A_69] : memref<6400x125x64xf32, #tpu.memory_space<hbm>> -> memref<2x125x32xf32, #tpu.memory_space<hbm>>
      %dma_start3A_78 = arith.constant 0 : i32
      %dma_start3A_79 = arith.constant 0 : i32
      %dma_start3A_80 = arith.constant 0 : i32
      %dma_start3A_81 = tpu.memref_slice %arg8[%dma_start3A_70, %dma_start3A_78, %dma_start3A_79, %dma_start3A_80] : memref<2x2x125x32xf32, #tpu.memory_space<vmem>> -> memref<1x2x125x32xf32, #tpu.memory_space<vmem>>
      %dma_start3A_82 = tpu.memref_squeeze %dma_start3A_81 : memref<1x2x125x32xf32, #tpu.memory_space<vmem>> -> memref<2x125x32xf32, #tpu.memory_space<vmem>>
      %dma_start3A_83 = arith.constant 0 : i32
      %dma_start3A_84 = tpu.memref_slice %arg2[%add3A_54, %dma_start3A_83, %mul3A_69] : memref<6400x125x64xf32, #tpu.memory_space<hbm>> -> memref<2x125x32xf32, #tpu.memory_space<hbm>>
      tpu.enqueue_dma source(%dma_start3A_84 : memref<2x125x32xf32, #tpu.memory_space<hbm>>) target(%dma_start3A_82 : memref<2x125x32xf32, #tpu.memory_space<vmem>>) target_semaphore(%arg12 : memref<!tpu.dma_semaphore, #tpu.memory_space<semaphore_mem>>)
      %mul3A_85 = arith.constant 400 : i32
      %mul3A_86 = arith.muli %arg1, %mul3A_85 : i32
      %mul3A_87 = arith.constant 2 : i32
      %mul3A_88 = arith.muli %mul3A_47, %mul3A_87 : i32
      %add3A_89 = arith.addi %mul3A_86, %mul3A_88 : i32
      %dma_wait3A = arith.constant 0 : i32
      %dma_wait3A_90 = arith.constant 0 : i32
      %dma_wait3A_91 = arith.constant 0 : i32
      %dma_wait3A_92 = tpu.memref_slice %arg7[%dma_wait3A, %dma_wait3A_90, %dma_wait3A_91] : memref<2x2x125xi32, #tpu.memory_space<vmem>> -> memref<1x2x125xi32, #tpu.memory_space<vmem>>
      %dma_wait3A_93 = tpu.memref_squeeze %dma_wait3A_92 : memref<1x2x125xi32, #tpu.memory_space<vmem>> -> memref<2x125xi32, #tpu.memory_space<vmem>>
      %dma_wait3A_94 = arith.constant 0 : i32
      %dma_wait3A_95 = tpu.memref_slice %arg3[%add3A_89, %dma_wait3A_94] : memref<6400x125xi32, #tpu.memory_space<hbm>> -> memref<2x125xi32, #tpu.memory_space<hbm>>
      %dma_wait3A_96 = arith.constant 0 : i32
      %dma_wait3A_97 = arith.constant 0 : i32
      %dma_wait3A_98 = tpu.memref_slice %arg7[%dma_wait3A, %dma_wait3A_96, %dma_wait3A_97] : memref<2x2x125xi32, #tpu.memory_space<vmem>> -> memref<1x2x125xi32, #tpu.memory_space<vmem>>
      %dma_wait3A_99 = tpu.memref_squeeze %dma_wait3A_98 : memref<1x2x125xi32, #tpu.memory_space<vmem>> -> memref<2x125xi32, #tpu.memory_space<vmem>>
      %dma_wait3A_100 = arith.constant 0 : i32
      %dma_wait3A_101 = tpu.memref_slice %arg3[%add3A_89, %dma_wait3A_100] : memref<6400x125xi32, #tpu.memory_space<hbm>> -> memref<2x125xi32, #tpu.memory_space<hbm>>
      tpu.wait_dma2 semaphore(%arg9 : memref<!tpu.dma_semaphore, #tpu.memory_space<semaphore_mem>>) src(%dma_wait3A_101 : memref<2x125xi32, #tpu.memory_space<hbm>>) dst(%dma_wait3A_99 : memref<2x125xi32, #tpu.memory_space<vmem>>)
      %mul3A_102 = arith.constant 32 : i32
      %mul3A_103 = arith.muli %arg0, %mul3A_102 : i32
      %dma_wait3A_104 = arith.constant 0 : i32
      %dma_wait3A_105 = arith.constant 0 : i32
      %dma_wait3A_106 = arith.constant 0 : i32
      %dma_wait3A_107 = arith.constant 0 : i32
      %dma_wait3A_108 = tpu.memref_slice %arg8[%dma_wait3A_104, %dma_wait3A_105, %dma_wait3A_106, %dma_wait3A_107] : memref<2x2x125x32xf32, #tpu.memory_space<vmem>> -> memref<1x2x125x32xf32, #tpu.memory_space<vmem>>
      %dma_wait3A_109 = tpu.memref_squeeze %dma_wait3A_108 : memref<1x2x125x32xf32, #tpu.memory_space<vmem>> -> memref<2x125x32xf32, #tpu.memory_space<vmem>>
      %dma_wait3A_110 = arith.constant 0 : i32
      %dma_wait3A_111 = tpu.memref_slice %arg2[%add3A_89, %dma_wait3A_110, %mul3A_103] : memref<6400x125x64xf32, #tpu.memory_space<hbm>> -> memref<2x125x32xf32, #tpu.memory_space<hbm>>
      %dma_wait3A_112 = arith.constant 0 : i32
      %dma_wait3A_113 = arith.constant 0 : i32
      %dma_wait3A_114 = arith.constant 0 : i32
      %dma_wait3A_115 = tpu.memref_slice %arg8[%dma_wait3A_104, %dma_wait3A_112, %dma_wait3A_113, %dma_wait3A_114] : memref<2x2x125x32xf32, #tpu.memory_space<vmem>> -> memref<1x2x125x32xf32, #tpu.memory_space<vmem>>
      %dma_wait3A_116 = tpu.memref_squeeze %dma_wait3A_115 : memref<1x2x125x32xf32, #tpu.memory_space<vmem>> -> memref<2x125x32xf32, #tpu.memory_space<vmem>>
      %dma_wait3A_117 = arith.constant 0 : i32
      %dma_wait3A_118 = tpu.memref_slice %arg2[%add3A_89, %dma_wait3A_117, %mul3A_103] : memref<6400x125x64xf32, #tpu.memory_space<hbm>> -> memref<2x125x32xf32, #tpu.memory_space<hbm>>
      tpu.wait_dma2 semaphore(%arg11 : memref<!tpu.dma_semaphore, #tpu.memory_space<semaphore_mem>>) src(%dma_wait3A_118 : memref<2x125x32xf32, #tpu.memory_space<hbm>>) dst(%dma_wait3A_116 : memref<2x125x32xf32, #tpu.memory_space<vmem>>)
      %dma_start3A_119 = arith.constant 0 : i32
      %dma_start3A_120 = arith.constant 0 : i32
      %dma_start3A_121 = arith.constant 0 : i32
      %dma_start3A_122 = arith.constant 0 : i32
      %dma_start3A_123 = arith.constant 0 : i32
      %dma_start3A_124 = arith.constant 0 : i32
      %dma_start3A_125 = arith.constant 0 : i32
      %dma_start3A_126 = tpu.memref_slice %arg8[%dma_start3A_119, %dma_start3A_123, %dma_start3A_124, %dma_start3A_125] : memref<2x2x125x32xf32, #tpu.memory_space<vmem>> -> memref<1x2x125x32xf32, #tpu.memory_space<vmem>>
      %dma_start3A_127 = tpu.memref_squeeze %dma_start3A_126 : memref<1x2x125x32xf32, #tpu.memory_space<vmem>> -> memref<2x125x32xf32, #tpu.memory_space<vmem>>
      %dma_start3A_128 = arith.constant 0 : i32
      %dma_start3A_129 = arith.constant 0 : i32
      %dma_start3A_130 = tpu.memref_slice %dma_start3A_127[%dma_start3A_120, %dma_start3A_128, %dma_start3A_129] : memref<2x125x32xf32, #tpu.memory_space<vmem>> -> memref<1x125x32xf32, #tpu.memory_space<vmem>>
      %dma_start3A_131 = tpu.memref_squeeze %dma_start3A_130 : memref<1x125x32xf32, #tpu.memory_space<vmem>> -> memref<125x32xf32, #tpu.memory_space<vmem>>
      %dma_start3A_132 = arith.constant 0 : i32
      %dma_start3A_133 = arith.constant 0 : i32
      %dma_start3A_134 = tpu.memref_slice %arg7[%dma_start3A_121, %dma_start3A_132, %dma_start3A_133] : memref<2x2x125xi32, #tpu.memory_space<vmem>> -> memref<1x2x125xi32, #tpu.memory_space<vmem>>
      %dma_start3A_135 = tpu.memref_squeeze %dma_start3A_134 : memref<1x2x125xi32, #tpu.memory_space<vmem>> -> memref<2x125xi32, #tpu.memory_space<vmem>>
      %dma_start3A_136 = arith.constant 0 : i32
      %dma_start3A_137 = tpu.memref_slice %dma_start3A_135[%dma_start3A_122, %dma_start3A_136] : memref<2x125xi32, #tpu.memory_space<vmem>> -> memref<1x125xi32, #tpu.memory_space<vmem>>
      %dma_start3A_138 = tpu.memref_squeeze %dma_start3A_137 : memref<1x125xi32, #tpu.memory_space<vmem>> -> memref<125xi32, #tpu.memory_space<vmem>>
      %dma_start3A_139 = arith.constant 0 : i32
      %dma_start3A_140 = arith.constant 0 : i32
      %dma_start3A_141 = tpu.memref_slice %arg6[%dma_start3A_139, %dma_start3A_140] : memref<50000x32xf32, #tpu.memory_space<vmem_shared>> -> memref<50000x32xf32, #tpu.memory_space<vmem_shared>>
      tpu.enqueue_indirect_dma source(%dma_start3A_131 : memref<125x32xf32, #tpu.memory_space<vmem>>) target(%dma_start3A_141 : memref<50000x32xf32, #tpu.memory_space<vmem_shared>>) offsets(%dma_start3A_138 : memref<125xi32, #tpu.memory_space<vmem>>) semaphore(%arg13 : memref<!tpu.dma_semaphore, #tpu.memory_space<semaphore_mem>>) {add = true}
      %dma_start3A_142 = arith.constant 0 : i32
      %dma_start3A_143 = arith.constant 1 : i32
      %dma_start3A_144 = arith.constant 0 : i32
      %dma_start3A_145 = arith.constant 1 : i32
      %dma_start3A_146 = arith.constant 0 : i32
      %dma_start3A_147 = arith.constant 0 : i32
      %dma_start3A_148 = arith.constant 0 : i32
      %dma_start3A_149 = tpu.memref_slice %arg8[%dma_start3A_142, %dma_start3A_146, %dma_start3A_147, %dma_start3A_148] : memref<2x2x125x32xf32, #tpu.memory_space<vmem>> -> memref<1x2x125x32xf32, #tpu.memory_space<vmem>>
      %dma_start3A_150 = tpu.memref_squeeze %dma_start3A_149 : memref<1x2x125x32xf32, #tpu.memory_space<vmem>> -> memref<2x125x32xf32, #tpu.memory_space<vmem>>
      %dma_start3A_151 = arith.constant 0 : i32
      %dma_start3A_152 = arith.constant 0 : i32
      %dma_start3A_153 = tpu.memref_slice %dma_start3A_150[%dma_start3A_143, %dma_start3A_151, %dma_start3A_152] : memref<2x125x32xf32, #tpu.memory_space<vmem>> -> memref<1x125x32xf32, #tpu.memory_space<vmem>>
      %dma_start3A_154 = tpu.memref_squeeze %dma_start3A_153 : memref<1x125x32xf32, #tpu.memory_space<vmem>> -> memref<125x32xf32, #tpu.memory_space<vmem>>
      %dma_start3A_155 = arith.constant 0 : i32
      %dma_start3A_156 = arith.constant 0 : i32
      %dma_start3A_157 = tpu.memref_slice %arg7[%dma_start3A_144, %dma_start3A_155, %dma_start3A_156] : memref<2x2x125xi32, #tpu.memory_space<vmem>> -> memref<1x2x125xi32, #tpu.memory_space<vmem>>
      %dma_start3A_158 = tpu.memref_squeeze %dma_start3A_157 : memref<1x2x125xi32, #tpu.memory_space<vmem>> -> memref<2x125xi32, #tpu.memory_space<vmem>>
      %dma_start3A_159 = arith.constant 0 : i32
      %dma_start3A_160 = tpu.memref_slice %dma_start3A_158[%dma_start3A_145, %dma_start3A_159] : memref<2x125xi32, #tpu.memory_space<vmem>> -> memref<1x125xi32, #tpu.memory_space<vmem>>
      %dma_start3A_161 = tpu.memref_squeeze %dma_start3A_160 : memref<1x125xi32, #tpu.memory_space<vmem>> -> memref<125xi32, #tpu.memory_space<vmem>>
      %dma_start3A_162 = arith.constant 0 : i32
      %dma_start3A_163 = arith.constant 0 : i32
      %dma_start3A_164 = tpu.memref_slice %arg6[%dma_start3A_162, %dma_start3A_163] : memref<50000x32xf32, #tpu.memory_space<vmem_shared>> -> memref<50000x32xf32, #tpu.memory_space<vmem_shared>>
      tpu.enqueue_indirect_dma source(%dma_start3A_154 : memref<125x32xf32, #tpu.memory_space<vmem>>) target(%dma_start3A_164 : memref<50000x32xf32, #tpu.memory_space<vmem_shared>>) offsets(%dma_start3A_161 : memref<125xi32, #tpu.memory_space<vmem>>) semaphore(%arg13 : memref<!tpu.dma_semaphore, #tpu.memory_space<semaphore_mem>>) {add = true}
      %dma_wait3A_165 = arith.constant 0 : i32
      %dma_wait3A_166 = arith.constant 0 : i32
      %dma_wait3A_167 = arith.constant 0 : i32
      %dma_wait3A_168 = arith.constant 0 : i32
      %dma_wait3A_169 = arith.constant 0 : i32
      %dma_wait3A_170 = arith.constant 0 : i32
      %dma_wait3A_171 = arith.constant 0 : i32
      %dma_wait3A_172 = tpu.memref_slice %arg8[%dma_wait3A_165, %dma_wait3A_169, %dma_wait3A_170, %dma_wait3A_171] : memref<2x2x125x32xf32, #tpu.memory_space<vmem>> -> memref<1x2x125x32xf32, #tpu.memory_space<vmem>>
      %dma_wait3A_173 = tpu.memref_squeeze %dma_wait3A_172 : memref<1x2x125x32xf32, #tpu.memory_space<vmem>> -> memref<2x125x32xf32, #tpu.memory_space<vmem>>
      %dma_wait3A_174 = arith.constant 0 : i32
      %dma_wait3A_175 = arith.constant 0 : i32
      %dma_wait3A_176 = tpu.memref_slice %dma_wait3A_173[%dma_wait3A_166, %dma_wait3A_174, %dma_wait3A_175] : memref<2x125x32xf32, #tpu.memory_space<vmem>> -> memref<1x125x32xf32, #tpu.memory_space<vmem>>
      %dma_wait3A_177 = tpu.memref_squeeze %dma_wait3A_176 : memref<1x125x32xf32, #tpu.memory_space<vmem>> -> memref<125x32xf32, #tpu.memory_space<vmem>>
      %dma_wait3A_178 = arith.constant 0 : i32
      %dma_wait3A_179 = arith.constant 0 : i32
      %dma_wait3A_180 = tpu.memref_slice %arg7[%dma_wait3A_167, %dma_wait3A_178, %dma_wait3A_179] : memref<2x2x125xi32, #tpu.memory_space<vmem>> -> memref<1x2x125xi32, #tpu.memory_space<vmem>>
      %dma_wait3A_181 = tpu.memref_squeeze %dma_wait3A_180 : memref<1x2x125xi32, #tpu.memory_space<vmem>> -> memref<2x125xi32, #tpu.memory_space<vmem>>
      %dma_wait3A_182 = arith.constant 0 : i32
      %dma_wait3A_183 = tpu.memref_slice %dma_wait3A_181[%dma_wait3A_168, %dma_wait3A_182] : memref<2x125xi32, #tpu.memory_space<vmem>> -> memref<1x125xi32, #tpu.memory_space<vmem>>
      %dma_wait3A_184 = tpu.memref_squeeze %dma_wait3A_183 : memref<1x125xi32, #tpu.memory_space<vmem>> -> memref<125xi32, #tpu.memory_space<vmem>>
      %dma_wait3A_185 = arith.constant 0 : i32
      %dma_wait3A_186 = arith.constant 0 : i32
      %dma_wait3A_187 = tpu.memref_slice %arg6[%dma_wait3A_185, %dma_wait3A_186] : memref<50000x32xf32, #tpu.memory_space<vmem_shared>> -> memref<50000x32xf32, #tpu.memory_space<vmem_shared>>
      tpu.wait_indirect_dma semaphore(%arg13 : memref<!tpu.dma_semaphore, #tpu.memory_space<semaphore_mem>>) src(%dma_wait3A_177 : memref<125x32xf32, #tpu.memory_space<vmem>>) dst(%dma_wait3A_187 : memref<50000x32xf32, #tpu.memory_space<vmem_shared>>)
      %dma_wait3A_188 = arith.constant 0 : i32
      %dma_wait3A_189 = arith.constant 1 : i32
      %dma_wait3A_190 = arith.constant 0 : i32
      %dma_wait3A_191 = arith.constant 1 : i32
      %dma_wait3A_192 = arith.constant 0 : i32
      %dma_wait3A_193 = arith.constant 0 : i32
      %dma_wait3A_194 = arith.constant 0 : i32
      %dma_wait3A_195 = tpu.memref_slice %arg8[%dma_wait3A_188, %dma_wait3A_192, %dma_wait3A_193, %dma_wait3A_194] : memref<2x2x125x32xf32, #tpu.memory_space<vmem>> -> memref<1x2x125x32xf32, #tpu.memory_space<vmem>>
      %dma_wait3A_196 = tpu.memref_squeeze %dma_wait3A_195 : memref<1x2x125x32xf32, #tpu.memory_space<vmem>> -> memref<2x125x32xf32, #tpu.memory_space<vmem>>
      %dma_wait3A_197 = arith.constant 0 : i32
      %dma_wait3A_198 = arith.constant 0 : i32
      %dma_wait3A_199 = tpu.memref_slice %dma_wait3A_196[%dma_wait3A_189, %dma_wait3A_197, %dma_wait3A_198] : memref<2x125x32xf32, #tpu.memory_space<vmem>> -> memref<1x125x32xf32, #tpu.memory_space<vmem>>
      %dma_wait3A_200 = tpu.memref_squeeze %dma_wait3A_199 : memref<1x125x32xf32, #tpu.memory_space<vmem>> -> memref<125x32xf32, #tpu.memory_space<vmem>>
      %dma_wait3A_201 = arith.constant 0 : i32
      %dma_wait3A_202 = arith.constant 0 : i32
      %dma_wait3A_203 = tpu.memref_slice %arg7[%dma_wait3A_190, %dma_wait3A_201, %dma_wait3A_202] : memref<2x2x125xi32, #tpu.memory_space<vmem>> -> memref<1x2x125xi32, #tpu.memory_space<vmem>>
      %dma_wait3A_204 = tpu.memref_squeeze %dma_wait3A_203 : memref<1x2x125xi32, #tpu.memory_space<vmem>> -> memref<2x125xi32, #tpu.memory_space<vmem>>
      %dma_wait3A_205 = arith.constant 0 : i32
      %dma_wait3A_206 = tpu.memref_slice %dma_wait3A_204[%dma_wait3A_191, %dma_wait3A_205] : memref<2x125xi32, #tpu.memory_space<vmem>> -> memref<1x125xi32, #tpu.memory_space<vmem>>
      %dma_wait3A_207 = tpu.memref_squeeze %dma_wait3A_206 : memref<1x125xi32, #tpu.memory_space<vmem>> -> memref<125xi32, #tpu.memory_space<vmem>>
      %dma_wait3A_208 = arith.constant 0 : i32
      %dma_wait3A_209 = arith.constant 0 : i32
      %dma_wait3A_210 = tpu.memref_slice %arg6[%dma_wait3A_208, %dma_wait3A_209] : memref<50000x32xf32, #tpu.memory_space<vmem_shared>> -> memref<50000x32xf32, #tpu.memory_space<vmem_shared>>
      tpu.wait_indirect_dma semaphore(%arg13 : memref<!tpu.dma_semaphore, #tpu.memory_space<semaphore_mem>>) src(%dma_wait3A_200 : memref<125x32xf32, #tpu.memory_space<vmem>>) dst(%dma_wait3A_210 : memref<50000x32xf32, #tpu.memory_space<vmem_shared>>)
      %add3A_211 = arith.constant 1 : i32
      %add3A_212 = arith.addi %scan3A_45, %add3A_211 : i32
      %lt3A = arith.constant 100 : i32
      %lt3A_213 = arith.cmpi slt, %add3A_212, %lt3A : i32
      %convert_element_type3A = arith.extui %lt3A_213 : i1 to i32
      %cond3A = arith.constant 0 : i32
      %cond3A_214 = arith.cmpi ne, %convert_element_type3A, %cond3A : i32
      scf.if %cond3A_214 {
        %add3A_344 = arith.constant 2 : i32
        %add3A_345 = arith.addi %mul3A_47, %add3A_344 : i32
        %mul3A_346 = arith.constant 400 : i32
        %mul3A_347 = arith.muli %arg1, %mul3A_346 : i32
        %mul3A_348 = arith.constant 2 : i32
        %mul3A_349 = arith.muli %add3A_345, %mul3A_348 : i32
        %add3A_350 = arith.addi %mul3A_347, %mul3A_349 : i32
        %dma_start3A_351 = arith.constant 0 : i32
        %dma_start3A_352 = arith.constant 0 : i32
        %dma_start3A_353 = arith.constant 0 : i32
        %dma_start3A_354 = tpu.memref_slice %arg7[%dma_start3A_351, %dma_start3A_352, %dma_start3A_353] : memref<2x2x125xi32, #tpu.memory_space<vmem>> -> memref<1x2x125xi32, #tpu.memory_space<vmem>>
        %dma_start3A_355 = tpu.memref_squeeze %dma_start3A_354 : memref<1x2x125xi32, #tpu.memory_space<vmem>> -> memref<2x125xi32, #tpu.memory_space<vmem>>
        %dma_start3A_356 = arith.constant 0 : i32
        %dma_start3A_357 = tpu.memref_slice %arg3[%add3A_350, %dma_start3A_356] : memref<6400x125xi32, #tpu.memory_space<hbm>> -> memref<2x125xi32, #tpu.memory_space<hbm>>
        %dma_start3A_358 = arith.constant 0 : i32
        %dma_start3A_359 = arith.constant 0 : i32
        %dma_start3A_360 = tpu.memref_slice %arg7[%dma_start3A_351, %dma_start3A_358, %dma_start3A_359] : memref<2x2x125xi32, #tpu.memory_space<vmem>> -> memref<1x2x125xi32, #tpu.memory_space<vmem>>
        %dma_start3A_361 = tpu.memref_squeeze %dma_start3A_360 : memref<1x2x125xi32, #tpu.memory_space<vmem>> -> memref<2x125xi32, #tpu.memory_space<vmem>>
        %dma_start3A_362 = arith.constant 0 : i32
        %dma_start3A_363 = tpu.memref_slice %arg3[%add3A_350, %dma_start3A_362] : memref<6400x125xi32, #tpu.memory_space<hbm>> -> memref<2x125xi32, #tpu.memory_space<hbm>>
        tpu.enqueue_dma source(%dma_start3A_363 : memref<2x125xi32, #tpu.memory_space<hbm>>) target(%dma_start3A_361 : memref<2x125xi32, #tpu.memory_space<vmem>>) target_semaphore(%arg9 : memref<!tpu.dma_semaphore, #tpu.memory_space<semaphore_mem>>)
        %mul3A_364 = arith.constant 32 : i32
        %mul3A_365 = arith.muli %arg0, %mul3A_364 : i32
        %dma_start3A_366 = arith.constant 0 : i32
        %dma_start3A_367 = arith.constant 0 : i32
        %dma_start3A_368 = arith.constant 0 : i32
        %dma_start3A_369 = arith.constant 0 : i32
        %dma_start3A_370 = tpu.memref_slice %arg8[%dma_start3A_366, %dma_start3A_367, %dma_start3A_368, %dma_start3A_369] : memref<2x2x125x32xf32, #tpu.memory_space<vmem>> -> memref<1x2x125x32xf32, #tpu.memory_space<vmem>>
        %dma_start3A_371 = tpu.memref_squeeze %dma_start3A_370 : memref<1x2x125x32xf32, #tpu.memory_space<vmem>> -> memref<2x125x32xf32, #tpu.memory_space<vmem>>
        %dma_start3A_372 = arith.constant 0 : i32
        %dma_start3A_373 = tpu.memref_slice %arg2[%add3A_350, %dma_start3A_372, %mul3A_365] : memref<6400x125x64xf32, #tpu.memory_space<hbm>> -> memref<2x125x32xf32, #tpu.memory_space<hbm>>
        %dma_start3A_374 = arith.constant 0 : i32
        %dma_start3A_375 = arith.constant 0 : i32
        %dma_start3A_376 = arith.constant 0 : i32
        %dma_start3A_377 = tpu.memref_slice %arg8[%dma_start3A_366, %dma_start3A_374, %dma_start3A_375, %dma_start3A_376] : memref<2x2x125x32xf32, #tpu.memory_space<vmem>> -> memref<1x2x125x32xf32, #tpu.memory_space<vmem>>
        %dma_start3A_378 = tpu.memref_squeeze %dma_start3A_377 : memref<1x2x125x32xf32, #tpu.memory_space<vmem>> -> memref<2x125x32xf32, #tpu.memory_space<vmem>>
        %dma_start3A_379 = arith.constant 0 : i32
        %dma_start3A_380 = tpu.memref_slice %arg2[%add3A_350, %dma_start3A_379, %mul3A_365] : memref<6400x125x64xf32, #tpu.memory_space<hbm>> -> memref<2x125x32xf32, #tpu.memory_space<hbm>>
        tpu.enqueue_dma source(%dma_start3A_380 : memref<2x125x32xf32, #tpu.memory_space<hbm>>) target(%dma_start3A_378 : memref<2x125x32xf32, #tpu.memory_space<vmem>>) target_semaphore(%arg11 : memref<!tpu.dma_semaphore, #tpu.memory_space<semaphore_mem>>)
      } else {
      }
      %add3A_215 = arith.constant 1 : i32
      %add3A_216 = arith.addi %mul3A_47, %add3A_215 : i32
      %mul3A_217 = arith.constant 400 : i32
      %mul3A_218 = arith.muli %arg1, %mul3A_217 : i32
      %mul3A_219 = arith.constant 2 : i32
      %mul3A_220 = arith.muli %add3A_216, %mul3A_219 : i32
      %add3A_221 = arith.addi %mul3A_218, %mul3A_220 : i32
      %dma_wait3A_222 = arith.constant 1 : i32
      %dma_wait3A_223 = arith.constant 0 : i32
      %dma_wait3A_224 = arith.constant 0 : i32
      %dma_wait3A_225 = tpu.memref_slice %arg7[%dma_wait3A_222, %dma_wait3A_223, %dma_wait3A_224] : memref<2x2x125xi32, #tpu.memory_space<vmem>> -> memref<1x2x125xi32, #tpu.memory_space<vmem>>
      %dma_wait3A_226 = tpu.memref_squeeze %dma_wait3A_225 : memref<1x2x125xi32, #tpu.memory_space<vmem>> -> memref<2x125xi32, #tpu.memory_space<vmem>>
      %dma_wait3A_227 = arith.constant 0 : i32
      %dma_wait3A_228 = tpu.memref_slice %arg3[%add3A_221, %dma_wait3A_227] : memref<6400x125xi32, #tpu.memory_space<hbm>> -> memref<2x125xi32, #tpu.memory_space<hbm>>
      %dma_wait3A_229 = arith.constant 0 : i32
      %dma_wait3A_230 = arith.constant 0 : i32
      %dma_wait3A_231 = tpu.memref_slice %arg7[%dma_wait3A_222, %dma_wait3A_229, %dma_wait3A_230] : memref<2x2x125xi32, #tpu.memory_space<vmem>> -> memref<1x2x125xi32, #tpu.memory_space<vmem>>
      %dma_wait3A_232 = tpu.memref_squeeze %dma_wait3A_231 : memref<1x2x125xi32, #tpu.memory_space<vmem>> -> memref<2x125xi32, #tpu.memory_space<vmem>>
      %dma_wait3A_233 = arith.constant 0 : i32
      %dma_wait3A_234 = tpu.memref_slice %arg3[%add3A_221, %dma_wait3A_233] : memref<6400x125xi32, #tpu.memory_space<hbm>> -> memref<2x125xi32, #tpu.memory_space<hbm>>
      tpu.wait_dma2 semaphore(%arg10 : memref<!tpu.dma_semaphore, #tpu.memory_space<semaphore_mem>>) src(%dma_wait3A_234 : memref<2x125xi32, #tpu.memory_space<hbm>>) dst(%dma_wait3A_232 : memref<2x125xi32, #tpu.memory_space<vmem>>)
      %mul3A_235 = arith.constant 32 : i32
      %mul3A_236 = arith.muli %arg0, %mul3A_235 : i32
      %dma_wait3A_237 = arith.constant 1 : i32
      %dma_wait3A_238 = arith.constant 0 : i32
      %dma_wait3A_239 = arith.constant 0 : i32
      %dma_wait3A_240 = arith.constant 0 : i32
      %dma_wait3A_241 = tpu.memref_slice %arg8[%dma_wait3A_237, %dma_wait3A_238, %dma_wait3A_239, %dma_wait3A_240] : memref<2x2x125x32xf32, #tpu.memory_space<vmem>> -> memref<1x2x125x32xf32, #tpu.memory_space<vmem>>
      %dma_wait3A_242 = tpu.memref_squeeze %dma_wait3A_241 : memref<1x2x125x32xf32, #tpu.memory_space<vmem>> -> memref<2x125x32xf32, #tpu.memory_space<vmem>>
      %dma_wait3A_243 = arith.constant 0 : i32
      %dma_wait3A_244 = tpu.memref_slice %arg2[%add3A_221, %dma_wait3A_243, %mul3A_236] : memref<6400x125x64xf32, #tpu.memory_space<hbm>> -> memref<2x125x32xf32, #tpu.memory_space<hbm>>
      %dma_wait3A_245 = arith.constant 0 : i32
      %dma_wait3A_246 = arith.constant 0 : i32
      %dma_wait3A_247 = arith.constant 0 : i32
      %dma_wait3A_248 = tpu.memref_slice %arg8[%dma_wait3A_237, %dma_wait3A_245, %dma_wait3A_246, %dma_wait3A_247] : memref<2x2x125x32xf32, #tpu.memory_space<vmem>> -> memref<1x2x125x32xf32, #tpu.memory_space<vmem>>
      %dma_wait3A_249 = tpu.memref_squeeze %dma_wait3A_248 : memref<1x2x125x32xf32, #tpu.memory_space<vmem>> -> memref<2x125x32xf32, #tpu.memory_space<vmem>>
      %dma_wait3A_250 = arith.constant 0 : i32
      %dma_wait3A_251 = tpu.memref_slice %arg2[%add3A_221, %dma_wait3A_250, %mul3A_236] : memref<6400x125x64xf32, #tpu.memory_space<hbm>> -> memref<2x125x32xf32, #tpu.memory_space<hbm>>
      tpu.wait_dma2 semaphore(%arg12 : memref<!tpu.dma_semaphore, #tpu.memory_space<semaphore_mem>>) src(%dma_wait3A_251 : memref<2x125x32xf32, #tpu.memory_space<hbm>>) dst(%dma_wait3A_249 : memref<2x125x32xf32, #tpu.memory_space<vmem>>)
      %dma_start3A_252 = arith.constant 1 : i32
      %dma_start3A_253 = arith.constant 0 : i32
      %dma_start3A_254 = arith.constant 1 : i32
      %dma_start3A_255 = arith.constant 0 : i32
      %dma_start3A_256 = arith.constant 0 : i32
      %dma_start3A_257 = arith.constant 0 : i32
      %dma_start3A_258 = arith.constant 0 : i32
      %dma_start3A_259 = tpu.memref_slice %arg8[%dma_start3A_252, %dma_start3A_256, %dma_start3A_257, %dma_start3A_258] : memref<2x2x125x32xf32, #tpu.memory_space<vmem>> -> memref<1x2x125x32xf32, #tpu.memory_space<vmem>>
      %dma_start3A_260 = tpu.memref_squeeze %dma_start3A_259 : memref<1x2x125x32xf32, #tpu.memory_space<vmem>> -> memref<2x125x32xf32, #tpu.memory_space<vmem>>
      %dma_start3A_261 = arith.constant 0 : i32
      %dma_start3A_262 = arith.constant 0 : i32
      %dma_start3A_263 = tpu.memref_slice %dma_start3A_260[%dma_start3A_253, %dma_start3A_261, %dma_start3A_262] : memref<2x125x32xf32, #tpu.memory_space<vmem>> -> memref<1x125x32xf32, #tpu.memory_space<vmem>>
      %dma_start3A_264 = tpu.memref_squeeze %dma_start3A_263 : memref<1x125x32xf32, #tpu.memory_space<vmem>> -> memref<125x32xf32, #tpu.memory_space<vmem>>
      %dma_start3A_265 = arith.constant 0 : i32
      %dma_start3A_266 = arith.constant 0 : i32
      %dma_start3A_267 = tpu.memref_slice %arg7[%dma_start3A_254, %dma_start3A_265, %dma_start3A_266] : memref<2x2x125xi32, #tpu.memory_space<vmem>> -> memref<1x2x125xi32, #tpu.memory_space<vmem>>
      %dma_start3A_268 = tpu.memref_squeeze %dma_start3A_267 : memref<1x2x125xi32, #tpu.memory_space<vmem>> -> memref<2x125xi32, #tpu.memory_space<vmem>>
      %dma_start3A_269 = arith.constant 0 : i32
      %dma_start3A_270 = tpu.memref_slice %dma_start3A_268[%dma_start3A_255, %dma_start3A_269] : memref<2x125xi32, #tpu.memory_space<vmem>> -> memref<1x125xi32, #tpu.memory_space<vmem>>
      %dma_start3A_271 = tpu.memref_squeeze %dma_start3A_270 : memref<1x125xi32, #tpu.memory_space<vmem>> -> memref<125xi32, #tpu.memory_space<vmem>>
      %dma_start3A_272 = arith.constant 0 : i32
      %dma_start3A_273 = arith.constant 0 : i32
      %dma_start3A_274 = tpu.memref_slice %arg6[%dma_start3A_272, %dma_start3A_273] : memref<50000x32xf32, #tpu.memory_space<vmem_shared>> -> memref<50000x32xf32, #tpu.memory_space<vmem_shared>>
      tpu.enqueue_indirect_dma source(%dma_start3A_264 : memref<125x32xf32, #tpu.memory_space<vmem>>) target(%dma_start3A_274 : memref<50000x32xf32, #tpu.memory_space<vmem_shared>>) offsets(%dma_start3A_271 : memref<125xi32, #tpu.memory_space<vmem>>) semaphore(%arg13 : memref<!tpu.dma_semaphore, #tpu.memory_space<semaphore_mem>>) {add = true}
      %dma_start3A_275 = arith.constant 1 : i32
      %dma_start3A_276 = arith.constant 1 : i32
      %dma_start3A_277 = arith.constant 1 : i32
      %dma_start3A_278 = arith.constant 1 : i32
      %dma_start3A_279 = arith.constant 0 : i32
      %dma_start3A_280 = arith.constant 0 : i32
      %dma_start3A_281 = arith.constant 0 : i32
      %dma_start3A_282 = tpu.memref_slice %arg8[%dma_start3A_275, %dma_start3A_279, %dma_start3A_280, %dma_start3A_281] : memref<2x2x125x32xf32, #tpu.memory_space<vmem>> -> memref<1x2x125x32xf32, #tpu.memory_space<vmem>>
      %dma_start3A_283 = tpu.memref_squeeze %dma_start3A_282 : memref<1x2x125x32xf32, #tpu.memory_space<vmem>> -> memref<2x125x32xf32, #tpu.memory_space<vmem>>
      %dma_start3A_284 = arith.constant 0 : i32
      %dma_start3A_285 = arith.constant 0 : i32
      %dma_start3A_286 = tpu.memref_slice %dma_start3A_283[%dma_start3A_276, %dma_start3A_284, %dma_start3A_285] : memref<2x125x32xf32, #tpu.memory_space<vmem>> -> memref<1x125x32xf32, #tpu.memory_space<vmem>>
      %dma_start3A_287 = tpu.memref_squeeze %dma_start3A_286 : memref<1x125x32xf32, #tpu.memory_space<vmem>> -> memref<125x32xf32, #tpu.memory_space<vmem>>
      %dma_start3A_288 = arith.constant 0 : i32
      %dma_start3A_289 = arith.constant 0 : i32
      %dma_start3A_290 = tpu.memref_slice %arg7[%dma_start3A_277, %dma_start3A_288, %dma_start3A_289] : memref<2x2x125xi32, #tpu.memory_space<vmem>> -> memref<1x2x125xi32, #tpu.memory_space<vmem>>
      %dma_start3A_291 = tpu.memref_squeeze %dma_start3A_290 : memref<1x2x125xi32, #tpu.memory_space<vmem>> -> memref<2x125xi32, #tpu.memory_space<vmem>>
      %dma_start3A_292 = arith.constant 0 : i32
      %dma_start3A_293 = tpu.memref_slice %dma_start3A_291[%dma_start3A_278, %dma_start3A_292] : memref<2x125xi32, #tpu.memory_space<vmem>> -> memref<1x125xi32, #tpu.memory_space<vmem>>
      %dma_start3A_294 = tpu.memref_squeeze %dma_start3A_293 : memref<1x125xi32, #tpu.memory_space<vmem>> -> memref<125xi32, #tpu.memory_space<vmem>>
      %dma_start3A_295 = arith.constant 0 : i32
      %dma_start3A_296 = arith.constant 0 : i32
      %dma_start3A_297 = tpu.memref_slice %arg6[%dma_start3A_295, %dma_start3A_296] : memref<50000x32xf32, #tpu.memory_space<vmem_shared>> -> memref<50000x32xf32, #tpu.memory_space<vmem_shared>>
      tpu.enqueue_indirect_dma source(%dma_start3A_287 : memref<125x32xf32, #tpu.memory_space<vmem>>) target(%dma_start3A_297 : memref<50000x32xf32, #tpu.memory_space<vmem_shared>>) offsets(%dma_start3A_294 : memref<125xi32, #tpu.memory_space<vmem>>) semaphore(%arg13 : memref<!tpu.dma_semaphore, #tpu.memory_space<semaphore_mem>>) {add = true}
      %dma_wait3A_298 = arith.constant 1 : i32
      %dma_wait3A_299 = arith.constant 0 : i32
      %dma_wait3A_300 = arith.constant 1 : i32
      %dma_wait3A_301 = arith.constant 0 : i32
      %dma_wait3A_302 = arith.constant 0 : i32
      %dma_wait3A_303 = arith.constant 0 : i32
      %dma_wait3A_304 = arith.constant 0 : i32
      %dma_wait3A_305 = tpu.memref_slice %arg8[%dma_wait3A_298, %dma_wait3A_302, %dma_wait3A_303, %dma_wait3A_304] : memref<2x2x125x32xf32, #tpu.memory_space<vmem>> -> memref<1x2x125x32xf32, #tpu.memory_space<vmem>>
      %dma_wait3A_306 = tpu.memref_squeeze %dma_wait3A_305 : memref<1x2x125x32xf32, #tpu.memory_space<vmem>> -> memref<2x125x32xf32, #tpu.memory_space<vmem>>
      %dma_wait3A_307 = arith.constant 0 : i32
      %dma_wait3A_308 = arith.constant 0 : i32
      %dma_wait3A_309 = tpu.memref_slice %dma_wait3A_306[%dma_wait3A_299, %dma_wait3A_307, %dma_wait3A_308] : memref<2x125x32xf32, #tpu.memory_space<vmem>> -> memref<1x125x32xf32, #tpu.memory_space<vmem>>
      %dma_wait3A_310 = tpu.memref_squeeze %dma_wait3A_309 : memref<1x125x32xf32, #tpu.memory_space<vmem>> -> memref<125x32xf32, #tpu.memory_space<vmem>>
      %dma_wait3A_311 = arith.constant 0 : i32
      %dma_wait3A_312 = arith.constant 0 : i32
      %dma_wait3A_313 = tpu.memref_slice %arg7[%dma_wait3A_300, %dma_wait3A_311, %dma_wait3A_312] : memref<2x2x125xi32, #tpu.memory_space<vmem>> -> memref<1x2x125xi32, #tpu.memory_space<vmem>>
      %dma_wait3A_314 = tpu.memref_squeeze %dma_wait3A_313 : memref<1x2x125xi32, #tpu.memory_space<vmem>> -> memref<2x125xi32, #tpu.memory_space<vmem>>
      %dma_wait3A_315 = arith.constant 0 : i32
      %dma_wait3A_316 = tpu.memref_slice %dma_wait3A_314[%dma_wait3A_301, %dma_wait3A_315] : memref<2x125xi32, #tpu.memory_space<vmem>> -> memref<1x125xi32, #tpu.memory_space<vmem>>
      %dma_wait3A_317 = tpu.memref_squeeze %dma_wait3A_316 : memref<1x125xi32, #tpu.memory_space<vmem>> -> memref<125xi32, #tpu.memory_space<vmem>>
      %dma_wait3A_318 = arith.constant 0 : i32
      %dma_wait3A_319 = arith.constant 0 : i32
      %dma_wait3A_320 = tpu.memref_slice %arg6[%dma_wait3A_318, %dma_wait3A_319] : memref<50000x32xf32, #tpu.memory_space<vmem_shared>> -> memref<50000x32xf32, #tpu.memory_space<vmem_shared>>
      tpu.wait_indirect_dma semaphore(%arg13 : memref<!tpu.dma_semaphore, #tpu.memory_space<semaphore_mem>>) src(%dma_wait3A_310 : memref<125x32xf32, #tpu.memory_space<vmem>>) dst(%dma_wait3A_320 : memref<50000x32xf32, #tpu.memory_space<vmem_shared>>)
      %dma_wait3A_321 = arith.constant 1 : i32
      %dma_wait3A_322 = arith.constant 1 : i32
      %dma_wait3A_323 = arith.constant 1 : i32
      %dma_wait3A_324 = arith.constant 1 : i32
      %dma_wait3A_325 = arith.constant 0 : i32
      %dma_wait3A_326 = arith.constant 0 : i32
      %dma_wait3A_327 = arith.constant 0 : i32
      %dma_wait3A_328 = tpu.memref_slice %arg8[%dma_wait3A_321, %dma_wait3A_325, %dma_wait3A_326, %dma_wait3A_327] : memref<2x2x125x32xf32, #tpu.memory_space<vmem>> -> memref<1x2x125x32xf32, #tpu.memory_space<vmem>>
      %dma_wait3A_329 = tpu.memref_squeeze %dma_wait3A_328 : memref<1x2x125x32xf32, #tpu.memory_space<vmem>> -> memref<2x125x32xf32, #tpu.memory_space<vmem>>
      %dma_wait3A_330 = arith.constant 0 : i32
      %dma_wait3A_331 = arith.constant 0 : i32
      %dma_wait3A_332 = tpu.memref_slice %dma_wait3A_329[%dma_wait3A_322, %dma_wait3A_330, %dma_wait3A_331] : memref<2x125x32xf32, #tpu.memory_space<vmem>> -> memref<1x125x32xf32, #tpu.memory_space<vmem>>
      %dma_wait3A_333 = tpu.memref_squeeze %dma_wait3A_332 : memref<1x125x32xf32, #tpu.memory_space<vmem>> -> memref<125x32xf32, #tpu.memory_space<vmem>>
      %dma_wait3A_334 = arith.constant 0 : i32
      %dma_wait3A_335 = arith.constant 0 : i32
      %dma_wait3A_336 = tpu.memref_slice %arg7[%dma_wait3A_323, %dma_wait3A_334, %dma_wait3A_335] : memref<2x2x125xi32, #tpu.memory_space<vmem>> -> memref<1x2x125xi32, #tpu.memory_space<vmem>>
      %dma_wait3A_337 = tpu.memref_squeeze %dma_wait3A_336 : memref<1x2x125xi32, #tpu.memory_space<vmem>> -> memref<2x125xi32, #tpu.memory_space<vmem>>
      %dma_wait3A_338 = arith.constant 0 : i32
      %dma_wait3A_339 = tpu.memref_slice %dma_wait3A_337[%dma_wait3A_324, %dma_wait3A_338] : memref<2x125xi32, #tpu.memory_space<vmem>> -> memref<1x125xi32, #tpu.memory_space<vmem>>
      %dma_wait3A_340 = tpu.memref_squeeze %dma_wait3A_339 : memref<1x125xi32, #tpu.memory_space<vmem>> -> memref<125xi32, #tpu.memory_space<vmem>>
      %dma_wait3A_341 = arith.constant 0 : i32
      %dma_wait3A_342 = arith.constant 0 : i32
      %dma_wait3A_343 = tpu.memref_slice %arg6[%dma_wait3A_341, %dma_wait3A_342] : memref<50000x32xf32, #tpu.memory_space<vmem_shared>> -> memref<50000x32xf32, #tpu.memory_space<vmem_shared>>
      tpu.wait_indirect_dma semaphore(%arg13 : memref<!tpu.dma_semaphore, #tpu.memory_space<semaphore_mem>>) src(%dma_wait3A_333 : memref<125x32xf32, #tpu.memory_space<vmem>>) dst(%dma_wait3A_343 : memref<50000x32xf32, #tpu.memory_space<vmem_shared>>)
    }
    %scan3A_37 = arith.constant 100 : i32
    %barrier3A_38 = arith.constant 0 : index
    tpu.barrier barrier_id(%barrier3A_38)
    %mul3A_39 = arith.constant 3125 : i32
    %mul3A_40 = arith.muli %arg1, %mul3A_39 : i32
    %mul3A_41 = arith.constant 3125 : i32
    %mul3A_42 = arith.muli %arg1, %mul3A_41 : i32
    %mul3A_43 = arith.constant 32 : i32
    %mul3A_44 = arith.muli %arg0, %mul3A_43 : i32
    "tpu.region"() ({
      %run_scoped3A = tpu.sem_alloc : memref<!tpu.dma_semaphore, #tpu.memory_space<semaphore_mem>>
      %dma_start3A_45 = tpu.memref_slice %arg5[%mul3A_42, %mul3A_44] : memref<50000x64xf32, #tpu.memory_space<hbm>> -> memref<3125x32xf32, #tpu.memory_space<hbm>>
      %dma_start3A_46 = arith.constant 0 : i32
      %dma_start3A_47 = tpu.memref_slice %arg6[%mul3A_40, %dma_start3A_46] : memref<50000x32xf32, #tpu.memory_space<vmem_shared>> -> memref<3125x32xf32, #tpu.memory_space<vmem_shared>>
      tpu.enqueue_dma source(%dma_start3A_47 : memref<3125x32xf32, #tpu.memory_space<vmem_shared>>) target(%dma_start3A_45 : memref<3125x32xf32, #tpu.memory_space<hbm>>) target_semaphore(%run_scoped3A : memref<!tpu.dma_semaphore, #tpu.memory_space<semaphore_mem>>)
      %dma_wait3A = tpu.memref_slice %arg5[%mul3A_42, %mul3A_44] : memref<50000x64xf32, #tpu.memory_space<hbm>> -> memref<3125x32xf32, #tpu.memory_space<hbm>>
      %dma_wait3A_48 = arith.constant 0 : i32
      %dma_wait3A_49 = tpu.memref_slice %arg6[%mul3A_40, %dma_wait3A_48] : memref<50000x32xf32, #tpu.memory_space<vmem_shared>> -> memref<3125x32xf32, #tpu.memory_space<vmem_shared>>
      tpu.wait_dma2 semaphore(%run_scoped3A : memref<!tpu.dma_semaphore, #tpu.memory_space<semaphore_mem>>) src(%dma_wait3A_49 : memref<3125x32xf32, #tpu.memory_space<vmem_shared>>) dst(%dma_wait3A : memref<3125x32xf32, #tpu.memory_space<hbm>>)
      tpu.yield
    }) : () -> ()
    return
  }
}

#map = affine_map<(d0, d1) -> (0, 0)>
#map1 = affine_map<(d0, d1) -> (0, 0, 0)>
module attributes {stable_mosaic.version = 14 : i64} {
  func.func @k(%arg0: i32, %arg1: i32, %arg2: memref<50000x64xf32, #tpu.memory_space<hbm>>, %arg3: memref<6400x125xi32, #tpu.memory_space<hbm>>, %arg4: memref<6400x125x64xf32, #tpu.memory_space<hbm>>, %arg5: memref<50000x32xf32, #tpu.memory_space<vmem_shared>>, %arg6: memref<2x2x125xi32, #tpu.memory_space<vmem>>, %arg7: memref<2x2x125x32xf32, #tpu.memory_space<vmem>>, %arg8: memref<!tpu.dma_semaphore, #tpu.memory_space<semaphore_mem>>, %arg9: memref<!tpu.dma_semaphore, #tpu.memory_space<semaphore_mem>>, %arg10: memref<!tpu.dma_semaphore, #tpu.memory_space<semaphore_mem>>) attributes {dimension_semantics = [#tpu.dimension_semantics<core_parallel>, #tpu.dimension_semantics<subcore_parallel>], iteration_bounds = array<i64: 2, 16>, scalar_prefetch = 0 : i64, scratch_operands = 6 : i64, tpu.core_type = #tpu.core_type<sc_vector_subcore>, window_params = [{transform_indices = #map}, {transform_indices = #map}, {transform_indices = #map1}]} {
    %mul3A = arith.constant 3125 : i32
    %mul3A_0 = arith.muli %arg1, %mul3A : i32
    %mul3A_1 = arith.constant 32 : i32
    %mul3A_2 = arith.muli %arg0, %mul3A_1 : i32
    %mul3A_3 = arith.constant 3125 : i32
    %mul3A_4 = arith.muli %arg1, %mul3A_3 : i32
    "tpu.region"() ({
      %run_scoped3A = tpu.sem_alloc : memref<!tpu.dma_semaphore, #tpu.memory_space<semaphore_mem>>
      %dma_start3A_25 = arith.constant 0 : i32
      %dma_start3A_26 = tpu.memref_slice %arg5[%mul3A_4, %dma_start3A_25] : memref<50000x32xf32, #tpu.memory_space<vmem_shared>> -> memref<3125x32xf32, #tpu.memory_space<vmem_shared>>
      %dma_start3A_27 = tpu.memref_slice %arg2[%mul3A_0, %mul3A_2] : memref<50000x64xf32, #tpu.memory_space<hbm>> -> memref<3125x32xf32, #tpu.memory_space<hbm>>
      tpu.enqueue_dma source(%dma_start3A_27 : memref<3125x32xf32, #tpu.memory_space<hbm>>) target(%dma_start3A_26 : memref<3125x32xf32, #tpu.memory_space<vmem_shared>>) target_semaphore(%run_scoped3A : memref<!tpu.dma_semaphore, #tpu.memory_space<semaphore_mem>>)
      %dma_wait3A = arith.constant 0 : i32
      %dma_wait3A_28 = tpu.memref_slice %arg5[%mul3A_4, %dma_wait3A] : memref<50000x32xf32, #tpu.memory_space<vmem_shared>> -> memref<3125x32xf32, #tpu.memory_space<vmem_shared>>
      %dma_wait3A_29 = tpu.memref_slice %arg2[%mul3A_0, %mul3A_2] : memref<50000x64xf32, #tpu.memory_space<hbm>> -> memref<3125x32xf32, #tpu.memory_space<hbm>>
      tpu.wait_dma2 semaphore(%run_scoped3A : memref<!tpu.dma_semaphore, #tpu.memory_space<semaphore_mem>>) src(%dma_wait3A_29 : memref<3125x32xf32, #tpu.memory_space<hbm>>) dst(%dma_wait3A_28 : memref<3125x32xf32, #tpu.memory_space<vmem_shared>>)
      tpu.yield
    }) : () -> ()
    %barrier3A = arith.constant 0 : index
    tpu.barrier barrier_id(%barrier3A)
    %mul3A_5 = arith.constant 400 : i32
    %mul3A_6 = arith.muli %arg1, %mul3A_5 : i32
    %add3A = arith.constant 0 : i32
    %add3A_7 = arith.addi %mul3A_6, %add3A : i32
    %dma_start3A = arith.constant 0 : i32
    %dma_start3A_8 = arith.constant 0 : i32
    %dma_start3A_9 = arith.constant 0 : i32
    %dma_start3A_10 = tpu.memref_slice %arg6[%dma_start3A, %dma_start3A_8, %dma_start3A_9] : memref<2x2x125xi32, #tpu.memory_space<vmem>> -> memref<1x2x125xi32, #tpu.memory_space<vmem>>
    %dma_start3A_11 = tpu.memref_squeeze %dma_start3A_10 : memref<1x2x125xi32, #tpu.memory_space<vmem>> -> memref<2x125xi32, #tpu.memory_space<vmem>>
    %dma_start3A_12 = arith.constant 0 : i32
    %dma_start3A_13 = tpu.memref_slice %arg3[%add3A_7, %dma_start3A_12] : memref<6400x125xi32, #tpu.memory_space<hbm>> -> memref<2x125xi32, #tpu.memory_space<hbm>>
    %dma_start3A_14 = arith.constant 0 : i32
    %dma_start3A_15 = arith.constant 0 : i32
    %dma_start3A_16 = tpu.memref_slice %arg6[%dma_start3A, %dma_start3A_14, %dma_start3A_15] : memref<2x2x125xi32, #tpu.memory_space<vmem>> -> memref<1x2x125xi32, #tpu.memory_space<vmem>>
    %dma_start3A_17 = tpu.memref_squeeze %dma_start3A_16 : memref<1x2x125xi32, #tpu.memory_space<vmem>> -> memref<2x125xi32, #tpu.memory_space<vmem>>
    %dma_start3A_18 = arith.constant 0 : i32
    %dma_start3A_19 = tpu.memref_slice %arg3[%add3A_7, %dma_start3A_18] : memref<6400x125xi32, #tpu.memory_space<hbm>> -> memref<2x125xi32, #tpu.memory_space<hbm>>
    tpu.enqueue_dma source(%dma_start3A_19 : memref<2x125xi32, #tpu.memory_space<hbm>>) target(%dma_start3A_17 : memref<2x125xi32, #tpu.memory_space<vmem>>) target_semaphore(%arg8 : memref<!tpu.dma_semaphore, #tpu.memory_space<semaphore_mem>>)
    %scan3A = arith.constant 0 : i32
    %scan3A_20 = arith.constant 0 : i32
    %scan3A_21 = arith.constant 100 : i32
    %scan3A_22 = arith.addi %scan3A_20, %scan3A_21 : i32
    %scan3A_23 = arith.constant 1 : i32
    scf.for %scan3A_25 = %scan3A_20 to %scan3A_22 step %scan3A_23  : i32 {
      %mul3A_26 = arith.constant 2 : i32
      %mul3A_27 = arith.muli %mul3A_26, %scan3A_25 : i32
      %add3A_28 = arith.constant 1 : i32
      %add3A_29 = arith.addi %mul3A_27, %add3A_28 : i32
      %mul3A_30 = arith.constant 400 : i32
      %mul3A_31 = arith.muli %arg1, %mul3A_30 : i32
      %mul3A_32 = arith.constant 2 : i32
      %mul3A_33 = arith.muli %add3A_29, %mul3A_32 : i32
      %add3A_34 = arith.addi %mul3A_31, %mul3A_33 : i32
      %dma_start3A_35 = arith.constant 1 : i32
      %dma_start3A_36 = arith.constant 0 : i32
      %dma_start3A_37 = arith.constant 0 : i32
      %dma_start3A_38 = tpu.memref_slice %arg6[%dma_start3A_35, %dma_start3A_36, %dma_start3A_37] : memref<2x2x125xi32, #tpu.memory_space<vmem>> -> memref<1x2x125xi32, #tpu.memory_space<vmem>>
      %dma_start3A_39 = tpu.memref_squeeze %dma_start3A_38 : memref<1x2x125xi32, #tpu.memory_space<vmem>> -> memref<2x125xi32, #tpu.memory_space<vmem>>
      %dma_start3A_40 = arith.constant 0 : i32
      %dma_start3A_41 = tpu.memref_slice %arg3[%add3A_34, %dma_start3A_40] : memref<6400x125xi32, #tpu.memory_space<hbm>> -> memref<2x125xi32, #tpu.memory_space<hbm>>
      %dma_start3A_42 = arith.constant 0 : i32
      %dma_start3A_43 = arith.constant 0 : i32
      %dma_start3A_44 = tpu.memref_slice %arg6[%dma_start3A_35, %dma_start3A_42, %dma_start3A_43] : memref<2x2x125xi32, #tpu.memory_space<vmem>> -> memref<1x2x125xi32, #tpu.memory_space<vmem>>
      %dma_start3A_45 = tpu.memref_squeeze %dma_start3A_44 : memref<1x2x125xi32, #tpu.memory_space<vmem>> -> memref<2x125xi32, #tpu.memory_space<vmem>>
      %dma_start3A_46 = arith.constant 0 : i32
      %dma_start3A_47 = tpu.memref_slice %arg3[%add3A_34, %dma_start3A_46] : memref<6400x125xi32, #tpu.memory_space<hbm>> -> memref<2x125xi32, #tpu.memory_space<hbm>>
      tpu.enqueue_dma source(%dma_start3A_47 : memref<2x125xi32, #tpu.memory_space<hbm>>) target(%dma_start3A_45 : memref<2x125xi32, #tpu.memory_space<vmem>>) target_semaphore(%arg9 : memref<!tpu.dma_semaphore, #tpu.memory_space<semaphore_mem>>)
      %mul3A_48 = arith.constant 400 : i32
      %mul3A_49 = arith.muli %arg1, %mul3A_48 : i32
      %mul3A_50 = arith.constant 2 : i32
      %mul3A_51 = arith.muli %mul3A_27, %mul3A_50 : i32
      %add3A_52 = arith.addi %mul3A_49, %mul3A_51 : i32
      %dma_wait3A = arith.constant 0 : i32
      %dma_wait3A_53 = arith.constant 0 : i32
      %dma_wait3A_54 = arith.constant 0 : i32
      %dma_wait3A_55 = tpu.memref_slice %arg6[%dma_wait3A, %dma_wait3A_53, %dma_wait3A_54] : memref<2x2x125xi32, #tpu.memory_space<vmem>> -> memref<1x2x125xi32, #tpu.memory_space<vmem>>
      %dma_wait3A_56 = tpu.memref_squeeze %dma_wait3A_55 : memref<1x2x125xi32, #tpu.memory_space<vmem>> -> memref<2x125xi32, #tpu.memory_space<vmem>>
      %dma_wait3A_57 = arith.constant 0 : i32
      %dma_wait3A_58 = tpu.memref_slice %arg3[%add3A_52, %dma_wait3A_57] : memref<6400x125xi32, #tpu.memory_space<hbm>> -> memref<2x125xi32, #tpu.memory_space<hbm>>
      %dma_wait3A_59 = arith.constant 0 : i32
      %dma_wait3A_60 = arith.constant 0 : i32
      %dma_wait3A_61 = tpu.memref_slice %arg6[%dma_wait3A, %dma_wait3A_59, %dma_wait3A_60] : memref<2x2x125xi32, #tpu.memory_space<vmem>> -> memref<1x2x125xi32, #tpu.memory_space<vmem>>
      %dma_wait3A_62 = tpu.memref_squeeze %dma_wait3A_61 : memref<1x2x125xi32, #tpu.memory_space<vmem>> -> memref<2x125xi32, #tpu.memory_space<vmem>>
      %dma_wait3A_63 = arith.constant 0 : i32
      %dma_wait3A_64 = tpu.memref_slice %arg3[%add3A_52, %dma_wait3A_63] : memref<6400x125xi32, #tpu.memory_space<hbm>> -> memref<2x125xi32, #tpu.memory_space<hbm>>
      tpu.wait_dma2 semaphore(%arg8 : memref<!tpu.dma_semaphore, #tpu.memory_space<semaphore_mem>>) src(%dma_wait3A_64 : memref<2x125xi32, #tpu.memory_space<hbm>>) dst(%dma_wait3A_62 : memref<2x125xi32, #tpu.memory_space<vmem>>)
      %dma_start3A_65 = arith.constant 0 : i32
      %dma_start3A_66 = arith.constant 0 : i32
      %dma_start3A_67 = arith.constant 0 : i32
      %dma_start3A_68 = arith.constant 0 : i32
      %dma_start3A_69 = arith.constant 0 : i32
      %dma_start3A_70 = arith.constant 0 : i32
      %dma_start3A_71 = arith.constant 0 : i32
      %dma_start3A_72 = tpu.memref_slice %arg7[%dma_start3A_67, %dma_start3A_69, %dma_start3A_70, %dma_start3A_71] : memref<2x2x125x32xf32, #tpu.memory_space<vmem>> -> memref<1x2x125x32xf32, #tpu.memory_space<vmem>>
      %dma_start3A_73 = tpu.memref_squeeze %dma_start3A_72 : memref<1x2x125x32xf32, #tpu.memory_space<vmem>> -> memref<2x125x32xf32, #tpu.memory_space<vmem>>
      %dma_start3A_74 = arith.constant 0 : i32
      %dma_start3A_75 = arith.constant 0 : i32
      %dma_start3A_76 = tpu.memref_slice %dma_start3A_73[%dma_start3A_68, %dma_start3A_74, %dma_start3A_75] : memref<2x125x32xf32, #tpu.memory_space<vmem>> -> memref<1x125x32xf32, #tpu.memory_space<vmem>>
      %dma_start3A_77 = tpu.memref_squeeze %dma_start3A_76 : memref<1x125x32xf32, #tpu.memory_space<vmem>> -> memref<125x32xf32, #tpu.memory_space<vmem>>
      %dma_start3A_78 = arith.constant 0 : i32
      %dma_start3A_79 = arith.constant 0 : i32
      %dma_start3A_80 = tpu.memref_slice %arg6[%dma_start3A_65, %dma_start3A_78, %dma_start3A_79] : memref<2x2x125xi32, #tpu.memory_space<vmem>> -> memref<1x2x125xi32, #tpu.memory_space<vmem>>
      %dma_start3A_81 = tpu.memref_squeeze %dma_start3A_80 : memref<1x2x125xi32, #tpu.memory_space<vmem>> -> memref<2x125xi32, #tpu.memory_space<vmem>>
      %dma_start3A_82 = arith.constant 0 : i32
      %dma_start3A_83 = tpu.memref_slice %dma_start3A_81[%dma_start3A_66, %dma_start3A_82] : memref<2x125xi32, #tpu.memory_space<vmem>> -> memref<1x125xi32, #tpu.memory_space<vmem>>
      %dma_start3A_84 = tpu.memref_squeeze %dma_start3A_83 : memref<1x125xi32, #tpu.memory_space<vmem>> -> memref<125xi32, #tpu.memory_space<vmem>>
      %dma_start3A_85 = arith.constant 0 : i32
      %dma_start3A_86 = arith.constant 0 : i32
      %dma_start3A_87 = tpu.memref_slice %arg5[%dma_start3A_85, %dma_start3A_86] : memref<50000x32xf32, #tpu.memory_space<vmem_shared>> -> memref<50000x32xf32, #tpu.memory_space<vmem_shared>>
      tpu.enqueue_indirect_dma source(%dma_start3A_87 : memref<50000x32xf32, #tpu.memory_space<vmem_shared>>) target(%dma_start3A_77 : memref<125x32xf32, #tpu.memory_space<vmem>>) offsets(%dma_start3A_84 : memref<125xi32, #tpu.memory_space<vmem>>) semaphore(%arg10 : memref<!tpu.dma_semaphore, #tpu.memory_space<semaphore_mem>>)
      %dma_start3A_88 = arith.constant 0 : i32
      %dma_start3A_89 = arith.constant 1 : i32
      %dma_start3A_90 = arith.constant 0 : i32
      %dma_start3A_91 = arith.constant 1 : i32
      %dma_start3A_92 = arith.constant 0 : i32
      %dma_start3A_93 = arith.constant 0 : i32
      %dma_start3A_94 = arith.constant 0 : i32
      %dma_start3A_95 = tpu.memref_slice %arg7[%dma_start3A_90, %dma_start3A_92, %dma_start3A_93, %dma_start3A_94] : memref<2x2x125x32xf32, #tpu.memory_space<vmem>> -> memref<1x2x125x32xf32, #tpu.memory_space<vmem>>
      %dma_start3A_96 = tpu.memref_squeeze %dma_start3A_95 : memref<1x2x125x32xf32, #tpu.memory_space<vmem>> -> memref<2x125x32xf32, #tpu.memory_space<vmem>>
      %dma_start3A_97 = arith.constant 0 : i32
      %dma_start3A_98 = arith.constant 0 : i32
      %dma_start3A_99 = tpu.memref_slice %dma_start3A_96[%dma_start3A_91, %dma_start3A_97, %dma_start3A_98] : memref<2x125x32xf32, #tpu.memory_space<vmem>> -> memref<1x125x32xf32, #tpu.memory_space<vmem>>
      %dma_start3A_100 = tpu.memref_squeeze %dma_start3A_99 : memref<1x125x32xf32, #tpu.memory_space<vmem>> -> memref<125x32xf32, #tpu.memory_space<vmem>>
      %dma_start3A_101 = arith.constant 0 : i32
      %dma_start3A_102 = arith.constant 0 : i32
      %dma_start3A_103 = tpu.memref_slice %arg6[%dma_start3A_88, %dma_start3A_101, %dma_start3A_102] : memref<2x2x125xi32, #tpu.memory_space<vmem>> -> memref<1x2x125xi32, #tpu.memory_space<vmem>>
      %dma_start3A_104 = tpu.memref_squeeze %dma_start3A_103 : memref<1x2x125xi32, #tpu.memory_space<vmem>> -> memref<2x125xi32, #tpu.memory_space<vmem>>
      %dma_start3A_105 = arith.constant 0 : i32
      %dma_start3A_106 = tpu.memref_slice %dma_start3A_104[%dma_start3A_89, %dma_start3A_105] : memref<2x125xi32, #tpu.memory_space<vmem>> -> memref<1x125xi32, #tpu.memory_space<vmem>>
      %dma_start3A_107 = tpu.memref_squeeze %dma_start3A_106 : memref<1x125xi32, #tpu.memory_space<vmem>> -> memref<125xi32, #tpu.memory_space<vmem>>
      %dma_start3A_108 = arith.constant 0 : i32
      %dma_start3A_109 = arith.constant 0 : i32
      %dma_start3A_110 = tpu.memref_slice %arg5[%dma_start3A_108, %dma_start3A_109] : memref<50000x32xf32, #tpu.memory_space<vmem_shared>> -> memref<50000x32xf32, #tpu.memory_space<vmem_shared>>
      tpu.enqueue_indirect_dma source(%dma_start3A_110 : memref<50000x32xf32, #tpu.memory_space<vmem_shared>>) target(%dma_start3A_100 : memref<125x32xf32, #tpu.memory_space<vmem>>) offsets(%dma_start3A_107 : memref<125xi32, #tpu.memory_space<vmem>>) semaphore(%arg10 : memref<!tpu.dma_semaphore, #tpu.memory_space<semaphore_mem>>)
      %dma_wait3A_111 = arith.constant 0 : i32
      %dma_wait3A_112 = arith.constant 0 : i32
      %dma_wait3A_113 = arith.constant 0 : i32
      %dma_wait3A_114 = arith.constant 0 : i32
      %dma_wait3A_115 = arith.constant 0 : i32
      %dma_wait3A_116 = arith.constant 0 : i32
      %dma_wait3A_117 = arith.constant 0 : i32
      %dma_wait3A_118 = tpu.memref_slice %arg7[%dma_wait3A_113, %dma_wait3A_115, %dma_wait3A_116, %dma_wait3A_117] : memref<2x2x125x32xf32, #tpu.memory_space<vmem>> -> memref<1x2x125x32xf32, #tpu.memory_space<vmem>>
      %dma_wait3A_119 = tpu.memref_squeeze %dma_wait3A_118 : memref<1x2x125x32xf32, #tpu.memory_space<vmem>> -> memref<2x125x32xf32, #tpu.memory_space<vmem>>
      %dma_wait3A_120 = arith.constant 0 : i32
      %dma_wait3A_121 = arith.constant 0 : i32
      %dma_wait3A_122 = tpu.memref_slice %dma_wait3A_119[%dma_wait3A_114, %dma_wait3A_120, %dma_wait3A_121] : memref<2x125x32xf32, #tpu.memory_space<vmem>> -> memref<1x125x32xf32, #tpu.memory_space<vmem>>
      %dma_wait3A_123 = tpu.memref_squeeze %dma_wait3A_122 : memref<1x125x32xf32, #tpu.memory_space<vmem>> -> memref<125x32xf32, #tpu.memory_space<vmem>>
      %dma_wait3A_124 = arith.constant 0 : i32
      %dma_wait3A_125 = arith.constant 0 : i32
      %dma_wait3A_126 = tpu.memref_slice %arg6[%dma_wait3A_111, %dma_wait3A_124, %dma_wait3A_125] : memref<2x2x125xi32, #tpu.memory_space<vmem>> -> memref<1x2x125xi32, #tpu.memory_space<vmem>>
      %dma_wait3A_127 = tpu.memref_squeeze %dma_wait3A_126 : memref<1x2x125xi32, #tpu.memory_space<vmem>> -> memref<2x125xi32, #tpu.memory_space<vmem>>
      %dma_wait3A_128 = arith.constant 0 : i32
      %dma_wait3A_129 = tpu.memref_slice %dma_wait3A_127[%dma_wait3A_112, %dma_wait3A_128] : memref<2x125xi32, #tpu.memory_space<vmem>> -> memref<1x125xi32, #tpu.memory_space<vmem>>
      %dma_wait3A_130 = tpu.memref_squeeze %dma_wait3A_129 : memref<1x125xi32, #tpu.memory_space<vmem>> -> memref<125xi32, #tpu.memory_space<vmem>>
      %dma_wait3A_131 = arith.constant 0 : i32
      %dma_wait3A_132 = arith.constant 0 : i32
      %dma_wait3A_133 = tpu.memref_slice %arg5[%dma_wait3A_131, %dma_wait3A_132] : memref<50000x32xf32, #tpu.memory_space<vmem_shared>> -> memref<50000x32xf32, #tpu.memory_space<vmem_shared>>
      tpu.wait_indirect_dma semaphore(%arg10 : memref<!tpu.dma_semaphore, #tpu.memory_space<semaphore_mem>>) src(%dma_wait3A_133 : memref<50000x32xf32, #tpu.memory_space<vmem_shared>>) dst(%dma_wait3A_123 : memref<125x32xf32, #tpu.memory_space<vmem>>)
      %dma_wait3A_134 = arith.constant 0 : i32
      %dma_wait3A_135 = arith.constant 1 : i32
      %dma_wait3A_136 = arith.constant 0 : i32
      %dma_wait3A_137 = arith.constant 1 : i32
      %dma_wait3A_138 = arith.constant 0 : i32
      %dma_wait3A_139 = arith.constant 0 : i32
      %dma_wait3A_140 = arith.constant 0 : i32
      %dma_wait3A_141 = tpu.memref_slice %arg7[%dma_wait3A_136, %dma_wait3A_138, %dma_wait3A_139, %dma_wait3A_140] : memref<2x2x125x32xf32, #tpu.memory_space<vmem>> -> memref<1x2x125x32xf32, #tpu.memory_space<vmem>>
      %dma_wait3A_142 = tpu.memref_squeeze %dma_wait3A_141 : memref<1x2x125x32xf32, #tpu.memory_space<vmem>> -> memref<2x125x32xf32, #tpu.memory_space<vmem>>
      %dma_wait3A_143 = arith.constant 0 : i32
      %dma_wait3A_144 = arith.constant 0 : i32
      %dma_wait3A_145 = tpu.memref_slice %dma_wait3A_142[%dma_wait3A_137, %dma_wait3A_143, %dma_wait3A_144] : memref<2x125x32xf32, #tpu.memory_space<vmem>> -> memref<1x125x32xf32, #tpu.memory_space<vmem>>
      %dma_wait3A_146 = tpu.memref_squeeze %dma_wait3A_145 : memref<1x125x32xf32, #tpu.memory_space<vmem>> -> memref<125x32xf32, #tpu.memory_space<vmem>>
      %dma_wait3A_147 = arith.constant 0 : i32
      %dma_wait3A_148 = arith.constant 0 : i32
      %dma_wait3A_149 = tpu.memref_slice %arg6[%dma_wait3A_134, %dma_wait3A_147, %dma_wait3A_148] : memref<2x2x125xi32, #tpu.memory_space<vmem>> -> memref<1x2x125xi32, #tpu.memory_space<vmem>>
      %dma_wait3A_150 = tpu.memref_squeeze %dma_wait3A_149 : memref<1x2x125xi32, #tpu.memory_space<vmem>> -> memref<2x125xi32, #tpu.memory_space<vmem>>
      %dma_wait3A_151 = arith.constant 0 : i32
      %dma_wait3A_152 = tpu.memref_slice %dma_wait3A_150[%dma_wait3A_135, %dma_wait3A_151] : memref<2x125xi32, #tpu.memory_space<vmem>> -> memref<1x125xi32, #tpu.memory_space<vmem>>
      %dma_wait3A_153 = tpu.memref_squeeze %dma_wait3A_152 : memref<1x125xi32, #tpu.memory_space<vmem>> -> memref<125xi32, #tpu.memory_space<vmem>>
      %dma_wait3A_154 = arith.constant 0 : i32
      %dma_wait3A_155 = arith.constant 0 : i32
      %dma_wait3A_156 = tpu.memref_slice %arg5[%dma_wait3A_154, %dma_wait3A_155] : memref<50000x32xf32, #tpu.memory_space<vmem_shared>> -> memref<50000x32xf32, #tpu.memory_space<vmem_shared>>
      tpu.wait_indirect_dma semaphore(%arg10 : memref<!tpu.dma_semaphore, #tpu.memory_space<semaphore_mem>>) src(%dma_wait3A_156 : memref<50000x32xf32, #tpu.memory_space<vmem_shared>>) dst(%dma_wait3A_146 : memref<125x32xf32, #tpu.memory_space<vmem>>)
      %mul3A_157 = arith.constant 32 : i32
      %mul3A_158 = arith.muli %arg0, %mul3A_157 : i32
      %run_scoped3A = arith.constant 0 : i32
      "tpu.region"() ({
        %run_scoped3A_278 = tpu.sem_alloc : memref<!tpu.dma_semaphore, #tpu.memory_space<semaphore_mem>>
        %dma_start3A_279 = arith.constant 0 : i32
        %dma_start3A_280 = arith.constant 0 : i32
        %dma_start3A_281 = arith.constant 0 : i32
        %dma_start3A_282 = tpu.memref_slice %arg7[%run_scoped3A, %dma_start3A_279, %dma_start3A_280, %dma_start3A_281] : memref<2x2x125x32xf32, #tpu.memory_space<vmem>> -> memref<1x2x125x32xf32, #tpu.memory_space<vmem>>
        %dma_start3A_283 = tpu.memref_squeeze %dma_start3A_282 : memref<1x2x125x32xf32, #tpu.memory_space<vmem>> -> memref<2x125x32xf32, #tpu.memory_space<vmem>>
        %dma_start3A_284 = arith.constant 0 : i32
        %dma_start3A_285 = tpu.memref_slice %arg4[%add3A_52, %dma_start3A_284, %mul3A_158] : memref<6400x125x64xf32, #tpu.memory_space<hbm>> -> memref<2x125x32xf32, #tpu.memory_space<hbm>>
        %dma_start3A_286 = arith.constant 0 : i32
        %dma_start3A_287 = tpu.memref_slice %arg4[%add3A_52, %dma_start3A_286, %mul3A_158] : memref<6400x125x64xf32, #tpu.memory_space<hbm>> -> memref<2x125x32xf32, #tpu.memory_space<hbm>>
        %dma_start3A_288 = arith.constant 0 : i32
        %dma_start3A_289 = arith.constant 0 : i32
        %dma_start3A_290 = arith.constant 0 : i32
        %dma_start3A_291 = tpu.memref_slice %arg7[%run_scoped3A, %dma_start3A_288, %dma_start3A_289, %dma_start3A_290] : memref<2x2x125x32xf32, #tpu.memory_space<vmem>> -> memref<1x2x125x32xf32, #tpu.memory_space<vmem>>
        %dma_start3A_292 = tpu.memref_squeeze %dma_start3A_291 : memref<1x2x125x32xf32, #tpu.memory_space<vmem>> -> memref<2x125x32xf32, #tpu.memory_space<vmem>>
        tpu.enqueue_dma source(%dma_start3A_292 : memref<2x125x32xf32, #tpu.memory_space<vmem>>) target(%dma_start3A_287 : memref<2x125x32xf32, #tpu.memory_space<hbm>>) target_semaphore(%run_scoped3A_278 : memref<!tpu.dma_semaphore, #tpu.memory_space<semaphore_mem>>)
        %dma_wait3A_293 = arith.constant 0 : i32
        %dma_wait3A_294 = arith.constant 0 : i32
        %dma_wait3A_295 = arith.constant 0 : i32
        %dma_wait3A_296 = tpu.memref_slice %arg7[%run_scoped3A, %dma_wait3A_293, %dma_wait3A_294, %dma_wait3A_295] : memref<2x2x125x32xf32, #tpu.memory_space<vmem>> -> memref<1x2x125x32xf32, #tpu.memory_space<vmem>>
        %dma_wait3A_297 = tpu.memref_squeeze %dma_wait3A_296 : memref<1x2x125x32xf32, #tpu.memory_space<vmem>> -> memref<2x125x32xf32, #tpu.memory_space<vmem>>
        %dma_wait3A_298 = arith.constant 0 : i32
        %dma_wait3A_299 = tpu.memref_slice %arg4[%add3A_52, %dma_wait3A_298, %mul3A_158] : memref<6400x125x64xf32, #tpu.memory_space<hbm>> -> memref<2x125x32xf32, #tpu.memory_space<hbm>>
        %dma_wait3A_300 = arith.constant 0 : i32
        %dma_wait3A_301 = tpu.memref_slice %arg4[%add3A_52, %dma_wait3A_300, %mul3A_158] : memref<6400x125x64xf32, #tpu.memory_space<hbm>> -> memref<2x125x32xf32, #tpu.memory_space<hbm>>
        %dma_wait3A_302 = arith.constant 0 : i32
        %dma_wait3A_303 = arith.constant 0 : i32
        %dma_wait3A_304 = arith.constant 0 : i32
        %dma_wait3A_305 = tpu.memref_slice %arg7[%run_scoped3A, %dma_wait3A_302, %dma_wait3A_303, %dma_wait3A_304] : memref<2x2x125x32xf32, #tpu.memory_space<vmem>> -> memref<1x2x125x32xf32, #tpu.memory_space<vmem>>
        %dma_wait3A_306 = tpu.memref_squeeze %dma_wait3A_305 : memref<1x2x125x32xf32, #tpu.memory_space<vmem>> -> memref<2x125x32xf32, #tpu.memory_space<vmem>>
        tpu.wait_dma2 semaphore(%run_scoped3A_278 : memref<!tpu.dma_semaphore, #tpu.memory_space<semaphore_mem>>) src(%dma_wait3A_306 : memref<2x125x32xf32, #tpu.memory_space<vmem>>) dst(%dma_wait3A_301 : memref<2x125x32xf32, #tpu.memory_space<hbm>>)
        tpu.yield
      }) : () -> ()
      %add3A_159 = arith.constant 1 : i32
      %add3A_160 = arith.addi %scan3A_25, %add3A_159 : i32
      %lt3A = arith.constant 100 : i32
      %lt3A_161 = arith.cmpi slt, %add3A_160, %lt3A : i32
      %convert_element_type3A = arith.extui %lt3A_161 : i1 to i32
      %cond3A = arith.constant 0 : i32
      %cond3A_162 = arith.cmpi ne, %convert_element_type3A, %cond3A : i32
      scf.if %cond3A_162 {
        %add3A_278 = arith.constant 2 : i32
        %add3A_279 = arith.addi %mul3A_27, %add3A_278 : i32
        %mul3A_280 = arith.constant 400 : i32
        %mul3A_281 = arith.muli %arg1, %mul3A_280 : i32
        %mul3A_282 = arith.constant 2 : i32
        %mul3A_283 = arith.muli %add3A_279, %mul3A_282 : i32
        %add3A_284 = arith.addi %mul3A_281, %mul3A_283 : i32
        %dma_start3A_285 = arith.constant 0 : i32
        %dma_start3A_286 = arith.constant 0 : i32
        %dma_start3A_287 = arith.constant 0 : i32
        %dma_start3A_288 = tpu.memref_slice %arg6[%dma_start3A_285, %dma_start3A_286, %dma_start3A_287] : memref<2x2x125xi32, #tpu.memory_space<vmem>> -> memref<1x2x125xi32, #tpu.memory_space<vmem>>
        %dma_start3A_289 = tpu.memref_squeeze %dma_start3A_288 : memref<1x2x125xi32, #tpu.memory_space<vmem>> -> memref<2x125xi32, #tpu.memory_space<vmem>>
        %dma_start3A_290 = arith.constant 0 : i32
        %dma_start3A_291 = tpu.memref_slice %arg3[%add3A_284, %dma_start3A_290] : memref<6400x125xi32, #tpu.memory_space<hbm>> -> memref<2x125xi32, #tpu.memory_space<hbm>>
        %dma_start3A_292 = arith.constant 0 : i32
        %dma_start3A_293 = arith.constant 0 : i32
        %dma_start3A_294 = tpu.memref_slice %arg6[%dma_start3A_285, %dma_start3A_292, %dma_start3A_293] : memref<2x2x125xi32, #tpu.memory_space<vmem>> -> memref<1x2x125xi32, #tpu.memory_space<vmem>>
        %dma_start3A_295 = tpu.memref_squeeze %dma_start3A_294 : memref<1x2x125xi32, #tpu.memory_space<vmem>> -> memref<2x125xi32, #tpu.memory_space<vmem>>
        %dma_start3A_296 = arith.constant 0 : i32
        %dma_start3A_297 = tpu.memref_slice %arg3[%add3A_284, %dma_start3A_296] : memref<6400x125xi32, #tpu.memory_space<hbm>> -> memref<2x125xi32, #tpu.memory_space<hbm>>
        tpu.enqueue_dma source(%dma_start3A_297 : memref<2x125xi32, #tpu.memory_space<hbm>>) target(%dma_start3A_295 : memref<2x125xi32, #tpu.memory_space<vmem>>) target_semaphore(%arg8 : memref<!tpu.dma_semaphore, #tpu.memory_space<semaphore_mem>>)
      } else {
      }
      %add3A_163 = arith.constant 1 : i32
      %add3A_164 = arith.addi %mul3A_27, %add3A_163 : i32
      %mul3A_165 = arith.constant 400 : i32
      %mul3A_166 = arith.muli %arg1, %mul3A_165 : i32
      %mul3A_167 = arith.constant 2 : i32
      %mul3A_168 = arith.muli %add3A_164, %mul3A_167 : i32
      %add3A_169 = arith.addi %mul3A_166, %mul3A_168 : i32
      %dma_wait3A_170 = arith.constant 1 : i32
      %dma_wait3A_171 = arith.constant 0 : i32
      %dma_wait3A_172 = arith.constant 0 : i32
      %dma_wait3A_173 = tpu.memref_slice %arg6[%dma_wait3A_170, %dma_wait3A_171, %dma_wait3A_172] : memref<2x2x125xi32, #tpu.memory_space<vmem>> -> memref<1x2x125xi32, #tpu.memory_space<vmem>>
      %dma_wait3A_174 = tpu.memref_squeeze %dma_wait3A_173 : memref<1x2x125xi32, #tpu.memory_space<vmem>> -> memref<2x125xi32, #tpu.memory_space<vmem>>
      %dma_wait3A_175 = arith.constant 0 : i32
      %dma_wait3A_176 = tpu.memref_slice %arg3[%add3A_169, %dma_wait3A_175] : memref<6400x125xi32, #tpu.memory_space<hbm>> -> memref<2x125xi32, #tpu.memory_space<hbm>>
      %dma_wait3A_177 = arith.constant 0 : i32
      %dma_wait3A_178 = arith.constant 0 : i32
      %dma_wait3A_179 = tpu.memref_slice %arg6[%dma_wait3A_170, %dma_wait3A_177, %dma_wait3A_178] : memref<2x2x125xi32, #tpu.memory_space<vmem>> -> memref<1x2x125xi32, #tpu.memory_space<vmem>>
      %dma_wait3A_180 = tpu.memref_squeeze %dma_wait3A_179 : memref<1x2x125xi32, #tpu.memory_space<vmem>> -> memref<2x125xi32, #tpu.memory_space<vmem>>
      %dma_wait3A_181 = arith.constant 0 : i32
      %dma_wait3A_182 = tpu.memref_slice %arg3[%add3A_169, %dma_wait3A_181] : memref<6400x125xi32, #tpu.memory_space<hbm>> -> memref<2x125xi32, #tpu.memory_space<hbm>>
      tpu.wait_dma2 semaphore(%arg9 : memref<!tpu.dma_semaphore, #tpu.memory_space<semaphore_mem>>) src(%dma_wait3A_182 : memref<2x125xi32, #tpu.memory_space<hbm>>) dst(%dma_wait3A_180 : memref<2x125xi32, #tpu.memory_space<vmem>>)
      %dma_start3A_183 = arith.constant 1 : i32
      %dma_start3A_184 = arith.constant 0 : i32
      %dma_start3A_185 = arith.constant 1 : i32
      %dma_start3A_186 = arith.constant 0 : i32
      %dma_start3A_187 = arith.constant 0 : i32
      %dma_start3A_188 = arith.constant 0 : i32
      %dma_start3A_189 = arith.constant 0 : i32
      %dma_start3A_190 = tpu.memref_slice %arg7[%dma_start3A_185, %dma_start3A_187, %dma_start3A_188, %dma_start3A_189] : memref<2x2x125x32xf32, #tpu.memory_space<vmem>> -> memref<1x2x125x32xf32, #tpu.memory_space<vmem>>
      %dma_start3A_191 = tpu.memref_squeeze %dma_start3A_190 : memref<1x2x125x32xf32, #tpu.memory_space<vmem>> -> memref<2x125x32xf32, #tpu.memory_space<vmem>>
      %dma_start3A_192 = arith.constant 0 : i32
      %dma_start3A_193 = arith.constant 0 : i32
      %dma_start3A_194 = tpu.memref_slice %dma_start3A_191[%dma_start3A_186, %dma_start3A_192, %dma_start3A_193] : memref<2x125x32xf32, #tpu.memory_space<vmem>> -> memref<1x125x32xf32, #tpu.memory_space<vmem>>
      %dma_start3A_195 = tpu.memref_squeeze %dma_start3A_194 : memref<1x125x32xf32, #tpu.memory_space<vmem>> -> memref<125x32xf32, #tpu.memory_space<vmem>>
      %dma_start3A_196 = arith.constant 0 : i32
      %dma_start3A_197 = arith.constant 0 : i32
      %dma_start3A_198 = tpu.memref_slice %arg6[%dma_start3A_183, %dma_start3A_196, %dma_start3A_197] : memref<2x2x125xi32, #tpu.memory_space<vmem>> -> memref<1x2x125xi32, #tpu.memory_space<vmem>>
      %dma_start3A_199 = tpu.memref_squeeze %dma_start3A_198 : memref<1x2x125xi32, #tpu.memory_space<vmem>> -> memref<2x125xi32, #tpu.memory_space<vmem>>
      %dma_start3A_200 = arith.constant 0 : i32
      %dma_start3A_201 = tpu.memref_slice %dma_start3A_199[%dma_start3A_184, %dma_start3A_200] : memref<2x125xi32, #tpu.memory_space<vmem>> -> memref<1x125xi32, #tpu.memory_space<vmem>>
      %dma_start3A_202 = tpu.memref_squeeze %dma_start3A_201 : memref<1x125xi32, #tpu.memory_space<vmem>> -> memref<125xi32, #tpu.memory_space<vmem>>
      %dma_start3A_203 = arith.constant 0 : i32
      %dma_start3A_204 = arith.constant 0 : i32
      %dma_start3A_205 = tpu.memref_slice %arg5[%dma_start3A_203, %dma_start3A_204] : memref<50000x32xf32, #tpu.memory_space<vmem_shared>> -> memref<50000x32xf32, #tpu.memory_space<vmem_shared>>
      tpu.enqueue_indirect_dma source(%dma_start3A_205 : memref<50000x32xf32, #tpu.memory_space<vmem_shared>>) target(%dma_start3A_195 : memref<125x32xf32, #tpu.memory_space<vmem>>) offsets(%dma_start3A_202 : memref<125xi32, #tpu.memory_space<vmem>>) semaphore(%arg10 : memref<!tpu.dma_semaphore, #tpu.memory_space<semaphore_mem>>)
      %dma_start3A_206 = arith.constant 1 : i32
      %dma_start3A_207 = arith.constant 1 : i32
      %dma_start3A_208 = arith.constant 1 : i32
      %dma_start3A_209 = arith.constant 1 : i32
      %dma_start3A_210 = arith.constant 0 : i32
      %dma_start3A_211 = arith.constant 0 : i32
      %dma_start3A_212 = arith.constant 0 : i32
      %dma_start3A_213 = tpu.memref_slice %arg7[%dma_start3A_208, %dma_start3A_210, %dma_start3A_211, %dma_start3A_212] : memref<2x2x125x32xf32, #tpu.memory_space<vmem>> -> memref<1x2x125x32xf32, #tpu.memory_space<vmem>>
      %dma_start3A_214 = tpu.memref_squeeze %dma_start3A_213 : memref<1x2x125x32xf32, #tpu.memory_space<vmem>> -> memref<2x125x32xf32, #tpu.memory_space<vmem>>
      %dma_start3A_215 = arith.constant 0 : i32
      %dma_start3A_216 = arith.constant 0 : i32
      %dma_start3A_217 = tpu.memref_slice %dma_start3A_214[%dma_start3A_209, %dma_start3A_215, %dma_start3A_216] : memref<2x125x32xf32, #tpu.memory_space<vmem>> -> memref<1x125x32xf32, #tpu.memory_space<vmem>>
      %dma_start3A_218 = tpu.memref_squeeze %dma_start3A_217 : memref<1x125x32xf32, #tpu.memory_space<vmem>> -> memref<125x32xf32, #tpu.memory_space<vmem>>
      %dma_start3A_219 = arith.constant 0 : i32
      %dma_start3A_220 = arith.constant 0 : i32
      %dma_start3A_221 = tpu.memref_slice %arg6[%dma_start3A_206, %dma_start3A_219, %dma_start3A_220] : memref<2x2x125xi32, #tpu.memory_space<vmem>> -> memref<1x2x125xi32, #tpu.memory_space<vmem>>
      %dma_start3A_222 = tpu.memref_squeeze %dma_start3A_221 : memref<1x2x125xi32, #tpu.memory_space<vmem>> -> memref<2x125xi32, #tpu.memory_space<vmem>>
      %dma_start3A_223 = arith.constant 0 : i32
      %dma_start3A_224 = tpu.memref_slice %dma_start3A_222[%dma_start3A_207, %dma_start3A_223] : memref<2x125xi32, #tpu.memory_space<vmem>> -> memref<1x125xi32, #tpu.memory_space<vmem>>
      %dma_start3A_225 = tpu.memref_squeeze %dma_start3A_224 : memref<1x125xi32, #tpu.memory_space<vmem>> -> memref<125xi32, #tpu.memory_space<vmem>>
      %dma_start3A_226 = arith.constant 0 : i32
      %dma_start3A_227 = arith.constant 0 : i32
      %dma_start3A_228 = tpu.memref_slice %arg5[%dma_start3A_226, %dma_start3A_227] : memref<50000x32xf32, #tpu.memory_space<vmem_shared>> -> memref<50000x32xf32, #tpu.memory_space<vmem_shared>>
      tpu.enqueue_indirect_dma source(%dma_start3A_228 : memref<50000x32xf32, #tpu.memory_space<vmem_shared>>) target(%dma_start3A_218 : memref<125x32xf32, #tpu.memory_space<vmem>>) offsets(%dma_start3A_225 : memref<125xi32, #tpu.memory_space<vmem>>) semaphore(%arg10 : memref<!tpu.dma_semaphore, #tpu.memory_space<semaphore_mem>>)
      %dma_wait3A_229 = arith.constant 1 : i32
      %dma_wait3A_230 = arith.constant 0 : i32
      %dma_wait3A_231 = arith.constant 1 : i32
      %dma_wait3A_232 = arith.constant 0 : i32
      %dma_wait3A_233 = arith.constant 0 : i32
      %dma_wait3A_234 = arith.constant 0 : i32
      %dma_wait3A_235 = arith.constant 0 : i32
      %dma_wait3A_236 = tpu.memref_slice %arg7[%dma_wait3A_231, %dma_wait3A_233, %dma_wait3A_234, %dma_wait3A_235] : memref<2x2x125x32xf32, #tpu.memory_space<vmem>> -> memref<1x2x125x32xf32, #tpu.memory_space<vmem>>
      %dma_wait3A_237 = tpu.memref_squeeze %dma_wait3A_236 : memref<1x2x125x32xf32, #tpu.memory_space<vmem>> -> memref<2x125x32xf32, #tpu.memory_space<vmem>>
      %dma_wait3A_238 = arith.constant 0 : i32
      %dma_wait3A_239 = arith.constant 0 : i32
      %dma_wait3A_240 = tpu.memref_slice %dma_wait3A_237[%dma_wait3A_232, %dma_wait3A_238, %dma_wait3A_239] : memref<2x125x32xf32, #tpu.memory_space<vmem>> -> memref<1x125x32xf32, #tpu.memory_space<vmem>>
      %dma_wait3A_241 = tpu.memref_squeeze %dma_wait3A_240 : memref<1x125x32xf32, #tpu.memory_space<vmem>> -> memref<125x32xf32, #tpu.memory_space<vmem>>
      %dma_wait3A_242 = arith.constant 0 : i32
      %dma_wait3A_243 = arith.constant 0 : i32
      %dma_wait3A_244 = tpu.memref_slice %arg6[%dma_wait3A_229, %dma_wait3A_242, %dma_wait3A_243] : memref<2x2x125xi32, #tpu.memory_space<vmem>> -> memref<1x2x125xi32, #tpu.memory_space<vmem>>
      %dma_wait3A_245 = tpu.memref_squeeze %dma_wait3A_244 : memref<1x2x125xi32, #tpu.memory_space<vmem>> -> memref<2x125xi32, #tpu.memory_space<vmem>>
      %dma_wait3A_246 = arith.constant 0 : i32
      %dma_wait3A_247 = tpu.memref_slice %dma_wait3A_245[%dma_wait3A_230, %dma_wait3A_246] : memref<2x125xi32, #tpu.memory_space<vmem>> -> memref<1x125xi32, #tpu.memory_space<vmem>>
      %dma_wait3A_248 = tpu.memref_squeeze %dma_wait3A_247 : memref<1x125xi32, #tpu.memory_space<vmem>> -> memref<125xi32, #tpu.memory_space<vmem>>
      %dma_wait3A_249 = arith.constant 0 : i32
      %dma_wait3A_250 = arith.constant 0 : i32
      %dma_wait3A_251 = tpu.memref_slice %arg5[%dma_wait3A_249, %dma_wait3A_250] : memref<50000x32xf32, #tpu.memory_space<vmem_shared>> -> memref<50000x32xf32, #tpu.memory_space<vmem_shared>>
      tpu.wait_indirect_dma semaphore(%arg10 : memref<!tpu.dma_semaphore, #tpu.memory_space<semaphore_mem>>) src(%dma_wait3A_251 : memref<50000x32xf32, #tpu.memory_space<vmem_shared>>) dst(%dma_wait3A_241 : memref<125x32xf32, #tpu.memory_space<vmem>>)
      %dma_wait3A_252 = arith.constant 1 : i32
      %dma_wait3A_253 = arith.constant 1 : i32
      %dma_wait3A_254 = arith.constant 1 : i32
      %dma_wait3A_255 = arith.constant 1 : i32
      %dma_wait3A_256 = arith.constant 0 : i32
      %dma_wait3A_257 = arith.constant 0 : i32
      %dma_wait3A_258 = arith.constant 0 : i32
      %dma_wait3A_259 = tpu.memref_slice %arg7[%dma_wait3A_254, %dma_wait3A_256, %dma_wait3A_257, %dma_wait3A_258] : memref<2x2x125x32xf32, #tpu.memory_space<vmem>> -> memref<1x2x125x32xf32, #tpu.memory_space<vmem>>
      %dma_wait3A_260 = tpu.memref_squeeze %dma_wait3A_259 : memref<1x2x125x32xf32, #tpu.memory_space<vmem>> -> memref<2x125x32xf32, #tpu.memory_space<vmem>>
      %dma_wait3A_261 = arith.constant 0 : i32
      %dma_wait3A_262 = arith.constant 0 : i32
      %dma_wait3A_263 = tpu.memref_slice %dma_wait3A_260[%dma_wait3A_255, %dma_wait3A_261, %dma_wait3A_262] : memref<2x125x32xf32, #tpu.memory_space<vmem>> -> memref<1x125x32xf32, #tpu.memory_space<vmem>>
      %dma_wait3A_264 = tpu.memref_squeeze %dma_wait3A_263 : memref<1x125x32xf32, #tpu.memory_space<vmem>> -> memref<125x32xf32, #tpu.memory_space<vmem>>
      %dma_wait3A_265 = arith.constant 0 : i32
      %dma_wait3A_266 = arith.constant 0 : i32
      %dma_wait3A_267 = tpu.memref_slice %arg6[%dma_wait3A_252, %dma_wait3A_265, %dma_wait3A_266] : memref<2x2x125xi32, #tpu.memory_space<vmem>> -> memref<1x2x125xi32, #tpu.memory_space<vmem>>
      %dma_wait3A_268 = tpu.memref_squeeze %dma_wait3A_267 : memref<1x2x125xi32, #tpu.memory_space<vmem>> -> memref<2x125xi32, #tpu.memory_space<vmem>>
      %dma_wait3A_269 = arith.constant 0 : i32
      %dma_wait3A_270 = tpu.memref_slice %dma_wait3A_268[%dma_wait3A_253, %dma_wait3A_269] : memref<2x125xi32, #tpu.memory_space<vmem>> -> memref<1x125xi32, #tpu.memory_space<vmem>>
      %dma_wait3A_271 = tpu.memref_squeeze %dma_wait3A_270 : memref<1x125xi32, #tpu.memory_space<vmem>> -> memref<125xi32, #tpu.memory_space<vmem>>
      %dma_wait3A_272 = arith.constant 0 : i32
      %dma_wait3A_273 = arith.constant 0 : i32
      %dma_wait3A_274 = tpu.memref_slice %arg5[%dma_wait3A_272, %dma_wait3A_273] : memref<50000x32xf32, #tpu.memory_space<vmem_shared>> -> memref<50000x32xf32, #tpu.memory_space<vmem_shared>>
      tpu.wait_indirect_dma semaphore(%arg10 : memref<!tpu.dma_semaphore, #tpu.memory_space<semaphore_mem>>) src(%dma_wait3A_274 : memref<50000x32xf32, #tpu.memory_space<vmem_shared>>) dst(%dma_wait3A_264 : memref<125x32xf32, #tpu.memory_space<vmem>>)
      %mul3A_275 = arith.constant 32 : i32
      %mul3A_276 = arith.muli %arg0, %mul3A_275 : i32
      %run_scoped3A_277 = arith.constant 1 : i32
      "tpu.region"() ({
        %run_scoped3A_278 = tpu.sem_alloc : memref<!tpu.dma_semaphore, #tpu.memory_space<semaphore_mem>>
        %dma_start3A_279 = arith.constant 0 : i32
        %dma_start3A_280 = arith.constant 0 : i32
        %dma_start3A_281 = arith.constant 0 : i32
        %dma_start3A_282 = tpu.memref_slice %arg7[%run_scoped3A_277, %dma_start3A_279, %dma_start3A_280, %dma_start3A_281] : memref<2x2x125x32xf32, #tpu.memory_space<vmem>> -> memref<1x2x125x32xf32, #tpu.memory_space<vmem>>
        %dma_start3A_283 = tpu.memref_squeeze %dma_start3A_282 : memref<1x2x125x32xf32, #tpu.memory_space<vmem>> -> memref<2x125x32xf32, #tpu.memory_space<vmem>>
        %dma_start3A_284 = arith.constant 0 : i32
        %dma_start3A_285 = tpu.memref_slice %arg4[%add3A_169, %dma_start3A_284, %mul3A_276] : memref<6400x125x64xf32, #tpu.memory_space<hbm>> -> memref<2x125x32xf32, #tpu.memory_space<hbm>>
        %dma_start3A_286 = arith.constant 0 : i32
        %dma_start3A_287 = tpu.memref_slice %arg4[%add3A_169, %dma_start3A_286, %mul3A_276] : memref<6400x125x64xf32, #tpu.memory_space<hbm>> -> memref<2x125x32xf32, #tpu.memory_space<hbm>>
        %dma_start3A_288 = arith.constant 0 : i32
        %dma_start3A_289 = arith.constant 0 : i32
        %dma_start3A_290 = arith.constant 0 : i32
        %dma_start3A_291 = tpu.memref_slice %arg7[%run_scoped3A_277, %dma_start3A_288, %dma_start3A_289, %dma_start3A_290] : memref<2x2x125x32xf32, #tpu.memory_space<vmem>> -> memref<1x2x125x32xf32, #tpu.memory_space<vmem>>
        %dma_start3A_292 = tpu.memref_squeeze %dma_start3A_291 : memref<1x2x125x32xf32, #tpu.memory_space<vmem>> -> memref<2x125x32xf32, #tpu.memory_space<vmem>>
        tpu.enqueue_dma source(%dma_start3A_292 : memref<2x125x32xf32, #tpu.memory_space<vmem>>) target(%dma_start3A_287 : memref<2x125x32xf32, #tpu.memory_space<hbm>>) target_semaphore(%run_scoped3A_278 : memref<!tpu.dma_semaphore, #tpu.memory_space<semaphore_mem>>)
        %dma_wait3A_293 = arith.constant 0 : i32
        %dma_wait3A_294 = arith.constant 0 : i32
        %dma_wait3A_295 = arith.constant 0 : i32
        %dma_wait3A_296 = tpu.memref_slice %arg7[%run_scoped3A_277, %dma_wait3A_293, %dma_wait3A_294, %dma_wait3A_295] : memref<2x2x125x32xf32, #tpu.memory_space<vmem>> -> memref<1x2x125x32xf32, #tpu.memory_space<vmem>>
        %dma_wait3A_297 = tpu.memref_squeeze %dma_wait3A_296 : memref<1x2x125x32xf32, #tpu.memory_space<vmem>> -> memref<2x125x32xf32, #tpu.memory_space<vmem>>
        %dma_wait3A_298 = arith.constant 0 : i32
        %dma_wait3A_299 = tpu.memref_slice %arg4[%add3A_169, %dma_wait3A_298, %mul3A_276] : memref<6400x125x64xf32, #tpu.memory_space<hbm>> -> memref<2x125x32xf32, #tpu.memory_space<hbm>>
        %dma_wait3A_300 = arith.constant 0 : i32
        %dma_wait3A_301 = tpu.memref_slice %arg4[%add3A_169, %dma_wait3A_300, %mul3A_276] : memref<6400x125x64xf32, #tpu.memory_space<hbm>> -> memref<2x125x32xf32, #tpu.memory_space<hbm>>
        %dma_wait3A_302 = arith.constant 0 : i32
        %dma_wait3A_303 = arith.constant 0 : i32
        %dma_wait3A_304 = arith.constant 0 : i32
        %dma_wait3A_305 = tpu.memref_slice %arg7[%run_scoped3A_277, %dma_wait3A_302, %dma_wait3A_303, %dma_wait3A_304] : memref<2x2x125x32xf32, #tpu.memory_space<vmem>> -> memref<1x2x125x32xf32, #tpu.memory_space<vmem>>
        %dma_wait3A_306 = tpu.memref_squeeze %dma_wait3A_305 : memref<1x2x125x32xf32, #tpu.memory_space<vmem>> -> memref<2x125x32xf32, #tpu.memory_space<vmem>>
        tpu.wait_dma2 semaphore(%run_scoped3A_278 : memref<!tpu.dma_semaphore, #tpu.memory_space<semaphore_mem>>) src(%dma_wait3A_306 : memref<2x125x32xf32, #tpu.memory_space<vmem>>) dst(%dma_wait3A_301 : memref<2x125x32xf32, #tpu.memory_space<hbm>>)
        tpu.yield
      }) : () -> ()
    }
    %scan3A_24 = arith.constant 100 : i32
    return
  }
}

#map = affine_map<(d0, d1) -> (0, 0, 0)>
#map1 = affine_map<(d0, d1) -> (0, 0)>
module attributes {stable_mosaic.version = 14 : i64} {
  func.func @k(%arg0: i32, %arg1: i32, %arg2: memref<6400x125x64xf32, #tpu.memory_space<hbm>>, %arg3: memref<6400x125xi32, #tpu.memory_space<hbm>>, %arg4: memref<6400x125xi32, #tpu.memory_space<hbm>>, %arg5: memref<3125x32xf32, #tpu.memory_space<hbm>>, %arg6: memref<6400x125x64xf32, #tpu.memory_space<hbm>>, %arg7: memref<50000x32xf32, #tpu.memory_space<vmem_shared>>, %arg8: memref<2x2x125xi32, #tpu.memory_space<vmem>>, %arg9: memref<2x2x125x32xf32, #tpu.memory_space<vmem>>, %arg10: memref<!tpu.dma_semaphore, #tpu.memory_space<semaphore_mem>>, %arg11: memref<!tpu.dma_semaphore, #tpu.memory_space<semaphore_mem>>, %arg12: memref<!tpu.dma_semaphore, #tpu.memory_space<semaphore_mem>>, %arg13: memref<!tpu.dma_semaphore, #tpu.memory_space<semaphore_mem>>, %arg14: memref<!tpu.dma_semaphore, #tpu.memory_space<semaphore_mem>>) attributes {dimension_semantics = [#tpu.dimension_semantics<core_parallel>, #tpu.dimension_semantics<subcore_parallel>], iteration_bounds = array<i64: 2, 16>, scalar_prefetch = 0 : i64, scratch_operands = 8 : i64, tpu.core_type = #tpu.core_type<sc_vector_subcore>, window_params = [{transform_indices = #map}, {transform_indices = #map1}, {transform_indices = #map1}, {transform_indices = #map1}, {transform_indices = #map}]} {
    %mul3A = arith.constant 3125 : i32
    %mul3A_0 = arith.muli %arg1, %mul3A : i32
    "tpu.region"() ({
      %run_scoped3A = tpu.sem_alloc : memref<!tpu.dma_semaphore, #tpu.memory_space<semaphore_mem>>
      %dma_start3A_62 = arith.constant 0 : i32
      %dma_start3A_63 = tpu.memref_slice %arg7[%mul3A_0, %dma_start3A_62] : memref<50000x32xf32, #tpu.memory_space<vmem_shared>> -> memref<3125x32xf32, #tpu.memory_space<vmem_shared>>
      tpu.enqueue_dma source(%arg5 : memref<3125x32xf32, #tpu.memory_space<hbm>>) target(%dma_start3A_63 : memref<3125x32xf32, #tpu.memory_space<vmem_shared>>) target_semaphore(%run_scoped3A : memref<!tpu.dma_semaphore, #tpu.memory_space<semaphore_mem>>)
      %dma_wait3A = arith.constant 0 : i32
      %dma_wait3A_64 = tpu.memref_slice %arg7[%mul3A_0, %dma_wait3A] : memref<50000x32xf32, #tpu.memory_space<vmem_shared>> -> memref<3125x32xf32, #tpu.memory_space<vmem_shared>>
      tpu.wait_dma2 semaphore(%run_scoped3A : memref<!tpu.dma_semaphore, #tpu.memory_space<semaphore_mem>>) src(%arg5 : memref<3125x32xf32, #tpu.memory_space<hbm>>) dst(%dma_wait3A_64 : memref<3125x32xf32, #tpu.memory_space<vmem_shared>>)
      tpu.yield
    }) : () -> ()
    %barrier3A = arith.constant 0 : index
    tpu.barrier barrier_id(%barrier3A)
    %mul3A_1 = arith.constant 400 : i32
    %mul3A_2 = arith.muli %arg1, %mul3A_1 : i32
    %add3A = arith.constant 0 : i32
    %add3A_3 = arith.addi %mul3A_2, %add3A : i32
    %dma_start3A = arith.constant 0 : i32
    %dma_start3A_4 = arith.constant 0 : i32
    %dma_start3A_5 = arith.constant 0 : i32
    %dma_start3A_6 = tpu.memref_slice %arg8[%dma_start3A, %dma_start3A_4, %dma_start3A_5] : memref<2x2x125xi32, #tpu.memory_space<vmem>> -> memref<1x2x125xi32, #tpu.memory_space<vmem>>
    %dma_start3A_7 = tpu.memref_squeeze %dma_start3A_6 : memref<1x2x125xi32, #tpu.memory_space<vmem>> -> memref<2x125xi32, #tpu.memory_space<vmem>>
    %dma_start3A_8 = arith.constant 0 : i32
    %dma_start3A_9 = tpu.memref_slice %arg3[%add3A_3, %dma_start3A_8] : memref<6400x125xi32, #tpu.memory_space<hbm>> -> memref<2x125xi32, #tpu.memory_space<hbm>>
    %dma_start3A_10 = arith.constant 0 : i32
    %dma_start3A_11 = arith.constant 0 : i32
    %dma_start3A_12 = tpu.memref_slice %arg8[%dma_start3A, %dma_start3A_10, %dma_start3A_11] : memref<2x2x125xi32, #tpu.memory_space<vmem>> -> memref<1x2x125xi32, #tpu.memory_space<vmem>>
    %dma_start3A_13 = tpu.memref_squeeze %dma_start3A_12 : memref<1x2x125xi32, #tpu.memory_space<vmem>> -> memref<2x125xi32, #tpu.memory_space<vmem>>
    %dma_start3A_14 = arith.constant 0 : i32
    %dma_start3A_15 = tpu.memref_slice %arg3[%add3A_3, %dma_start3A_14] : memref<6400x125xi32, #tpu.memory_space<hbm>> -> memref<2x125xi32, #tpu.memory_space<hbm>>
    tpu.enqueue_dma source(%dma_start3A_15 : memref<2x125xi32, #tpu.memory_space<hbm>>) target(%dma_start3A_13 : memref<2x125xi32, #tpu.memory_space<vmem>>) target_semaphore(%arg10 : memref<!tpu.dma_semaphore, #tpu.memory_space<semaphore_mem>>)
    %mul3A_16 = arith.constant 32 : i32
    %mul3A_17 = arith.muli %arg0, %mul3A_16 : i32
    %dma_start3A_18 = arith.constant 0 : i32
    %dma_start3A_19 = arith.constant 0 : i32
    %dma_start3A_20 = arith.constant 0 : i32
    %dma_start3A_21 = arith.constant 0 : i32
    %dma_start3A_22 = tpu.memref_slice %arg9[%dma_start3A_18, %dma_start3A_19, %dma_start3A_20, %dma_start3A_21] : memref<2x2x125x32xf32, #tpu.memory_space<vmem>> -> memref<1x2x125x32xf32, #tpu.memory_space<vmem>>
    %dma_start3A_23 = tpu.memref_squeeze %dma_start3A_22 : memref<1x2x125x32xf32, #tpu.memory_space<vmem>> -> memref<2x125x32xf32, #tpu.memory_space<vmem>>
    %dma_start3A_24 = arith.constant 0 : i32
    %dma_start3A_25 = tpu.memref_slice %arg2[%add3A_3, %dma_start3A_24, %mul3A_17] : memref<6400x125x64xf32, #tpu.memory_space<hbm>> -> memref<2x125x32xf32, #tpu.memory_space<hbm>>
    %dma_start3A_26 = arith.constant 0 : i32
    %dma_start3A_27 = arith.constant 0 : i32
    %dma_start3A_28 = arith.constant 0 : i32
    %dma_start3A_29 = tpu.memref_slice %arg9[%dma_start3A_18, %dma_start3A_26, %dma_start3A_27, %dma_start3A_28] : memref<2x2x125x32xf32, #tpu.memory_space<vmem>> -> memref<1x2x125x32xf32, #tpu.memory_space<vmem>>
    %dma_start3A_30 = tpu.memref_squeeze %dma_start3A_29 : memref<1x2x125x32xf32, #tpu.memory_space<vmem>> -> memref<2x125x32xf32, #tpu.memory_space<vmem>>
    %dma_start3A_31 = arith.constant 0 : i32
    %dma_start3A_32 = tpu.memref_slice %arg2[%add3A_3, %dma_start3A_31, %mul3A_17] : memref<6400x125x64xf32, #tpu.memory_space<hbm>> -> memref<2x125x32xf32, #tpu.memory_space<hbm>>
    tpu.enqueue_dma source(%dma_start3A_32 : memref<2x125x32xf32, #tpu.memory_space<hbm>>) target(%dma_start3A_30 : memref<2x125x32xf32, #tpu.memory_space<vmem>>) target_semaphore(%arg12 : memref<!tpu.dma_semaphore, #tpu.memory_space<semaphore_mem>>)
    %scan3A = arith.constant 0 : i32
    %scan3A_33 = arith.constant 0 : i32
    %scan3A_34 = arith.constant 100 : i32
    %scan3A_35 = arith.addi %scan3A_33, %scan3A_34 : i32
    %scan3A_36 = arith.constant 1 : i32
    scf.for %scan3A_62 = %scan3A_33 to %scan3A_35 step %scan3A_36  : i32 {
      %mul3A_63 = arith.constant 2 : i32
      %mul3A_64 = arith.muli %mul3A_63, %scan3A_62 : i32
      %add3A_65 = arith.constant 1 : i32
      %add3A_66 = arith.addi %mul3A_64, %add3A_65 : i32
      %mul3A_67 = arith.constant 400 : i32
      %mul3A_68 = arith.muli %arg1, %mul3A_67 : i32
      %mul3A_69 = arith.constant 2 : i32
      %mul3A_70 = arith.muli %add3A_66, %mul3A_69 : i32
      %add3A_71 = arith.addi %mul3A_68, %mul3A_70 : i32
      %dma_start3A_72 = arith.constant 1 : i32
      %dma_start3A_73 = arith.constant 0 : i32
      %dma_start3A_74 = arith.constant 0 : i32
      %dma_start3A_75 = tpu.memref_slice %arg8[%dma_start3A_72, %dma_start3A_73, %dma_start3A_74] : memref<2x2x125xi32, #tpu.memory_space<vmem>> -> memref<1x2x125xi32, #tpu.memory_space<vmem>>
      %dma_start3A_76 = tpu.memref_squeeze %dma_start3A_75 : memref<1x2x125xi32, #tpu.memory_space<vmem>> -> memref<2x125xi32, #tpu.memory_space<vmem>>
      %dma_start3A_77 = arith.constant 0 : i32
      %dma_start3A_78 = tpu.memref_slice %arg3[%add3A_71, %dma_start3A_77] : memref<6400x125xi32, #tpu.memory_space<hbm>> -> memref<2x125xi32, #tpu.memory_space<hbm>>
      %dma_start3A_79 = arith.constant 0 : i32
      %dma_start3A_80 = arith.constant 0 : i32
      %dma_start3A_81 = tpu.memref_slice %arg8[%dma_start3A_72, %dma_start3A_79, %dma_start3A_80] : memref<2x2x125xi32, #tpu.memory_space<vmem>> -> memref<1x2x125xi32, #tpu.memory_space<vmem>>
      %dma_start3A_82 = tpu.memref_squeeze %dma_start3A_81 : memref<1x2x125xi32, #tpu.memory_space<vmem>> -> memref<2x125xi32, #tpu.memory_space<vmem>>
      %dma_start3A_83 = arith.constant 0 : i32
      %dma_start3A_84 = tpu.memref_slice %arg3[%add3A_71, %dma_start3A_83] : memref<6400x125xi32, #tpu.memory_space<hbm>> -> memref<2x125xi32, #tpu.memory_space<hbm>>
      tpu.enqueue_dma source(%dma_start3A_84 : memref<2x125xi32, #tpu.memory_space<hbm>>) target(%dma_start3A_82 : memref<2x125xi32, #tpu.memory_space<vmem>>) target_semaphore(%arg11 : memref<!tpu.dma_semaphore, #tpu.memory_space<semaphore_mem>>)
      %mul3A_85 = arith.constant 32 : i32
      %mul3A_86 = arith.muli %arg0, %mul3A_85 : i32
      %dma_start3A_87 = arith.constant 1 : i32
      %dma_start3A_88 = arith.constant 0 : i32
      %dma_start3A_89 = arith.constant 0 : i32
      %dma_start3A_90 = arith.constant 0 : i32
      %dma_start3A_91 = tpu.memref_slice %arg9[%dma_start3A_87, %dma_start3A_88, %dma_start3A_89, %dma_start3A_90] : memref<2x2x125x32xf32, #tpu.memory_space<vmem>> -> memref<1x2x125x32xf32, #tpu.memory_space<vmem>>
      %dma_start3A_92 = tpu.memref_squeeze %dma_start3A_91 : memref<1x2x125x32xf32, #tpu.memory_space<vmem>> -> memref<2x125x32xf32, #tpu.memory_space<vmem>>
      %dma_start3A_93 = arith.constant 0 : i32
      %dma_start3A_94 = tpu.memref_slice %arg2[%add3A_71, %dma_start3A_93, %mul3A_86] : memref<6400x125x64xf32, #tpu.memory_space<hbm>> -> memref<2x125x32xf32, #tpu.memory_space<hbm>>
      %dma_start3A_95 = arith.constant 0 : i32
      %dma_start3A_96 = arith.constant 0 : i32
      %dma_start3A_97 = arith.constant 0 : i32
      %dma_start3A_98 = tpu.memref_slice %arg9[%dma_start3A_87, %dma_start3A_95, %dma_start3A_96, %dma_start3A_97] : memref<2x2x125x32xf32, #tpu.memory_space<vmem>> -> memref<1x2x125x32xf32, #tpu.memory_space<vmem>>
      %dma_start3A_99 = tpu.memref_squeeze %dma_start3A_98 : memref<1x2x125x32xf32, #tpu.memory_space<vmem>> -> memref<2x125x32xf32, #tpu.memory_space<vmem>>
      %dma_start3A_100 = arith.constant 0 : i32
      %dma_start3A_101 = tpu.memref_slice %arg2[%add3A_71, %dma_start3A_100, %mul3A_86] : memref<6400x125x64xf32, #tpu.memory_space<hbm>> -> memref<2x125x32xf32, #tpu.memory_space<hbm>>
      tpu.enqueue_dma source(%dma_start3A_101 : memref<2x125x32xf32, #tpu.memory_space<hbm>>) target(%dma_start3A_99 : memref<2x125x32xf32, #tpu.memory_space<vmem>>) target_semaphore(%arg13 : memref<!tpu.dma_semaphore, #tpu.memory_space<semaphore_mem>>)
      %mul3A_102 = arith.constant 400 : i32
      %mul3A_103 = arith.muli %arg1, %mul3A_102 : i32
      %mul3A_104 = arith.constant 2 : i32
      %mul3A_105 = arith.muli %mul3A_64, %mul3A_104 : i32
      %add3A_106 = arith.addi %mul3A_103, %mul3A_105 : i32
      %dma_wait3A = arith.constant 0 : i32
      %dma_wait3A_107 = arith.constant 0 : i32
      %dma_wait3A_108 = arith.constant 0 : i32
      %dma_wait3A_109 = tpu.memref_slice %arg8[%dma_wait3A, %dma_wait3A_107, %dma_wait3A_108] : memref<2x2x125xi32, #tpu.memory_space<vmem>> -> memref<1x2x125xi32, #tpu.memory_space<vmem>>
      %dma_wait3A_110 = tpu.memref_squeeze %dma_wait3A_109 : memref<1x2x125xi32, #tpu.memory_space<vmem>> -> memref<2x125xi32, #tpu.memory_space<vmem>>
      %dma_wait3A_111 = arith.constant 0 : i32
      %dma_wait3A_112 = tpu.memref_slice %arg3[%add3A_106, %dma_wait3A_111] : memref<6400x125xi32, #tpu.memory_space<hbm>> -> memref<2x125xi32, #tpu.memory_space<hbm>>
      %dma_wait3A_113 = arith.constant 0 : i32
      %dma_wait3A_114 = arith.constant 0 : i32
      %dma_wait3A_115 = tpu.memref_slice %arg8[%dma_wait3A, %dma_wait3A_113, %dma_wait3A_114] : memref<2x2x125xi32, #tpu.memory_space<vmem>> -> memref<1x2x125xi32, #tpu.memory_space<vmem>>
      %dma_wait3A_116 = tpu.memref_squeeze %dma_wait3A_115 : memref<1x2x125xi32, #tpu.memory_space<vmem>> -> memref<2x125xi32, #tpu.memory_space<vmem>>
      %dma_wait3A_117 = arith.constant 0 : i32
      %dma_wait3A_118 = tpu.memref_slice %arg3[%add3A_106, %dma_wait3A_117] : memref<6400x125xi32, #tpu.memory_space<hbm>> -> memref<2x125xi32, #tpu.memory_space<hbm>>
      tpu.wait_dma2 semaphore(%arg10 : memref<!tpu.dma_semaphore, #tpu.memory_space<semaphore_mem>>) src(%dma_wait3A_118 : memref<2x125xi32, #tpu.memory_space<hbm>>) dst(%dma_wait3A_116 : memref<2x125xi32, #tpu.memory_space<vmem>>)
      %mul3A_119 = arith.constant 32 : i32
      %mul3A_120 = arith.muli %arg0, %mul3A_119 : i32
      %dma_wait3A_121 = arith.constant 0 : i32
      %dma_wait3A_122 = arith.constant 0 : i32
      %dma_wait3A_123 = arith.constant 0 : i32
      %dma_wait3A_124 = arith.constant 0 : i32
      %dma_wait3A_125 = tpu.memref_slice %arg9[%dma_wait3A_121, %dma_wait3A_122, %dma_wait3A_123, %dma_wait3A_124] : memref<2x2x125x32xf32, #tpu.memory_space<vmem>> -> memref<1x2x125x32xf32, #tpu.memory_space<vmem>>
      %dma_wait3A_126 = tpu.memref_squeeze %dma_wait3A_125 : memref<1x2x125x32xf32, #tpu.memory_space<vmem>> -> memref<2x125x32xf32, #tpu.memory_space<vmem>>
      %dma_wait3A_127 = arith.constant 0 : i32
      %dma_wait3A_128 = tpu.memref_slice %arg2[%add3A_106, %dma_wait3A_127, %mul3A_120] : memref<6400x125x64xf32, #tpu.memory_space<hbm>> -> memref<2x125x32xf32, #tpu.memory_space<hbm>>
      %dma_wait3A_129 = arith.constant 0 : i32
      %dma_wait3A_130 = arith.constant 0 : i32
      %dma_wait3A_131 = arith.constant 0 : i32
      %dma_wait3A_132 = tpu.memref_slice %arg9[%dma_wait3A_121, %dma_wait3A_129, %dma_wait3A_130, %dma_wait3A_131] : memref<2x2x125x32xf32, #tpu.memory_space<vmem>> -> memref<1x2x125x32xf32, #tpu.memory_space<vmem>>
      %dma_wait3A_133 = tpu.memref_squeeze %dma_wait3A_132 : memref<1x2x125x32xf32, #tpu.memory_space<vmem>> -> memref<2x125x32xf32, #tpu.memory_space<vmem>>
      %dma_wait3A_134 = arith.constant 0 : i32
      %dma_wait3A_135 = tpu.memref_slice %arg2[%add3A_106, %dma_wait3A_134, %mul3A_120] : memref<6400x125x64xf32, #tpu.memory_space<hbm>> -> memref<2x125x32xf32, #tpu.memory_space<hbm>>
      tpu.wait_dma2 semaphore(%arg12 : memref<!tpu.dma_semaphore, #tpu.memory_space<semaphore_mem>>) src(%dma_wait3A_135 : memref<2x125x32xf32, #tpu.memory_space<hbm>>) dst(%dma_wait3A_133 : memref<2x125x32xf32, #tpu.memory_space<vmem>>)
      %dma_start3A_136 = arith.constant 0 : i32
      %dma_start3A_137 = arith.constant 0 : i32
      %dma_start3A_138 = arith.constant 0 : i32
      %dma_start3A_139 = arith.constant 0 : i32
      %dma_start3A_140 = arith.constant 0 : i32
      %dma_start3A_141 = arith.constant 0 : i32
      %dma_start3A_142 = arith.constant 0 : i32
      %dma_start3A_143 = tpu.memref_slice %arg9[%dma_start3A_136, %dma_start3A_140, %dma_start3A_141, %dma_start3A_142] : memref<2x2x125x32xf32, #tpu.memory_space<vmem>> -> memref<1x2x125x32xf32, #tpu.memory_space<vmem>>
      %dma_start3A_144 = tpu.memref_squeeze %dma_start3A_143 : memref<1x2x125x32xf32, #tpu.memory_space<vmem>> -> memref<2x125x32xf32, #tpu.memory_space<vmem>>
      %dma_start3A_145 = arith.constant 0 : i32
      %dma_start3A_146 = arith.constant 0 : i32
      %dma_start3A_147 = tpu.memref_slice %dma_start3A_144[%dma_start3A_137, %dma_start3A_145, %dma_start3A_146] : memref<2x125x32xf32, #tpu.memory_space<vmem>> -> memref<1x125x32xf32, #tpu.memory_space<vmem>>
      %dma_start3A_148 = tpu.memref_squeeze %dma_start3A_147 : memref<1x125x32xf32, #tpu.memory_space<vmem>> -> memref<125x32xf32, #tpu.memory_space<vmem>>
      %dma_start3A_149 = arith.constant 0 : i32
      %dma_start3A_150 = arith.constant 0 : i32
      %dma_start3A_151 = tpu.memref_slice %arg8[%dma_start3A_138, %dma_start3A_149, %dma_start3A_150] : memref<2x2x125xi32, #tpu.memory_space<vmem>> -> memref<1x2x125xi32, #tpu.memory_space<vmem>>
      %dma_start3A_152 = tpu.memref_squeeze %dma_start3A_151 : memref<1x2x125xi32, #tpu.memory_space<vmem>> -> memref<2x125xi32, #tpu.memory_space<vmem>>
      %dma_start3A_153 = arith.constant 0 : i32
      %dma_start3A_154 = tpu.memref_slice %dma_start3A_152[%dma_start3A_139, %dma_start3A_153] : memref<2x125xi32, #tpu.memory_space<vmem>> -> memref<1x125xi32, #tpu.memory_space<vmem>>
      %dma_start3A_155 = tpu.memref_squeeze %dma_start3A_154 : memref<1x125xi32, #tpu.memory_space<vmem>> -> memref<125xi32, #tpu.memory_space<vmem>>
      %dma_start3A_156 = arith.constant 0 : i32
      %dma_start3A_157 = arith.constant 0 : i32
      %dma_start3A_158 = tpu.memref_slice %arg7[%dma_start3A_156, %dma_start3A_157] : memref<50000x32xf32, #tpu.memory_space<vmem_shared>> -> memref<50000x32xf32, #tpu.memory_space<vmem_shared>>
      tpu.enqueue_indirect_dma source(%dma_start3A_148 : memref<125x32xf32, #tpu.memory_space<vmem>>) target(%dma_start3A_158 : memref<50000x32xf32, #tpu.memory_space<vmem_shared>>) offsets(%dma_start3A_155 : memref<125xi32, #tpu.memory_space<vmem>>) semaphore(%arg14 : memref<!tpu.dma_semaphore, #tpu.memory_space<semaphore_mem>>) {add = true}
      %dma_start3A_159 = arith.constant 0 : i32
      %dma_start3A_160 = arith.constant 1 : i32
      %dma_start3A_161 = arith.constant 0 : i32
      %dma_start3A_162 = arith.constant 1 : i32
      %dma_start3A_163 = arith.constant 0 : i32
      %dma_start3A_164 = arith.constant 0 : i32
      %dma_start3A_165 = arith.constant 0 : i32
      %dma_start3A_166 = tpu.memref_slice %arg9[%dma_start3A_159, %dma_start3A_163, %dma_start3A_164, %dma_start3A_165] : memref<2x2x125x32xf32, #tpu.memory_space<vmem>> -> memref<1x2x125x32xf32, #tpu.memory_space<vmem>>
      %dma_start3A_167 = tpu.memref_squeeze %dma_start3A_166 : memref<1x2x125x32xf32, #tpu.memory_space<vmem>> -> memref<2x125x32xf32, #tpu.memory_space<vmem>>
      %dma_start3A_168 = arith.constant 0 : i32
      %dma_start3A_169 = arith.constant 0 : i32
      %dma_start3A_170 = tpu.memref_slice %dma_start3A_167[%dma_start3A_160, %dma_start3A_168, %dma_start3A_169] : memref<2x125x32xf32, #tpu.memory_space<vmem>> -> memref<1x125x32xf32, #tpu.memory_space<vmem>>
      %dma_start3A_171 = tpu.memref_squeeze %dma_start3A_170 : memref<1x125x32xf32, #tpu.memory_space<vmem>> -> memref<125x32xf32, #tpu.memory_space<vmem>>
      %dma_start3A_172 = arith.constant 0 : i32
      %dma_start3A_173 = arith.constant 0 : i32
      %dma_start3A_174 = tpu.memref_slice %arg8[%dma_start3A_161, %dma_start3A_172, %dma_start3A_173] : memref<2x2x125xi32, #tpu.memory_space<vmem>> -> memref<1x2x125xi32, #tpu.memory_space<vmem>>
      %dma_start3A_175 = tpu.memref_squeeze %dma_start3A_174 : memref<1x2x125xi32, #tpu.memory_space<vmem>> -> memref<2x125xi32, #tpu.memory_space<vmem>>
      %dma_start3A_176 = arith.constant 0 : i32
      %dma_start3A_177 = tpu.memref_slice %dma_start3A_175[%dma_start3A_162, %dma_start3A_176] : memref<2x125xi32, #tpu.memory_space<vmem>> -> memref<1x125xi32, #tpu.memory_space<vmem>>
      %dma_start3A_178 = tpu.memref_squeeze %dma_start3A_177 : memref<1x125xi32, #tpu.memory_space<vmem>> -> memref<125xi32, #tpu.memory_space<vmem>>
      %dma_start3A_179 = arith.constant 0 : i32
      %dma_start3A_180 = arith.constant 0 : i32
      %dma_start3A_181 = tpu.memref_slice %arg7[%dma_start3A_179, %dma_start3A_180] : memref<50000x32xf32, #tpu.memory_space<vmem_shared>> -> memref<50000x32xf32, #tpu.memory_space<vmem_shared>>
      tpu.enqueue_indirect_dma source(%dma_start3A_171 : memref<125x32xf32, #tpu.memory_space<vmem>>) target(%dma_start3A_181 : memref<50000x32xf32, #tpu.memory_space<vmem_shared>>) offsets(%dma_start3A_178 : memref<125xi32, #tpu.memory_space<vmem>>) semaphore(%arg14 : memref<!tpu.dma_semaphore, #tpu.memory_space<semaphore_mem>>) {add = true}
      %dma_wait3A_182 = arith.constant 0 : i32
      %dma_wait3A_183 = arith.constant 0 : i32
      %dma_wait3A_184 = arith.constant 0 : i32
      %dma_wait3A_185 = arith.constant 0 : i32
      %dma_wait3A_186 = arith.constant 0 : i32
      %dma_wait3A_187 = arith.constant 0 : i32
      %dma_wait3A_188 = arith.constant 0 : i32
      %dma_wait3A_189 = tpu.memref_slice %arg9[%dma_wait3A_182, %dma_wait3A_186, %dma_wait3A_187, %dma_wait3A_188] : memref<2x2x125x32xf32, #tpu.memory_space<vmem>> -> memref<1x2x125x32xf32, #tpu.memory_space<vmem>>
      %dma_wait3A_190 = tpu.memref_squeeze %dma_wait3A_189 : memref<1x2x125x32xf32, #tpu.memory_space<vmem>> -> memref<2x125x32xf32, #tpu.memory_space<vmem>>
      %dma_wait3A_191 = arith.constant 0 : i32
      %dma_wait3A_192 = arith.constant 0 : i32
      %dma_wait3A_193 = tpu.memref_slice %dma_wait3A_190[%dma_wait3A_183, %dma_wait3A_191, %dma_wait3A_192] : memref<2x125x32xf32, #tpu.memory_space<vmem>> -> memref<1x125x32xf32, #tpu.memory_space<vmem>>
      %dma_wait3A_194 = tpu.memref_squeeze %dma_wait3A_193 : memref<1x125x32xf32, #tpu.memory_space<vmem>> -> memref<125x32xf32, #tpu.memory_space<vmem>>
      %dma_wait3A_195 = arith.constant 0 : i32
      %dma_wait3A_196 = arith.constant 0 : i32
      %dma_wait3A_197 = tpu.memref_slice %arg8[%dma_wait3A_184, %dma_wait3A_195, %dma_wait3A_196] : memref<2x2x125xi32, #tpu.memory_space<vmem>> -> memref<1x2x125xi32, #tpu.memory_space<vmem>>
      %dma_wait3A_198 = tpu.memref_squeeze %dma_wait3A_197 : memref<1x2x125xi32, #tpu.memory_space<vmem>> -> memref<2x125xi32, #tpu.memory_space<vmem>>
      %dma_wait3A_199 = arith.constant 0 : i32
      %dma_wait3A_200 = tpu.memref_slice %dma_wait3A_198[%dma_wait3A_185, %dma_wait3A_199] : memref<2x125xi32, #tpu.memory_space<vmem>> -> memref<1x125xi32, #tpu.memory_space<vmem>>
      %dma_wait3A_201 = tpu.memref_squeeze %dma_wait3A_200 : memref<1x125xi32, #tpu.memory_space<vmem>> -> memref<125xi32, #tpu.memory_space<vmem>>
      %dma_wait3A_202 = arith.constant 0 : i32
      %dma_wait3A_203 = arith.constant 0 : i32
      %dma_wait3A_204 = tpu.memref_slice %arg7[%dma_wait3A_202, %dma_wait3A_203] : memref<50000x32xf32, #tpu.memory_space<vmem_shared>> -> memref<50000x32xf32, #tpu.memory_space<vmem_shared>>
      tpu.wait_indirect_dma semaphore(%arg14 : memref<!tpu.dma_semaphore, #tpu.memory_space<semaphore_mem>>) src(%dma_wait3A_194 : memref<125x32xf32, #tpu.memory_space<vmem>>) dst(%dma_wait3A_204 : memref<50000x32xf32, #tpu.memory_space<vmem_shared>>)
      %dma_wait3A_205 = arith.constant 0 : i32
      %dma_wait3A_206 = arith.constant 1 : i32
      %dma_wait3A_207 = arith.constant 0 : i32
      %dma_wait3A_208 = arith.constant 1 : i32
      %dma_wait3A_209 = arith.constant 0 : i32
      %dma_wait3A_210 = arith.constant 0 : i32
      %dma_wait3A_211 = arith.constant 0 : i32
      %dma_wait3A_212 = tpu.memref_slice %arg9[%dma_wait3A_205, %dma_wait3A_209, %dma_wait3A_210, %dma_wait3A_211] : memref<2x2x125x32xf32, #tpu.memory_space<vmem>> -> memref<1x2x125x32xf32, #tpu.memory_space<vmem>>
      %dma_wait3A_213 = tpu.memref_squeeze %dma_wait3A_212 : memref<1x2x125x32xf32, #tpu.memory_space<vmem>> -> memref<2x125x32xf32, #tpu.memory_space<vmem>>
      %dma_wait3A_214 = arith.constant 0 : i32
      %dma_wait3A_215 = arith.constant 0 : i32
      %dma_wait3A_216 = tpu.memref_slice %dma_wait3A_213[%dma_wait3A_206, %dma_wait3A_214, %dma_wait3A_215] : memref<2x125x32xf32, #tpu.memory_space<vmem>> -> memref<1x125x32xf32, #tpu.memory_space<vmem>>
      %dma_wait3A_217 = tpu.memref_squeeze %dma_wait3A_216 : memref<1x125x32xf32, #tpu.memory_space<vmem>> -> memref<125x32xf32, #tpu.memory_space<vmem>>
      %dma_wait3A_218 = arith.constant 0 : i32
      %dma_wait3A_219 = arith.constant 0 : i32
      %dma_wait3A_220 = tpu.memref_slice %arg8[%dma_wait3A_207, %dma_wait3A_218, %dma_wait3A_219] : memref<2x2x125xi32, #tpu.memory_space<vmem>> -> memref<1x2x125xi32, #tpu.memory_space<vmem>>
      %dma_wait3A_221 = tpu.memref_squeeze %dma_wait3A_220 : memref<1x2x125xi32, #tpu.memory_space<vmem>> -> memref<2x125xi32, #tpu.memory_space<vmem>>
      %dma_wait3A_222 = arith.constant 0 : i32
      %dma_wait3A_223 = tpu.memref_slice %dma_wait3A_221[%dma_wait3A_208, %dma_wait3A_222] : memref<2x125xi32, #tpu.memory_space<vmem>> -> memref<1x125xi32, #tpu.memory_space<vmem>>
      %dma_wait3A_224 = tpu.memref_squeeze %dma_wait3A_223 : memref<1x125xi32, #tpu.memory_space<vmem>> -> memref<125xi32, #tpu.memory_space<vmem>>
      %dma_wait3A_225 = arith.constant 0 : i32
      %dma_wait3A_226 = arith.constant 0 : i32
      %dma_wait3A_227 = tpu.memref_slice %arg7[%dma_wait3A_225, %dma_wait3A_226] : memref<50000x32xf32, #tpu.memory_space<vmem_shared>> -> memref<50000x32xf32, #tpu.memory_space<vmem_shared>>
      tpu.wait_indirect_dma semaphore(%arg14 : memref<!tpu.dma_semaphore, #tpu.memory_space<semaphore_mem>>) src(%dma_wait3A_217 : memref<125x32xf32, #tpu.memory_space<vmem>>) dst(%dma_wait3A_227 : memref<50000x32xf32, #tpu.memory_space<vmem_shared>>)
      %add3A_228 = arith.constant 1 : i32
      %add3A_229 = arith.addi %scan3A_62, %add3A_228 : i32
      %lt3A = arith.constant 100 : i32
      %lt3A_230 = arith.cmpi slt, %add3A_229, %lt3A : i32
      %convert_element_type3A = arith.extui %lt3A_230 : i1 to i32
      %cond3A = arith.constant 0 : i32
      %cond3A_231 = arith.cmpi ne, %convert_element_type3A, %cond3A : i32
      scf.if %cond3A_231 {
        %add3A_361 = arith.constant 2 : i32
        %add3A_362 = arith.addi %mul3A_64, %add3A_361 : i32
        %mul3A_363 = arith.constant 400 : i32
        %mul3A_364 = arith.muli %arg1, %mul3A_363 : i32
        %mul3A_365 = arith.constant 2 : i32
        %mul3A_366 = arith.muli %add3A_362, %mul3A_365 : i32
        %add3A_367 = arith.addi %mul3A_364, %mul3A_366 : i32
        %dma_start3A_368 = arith.constant 0 : i32
        %dma_start3A_369 = arith.constant 0 : i32
        %dma_start3A_370 = arith.constant 0 : i32
        %dma_start3A_371 = tpu.memref_slice %arg8[%dma_start3A_368, %dma_start3A_369, %dma_start3A_370] : memref<2x2x125xi32, #tpu.memory_space<vmem>> -> memref<1x2x125xi32, #tpu.memory_space<vmem>>
        %dma_start3A_372 = tpu.memref_squeeze %dma_start3A_371 : memref<1x2x125xi32, #tpu.memory_space<vmem>> -> memref<2x125xi32, #tpu.memory_space<vmem>>
        %dma_start3A_373 = arith.constant 0 : i32
        %dma_start3A_374 = tpu.memref_slice %arg3[%add3A_367, %dma_start3A_373] : memref<6400x125xi32, #tpu.memory_space<hbm>> -> memref<2x125xi32, #tpu.memory_space<hbm>>
        %dma_start3A_375 = arith.constant 0 : i32
        %dma_start3A_376 = arith.constant 0 : i32
        %dma_start3A_377 = tpu.memref_slice %arg8[%dma_start3A_368, %dma_start3A_375, %dma_start3A_376] : memref<2x2x125xi32, #tpu.memory_space<vmem>> -> memref<1x2x125xi32, #tpu.memory_space<vmem>>
        %dma_start3A_378 = tpu.memref_squeeze %dma_start3A_377 : memref<1x2x125xi32, #tpu.memory_space<vmem>> -> memref<2x125xi32, #tpu.memory_space<vmem>>
        %dma_start3A_379 = arith.constant 0 : i32
        %dma_start3A_380 = tpu.memref_slice %arg3[%add3A_367, %dma_start3A_379] : memref<6400x125xi32, #tpu.memory_space<hbm>> -> memref<2x125xi32, #tpu.memory_space<hbm>>
        tpu.enqueue_dma source(%dma_start3A_380 : memref<2x125xi32, #tpu.memory_space<hbm>>) target(%dma_start3A_378 : memref<2x125xi32, #tpu.memory_space<vmem>>) target_semaphore(%arg10 : memref<!tpu.dma_semaphore, #tpu.memory_space<semaphore_mem>>)
        %mul3A_381 = arith.constant 32 : i32
        %mul3A_382 = arith.muli %arg0, %mul3A_381 : i32
        %dma_start3A_383 = arith.constant 0 : i32
        %dma_start3A_384 = arith.constant 0 : i32
        %dma_start3A_385 = arith.constant 0 : i32
        %dma_start3A_386 = arith.constant 0 : i32
        %dma_start3A_387 = tpu.memref_slice %arg9[%dma_start3A_383, %dma_start3A_384, %dma_start3A_385, %dma_start3A_386] : memref<2x2x125x32xf32, #tpu.memory_space<vmem>> -> memref<1x2x125x32xf32, #tpu.memory_space<vmem>>
        %dma_start3A_388 = tpu.memref_squeeze %dma_start3A_387 : memref<1x2x125x32xf32, #tpu.memory_space<vmem>> -> memref<2x125x32xf32, #tpu.memory_space<vmem>>
        %dma_start3A_389 = arith.constant 0 : i32
        %dma_start3A_390 = tpu.memref_slice %arg2[%add3A_367, %dma_start3A_389, %mul3A_382] : memref<6400x125x64xf32, #tpu.memory_space<hbm>> -> memref<2x125x32xf32, #tpu.memory_space<hbm>>
        %dma_start3A_391 = arith.constant 0 : i32
        %dma_start3A_392 = arith.constant 0 : i32
        %dma_start3A_393 = arith.constant 0 : i32
        %dma_start3A_394 = tpu.memref_slice %arg9[%dma_start3A_383, %dma_start3A_391, %dma_start3A_392, %dma_start3A_393] : memref<2x2x125x32xf32, #tpu.memory_space<vmem>> -> memref<1x2x125x32xf32, #tpu.memory_space<vmem>>
        %dma_start3A_395 = tpu.memref_squeeze %dma_start3A_394 : memref<1x2x125x32xf32, #tpu.memory_space<vmem>> -> memref<2x125x32xf32, #tpu.memory_space<vmem>>
        %dma_start3A_396 = arith.constant 0 : i32
        %dma_start3A_397 = tpu.memref_slice %arg2[%add3A_367, %dma_start3A_396, %mul3A_382] : memref<6400x125x64xf32, #tpu.memory_space<hbm>> -> memref<2x125x32xf32, #tpu.memory_space<hbm>>
        tpu.enqueue_dma source(%dma_start3A_397 : memref<2x125x32xf32, #tpu.memory_space<hbm>>) target(%dma_start3A_395 : memref<2x125x32xf32, #tpu.memory_space<vmem>>) target_semaphore(%arg12 : memref<!tpu.dma_semaphore, #tpu.memory_space<semaphore_mem>>)
      } else {
      }
      %add3A_232 = arith.constant 1 : i32
      %add3A_233 = arith.addi %mul3A_64, %add3A_232 : i32
      %mul3A_234 = arith.constant 400 : i32
      %mul3A_235 = arith.muli %arg1, %mul3A_234 : i32
      %mul3A_236 = arith.constant 2 : i32
      %mul3A_237 = arith.muli %add3A_233, %mul3A_236 : i32
      %add3A_238 = arith.addi %mul3A_235, %mul3A_237 : i32
      %dma_wait3A_239 = arith.constant 1 : i32
      %dma_wait3A_240 = arith.constant 0 : i32
      %dma_wait3A_241 = arith.constant 0 : i32
      %dma_wait3A_242 = tpu.memref_slice %arg8[%dma_wait3A_239, %dma_wait3A_240, %dma_wait3A_241] : memref<2x2x125xi32, #tpu.memory_space<vmem>> -> memref<1x2x125xi32, #tpu.memory_space<vmem>>
      %dma_wait3A_243 = tpu.memref_squeeze %dma_wait3A_242 : memref<1x2x125xi32, #tpu.memory_space<vmem>> -> memref<2x125xi32, #tpu.memory_space<vmem>>
      %dma_wait3A_244 = arith.constant 0 : i32
      %dma_wait3A_245 = tpu.memref_slice %arg3[%add3A_238, %dma_wait3A_244] : memref<6400x125xi32, #tpu.memory_space<hbm>> -> memref<2x125xi32, #tpu.memory_space<hbm>>
      %dma_wait3A_246 = arith.constant 0 : i32
      %dma_wait3A_247 = arith.constant 0 : i32
      %dma_wait3A_248 = tpu.memref_slice %arg8[%dma_wait3A_239, %dma_wait3A_246, %dma_wait3A_247] : memref<2x2x125xi32, #tpu.memory_space<vmem>> -> memref<1x2x125xi32, #tpu.memory_space<vmem>>
      %dma_wait3A_249 = tpu.memref_squeeze %dma_wait3A_248 : memref<1x2x125xi32, #tpu.memory_space<vmem>> -> memref<2x125xi32, #tpu.memory_space<vmem>>
      %dma_wait3A_250 = arith.constant 0 : i32
      %dma_wait3A_251 = tpu.memref_slice %arg3[%add3A_238, %dma_wait3A_250] : memref<6400x125xi32, #tpu.memory_space<hbm>> -> memref<2x125xi32, #tpu.memory_space<hbm>>
      tpu.wait_dma2 semaphore(%arg11 : memref<!tpu.dma_semaphore, #tpu.memory_space<semaphore_mem>>) src(%dma_wait3A_251 : memref<2x125xi32, #tpu.memory_space<hbm>>) dst(%dma_wait3A_249 : memref<2x125xi32, #tpu.memory_space<vmem>>)
      %mul3A_252 = arith.constant 32 : i32
      %mul3A_253 = arith.muli %arg0, %mul3A_252 : i32
      %dma_wait3A_254 = arith.constant 1 : i32
      %dma_wait3A_255 = arith.constant 0 : i32
      %dma_wait3A_256 = arith.constant 0 : i32
      %dma_wait3A_257 = arith.constant 0 : i32
      %dma_wait3A_258 = tpu.memref_slice %arg9[%dma_wait3A_254, %dma_wait3A_255, %dma_wait3A_256, %dma_wait3A_257] : memref<2x2x125x32xf32, #tpu.memory_space<vmem>> -> memref<1x2x125x32xf32, #tpu.memory_space<vmem>>
      %dma_wait3A_259 = tpu.memref_squeeze %dma_wait3A_258 : memref<1x2x125x32xf32, #tpu.memory_space<vmem>> -> memref<2x125x32xf32, #tpu.memory_space<vmem>>
      %dma_wait3A_260 = arith.constant 0 : i32
      %dma_wait3A_261 = tpu.memref_slice %arg2[%add3A_238, %dma_wait3A_260, %mul3A_253] : memref<6400x125x64xf32, #tpu.memory_space<hbm>> -> memref<2x125x32xf32, #tpu.memory_space<hbm>>
      %dma_wait3A_262 = arith.constant 0 : i32
      %dma_wait3A_263 = arith.constant 0 : i32
      %dma_wait3A_264 = arith.constant 0 : i32
      %dma_wait3A_265 = tpu.memref_slice %arg9[%dma_wait3A_254, %dma_wait3A_262, %dma_wait3A_263, %dma_wait3A_264] : memref<2x2x125x32xf32, #tpu.memory_space<vmem>> -> memref<1x2x125x32xf32, #tpu.memory_space<vmem>>
      %dma_wait3A_266 = tpu.memref_squeeze %dma_wait3A_265 : memref<1x2x125x32xf32, #tpu.memory_space<vmem>> -> memref<2x125x32xf32, #tpu.memory_space<vmem>>
      %dma_wait3A_267 = arith.constant 0 : i32
      %dma_wait3A_268 = tpu.memref_slice %arg2[%add3A_238, %dma_wait3A_267, %mul3A_253] : memref<6400x125x64xf32, #tpu.memory_space<hbm>> -> memref<2x125x32xf32, #tpu.memory_space<hbm>>
      tpu.wait_dma2 semaphore(%arg13 : memref<!tpu.dma_semaphore, #tpu.memory_space<semaphore_mem>>) src(%dma_wait3A_268 : memref<2x125x32xf32, #tpu.memory_space<hbm>>) dst(%dma_wait3A_266 : memref<2x125x32xf32, #tpu.memory_space<vmem>>)
      %dma_start3A_269 = arith.constant 1 : i32
      %dma_start3A_270 = arith.constant 0 : i32
      %dma_start3A_271 = arith.constant 1 : i32
      %dma_start3A_272 = arith.constant 0 : i32
      %dma_start3A_273 = arith.constant 0 : i32
      %dma_start3A_274 = arith.constant 0 : i32
      %dma_start3A_275 = arith.constant 0 : i32
      %dma_start3A_276 = tpu.memref_slice %arg9[%dma_start3A_269, %dma_start3A_273, %dma_start3A_274, %dma_start3A_275] : memref<2x2x125x32xf32, #tpu.memory_space<vmem>> -> memref<1x2x125x32xf32, #tpu.memory_space<vmem>>
      %dma_start3A_277 = tpu.memref_squeeze %dma_start3A_276 : memref<1x2x125x32xf32, #tpu.memory_space<vmem>> -> memref<2x125x32xf32, #tpu.memory_space<vmem>>
      %dma_start3A_278 = arith.constant 0 : i32
      %dma_start3A_279 = arith.constant 0 : i32
      %dma_start3A_280 = tpu.memref_slice %dma_start3A_277[%dma_start3A_270, %dma_start3A_278, %dma_start3A_279] : memref<2x125x32xf32, #tpu.memory_space<vmem>> -> memref<1x125x32xf32, #tpu.memory_space<vmem>>
      %dma_start3A_281 = tpu.memref_squeeze %dma_start3A_280 : memref<1x125x32xf32, #tpu.memory_space<vmem>> -> memref<125x32xf32, #tpu.memory_space<vmem>>
      %dma_start3A_282 = arith.constant 0 : i32
      %dma_start3A_283 = arith.constant 0 : i32
      %dma_start3A_284 = tpu.memref_slice %arg8[%dma_start3A_271, %dma_start3A_282, %dma_start3A_283] : memref<2x2x125xi32, #tpu.memory_space<vmem>> -> memref<1x2x125xi32, #tpu.memory_space<vmem>>
      %dma_start3A_285 = tpu.memref_squeeze %dma_start3A_284 : memref<1x2x125xi32, #tpu.memory_space<vmem>> -> memref<2x125xi32, #tpu.memory_space<vmem>>
      %dma_start3A_286 = arith.constant 0 : i32
      %dma_start3A_287 = tpu.memref_slice %dma_start3A_285[%dma_start3A_272, %dma_start3A_286] : memref<2x125xi32, #tpu.memory_space<vmem>> -> memref<1x125xi32, #tpu.memory_space<vmem>>
      %dma_start3A_288 = tpu.memref_squeeze %dma_start3A_287 : memref<1x125xi32, #tpu.memory_space<vmem>> -> memref<125xi32, #tpu.memory_space<vmem>>
      %dma_start3A_289 = arith.constant 0 : i32
      %dma_start3A_290 = arith.constant 0 : i32
      %dma_start3A_291 = tpu.memref_slice %arg7[%dma_start3A_289, %dma_start3A_290] : memref<50000x32xf32, #tpu.memory_space<vmem_shared>> -> memref<50000x32xf32, #tpu.memory_space<vmem_shared>>
      tpu.enqueue_indirect_dma source(%dma_start3A_281 : memref<125x32xf32, #tpu.memory_space<vmem>>) target(%dma_start3A_291 : memref<50000x32xf32, #tpu.memory_space<vmem_shared>>) offsets(%dma_start3A_288 : memref<125xi32, #tpu.memory_space<vmem>>) semaphore(%arg14 : memref<!tpu.dma_semaphore, #tpu.memory_space<semaphore_mem>>) {add = true}
      %dma_start3A_292 = arith.constant 1 : i32
      %dma_start3A_293 = arith.constant 1 : i32
      %dma_start3A_294 = arith.constant 1 : i32
      %dma_start3A_295 = arith.constant 1 : i32
      %dma_start3A_296 = arith.constant 0 : i32
      %dma_start3A_297 = arith.constant 0 : i32
      %dma_start3A_298 = arith.constant 0 : i32
      %dma_start3A_299 = tpu.memref_slice %arg9[%dma_start3A_292, %dma_start3A_296, %dma_start3A_297, %dma_start3A_298] : memref<2x2x125x32xf32, #tpu.memory_space<vmem>> -> memref<1x2x125x32xf32, #tpu.memory_space<vmem>>
      %dma_start3A_300 = tpu.memref_squeeze %dma_start3A_299 : memref<1x2x125x32xf32, #tpu.memory_space<vmem>> -> memref<2x125x32xf32, #tpu.memory_space<vmem>>
      %dma_start3A_301 = arith.constant 0 : i32
      %dma_start3A_302 = arith.constant 0 : i32
      %dma_start3A_303 = tpu.memref_slice %dma_start3A_300[%dma_start3A_293, %dma_start3A_301, %dma_start3A_302] : memref<2x125x32xf32, #tpu.memory_space<vmem>> -> memref<1x125x32xf32, #tpu.memory_space<vmem>>
      %dma_start3A_304 = tpu.memref_squeeze %dma_start3A_303 : memref<1x125x32xf32, #tpu.memory_space<vmem>> -> memref<125x32xf32, #tpu.memory_space<vmem>>
      %dma_start3A_305 = arith.constant 0 : i32
      %dma_start3A_306 = arith.constant 0 : i32
      %dma_start3A_307 = tpu.memref_slice %arg8[%dma_start3A_294, %dma_start3A_305, %dma_start3A_306] : memref<2x2x125xi32, #tpu.memory_space<vmem>> -> memref<1x2x125xi32, #tpu.memory_space<vmem>>
      %dma_start3A_308 = tpu.memref_squeeze %dma_start3A_307 : memref<1x2x125xi32, #tpu.memory_space<vmem>> -> memref<2x125xi32, #tpu.memory_space<vmem>>
      %dma_start3A_309 = arith.constant 0 : i32
      %dma_start3A_310 = tpu.memref_slice %dma_start3A_308[%dma_start3A_295, %dma_start3A_309] : memref<2x125xi32, #tpu.memory_space<vmem>> -> memref<1x125xi32, #tpu.memory_space<vmem>>
      %dma_start3A_311 = tpu.memref_squeeze %dma_start3A_310 : memref<1x125xi32, #tpu.memory_space<vmem>> -> memref<125xi32, #tpu.memory_space<vmem>>
      %dma_start3A_312 = arith.constant 0 : i32
      %dma_start3A_313 = arith.constant 0 : i32
      %dma_start3A_314 = tpu.memref_slice %arg7[%dma_start3A_312, %dma_start3A_313] : memref<50000x32xf32, #tpu.memory_space<vmem_shared>> -> memref<50000x32xf32, #tpu.memory_space<vmem_shared>>
      tpu.enqueue_indirect_dma source(%dma_start3A_304 : memref<125x32xf32, #tpu.memory_space<vmem>>) target(%dma_start3A_314 : memref<50000x32xf32, #tpu.memory_space<vmem_shared>>) offsets(%dma_start3A_311 : memref<125xi32, #tpu.memory_space<vmem>>) semaphore(%arg14 : memref<!tpu.dma_semaphore, #tpu.memory_space<semaphore_mem>>) {add = true}
      %dma_wait3A_315 = arith.constant 1 : i32
      %dma_wait3A_316 = arith.constant 0 : i32
      %dma_wait3A_317 = arith.constant 1 : i32
      %dma_wait3A_318 = arith.constant 0 : i32
      %dma_wait3A_319 = arith.constant 0 : i32
      %dma_wait3A_320 = arith.constant 0 : i32
      %dma_wait3A_321 = arith.constant 0 : i32
      %dma_wait3A_322 = tpu.memref_slice %arg9[%dma_wait3A_315, %dma_wait3A_319, %dma_wait3A_320, %dma_wait3A_321] : memref<2x2x125x32xf32, #tpu.memory_space<vmem>> -> memref<1x2x125x32xf32, #tpu.memory_space<vmem>>
      %dma_wait3A_323 = tpu.memref_squeeze %dma_wait3A_322 : memref<1x2x125x32xf32, #tpu.memory_space<vmem>> -> memref<2x125x32xf32, #tpu.memory_space<vmem>>
      %dma_wait3A_324 = arith.constant 0 : i32
      %dma_wait3A_325 = arith.constant 0 : i32
      %dma_wait3A_326 = tpu.memref_slice %dma_wait3A_323[%dma_wait3A_316, %dma_wait3A_324, %dma_wait3A_325] : memref<2x125x32xf32, #tpu.memory_space<vmem>> -> memref<1x125x32xf32, #tpu.memory_space<vmem>>
      %dma_wait3A_327 = tpu.memref_squeeze %dma_wait3A_326 : memref<1x125x32xf32, #tpu.memory_space<vmem>> -> memref<125x32xf32, #tpu.memory_space<vmem>>
      %dma_wait3A_328 = arith.constant 0 : i32
      %dma_wait3A_329 = arith.constant 0 : i32
      %dma_wait3A_330 = tpu.memref_slice %arg8[%dma_wait3A_317, %dma_wait3A_328, %dma_wait3A_329] : memref<2x2x125xi32, #tpu.memory_space<vmem>> -> memref<1x2x125xi32, #tpu.memory_space<vmem>>
      %dma_wait3A_331 = tpu.memref_squeeze %dma_wait3A_330 : memref<1x2x125xi32, #tpu.memory_space<vmem>> -> memref<2x125xi32, #tpu.memory_space<vmem>>
      %dma_wait3A_332 = arith.constant 0 : i32
      %dma_wait3A_333 = tpu.memref_slice %dma_wait3A_331[%dma_wait3A_318, %dma_wait3A_332] : memref<2x125xi32, #tpu.memory_space<vmem>> -> memref<1x125xi32, #tpu.memory_space<vmem>>
      %dma_wait3A_334 = tpu.memref_squeeze %dma_wait3A_333 : memref<1x125xi32, #tpu.memory_space<vmem>> -> memref<125xi32, #tpu.memory_space<vmem>>
      %dma_wait3A_335 = arith.constant 0 : i32
      %dma_wait3A_336 = arith.constant 0 : i32
      %dma_wait3A_337 = tpu.memref_slice %arg7[%dma_wait3A_335, %dma_wait3A_336] : memref<50000x32xf32, #tpu.memory_space<vmem_shared>> -> memref<50000x32xf32, #tpu.memory_space<vmem_shared>>
      tpu.wait_indirect_dma semaphore(%arg14 : memref<!tpu.dma_semaphore, #tpu.memory_space<semaphore_mem>>) src(%dma_wait3A_327 : memref<125x32xf32, #tpu.memory_space<vmem>>) dst(%dma_wait3A_337 : memref<50000x32xf32, #tpu.memory_space<vmem_shared>>)
      %dma_wait3A_338 = arith.constant 1 : i32
      %dma_wait3A_339 = arith.constant 1 : i32
      %dma_wait3A_340 = arith.constant 1 : i32
      %dma_wait3A_341 = arith.constant 1 : i32
      %dma_wait3A_342 = arith.constant 0 : i32
      %dma_wait3A_343 = arith.constant 0 : i32
      %dma_wait3A_344 = arith.constant 0 : i32
      %dma_wait3A_345 = tpu.memref_slice %arg9[%dma_wait3A_338, %dma_wait3A_342, %dma_wait3A_343, %dma_wait3A_344] : memref<2x2x125x32xf32, #tpu.memory_space<vmem>> -> memref<1x2x125x32xf32, #tpu.memory_space<vmem>>
      %dma_wait3A_346 = tpu.memref_squeeze %dma_wait3A_345 : memref<1x2x125x32xf32, #tpu.memory_space<vmem>> -> memref<2x125x32xf32, #tpu.memory_space<vmem>>
      %dma_wait3A_347 = arith.constant 0 : i32
      %dma_wait3A_348 = arith.constant 0 : i32
      %dma_wait3A_349 = tpu.memref_slice %dma_wait3A_346[%dma_wait3A_339, %dma_wait3A_347, %dma_wait3A_348] : memref<2x125x32xf32, #tpu.memory_space<vmem>> -> memref<1x125x32xf32, #tpu.memory_space<vmem>>
      %dma_wait3A_350 = tpu.memref_squeeze %dma_wait3A_349 : memref<1x125x32xf32, #tpu.memory_space<vmem>> -> memref<125x32xf32, #tpu.memory_space<vmem>>
      %dma_wait3A_351 = arith.constant 0 : i32
      %dma_wait3A_352 = arith.constant 0 : i32
      %dma_wait3A_353 = tpu.memref_slice %arg8[%dma_wait3A_340, %dma_wait3A_351, %dma_wait3A_352] : memref<2x2x125xi32, #tpu.memory_space<vmem>> -> memref<1x2x125xi32, #tpu.memory_space<vmem>>
      %dma_wait3A_354 = tpu.memref_squeeze %dma_wait3A_353 : memref<1x2x125xi32, #tpu.memory_space<vmem>> -> memref<2x125xi32, #tpu.memory_space<vmem>>
      %dma_wait3A_355 = arith.constant 0 : i32
      %dma_wait3A_356 = tpu.memref_slice %dma_wait3A_354[%dma_wait3A_341, %dma_wait3A_355] : memref<2x125xi32, #tpu.memory_space<vmem>> -> memref<1x125xi32, #tpu.memory_space<vmem>>
      %dma_wait3A_357 = tpu.memref_squeeze %dma_wait3A_356 : memref<1x125xi32, #tpu.memory_space<vmem>> -> memref<125xi32, #tpu.memory_space<vmem>>
      %dma_wait3A_358 = arith.constant 0 : i32
      %dma_wait3A_359 = arith.constant 0 : i32
      %dma_wait3A_360 = tpu.memref_slice %arg7[%dma_wait3A_358, %dma_wait3A_359] : memref<50000x32xf32, #tpu.memory_space<vmem_shared>> -> memref<50000x32xf32, #tpu.memory_space<vmem_shared>>
      tpu.wait_indirect_dma semaphore(%arg14 : memref<!tpu.dma_semaphore, #tpu.memory_space<semaphore_mem>>) src(%dma_wait3A_350 : memref<125x32xf32, #tpu.memory_space<vmem>>) dst(%dma_wait3A_360 : memref<50000x32xf32, #tpu.memory_space<vmem_shared>>)
    }
    %scan3A_37 = arith.constant 100 : i32
    %barrier3A_38 = arith.constant 0 : index
    tpu.barrier barrier_id(%barrier3A_38)
    %mul3A_39 = arith.constant 400 : i32
    %mul3A_40 = arith.muli %arg1, %mul3A_39 : i32
    %add3A_41 = arith.constant 0 : i32
    %add3A_42 = arith.addi %mul3A_40, %add3A_41 : i32
    %dma_start3A_43 = arith.constant 0 : i32
    %dma_start3A_44 = arith.constant 0 : i32
    %dma_start3A_45 = arith.constant 0 : i32
    %dma_start3A_46 = tpu.memref_slice %arg8[%dma_start3A_43, %dma_start3A_44, %dma_start3A_45] : memref<2x2x125xi32, #tpu.memory_space<vmem>> -> memref<1x2x125xi32, #tpu.memory_space<vmem>>
    %dma_start3A_47 = tpu.memref_squeeze %dma_start3A_46 : memref<1x2x125xi32, #tpu.memory_space<vmem>> -> memref<2x125xi32, #tpu.memory_space<vmem>>
    %dma_start3A_48 = arith.constant 0 : i32
    %dma_start3A_49 = tpu.memref_slice %arg4[%add3A_42, %dma_start3A_48] : memref<6400x125xi32, #tpu.memory_space<hbm>> -> memref<2x125xi32, #tpu.memory_space<hbm>>
    %dma_start3A_50 = arith.constant 0 : i32
    %dma_start3A_51 = arith.constant 0 : i32
    %dma_start3A_52 = tpu.memref_slice %arg8[%dma_start3A_43, %dma_start3A_50, %dma_start3A_51] : memref<2x2x125xi32, #tpu.memory_space<vmem>> -> memref<1x2x125xi32, #tpu.memory_space<vmem>>
    %dma_start3A_53 = tpu.memref_squeeze %dma_start3A_52 : memref<1x2x125xi32, #tpu.memory_space<vmem>> -> memref<2x125xi32, #tpu.memory_space<vmem>>
    %dma_start3A_54 = arith.constant 0 : i32
    %dma_start3A_55 = tpu.memref_slice %arg4[%add3A_42, %dma_start3A_54] : memref<6400x125xi32, #tpu.memory_space<hbm>> -> memref<2x125xi32, #tpu.memory_space<hbm>>
    tpu.enqueue_dma source(%dma_start3A_55 : memref<2x125xi32, #tpu.memory_space<hbm>>) target(%dma_start3A_53 : memref<2x125xi32, #tpu.memory_space<vmem>>) target_semaphore(%arg10 : memref<!tpu.dma_semaphore, #tpu.memory_space<semaphore_mem>>)
    %scan3A_56 = arith.constant 0 : i32
    %scan3A_57 = arith.constant 0 : i32
    %scan3A_58 = arith.constant 100 : i32
    %scan3A_59 = arith.addi %scan3A_57, %scan3A_58 : i32
    %scan3A_60 = arith.constant 1 : i32
    scf.for %scan3A_62 = %scan3A_57 to %scan3A_59 step %scan3A_60  : i32 {
      %mul3A_63 = arith.constant 2 : i32
      %mul3A_64 = arith.muli %mul3A_63, %scan3A_62 : i32
      %add3A_65 = arith.constant 1 : i32
      %add3A_66 = arith.addi %mul3A_64, %add3A_65 : i32
      %mul3A_67 = arith.constant 400 : i32
      %mul3A_68 = arith.muli %arg1, %mul3A_67 : i32
      %mul3A_69 = arith.constant 2 : i32
      %mul3A_70 = arith.muli %add3A_66, %mul3A_69 : i32
      %add3A_71 = arith.addi %mul3A_68, %mul3A_70 : i32
      %dma_start3A_72 = arith.constant 1 : i32
      %dma_start3A_73 = arith.constant 0 : i32
      %dma_start3A_74 = arith.constant 0 : i32
      %dma_start3A_75 = tpu.memref_slice %arg8[%dma_start3A_72, %dma_start3A_73, %dma_start3A_74] : memref<2x2x125xi32, #tpu.memory_space<vmem>> -> memref<1x2x125xi32, #tpu.memory_space<vmem>>
      %dma_start3A_76 = tpu.memref_squeeze %dma_start3A_75 : memref<1x2x125xi32, #tpu.memory_space<vmem>> -> memref<2x125xi32, #tpu.memory_space<vmem>>
      %dma_start3A_77 = arith.constant 0 : i32
      %dma_start3A_78 = tpu.memref_slice %arg4[%add3A_71, %dma_start3A_77] : memref<6400x125xi32, #tpu.memory_space<hbm>> -> memref<2x125xi32, #tpu.memory_space<hbm>>
      %dma_start3A_79 = arith.constant 0 : i32
      %dma_start3A_80 = arith.constant 0 : i32
      %dma_start3A_81 = tpu.memref_slice %arg8[%dma_start3A_72, %dma_start3A_79, %dma_start3A_80] : memref<2x2x125xi32, #tpu.memory_space<vmem>> -> memref<1x2x125xi32, #tpu.memory_space<vmem>>
      %dma_start3A_82 = tpu.memref_squeeze %dma_start3A_81 : memref<1x2x125xi32, #tpu.memory_space<vmem>> -> memref<2x125xi32, #tpu.memory_space<vmem>>
      %dma_start3A_83 = arith.constant 0 : i32
      %dma_start3A_84 = tpu.memref_slice %arg4[%add3A_71, %dma_start3A_83] : memref<6400x125xi32, #tpu.memory_space<hbm>> -> memref<2x125xi32, #tpu.memory_space<hbm>>
      tpu.enqueue_dma source(%dma_start3A_84 : memref<2x125xi32, #tpu.memory_space<hbm>>) target(%dma_start3A_82 : memref<2x125xi32, #tpu.memory_space<vmem>>) target_semaphore(%arg11 : memref<!tpu.dma_semaphore, #tpu.memory_space<semaphore_mem>>)
      %mul3A_85 = arith.constant 400 : i32
      %mul3A_86 = arith.muli %arg1, %mul3A_85 : i32
      %mul3A_87 = arith.constant 2 : i32
      %mul3A_88 = arith.muli %mul3A_64, %mul3A_87 : i32
      %add3A_89 = arith.addi %mul3A_86, %mul3A_88 : i32
      %dma_wait3A = arith.constant 0 : i32
      %dma_wait3A_90 = arith.constant 0 : i32
      %dma_wait3A_91 = arith.constant 0 : i32
      %dma_wait3A_92 = tpu.memref_slice %arg8[%dma_wait3A, %dma_wait3A_90, %dma_wait3A_91] : memref<2x2x125xi32, #tpu.memory_space<vmem>> -> memref<1x2x125xi32, #tpu.memory_space<vmem>>
      %dma_wait3A_93 = tpu.memref_squeeze %dma_wait3A_92 : memref<1x2x125xi32, #tpu.memory_space<vmem>> -> memref<2x125xi32, #tpu.memory_space<vmem>>
      %dma_wait3A_94 = arith.constant 0 : i32
      %dma_wait3A_95 = tpu.memref_slice %arg4[%add3A_89, %dma_wait3A_94] : memref<6400x125xi32, #tpu.memory_space<hbm>> -> memref<2x125xi32, #tpu.memory_space<hbm>>
      %dma_wait3A_96 = arith.constant 0 : i32
      %dma_wait3A_97 = arith.constant 0 : i32
      %dma_wait3A_98 = tpu.memref_slice %arg8[%dma_wait3A, %dma_wait3A_96, %dma_wait3A_97] : memref<2x2x125xi32, #tpu.memory_space<vmem>> -> memref<1x2x125xi32, #tpu.memory_space<vmem>>
      %dma_wait3A_99 = tpu.memref_squeeze %dma_wait3A_98 : memref<1x2x125xi32, #tpu.memory_space<vmem>> -> memref<2x125xi32, #tpu.memory_space<vmem>>
      %dma_wait3A_100 = arith.constant 0 : i32
      %dma_wait3A_101 = tpu.memref_slice %arg4[%add3A_89, %dma_wait3A_100] : memref<6400x125xi32, #tpu.memory_space<hbm>> -> memref<2x125xi32, #tpu.memory_space<hbm>>
      tpu.wait_dma2 semaphore(%arg10 : memref<!tpu.dma_semaphore, #tpu.memory_space<semaphore_mem>>) src(%dma_wait3A_101 : memref<2x125xi32, #tpu.memory_space<hbm>>) dst(%dma_wait3A_99 : memref<2x125xi32, #tpu.memory_space<vmem>>)
      %dma_start3A_102 = arith.constant 0 : i32
      %dma_start3A_103 = arith.constant 0 : i32
      %dma_start3A_104 = arith.constant 0 : i32
      %dma_start3A_105 = arith.constant 0 : i32
      %dma_start3A_106 = arith.constant 0 : i32
      %dma_start3A_107 = arith.constant 0 : i32
      %dma_start3A_108 = arith.constant 0 : i32
      %dma_start3A_109 = tpu.memref_slice %arg9[%dma_start3A_104, %dma_start3A_106, %dma_start3A_107, %dma_start3A_108] : memref<2x2x125x32xf32, #tpu.memory_space<vmem>> -> memref<1x2x125x32xf32, #tpu.memory_space<vmem>>
      %dma_start3A_110 = tpu.memref_squeeze %dma_start3A_109 : memref<1x2x125x32xf32, #tpu.memory_space<vmem>> -> memref<2x125x32xf32, #tpu.memory_space<vmem>>
      %dma_start3A_111 = arith.constant 0 : i32
      %dma_start3A_112 = arith.constant 0 : i32
      %dma_start3A_113 = tpu.memref_slice %dma_start3A_110[%dma_start3A_105, %dma_start3A_111, %dma_start3A_112] : memref<2x125x32xf32, #tpu.memory_space<vmem>> -> memref<1x125x32xf32, #tpu.memory_space<vmem>>
      %dma_start3A_114 = tpu.memref_squeeze %dma_start3A_113 : memref<1x125x32xf32, #tpu.memory_space<vmem>> -> memref<125x32xf32, #tpu.memory_space<vmem>>
      %dma_start3A_115 = arith.constant 0 : i32
      %dma_start3A_116 = arith.constant 0 : i32
      %dma_start3A_117 = tpu.memref_slice %arg8[%dma_start3A_102, %dma_start3A_115, %dma_start3A_116] : memref<2x2x125xi32, #tpu.memory_space<vmem>> -> memref<1x2x125xi32, #tpu.memory_space<vmem>>
      %dma_start3A_118 = tpu.memref_squeeze %dma_start3A_117 : memref<1x2x125xi32, #tpu.memory_space<vmem>> -> memref<2x125xi32, #tpu.memory_space<vmem>>
      %dma_start3A_119 = arith.constant 0 : i32
      %dma_start3A_120 = tpu.memref_slice %dma_start3A_118[%dma_start3A_103, %dma_start3A_119] : memref<2x125xi32, #tpu.memory_space<vmem>> -> memref<1x125xi32, #tpu.memory_space<vmem>>
      %dma_start3A_121 = tpu.memref_squeeze %dma_start3A_120 : memref<1x125xi32, #tpu.memory_space<vmem>> -> memref<125xi32, #tpu.memory_space<vmem>>
      %dma_start3A_122 = arith.constant 0 : i32
      %dma_start3A_123 = arith.constant 0 : i32
      %dma_start3A_124 = tpu.memref_slice %arg7[%dma_start3A_122, %dma_start3A_123] : memref<50000x32xf32, #tpu.memory_space<vmem_shared>> -> memref<50000x32xf32, #tpu.memory_space<vmem_shared>>
      tpu.enqueue_indirect_dma source(%dma_start3A_124 : memref<50000x32xf32, #tpu.memory_space<vmem_shared>>) target(%dma_start3A_114 : memref<125x32xf32, #tpu.memory_space<vmem>>) offsets(%dma_start3A_121 : memref<125xi32, #tpu.memory_space<vmem>>) semaphore(%arg14 : memref<!tpu.dma_semaphore, #tpu.memory_space<semaphore_mem>>)
      %dma_start3A_125 = arith.constant 0 : i32
      %dma_start3A_126 = arith.constant 1 : i32
      %dma_start3A_127 = arith.constant 0 : i32
      %dma_start3A_128 = arith.constant 1 : i32
      %dma_start3A_129 = arith.constant 0 : i32
      %dma_start3A_130 = arith.constant 0 : i32
      %dma_start3A_131 = arith.constant 0 : i32
      %dma_start3A_132 = tpu.memref_slice %arg9[%dma_start3A_127, %dma_start3A_129, %dma_start3A_130, %dma_start3A_131] : memref<2x2x125x32xf32, #tpu.memory_space<vmem>> -> memref<1x2x125x32xf32, #tpu.memory_space<vmem>>
      %dma_start3A_133 = tpu.memref_squeeze %dma_start3A_132 : memref<1x2x125x32xf32, #tpu.memory_space<vmem>> -> memref<2x125x32xf32, #tpu.memory_space<vmem>>
      %dma_start3A_134 = arith.constant 0 : i32
      %dma_start3A_135 = arith.constant 0 : i32
      %dma_start3A_136 = tpu.memref_slice %dma_start3A_133[%dma_start3A_128, %dma_start3A_134, %dma_start3A_135] : memref<2x125x32xf32, #tpu.memory_space<vmem>> -> memref<1x125x32xf32, #tpu.memory_space<vmem>>
      %dma_start3A_137 = tpu.memref_squeeze %dma_start3A_136 : memref<1x125x32xf32, #tpu.memory_space<vmem>> -> memref<125x32xf32, #tpu.memory_space<vmem>>
      %dma_start3A_138 = arith.constant 0 : i32
      %dma_start3A_139 = arith.constant 0 : i32
      %dma_start3A_140 = tpu.memref_slice %arg8[%dma_start3A_125, %dma_start3A_138, %dma_start3A_139] : memref<2x2x125xi32, #tpu.memory_space<vmem>> -> memref<1x2x125xi32, #tpu.memory_space<vmem>>
      %dma_start3A_141 = tpu.memref_squeeze %dma_start3A_140 : memref<1x2x125xi32, #tpu.memory_space<vmem>> -> memref<2x125xi32, #tpu.memory_space<vmem>>
      %dma_start3A_142 = arith.constant 0 : i32
      %dma_start3A_143 = tpu.memref_slice %dma_start3A_141[%dma_start3A_126, %dma_start3A_142] : memref<2x125xi32, #tpu.memory_space<vmem>> -> memref<1x125xi32, #tpu.memory_space<vmem>>
      %dma_start3A_144 = tpu.memref_squeeze %dma_start3A_143 : memref<1x125xi32, #tpu.memory_space<vmem>> -> memref<125xi32, #tpu.memory_space<vmem>>
      %dma_start3A_145 = arith.constant 0 : i32
      %dma_start3A_146 = arith.constant 0 : i32
      %dma_start3A_147 = tpu.memref_slice %arg7[%dma_start3A_145, %dma_start3A_146] : memref<50000x32xf32, #tpu.memory_space<vmem_shared>> -> memref<50000x32xf32, #tpu.memory_space<vmem_shared>>
      tpu.enqueue_indirect_dma source(%dma_start3A_147 : memref<50000x32xf32, #tpu.memory_space<vmem_shared>>) target(%dma_start3A_137 : memref<125x32xf32, #tpu.memory_space<vmem>>) offsets(%dma_start3A_144 : memref<125xi32, #tpu.memory_space<vmem>>) semaphore(%arg14 : memref<!tpu.dma_semaphore, #tpu.memory_space<semaphore_mem>>)
      %dma_wait3A_148 = arith.constant 0 : i32
      %dma_wait3A_149 = arith.constant 0 : i32
      %dma_wait3A_150 = arith.constant 0 : i32
      %dma_wait3A_151 = arith.constant 0 : i32
      %dma_wait3A_152 = arith.constant 0 : i32
      %dma_wait3A_153 = arith.constant 0 : i32
      %dma_wait3A_154 = arith.constant 0 : i32
      %dma_wait3A_155 = tpu.memref_slice %arg9[%dma_wait3A_150, %dma_wait3A_152, %dma_wait3A_153, %dma_wait3A_154] : memref<2x2x125x32xf32, #tpu.memory_space<vmem>> -> memref<1x2x125x32xf32, #tpu.memory_space<vmem>>
      %dma_wait3A_156 = tpu.memref_squeeze %dma_wait3A_155 : memref<1x2x125x32xf32, #tpu.memory_space<vmem>> -> memref<2x125x32xf32, #tpu.memory_space<vmem>>
      %dma_wait3A_157 = arith.constant 0 : i32
      %dma_wait3A_158 = arith.constant 0 : i32
      %dma_wait3A_159 = tpu.memref_slice %dma_wait3A_156[%dma_wait3A_151, %dma_wait3A_157, %dma_wait3A_158] : memref<2x125x32xf32, #tpu.memory_space<vmem>> -> memref<1x125x32xf32, #tpu.memory_space<vmem>>
      %dma_wait3A_160 = tpu.memref_squeeze %dma_wait3A_159 : memref<1x125x32xf32, #tpu.memory_space<vmem>> -> memref<125x32xf32, #tpu.memory_space<vmem>>
      %dma_wait3A_161 = arith.constant 0 : i32
      %dma_wait3A_162 = arith.constant 0 : i32
      %dma_wait3A_163 = tpu.memref_slice %arg8[%dma_wait3A_148, %dma_wait3A_161, %dma_wait3A_162] : memref<2x2x125xi32, #tpu.memory_space<vmem>> -> memref<1x2x125xi32, #tpu.memory_space<vmem>>
      %dma_wait3A_164 = tpu.memref_squeeze %dma_wait3A_163 : memref<1x2x125xi32, #tpu.memory_space<vmem>> -> memref<2x125xi32, #tpu.memory_space<vmem>>
      %dma_wait3A_165 = arith.constant 0 : i32
      %dma_wait3A_166 = tpu.memref_slice %dma_wait3A_164[%dma_wait3A_149, %dma_wait3A_165] : memref<2x125xi32, #tpu.memory_space<vmem>> -> memref<1x125xi32, #tpu.memory_space<vmem>>
      %dma_wait3A_167 = tpu.memref_squeeze %dma_wait3A_166 : memref<1x125xi32, #tpu.memory_space<vmem>> -> memref<125xi32, #tpu.memory_space<vmem>>
      %dma_wait3A_168 = arith.constant 0 : i32
      %dma_wait3A_169 = arith.constant 0 : i32
      %dma_wait3A_170 = tpu.memref_slice %arg7[%dma_wait3A_168, %dma_wait3A_169] : memref<50000x32xf32, #tpu.memory_space<vmem_shared>> -> memref<50000x32xf32, #tpu.memory_space<vmem_shared>>
      tpu.wait_indirect_dma semaphore(%arg14 : memref<!tpu.dma_semaphore, #tpu.memory_space<semaphore_mem>>) src(%dma_wait3A_170 : memref<50000x32xf32, #tpu.memory_space<vmem_shared>>) dst(%dma_wait3A_160 : memref<125x32xf32, #tpu.memory_space<vmem>>)
      %dma_wait3A_171 = arith.constant 0 : i32
      %dma_wait3A_172 = arith.constant 1 : i32
      %dma_wait3A_173 = arith.constant 0 : i32
      %dma_wait3A_174 = arith.constant 1 : i32
      %dma_wait3A_175 = arith.constant 0 : i32
      %dma_wait3A_176 = arith.constant 0 : i32
      %dma_wait3A_177 = arith.constant 0 : i32
      %dma_wait3A_178 = tpu.memref_slice %arg9[%dma_wait3A_173, %dma_wait3A_175, %dma_wait3A_176, %dma_wait3A_177] : memref<2x2x125x32xf32, #tpu.memory_space<vmem>> -> memref<1x2x125x32xf32, #tpu.memory_space<vmem>>
      %dma_wait3A_179 = tpu.memref_squeeze %dma_wait3A_178 : memref<1x2x125x32xf32, #tpu.memory_space<vmem>> -> memref<2x125x32xf32, #tpu.memory_space<vmem>>
      %dma_wait3A_180 = arith.constant 0 : i32
      %dma_wait3A_181 = arith.constant 0 : i32
      %dma_wait3A_182 = tpu.memref_slice %dma_wait3A_179[%dma_wait3A_174, %dma_wait3A_180, %dma_wait3A_181] : memref<2x125x32xf32, #tpu.memory_space<vmem>> -> memref<1x125x32xf32, #tpu.memory_space<vmem>>
      %dma_wait3A_183 = tpu.memref_squeeze %dma_wait3A_182 : memref<1x125x32xf32, #tpu.memory_space<vmem>> -> memref<125x32xf32, #tpu.memory_space<vmem>>
      %dma_wait3A_184 = arith.constant 0 : i32
      %dma_wait3A_185 = arith.constant 0 : i32
      %dma_wait3A_186 = tpu.memref_slice %arg8[%dma_wait3A_171, %dma_wait3A_184, %dma_wait3A_185] : memref<2x2x125xi32, #tpu.memory_space<vmem>> -> memref<1x2x125xi32, #tpu.memory_space<vmem>>
      %dma_wait3A_187 = tpu.memref_squeeze %dma_wait3A_186 : memref<1x2x125xi32, #tpu.memory_space<vmem>> -> memref<2x125xi32, #tpu.memory_space<vmem>>
      %dma_wait3A_188 = arith.constant 0 : i32
      %dma_wait3A_189 = tpu.memref_slice %dma_wait3A_187[%dma_wait3A_172, %dma_wait3A_188] : memref<2x125xi32, #tpu.memory_space<vmem>> -> memref<1x125xi32, #tpu.memory_space<vmem>>
      %dma_wait3A_190 = tpu.memref_squeeze %dma_wait3A_189 : memref<1x125xi32, #tpu.memory_space<vmem>> -> memref<125xi32, #tpu.memory_space<vmem>>
      %dma_wait3A_191 = arith.constant 0 : i32
      %dma_wait3A_192 = arith.constant 0 : i32
      %dma_wait3A_193 = tpu.memref_slice %arg7[%dma_wait3A_191, %dma_wait3A_192] : memref<50000x32xf32, #tpu.memory_space<vmem_shared>> -> memref<50000x32xf32, #tpu.memory_space<vmem_shared>>
      tpu.wait_indirect_dma semaphore(%arg14 : memref<!tpu.dma_semaphore, #tpu.memory_space<semaphore_mem>>) src(%dma_wait3A_193 : memref<50000x32xf32, #tpu.memory_space<vmem_shared>>) dst(%dma_wait3A_183 : memref<125x32xf32, #tpu.memory_space<vmem>>)
      %mul3A_194 = arith.constant 32 : i32
      %mul3A_195 = arith.muli %arg0, %mul3A_194 : i32
      %run_scoped3A = arith.constant 0 : i32
      "tpu.region"() ({
        %run_scoped3A_315 = tpu.sem_alloc : memref<!tpu.dma_semaphore, #tpu.memory_space<semaphore_mem>>
        %dma_start3A_316 = arith.constant 0 : i32
        %dma_start3A_317 = arith.constant 0 : i32
        %dma_start3A_318 = arith.constant 0 : i32
        %dma_start3A_319 = tpu.memref_slice %arg9[%run_scoped3A, %dma_start3A_316, %dma_start3A_317, %dma_start3A_318] : memref<2x2x125x32xf32, #tpu.memory_space<vmem>> -> memref<1x2x125x32xf32, #tpu.memory_space<vmem>>
        %dma_start3A_320 = tpu.memref_squeeze %dma_start3A_319 : memref<1x2x125x32xf32, #tpu.memory_space<vmem>> -> memref<2x125x32xf32, #tpu.memory_space<vmem>>
        %dma_start3A_321 = arith.constant 0 : i32
        %dma_start3A_322 = tpu.memref_slice %arg6[%add3A_89, %dma_start3A_321, %mul3A_195] : memref<6400x125x64xf32, #tpu.memory_space<hbm>> -> memref<2x125x32xf32, #tpu.memory_space<hbm>>
        %dma_start3A_323 = arith.constant 0 : i32
        %dma_start3A_324 = tpu.memref_slice %arg6[%add3A_89, %dma_start3A_323, %mul3A_195] : memref<6400x125x64xf32, #tpu.memory_space<hbm>> -> memref<2x125x32xf32, #tpu.memory_space<hbm>>
        %dma_start3A_325 = arith.constant 0 : i32
        %dma_start3A_326 = arith.constant 0 : i32
        %dma_start3A_327 = arith.constant 0 : i32
        %dma_start3A_328 = tpu.memref_slice %arg9[%run_scoped3A, %dma_start3A_325, %dma_start3A_326, %dma_start3A_327] : memref<2x2x125x32xf32, #tpu.memory_space<vmem>> -> memref<1x2x125x32xf32, #tpu.memory_space<vmem>>
        %dma_start3A_329 = tpu.memref_squeeze %dma_start3A_328 : memref<1x2x125x32xf32, #tpu.memory_space<vmem>> -> memref<2x125x32xf32, #tpu.memory_space<vmem>>
        tpu.enqueue_dma source(%dma_start3A_329 : memref<2x125x32xf32, #tpu.memory_space<vmem>>) target(%dma_start3A_324 : memref<2x125x32xf32, #tpu.memory_space<hbm>>) target_semaphore(%run_scoped3A_315 : memref<!tpu.dma_semaphore, #tpu.memory_space<semaphore_mem>>)
        %dma_wait3A_330 = arith.constant 0 : i32
        %dma_wait3A_331 = arith.constant 0 : i32
        %dma_wait3A_332 = arith.constant 0 : i32
        %dma_wait3A_333 = tpu.memref_slice %arg9[%run_scoped3A, %dma_wait3A_330, %dma_wait3A_331, %dma_wait3A_332] : memref<2x2x125x32xf32, #tpu.memory_space<vmem>> -> memref<1x2x125x32xf32, #tpu.memory_space<vmem>>
        %dma_wait3A_334 = tpu.memref_squeeze %dma_wait3A_333 : memref<1x2x125x32xf32, #tpu.memory_space<vmem>> -> memref<2x125x32xf32, #tpu.memory_space<vmem>>
        %dma_wait3A_335 = arith.constant 0 : i32
        %dma_wait3A_336 = tpu.memref_slice %arg6[%add3A_89, %dma_wait3A_335, %mul3A_195] : memref<6400x125x64xf32, #tpu.memory_space<hbm>> -> memref<2x125x32xf32, #tpu.memory_space<hbm>>
        %dma_wait3A_337 = arith.constant 0 : i32
        %dma_wait3A_338 = tpu.memref_slice %arg6[%add3A_89, %dma_wait3A_337, %mul3A_195] : memref<6400x125x64xf32, #tpu.memory_space<hbm>> -> memref<2x125x32xf32, #tpu.memory_space<hbm>>
        %dma_wait3A_339 = arith.constant 0 : i32
        %dma_wait3A_340 = arith.constant 0 : i32
        %dma_wait3A_341 = arith.constant 0 : i32
        %dma_wait3A_342 = tpu.memref_slice %arg9[%run_scoped3A, %dma_wait3A_339, %dma_wait3A_340, %dma_wait3A_341] : memref<2x2x125x32xf32, #tpu.memory_space<vmem>> -> memref<1x2x125x32xf32, #tpu.memory_space<vmem>>
        %dma_wait3A_343 = tpu.memref_squeeze %dma_wait3A_342 : memref<1x2x125x32xf32, #tpu.memory_space<vmem>> -> memref<2x125x32xf32, #tpu.memory_space<vmem>>
        tpu.wait_dma2 semaphore(%run_scoped3A_315 : memref<!tpu.dma_semaphore, #tpu.memory_space<semaphore_mem>>) src(%dma_wait3A_343 : memref<2x125x32xf32, #tpu.memory_space<vmem>>) dst(%dma_wait3A_338 : memref<2x125x32xf32, #tpu.memory_space<hbm>>)
        tpu.yield
      }) : () -> ()
      %add3A_196 = arith.constant 1 : i32
      %add3A_197 = arith.addi %scan3A_62, %add3A_196 : i32
      %lt3A = arith.constant 100 : i32
      %lt3A_198 = arith.cmpi slt, %add3A_197, %lt3A : i32
      %convert_element_type3A = arith.extui %lt3A_198 : i1 to i32
      %cond3A = arith.constant 0 : i32
      %cond3A_199 = arith.cmpi ne, %convert_element_type3A, %cond3A : i32
      scf.if %cond3A_199 {
        %add3A_315 = arith.constant 2 : i32
        %add3A_316 = arith.addi %mul3A_64, %add3A_315 : i32
        %mul3A_317 = arith.constant 400 : i32
        %mul3A_318 = arith.muli %arg1, %mul3A_317 : i32
        %mul3A_319 = arith.constant 2 : i32
        %mul3A_320 = arith.muli %add3A_316, %mul3A_319 : i32
        %add3A_321 = arith.addi %mul3A_318, %mul3A_320 : i32
        %dma_start3A_322 = arith.constant 0 : i32
        %dma_start3A_323 = arith.constant 0 : i32
        %dma_start3A_324 = arith.constant 0 : i32
        %dma_start3A_325 = tpu.memref_slice %arg8[%dma_start3A_322, %dma_start3A_323, %dma_start3A_324] : memref<2x2x125xi32, #tpu.memory_space<vmem>> -> memref<1x2x125xi32, #tpu.memory_space<vmem>>
        %dma_start3A_326 = tpu.memref_squeeze %dma_start3A_325 : memref<1x2x125xi32, #tpu.memory_space<vmem>> -> memref<2x125xi32, #tpu.memory_space<vmem>>
        %dma_start3A_327 = arith.constant 0 : i32
        %dma_start3A_328 = tpu.memref_slice %arg4[%add3A_321, %dma_start3A_327] : memref<6400x125xi32, #tpu.memory_space<hbm>> -> memref<2x125xi32, #tpu.memory_space<hbm>>
        %dma_start3A_329 = arith.constant 0 : i32
        %dma_start3A_330 = arith.constant 0 : i32
        %dma_start3A_331 = tpu.memref_slice %arg8[%dma_start3A_322, %dma_start3A_329, %dma_start3A_330] : memref<2x2x125xi32, #tpu.memory_space<vmem>> -> memref<1x2x125xi32, #tpu.memory_space<vmem>>
        %dma_start3A_332 = tpu.memref_squeeze %dma_start3A_331 : memref<1x2x125xi32, #tpu.memory_space<vmem>> -> memref<2x125xi32, #tpu.memory_space<vmem>>
        %dma_start3A_333 = arith.constant 0 : i32
        %dma_start3A_334 = tpu.memref_slice %arg4[%add3A_321, %dma_start3A_333] : memref<6400x125xi32, #tpu.memory_space<hbm>> -> memref<2x125xi32, #tpu.memory_space<hbm>>
        tpu.enqueue_dma source(%dma_start3A_334 : memref<2x125xi32, #tpu.memory_space<hbm>>) target(%dma_start3A_332 : memref<2x125xi32, #tpu.memory_space<vmem>>) target_semaphore(%arg10 : memref<!tpu.dma_semaphore, #tpu.memory_space<semaphore_mem>>)
      } else {
      }
      %add3A_200 = arith.constant 1 : i32
      %add3A_201 = arith.addi %mul3A_64, %add3A_200 : i32
      %mul3A_202 = arith.constant 400 : i32
      %mul3A_203 = arith.muli %arg1, %mul3A_202 : i32
      %mul3A_204 = arith.constant 2 : i32
      %mul3A_205 = arith.muli %add3A_201, %mul3A_204 : i32
      %add3A_206 = arith.addi %mul3A_203, %mul3A_205 : i32
      %dma_wait3A_207 = arith.constant 1 : i32
      %dma_wait3A_208 = arith.constant 0 : i32
      %dma_wait3A_209 = arith.constant 0 : i32
      %dma_wait3A_210 = tpu.memref_slice %arg8[%dma_wait3A_207, %dma_wait3A_208, %dma_wait3A_209] : memref<2x2x125xi32, #tpu.memory_space<vmem>> -> memref<1x2x125xi32, #tpu.memory_space<vmem>>
      %dma_wait3A_211 = tpu.memref_squeeze %dma_wait3A_210 : memref<1x2x125xi32, #tpu.memory_space<vmem>> -> memref<2x125xi32, #tpu.memory_space<vmem>>
      %dma_wait3A_212 = arith.constant 0 : i32
      %dma_wait3A_213 = tpu.memref_slice %arg4[%add3A_206, %dma_wait3A_212] : memref<6400x125xi32, #tpu.memory_space<hbm>> -> memref<2x125xi32, #tpu.memory_space<hbm>>
      %dma_wait3A_214 = arith.constant 0 : i32
      %dma_wait3A_215 = arith.constant 0 : i32
      %dma_wait3A_216 = tpu.memref_slice %arg8[%dma_wait3A_207, %dma_wait3A_214, %dma_wait3A_215] : memref<2x2x125xi32, #tpu.memory_space<vmem>> -> memref<1x2x125xi32, #tpu.memory_space<vmem>>
      %dma_wait3A_217 = tpu.memref_squeeze %dma_wait3A_216 : memref<1x2x125xi32, #tpu.memory_space<vmem>> -> memref<2x125xi32, #tpu.memory_space<vmem>>
      %dma_wait3A_218 = arith.constant 0 : i32
      %dma_wait3A_219 = tpu.memref_slice %arg4[%add3A_206, %dma_wait3A_218] : memref<6400x125xi32, #tpu.memory_space<hbm>> -> memref<2x125xi32, #tpu.memory_space<hbm>>
      tpu.wait_dma2 semaphore(%arg11 : memref<!tpu.dma_semaphore, #tpu.memory_space<semaphore_mem>>) src(%dma_wait3A_219 : memref<2x125xi32, #tpu.memory_space<hbm>>) dst(%dma_wait3A_217 : memref<2x125xi32, #tpu.memory_space<vmem>>)
      %dma_start3A_220 = arith.constant 1 : i32
      %dma_start3A_221 = arith.constant 0 : i32
      %dma_start3A_222 = arith.constant 1 : i32
      %dma_start3A_223 = arith.constant 0 : i32
      %dma_start3A_224 = arith.constant 0 : i32
      %dma_start3A_225 = arith.constant 0 : i32
      %dma_start3A_226 = arith.constant 0 : i32
      %dma_start3A_227 = tpu.memref_slice %arg9[%dma_start3A_222, %dma_start3A_224, %dma_start3A_225, %dma_start3A_226] : memref<2x2x125x32xf32, #tpu.memory_space<vmem>> -> memref<1x2x125x32xf32, #tpu.memory_space<vmem>>
      %dma_start3A_228 = tpu.memref_squeeze %dma_start3A_227 : memref<1x2x125x32xf32, #tpu.memory_space<vmem>> -> memref<2x125x32xf32, #tpu.memory_space<vmem>>
      %dma_start3A_229 = arith.constant 0 : i32
      %dma_start3A_230 = arith.constant 0 : i32
      %dma_start3A_231 = tpu.memref_slice %dma_start3A_228[%dma_start3A_223, %dma_start3A_229, %dma_start3A_230] : memref<2x125x32xf32, #tpu.memory_space<vmem>> -> memref<1x125x32xf32, #tpu.memory_space<vmem>>
      %dma_start3A_232 = tpu.memref_squeeze %dma_start3A_231 : memref<1x125x32xf32, #tpu.memory_space<vmem>> -> memref<125x32xf32, #tpu.memory_space<vmem>>
      %dma_start3A_233 = arith.constant 0 : i32
      %dma_start3A_234 = arith.constant 0 : i32
      %dma_start3A_235 = tpu.memref_slice %arg8[%dma_start3A_220, %dma_start3A_233, %dma_start3A_234] : memref<2x2x125xi32, #tpu.memory_space<vmem>> -> memref<1x2x125xi32, #tpu.memory_space<vmem>>
      %dma_start3A_236 = tpu.memref_squeeze %dma_start3A_235 : memref<1x2x125xi32, #tpu.memory_space<vmem>> -> memref<2x125xi32, #tpu.memory_space<vmem>>
      %dma_start3A_237 = arith.constant 0 : i32
      %dma_start3A_238 = tpu.memref_slice %dma_start3A_236[%dma_start3A_221, %dma_start3A_237] : memref<2x125xi32, #tpu.memory_space<vmem>> -> memref<1x125xi32, #tpu.memory_space<vmem>>
      %dma_start3A_239 = tpu.memref_squeeze %dma_start3A_238 : memref<1x125xi32, #tpu.memory_space<vmem>> -> memref<125xi32, #tpu.memory_space<vmem>>
      %dma_start3A_240 = arith.constant 0 : i32
      %dma_start3A_241 = arith.constant 0 : i32
      %dma_start3A_242 = tpu.memref_slice %arg7[%dma_start3A_240, %dma_start3A_241] : memref<50000x32xf32, #tpu.memory_space<vmem_shared>> -> memref<50000x32xf32, #tpu.memory_space<vmem_shared>>
      tpu.enqueue_indirect_dma source(%dma_start3A_242 : memref<50000x32xf32, #tpu.memory_space<vmem_shared>>) target(%dma_start3A_232 : memref<125x32xf32, #tpu.memory_space<vmem>>) offsets(%dma_start3A_239 : memref<125xi32, #tpu.memory_space<vmem>>) semaphore(%arg14 : memref<!tpu.dma_semaphore, #tpu.memory_space<semaphore_mem>>)
      %dma_start3A_243 = arith.constant 1 : i32
      %dma_start3A_244 = arith.constant 1 : i32
      %dma_start3A_245 = arith.constant 1 : i32
      %dma_start3A_246 = arith.constant 1 : i32
      %dma_start3A_247 = arith.constant 0 : i32
      %dma_start3A_248 = arith.constant 0 : i32
      %dma_start3A_249 = arith.constant 0 : i32
      %dma_start3A_250 = tpu.memref_slice %arg9[%dma_start3A_245, %dma_start3A_247, %dma_start3A_248, %dma_start3A_249] : memref<2x2x125x32xf32, #tpu.memory_space<vmem>> -> memref<1x2x125x32xf32, #tpu.memory_space<vmem>>
      %dma_start3A_251 = tpu.memref_squeeze %dma_start3A_250 : memref<1x2x125x32xf32, #tpu.memory_space<vmem>> -> memref<2x125x32xf32, #tpu.memory_space<vmem>>
      %dma_start3A_252 = arith.constant 0 : i32
      %dma_start3A_253 = arith.constant 0 : i32
      %dma_start3A_254 = tpu.memref_slice %dma_start3A_251[%dma_start3A_246, %dma_start3A_252, %dma_start3A_253] : memref<2x125x32xf32, #tpu.memory_space<vmem>> -> memref<1x125x32xf32, #tpu.memory_space<vmem>>
      %dma_start3A_255 = tpu.memref_squeeze %dma_start3A_254 : memref<1x125x32xf32, #tpu.memory_space<vmem>> -> memref<125x32xf32, #tpu.memory_space<vmem>>
      %dma_start3A_256 = arith.constant 0 : i32
      %dma_start3A_257 = arith.constant 0 : i32
      %dma_start3A_258 = tpu.memref_slice %arg8[%dma_start3A_243, %dma_start3A_256, %dma_start3A_257] : memref<2x2x125xi32, #tpu.memory_space<vmem>> -> memref<1x2x125xi32, #tpu.memory_space<vmem>>
      %dma_start3A_259 = tpu.memref_squeeze %dma_start3A_258 : memref<1x2x125xi32, #tpu.memory_space<vmem>> -> memref<2x125xi32, #tpu.memory_space<vmem>>
      %dma_start3A_260 = arith.constant 0 : i32
      %dma_start3A_261 = tpu.memref_slice %dma_start3A_259[%dma_start3A_244, %dma_start3A_260] : memref<2x125xi32, #tpu.memory_space<vmem>> -> memref<1x125xi32, #tpu.memory_space<vmem>>
      %dma_start3A_262 = tpu.memref_squeeze %dma_start3A_261 : memref<1x125xi32, #tpu.memory_space<vmem>> -> memref<125xi32, #tpu.memory_space<vmem>>
      %dma_start3A_263 = arith.constant 0 : i32
      %dma_start3A_264 = arith.constant 0 : i32
      %dma_start3A_265 = tpu.memref_slice %arg7[%dma_start3A_263, %dma_start3A_264] : memref<50000x32xf32, #tpu.memory_space<vmem_shared>> -> memref<50000x32xf32, #tpu.memory_space<vmem_shared>>
      tpu.enqueue_indirect_dma source(%dma_start3A_265 : memref<50000x32xf32, #tpu.memory_space<vmem_shared>>) target(%dma_start3A_255 : memref<125x32xf32, #tpu.memory_space<vmem>>) offsets(%dma_start3A_262 : memref<125xi32, #tpu.memory_space<vmem>>) semaphore(%arg14 : memref<!tpu.dma_semaphore, #tpu.memory_space<semaphore_mem>>)
      %dma_wait3A_266 = arith.constant 1 : i32
      %dma_wait3A_267 = arith.constant 0 : i32
      %dma_wait3A_268 = arith.constant 1 : i32
      %dma_wait3A_269 = arith.constant 0 : i32
      %dma_wait3A_270 = arith.constant 0 : i32
      %dma_wait3A_271 = arith.constant 0 : i32
      %dma_wait3A_272 = arith.constant 0 : i32
      %dma_wait3A_273 = tpu.memref_slice %arg9[%dma_wait3A_268, %dma_wait3A_270, %dma_wait3A_271, %dma_wait3A_272] : memref<2x2x125x32xf32, #tpu.memory_space<vmem>> -> memref<1x2x125x32xf32, #tpu.memory_space<vmem>>
      %dma_wait3A_274 = tpu.memref_squeeze %dma_wait3A_273 : memref<1x2x125x32xf32, #tpu.memory_space<vmem>> -> memref<2x125x32xf32, #tpu.memory_space<vmem>>
      %dma_wait3A_275 = arith.constant 0 : i32
      %dma_wait3A_276 = arith.constant 0 : i32
      %dma_wait3A_277 = tpu.memref_slice %dma_wait3A_274[%dma_wait3A_269, %dma_wait3A_275, %dma_wait3A_276] : memref<2x125x32xf32, #tpu.memory_space<vmem>> -> memref<1x125x32xf32, #tpu.memory_space<vmem>>
      %dma_wait3A_278 = tpu.memref_squeeze %dma_wait3A_277 : memref<1x125x32xf32, #tpu.memory_space<vmem>> -> memref<125x32xf32, #tpu.memory_space<vmem>>
      %dma_wait3A_279 = arith.constant 0 : i32
      %dma_wait3A_280 = arith.constant 0 : i32
      %dma_wait3A_281 = tpu.memref_slice %arg8[%dma_wait3A_266, %dma_wait3A_279, %dma_wait3A_280] : memref<2x2x125xi32, #tpu.memory_space<vmem>> -> memref<1x2x125xi32, #tpu.memory_space<vmem>>
      %dma_wait3A_282 = tpu.memref_squeeze %dma_wait3A_281 : memref<1x2x125xi32, #tpu.memory_space<vmem>> -> memref<2x125xi32, #tpu.memory_space<vmem>>
      %dma_wait3A_283 = arith.constant 0 : i32
      %dma_wait3A_284 = tpu.memref_slice %dma_wait3A_282[%dma_wait3A_267, %dma_wait3A_283] : memref<2x125xi32, #tpu.memory_space<vmem>> -> memref<1x125xi32, #tpu.memory_space<vmem>>
      %dma_wait3A_285 = tpu.memref_squeeze %dma_wait3A_284 : memref<1x125xi32, #tpu.memory_space<vmem>> -> memref<125xi32, #tpu.memory_space<vmem>>
      %dma_wait3A_286 = arith.constant 0 : i32
      %dma_wait3A_287 = arith.constant 0 : i32
      %dma_wait3A_288 = tpu.memref_slice %arg7[%dma_wait3A_286, %dma_wait3A_287] : memref<50000x32xf32, #tpu.memory_space<vmem_shared>> -> memref<50000x32xf32, #tpu.memory_space<vmem_shared>>
      tpu.wait_indirect_dma semaphore(%arg14 : memref<!tpu.dma_semaphore, #tpu.memory_space<semaphore_mem>>) src(%dma_wait3A_288 : memref<50000x32xf32, #tpu.memory_space<vmem_shared>>) dst(%dma_wait3A_278 : memref<125x32xf32, #tpu.memory_space<vmem>>)
      %dma_wait3A_289 = arith.constant 1 : i32
      %dma_wait3A_290 = arith.constant 1 : i32
      %dma_wait3A_291 = arith.constant 1 : i32
      %dma_wait3A_292 = arith.constant 1 : i32
      %dma_wait3A_293 = arith.constant 0 : i32
      %dma_wait3A_294 = arith.constant 0 : i32
      %dma_wait3A_295 = arith.constant 0 : i32
      %dma_wait3A_296 = tpu.memref_slice %arg9[%dma_wait3A_291, %dma_wait3A_293, %dma_wait3A_294, %dma_wait3A_295] : memref<2x2x125x32xf32, #tpu.memory_space<vmem>> -> memref<1x2x125x32xf32, #tpu.memory_space<vmem>>
      %dma_wait3A_297 = tpu.memref_squeeze %dma_wait3A_296 : memref<1x2x125x32xf32, #tpu.memory_space<vmem>> -> memref<2x125x32xf32, #tpu.memory_space<vmem>>
      %dma_wait3A_298 = arith.constant 0 : i32
      %dma_wait3A_299 = arith.constant 0 : i32
      %dma_wait3A_300 = tpu.memref_slice %dma_wait3A_297[%dma_wait3A_292, %dma_wait3A_298, %dma_wait3A_299] : memref<2x125x32xf32, #tpu.memory_space<vmem>> -> memref<1x125x32xf32, #tpu.memory_space<vmem>>
      %dma_wait3A_301 = tpu.memref_squeeze %dma_wait3A_300 : memref<1x125x32xf32, #tpu.memory_space<vmem>> -> memref<125x32xf32, #tpu.memory_space<vmem>>
      %dma_wait3A_302 = arith.constant 0 : i32
      %dma_wait3A_303 = arith.constant 0 : i32
      %dma_wait3A_304 = tpu.memref_slice %arg8[%dma_wait3A_289, %dma_wait3A_302, %dma_wait3A_303] : memref<2x2x125xi32, #tpu.memory_space<vmem>> -> memref<1x2x125xi32, #tpu.memory_space<vmem>>
      %dma_wait3A_305 = tpu.memref_squeeze %dma_wait3A_304 : memref<1x2x125xi32, #tpu.memory_space<vmem>> -> memref<2x125xi32, #tpu.memory_space<vmem>>
      %dma_wait3A_306 = arith.constant 0 : i32
      %dma_wait3A_307 = tpu.memref_slice %dma_wait3A_305[%dma_wait3A_290, %dma_wait3A_306] : memref<2x125xi32, #tpu.memory_space<vmem>> -> memref<1x125xi32, #tpu.memory_space<vmem>>
      %dma_wait3A_308 = tpu.memref_squeeze %dma_wait3A_307 : memref<1x125xi32, #tpu.memory_space<vmem>> -> memref<125xi32, #tpu.memory_space<vmem>>
      %dma_wait3A_309 = arith.constant 0 : i32
      %dma_wait3A_310 = arith.constant 0 : i32
      %dma_wait3A_311 = tpu.memref_slice %arg7[%dma_wait3A_309, %dma_wait3A_310] : memref<50000x32xf32, #tpu.memory_space<vmem_shared>> -> memref<50000x32xf32, #tpu.memory_space<vmem_shared>>
      tpu.wait_indirect_dma semaphore(%arg14 : memref<!tpu.dma_semaphore, #tpu.memory_space<semaphore_mem>>) src(%dma_wait3A_311 : memref<50000x32xf32, #tpu.memory_space<vmem_shared>>) dst(%dma_wait3A_301 : memref<125x32xf32, #tpu.memory_space<vmem>>)
      %mul3A_312 = arith.constant 32 : i32
      %mul3A_313 = arith.muli %arg0, %mul3A_312 : i32
      %run_scoped3A_314 = arith.constant 1 : i32
      "tpu.region"() ({
        %run_scoped3A_315 = tpu.sem_alloc : memref<!tpu.dma_semaphore, #tpu.memory_space<semaphore_mem>>
        %dma_start3A_316 = arith.constant 0 : i32
        %dma_start3A_317 = arith.constant 0 : i32
        %dma_start3A_318 = arith.constant 0 : i32
        %dma_start3A_319 = tpu.memref_slice %arg9[%run_scoped3A_314, %dma_start3A_316, %dma_start3A_317, %dma_start3A_318] : memref<2x2x125x32xf32, #tpu.memory_space<vmem>> -> memref<1x2x125x32xf32, #tpu.memory_space<vmem>>
        %dma_start3A_320 = tpu.memref_squeeze %dma_start3A_319 : memref<1x2x125x32xf32, #tpu.memory_space<vmem>> -> memref<2x125x32xf32, #tpu.memory_space<vmem>>
        %dma_start3A_321 = arith.constant 0 : i32
        %dma_start3A_322 = tpu.memref_slice %arg6[%add3A_206, %dma_start3A_321, %mul3A_313] : memref<6400x125x64xf32, #tpu.memory_space<hbm>> -> memref<2x125x32xf32, #tpu.memory_space<hbm>>
        %dma_start3A_323 = arith.constant 0 : i32
        %dma_start3A_324 = tpu.memref_slice %arg6[%add3A_206, %dma_start3A_323, %mul3A_313] : memref<6400x125x64xf32, #tpu.memory_space<hbm>> -> memref<2x125x32xf32, #tpu.memory_space<hbm>>
        %dma_start3A_325 = arith.constant 0 : i32
        %dma_start3A_326 = arith.constant 0 : i32
        %dma_start3A_327 = arith.constant 0 : i32
        %dma_start3A_328 = tpu.memref_slice %arg9[%run_scoped3A_314, %dma_start3A_325, %dma_start3A_326, %dma_start3A_327] : memref<2x2x125x32xf32, #tpu.memory_space<vmem>> -> memref<1x2x125x32xf32, #tpu.memory_space<vmem>>
        %dma_start3A_329 = tpu.memref_squeeze %dma_start3A_328 : memref<1x2x125x32xf32, #tpu.memory_space<vmem>> -> memref<2x125x32xf32, #tpu.memory_space<vmem>>
        tpu.enqueue_dma source(%dma_start3A_329 : memref<2x125x32xf32, #tpu.memory_space<vmem>>) target(%dma_start3A_324 : memref<2x125x32xf32, #tpu.memory_space<hbm>>) target_semaphore(%run_scoped3A_315 : memref<!tpu.dma_semaphore, #tpu.memory_space<semaphore_mem>>)
        %dma_wait3A_330 = arith.constant 0 : i32
        %dma_wait3A_331 = arith.constant 0 : i32
        %dma_wait3A_332 = arith.constant 0 : i32
        %dma_wait3A_333 = tpu.memref_slice %arg9[%run_scoped3A_314, %dma_wait3A_330, %dma_wait3A_331, %dma_wait3A_332] : memref<2x2x125x32xf32, #tpu.memory_space<vmem>> -> memref<1x2x125x32xf32, #tpu.memory_space<vmem>>
        %dma_wait3A_334 = tpu.memref_squeeze %dma_wait3A_333 : memref<1x2x125x32xf32, #tpu.memory_space<vmem>> -> memref<2x125x32xf32, #tpu.memory_space<vmem>>
        %dma_wait3A_335 = arith.constant 0 : i32
        %dma_wait3A_336 = tpu.memref_slice %arg6[%add3A_206, %dma_wait3A_335, %mul3A_313] : memref<6400x125x64xf32, #tpu.memory_space<hbm>> -> memref<2x125x32xf32, #tpu.memory_space<hbm>>
        %dma_wait3A_337 = arith.constant 0 : i32
        %dma_wait3A_338 = tpu.memref_slice %arg6[%add3A_206, %dma_wait3A_337, %mul3A_313] : memref<6400x125x64xf32, #tpu.memory_space<hbm>> -> memref<2x125x32xf32, #tpu.memory_space<hbm>>
        %dma_wait3A_339 = arith.constant 0 : i32
        %dma_wait3A_340 = arith.constant 0 : i32
        %dma_wait3A_341 = arith.constant 0 : i32
        %dma_wait3A_342 = tpu.memref_slice %arg9[%run_scoped3A_314, %dma_wait3A_339, %dma_wait3A_340, %dma_wait3A_341] : memref<2x2x125x32xf32, #tpu.memory_space<vmem>> -> memref<1x2x125x32xf32, #tpu.memory_space<vmem>>
        %dma_wait3A_343 = tpu.memref_squeeze %dma_wait3A_342 : memref<1x2x125x32xf32, #tpu.memory_space<vmem>> -> memref<2x125x32xf32, #tpu.memory_space<vmem>>
        tpu.wait_dma2 semaphore(%run_scoped3A_315 : memref<!tpu.dma_semaphore, #tpu.memory_space<semaphore_mem>>) src(%dma_wait3A_343 : memref<2x125x32xf32, #tpu.memory_space<vmem>>) dst(%dma_wait3A_338 : memref<2x125x32xf32, #tpu.memory_space<hbm>>)
        tpu.yield
      }) : () -> ()
    }
    %scan3A_61 = arith.constant 100 : i32
    return
  }
}

module attributes {stable_mosaic.version = 14 : i64} {
  func.func @body(%arg0: i32, %arg1: memref<2000x39xf32, #tpu.memory_space<vmem>>, %arg2: memref<39x64xf32, #tpu.memory_space<vmem>>, %arg3: memref<39x64xf32, #tpu.memory_space<vmem>>, %arg4: memref<1x64xf32, #tpu.memory_space<vmem>>, %arg5: memref<2000x64xf32, #tpu.memory_space<vmem>>, %arg6: memref<2000x64xf32, #tpu.memory_space<vmem>>) attributes {dimension_semantics = [#tpu.dimension_semantics<arbitrary>], iteration_bounds = array<i64: 25>, scalar_prefetch = 0 : i64, scratch_operands = 0 : i64, tpu.core_type = #tpu.core_type<tc>, window_params = [{transform_indices = @transform_0, window_bounds = array<i64: 2000, 39>}, {pipeline_mode = #tpu.pipeline_mode<synchronous>, transform_indices = @transform_1, window_bounds = array<i64: 39, 64>}, {pipeline_mode = #tpu.pipeline_mode<synchronous>, transform_indices = @transform_2, window_bounds = array<i64: 39, 64>}, {pipeline_mode = #tpu.pipeline_mode<synchronous>, transform_indices = @transform_3, window_bounds = array<i64: 1, 64>}, {transform_indices = @transform_4, window_bounds = array<i64: 2000, 64>}, {transform_indices = @transform_5, window_bounds = array<i64: 2000, 64>}]} {
    %get3A = arith.constant 0 : index
    %get3A_0 = arith.constant 0 : index
    %get3A_1 = vector.load %arg1[%get3A, %get3A_0] : memref<2000x39xf32, #tpu.memory_space<vmem>>, vector<2000x39xf32>
    %get3A_2 = arith.constant 0 : index
    %get3A_3 = arith.constant 0 : index
    %get3A_4 = vector.load %arg2[%get3A_2, %get3A_3] : memref<39x64xf32, #tpu.memory_space<vmem>>, vector<39x64xf32>
    %dot_general3A = arith.constant dense<0.000000e+00> : vector<2000x64xf32>
    %dot_general3A_5 = tpu.matmul %get3A_1, %get3A_4, %dot_general3A {dimension_numbers = #tpu.dot_dimension_numbers<[1], [0], [0], [1], [0, 0, 1, 1], [], []>, transpose_lhs_hint = false} : vector<2000x39xf32>, vector<39x64xf32>, vector<2000x64xf32> -> vector<2000x64xf32>
    %swap3A = arith.constant 0 : index
    %swap3A_6 = arith.constant 0 : index
    %swap3A_7 = vector.load %arg5[%swap3A, %swap3A_6] : memref<2000x64xf32, #tpu.memory_space<vmem>>, vector<2000x64xf32>
    tpu.vector_store %arg5[%swap3A, %swap3A_6], %dot_general3A_5 {strides = array<i32>} : memref<2000x64xf32, #tpu.memory_space<vmem>>, vector<2000x64xf32>,
    %get3A_8 = arith.constant 0 : index
    %get3A_9 = arith.constant 0 : index
    %get3A_10 = vector.load %arg3[%get3A_8, %get3A_9] : memref<39x64xf32, #tpu.memory_space<vmem>>, vector<39x64xf32>
    %dot_general3A_11 = arith.constant dense<0.000000e+00> : vector<2000x64xf32>
    %dot_general3A_12 = tpu.matmul %get3A_1, %get3A_10, %dot_general3A_11 {dimension_numbers = #tpu.dot_dimension_numbers<[1], [0], [0], [1], [0, 0, 1, 1], [], []>, transpose_lhs_hint = false} : vector<2000x39xf32>, vector<39x64xf32>, vector<2000x64xf32> -> vector<2000x64xf32>
    %get3A_13 = arith.constant 0 : index
    %get3A_14 = arith.constant 0 : index
    %get3A_15 = vector.load %arg4[%get3A_13, %get3A_14] : memref<1x64xf32, #tpu.memory_space<vmem>>, vector<1x64xf32>
    %add3A = vector.broadcast %get3A_15 : vector<1x64xf32> to vector<2000x64xf32>
    %add3A_16 = arith.addf %dot_general3A_12, %add3A : vector<2000x64xf32>
    %swap3A_17 = arith.constant 0 : index
    %swap3A_18 = arith.constant 0 : index
    %swap3A_19 = vector.load %arg6[%swap3A_17, %swap3A_18] : memref<2000x64xf32, #tpu.memory_space<vmem>>, vector<2000x64xf32>
    tpu.vector_store %arg6[%swap3A_17, %swap3A_18], %add3A_16 {strides = array<i32>} : memref<2000x64xf32, #tpu.memory_space<vmem>>, vector<2000x64xf32>,
    return
  }
  func.func @transform_0(%arg0: i32) -> (i32, i32) {
    %c0_i32 = arith.constant 0 : i32
    %c0_i32_0 = arith.constant 0 : i32
    return %arg0, %c0_i32 : i32, i32
  }
  func.func @transform_1(%arg0: i32) -> (i32, i32) {
    %c0_i32 = arith.constant 0 : i32
    %c0_i32_0 = arith.constant 0 : i32
    %c0_i32_1 = arith.constant 0 : i32
    return %c0_i32, %c0_i32_0 : i32, i32
  }
  func.func @transform_2(%arg0: i32) -> (i32, i32) {
    %c0_i32 = arith.constant 0 : i32
    %c0_i32_0 = arith.constant 0 : i32
    %c0_i32_1 = arith.constant 0 : i32
    return %c0_i32, %c0_i32_0 : i32, i32
  }
  func.func @transform_3(%arg0: i32) -> (i32, i32) {
    %c0_i32 = arith.constant 0 : i32
    %c0_i32_0 = arith.constant 0 : i32
    %c0_i32_1 = arith.constant 0 : i32
    return %c0_i32, %c0_i32_0 : i32, i32
  }
  func.func @transform_4(%arg0: i32) -> (i32, i32) {
    %c0_i32 = arith.constant 0 : i32
    %c0_i32_0 = arith.constant 0 : i32
    return %arg0, %c0_i32 : i32, i32
  }
  func.func @transform_5(%arg0: i32) -> (i32, i32) {
    %c0_i32 = arith.constant 0 : i32
    %c0_i32_0 = arith.constant 0 : i32
    return %arg0, %c0_i32 : i32, i32
  }
}

module attributes {stable_mosaic.version = 14 : i64} {
  func.func @body(%arg0: i32, %arg1: memref<2000x128xf32, #tpu.memory_space<vmem>>, %arg2: memref<2000x22xf32, #tpu.memory_space<vmem>>, %arg3: memref<22x128xf32, #tpu.memory_space<vmem>>, %arg4: memref<2000x128xf32, #tpu.memory_space<vmem>>, %arg5: memref<2000x128xf32, #tpu.memory_space<vmem>>) attributes {dimension_semantics = [#tpu.dimension_semantics<arbitrary>], iteration_bounds = array<i64: 200>, scalar_prefetch = 0 : i64, scratch_operands = 0 : i64, tpu.core_type = #tpu.core_type<tc>, window_params = [{transform_indices = @transform_0, window_bounds = array<i64: 2000, 128>}, {transform_indices = @transform_1, window_bounds = array<i64: 2000, 22>}, {pipeline_mode = #tpu.pipeline_mode<synchronous>, transform_indices = @transform_2, window_bounds = array<i64: 22, 128>}, {transform_indices = @transform_3, window_bounds = array<i64: 2000, 128>}, {transform_indices = @transform_4, window_bounds = array<i64: 2000, 128>}]} {
    %get3A = arith.constant 0 : index
    %get3A_0 = arith.constant 0 : index
    %get3A_1 = vector.load %arg1[%get3A, %get3A_0] : memref<2000x128xf32, #tpu.memory_space<vmem>>, vector<2000x128xf32>
    %get3A_2 = arith.constant 0 : index
    %get3A_3 = arith.constant 0 : index
    %get3A_4 = vector.load %arg2[%get3A_2, %get3A_3] : memref<2000x22xf32, #tpu.memory_space<vmem>>, vector<2000x22xf32>
    %get3A_5 = arith.constant 0 : index
    %get3A_6 = arith.constant 0 : index
    %get3A_7 = vector.load %arg3[%get3A_5, %get3A_6] : memref<22x128xf32, #tpu.memory_space<vmem>>, vector<22x128xf32>
    %dot_general3A = arith.constant dense<0.000000e+00> : vector<2000x128xf32>
    %dot_general3A_8 = tpu.matmul %get3A_4, %get3A_7, %dot_general3A {dimension_numbers = #tpu.dot_dimension_numbers<[1], [0], [0], [1], [0, 0, 1, 1], [], []>, transpose_lhs_hint = false} : vector<2000x22xf32>, vector<22x128xf32>, vector<2000x128xf32> -> vector<2000x128xf32>
    %add3A = arith.addf %get3A_1, %dot_general3A_8 : vector<2000x128xf32>
    %swap3A = arith.constant 0 : index
    %swap3A_9 = arith.constant 0 : index
    %swap3A_10 = vector.load %arg4[%swap3A, %swap3A_9] : memref<2000x128xf32, #tpu.memory_space<vmem>>, vector<2000x128xf32>
    tpu.vector_store %arg4[%swap3A, %swap3A_9], %add3A {strides = array<i32>} : memref<2000x128xf32, #tpu.memory_space<vmem>>, vector<2000x128xf32>,
    %max3A = arith.constant 0.000000e+00 : f32
    %max3A_11 = vector.broadcast %max3A : f32 to vector<2000x128xf32>
    %max3A_12 = arith.maximumf %add3A, %max3A_11 : vector<2000x128xf32>
    %swap3A_13 = arith.constant 0 : index
    %swap3A_14 = arith.constant 0 : index
    %swap3A_15 = vector.load %arg5[%swap3A_13, %swap3A_14] : memref<2000x128xf32, #tpu.memory_space<vmem>>, vector<2000x128xf32>
    tpu.vector_store %arg5[%swap3A_13, %swap3A_14], %max3A_12 {strides = array<i32>} : memref<2000x128xf32, #tpu.memory_space<vmem>>, vector<2000x128xf32>,
    return
  }
  func.func @transform_0(%arg0: i32) -> (i32, i32) {
    %c0_i32 = arith.constant 0 : i32
    %c0_i32_0 = arith.constant 0 : i32
    return %arg0, %c0_i32 : i32, i32
  }
  func.func @transform_1(%arg0: i32) -> (i32, i32) {
    %c0_i32 = arith.constant 0 : i32
    %c0_i32_0 = arith.constant 0 : i32
    return %arg0, %c0_i32 : i32, i32
  }
  func.func @transform_2(%arg0: i32) -> (i32, i32) {
    %c0_i32 = arith.constant 0 : i32
    %c0_i32_0 = arith.constant 0 : i32
    %c0_i32_1 = arith.constant 0 : i32
    return %c0_i32, %c0_i32_0 : i32, i32
  }
  func.func @transform_3(%arg0: i32) -> (i32, i32) {
    %c0_i32 = arith.constant 0 : i32
    %c0_i32_0 = arith.constant 0 : i32
    return %arg0, %c0_i32 : i32, i32
  }
  func.func @transform_4(%arg0: i32) -> (i32, i32) {
    %c0_i32 = arith.constant 0 : i32
    %c0_i32_0 = arith.constant 0 : i32
    return %arg0, %c0_i32 : i32, i32
  }
}

module attributes {stable_mosaic.version = 14 : i64} {
  func.func @body(%arg0: i32, %arg1: memref<2000x128xf32, #tpu.memory_space<vmem>>, %arg2: memref<2000x128xf32, #tpu.memory_space<vmem>>, %arg3: memref<128x128xf32, #tpu.memory_space<vmem>>, %arg4: memref<2000x128xf32, #tpu.memory_space<vmem>>) attributes {dimension_semantics = [#tpu.dimension_semantics<arbitrary>], iteration_bounds = array<i64: 200>, scalar_prefetch = 0 : i64, scratch_operands = 0 : i64, tpu.core_type = #tpu.core_type<tc>, window_params = [{transform_indices = @transform_0, window_bounds = array<i64: 2000, 128>}, {transform_indices = @transform_1, window_bounds = array<i64: 2000, 128>}, {pipeline_mode = #tpu.pipeline_mode<synchronous>, transform_indices = @transform_2, window_bounds = array<i64: 128, 128>}, {transform_indices = @transform_3, window_bounds = array<i64: 2000, 128>}]} {
    %get3A = arith.constant 0 : index
    %get3A_0 = arith.constant 0 : index
    %get3A_1 = vector.load %arg1[%get3A, %get3A_0] : memref<2000x128xf32, #tpu.memory_space<vmem>>, vector<2000x128xf32>
    %max3A = arith.constant 0.000000e+00 : f32
    %max3A_2 = vector.broadcast %max3A : f32 to vector<2000x128xf32>
    %max3A_3 = arith.maximumf %get3A_1, %max3A_2 : vector<2000x128xf32>
    %slice3A = vector.extract_strided_slice %max3A_3 {offsets = [0, 64], sizes = [2000, 64], strides = [1, 1]} : vector<2000x128xf32> to vector<2000x64xf32>
    %slice3A_4 = vector.extract_strided_slice %max3A_3 {offsets = [0, 0], sizes = [2000, 64], strides = [1, 1]} : vector<2000x128xf32> to vector<2000x64xf32>
    %concatenate3A = tpu.concatenate %slice3A, %slice3A_4 in 1 : vector<2000x64xf32>, vector<2000x64xf32> -> vector<2000x128xf32>
    %get3A_5 = arith.constant 0 : index
    %get3A_6 = arith.constant 0 : index
    %get3A_7 = vector.load %arg2[%get3A_5, %get3A_6] : memref<2000x128xf32, #tpu.memory_space<vmem>>, vector<2000x128xf32>
    %sub3A = arith.subf %get3A_7, %concatenate3A : vector<2000x128xf32>
    %get3A_8 = arith.constant 0 : index
    %get3A_9 = arith.constant 0 : index
    %get3A_10 = vector.load %arg3[%get3A_8, %get3A_9] : memref<128x128xf32, #tpu.memory_space<vmem>>, vector<128x128xf32>
    %dot_general3A = arith.constant dense<0.000000e+00> : vector<2000x128xf32>
    %dot_general3A_11 = tpu.matmul %sub3A, %get3A_10, %dot_general3A {dimension_numbers = #tpu.dot_dimension_numbers<[1], [0], [0], [1], [0, 0, 1, 1], [], []>, transpose_lhs_hint = false} : vector<2000x128xf32>, vector<128x128xf32>, vector<2000x128xf32> -> vector<2000x128xf32>
    %add3A = arith.addf %get3A_1, %dot_general3A_11 : vector<2000x128xf32>
    %max3A_12 = arith.constant 0.000000e+00 : f32
    %max3A_13 = vector.broadcast %max3A_12 : f32 to vector<2000x128xf32>
    %max3A_14 = arith.maximumf %add3A, %max3A_13 : vector<2000x128xf32>
    %swap3A = arith.constant 0 : index
    %swap3A_15 = arith.constant 0 : index
    %swap3A_16 = vector.load %arg4[%swap3A, %swap3A_15] : memref<2000x128xf32, #tpu.memory_space<vmem>>, vector<2000x128xf32>
    tpu.vector_store %arg4[%swap3A, %swap3A_15], %max3A_14 {strides = array<i32>} : memref<2000x128xf32, #tpu.memory_space<vmem>>, vector<2000x128xf32>,
    return
  }
  func.func @transform_0(%arg0: i32) -> (i32, i32) {
    %c0_i32 = arith.constant 0 : i32
    %c0_i32_0 = arith.constant 0 : i32
    return %arg0, %c0_i32 : i32, i32
  }
  func.func @transform_1(%arg0: i32) -> (i32, i32) {
    %c0_i32 = arith.constant 0 : i32
    %c0_i32_0 = arith.constant 0 : i32
    return %arg0, %c0_i32 : i32, i32
  }
  func.func @transform_2(%arg0: i32) -> (i32, i32) {
    %c0_i32 = arith.constant 0 : i32
    %c0_i32_0 = arith.constant 0 : i32
    %c0_i32_1 = arith.constant 0 : i32
    return %c0_i32, %c0_i32_0 : i32, i32
  }
  func.func @transform_3(%arg0: i32) -> (i32, i32) {
    %c0_i32 = arith.constant 0 : i32
    %c0_i32_0 = arith.constant 0 : i32
    return %arg0, %c0_i32 : i32, i32
  }
}

module attributes {stable_mosaic.version = 14 : i64} {
  func.func @body(%arg0: i32, %arg1: memref<2000x128xf32, #tpu.memory_space<vmem>>, %arg2: memref<2000x128xf32, #tpu.memory_space<vmem>>, %arg3: memref<2000x128xf32, #tpu.memory_space<vmem>>, %arg4: memref<128x128xf32, #tpu.memory_space<vmem>>, %arg5: memref<2000x128xf32, #tpu.memory_space<vmem>>) attributes {dimension_semantics = [#tpu.dimension_semantics<arbitrary>], iteration_bounds = array<i64: 200>, scalar_prefetch = 0 : i64, scratch_operands = 0 : i64, tpu.core_type = #tpu.core_type<tc>, window_params = [{transform_indices = @transform_0, window_bounds = array<i64: 2000, 128>}, {transform_indices = @transform_1, window_bounds = array<i64: 2000, 128>}, {transform_indices = @transform_2, window_bounds = array<i64: 2000, 128>}, {pipeline_mode = #tpu.pipeline_mode<synchronous>, transform_indices = @transform_3, window_bounds = array<i64: 128, 128>}, {transform_indices = @transform_4, window_bounds = array<i64: 2000, 128>}]} {
    %get3A = arith.constant 0 : index
    %get3A_0 = arith.constant 0 : index
    %get3A_1 = vector.load %arg3[%get3A, %get3A_0] : memref<2000x128xf32, #tpu.memory_space<vmem>>, vector<2000x128xf32>
    %get3A_2 = arith.constant 0 : index
    %get3A_3 = arith.constant 0 : index
    %get3A_4 = vector.load %arg1[%get3A_2, %get3A_3] : memref<2000x128xf32, #tpu.memory_space<vmem>>, vector<2000x128xf32>
    %slice3A = vector.extract_strided_slice %get3A_1 {offsets = [0, 64], sizes = [2000, 64], strides = [1, 1]} : vector<2000x128xf32> to vector<2000x64xf32>
    %slice3A_5 = vector.extract_strided_slice %get3A_1 {offsets = [0, 0], sizes = [2000, 64], strides = [1, 1]} : vector<2000x128xf32> to vector<2000x64xf32>
    %concatenate3A = tpu.concatenate %slice3A, %slice3A_5 in 1 : vector<2000x64xf32>, vector<2000x64xf32> -> vector<2000x128xf32>
    %get3A_6 = arith.constant 0 : index
    %get3A_7 = arith.constant 0 : index
    %get3A_8 = vector.load %arg2[%get3A_6, %get3A_7] : memref<2000x128xf32, #tpu.memory_space<vmem>>, vector<2000x128xf32>
    %sub3A = arith.subf %get3A_8, %concatenate3A : vector<2000x128xf32>
    %get3A_9 = arith.constant 0 : index
    %get3A_10 = arith.constant 0 : index
    %get3A_11 = vector.load %arg4[%get3A_9, %get3A_10] : memref<128x128xf32, #tpu.memory_space<vmem>>, vector<128x128xf32>
    %dot_general3A = arith.constant dense<0.000000e+00> : vector<2000x128xf32>
    %dot_general3A_12 = tpu.matmul %sub3A, %get3A_11, %dot_general3A {dimension_numbers = #tpu.dot_dimension_numbers<[1], [0], [0], [1], [0, 0, 1, 1], [], []>, transpose_lhs_hint = false} : vector<2000x128xf32>, vector<128x128xf32>, vector<2000x128xf32> -> vector<2000x128xf32>
    %add3A = arith.addf %get3A_4, %dot_general3A_12 : vector<2000x128xf32>
    %max3A = arith.constant 0.000000e+00 : f32
    %max3A_13 = vector.broadcast %max3A : f32 to vector<2000x128xf32>
    %max3A_14 = arith.maximumf %add3A, %max3A_13 : vector<2000x128xf32>
    %swap3A = arith.constant 0 : index
    %swap3A_15 = arith.constant 0 : index
    %swap3A_16 = vector.load %arg5[%swap3A, %swap3A_15] : memref<2000x128xf32, #tpu.memory_space<vmem>>, vector<2000x128xf32>
    tpu.vector_store %arg5[%swap3A, %swap3A_15], %max3A_14 {strides = array<i32>} : memref<2000x128xf32, #tpu.memory_space<vmem>>, vector<2000x128xf32>,
    return
  }
  func.func @transform_0(%arg0: i32) -> (i32, i32) {
    %c0_i32 = arith.constant 0 : i32
    %c0_i32_0 = arith.constant 0 : i32
    return %arg0, %c0_i32 : i32, i32
  }
  func.func @transform_1(%arg0: i32) -> (i32, i32) {
    %c0_i32 = arith.constant 0 : i32
    %c0_i32_0 = arith.constant 0 : i32
    return %arg0, %c0_i32 : i32, i32
  }
  func.func @transform_2(%arg0: i32) -> (i32, i32) {
    %c0_i32 = arith.constant 0 : i32
    %c0_i32_0 = arith.constant 0 : i32
    return %arg0, %c0_i32 : i32, i32
  }
  func.func @transform_3(%arg0: i32) -> (i32, i32) {
    %c0_i32 = arith.constant 0 : i32
    %c0_i32_0 = arith.constant 0 : i32
    %c0_i32_1 = arith.constant 0 : i32
    return %c0_i32, %c0_i32_0 : i32, i32
  }
  func.func @transform_4(%arg0: i32) -> (i32, i32) {
    %c0_i32 = arith.constant 0 : i32
    %c0_i32_0 = arith.constant 0 : i32
    return %arg0, %c0_i32 : i32, i32
  }
}

module attributes {stable_mosaic.version = 14 : i64} {
  func.func @body(%arg0: i32, %arg1: memref<2000x64xf32, #tpu.memory_space<vmem>>, %arg2: memref<2000x64xf32, #tpu.memory_space<vmem>>, %arg3: memref<2000x1xi32, #tpu.memory_space<vmem>>, %arg4: memref<64x64xf32, #tpu.memory_space<vmem>>, %arg5: memref<512x64xf32, #tpu.memory_space<vmem>>, %arg6: memref<512x128xf32, #tpu.memory_space<vmem>>) attributes {dimension_semantics = [#tpu.dimension_semantics<arbitrary>], iteration_bounds = array<i64: 25>, scalar_prefetch = 0 : i64, scratch_operands = 1 : i64, tpu.core_type = #tpu.core_type<tc>, window_params = [{transform_indices = @transform_0, window_bounds = array<i64: 2000, 64>}, {transform_indices = @transform_1, window_bounds = array<i64: 2000, 64>}, {transform_indices = @transform_2, window_bounds = array<i64: 2000, 1>}, {pipeline_mode = #tpu.pipeline_mode<synchronous>, transform_indices = @transform_3, window_bounds = array<i64: 64, 64>}, {pipeline_mode = #tpu.pipeline_mode<synchronous>, transform_indices = @transform_4, window_bounds = array<i64: 512, 64>}]} {
    %eq3A = arith.constant 0 : i32
    %eq3A_0 = arith.cmpi eq, %arg0, %eq3A : i32
    %convert_element_type3A = arith.extui %eq3A_0 : i1 to i32
    %cond3A = arith.constant 0 : i32
    %cond3A_1 = arith.cmpi ne, %convert_element_type3A, %cond3A : i32
    scf.if %cond3A_1 {
      %broadcast_in_dim3A_36 = arith.constant 0.000000e+00 : f32
      %broadcast_in_dim3A_37 = vector.broadcast %broadcast_in_dim3A_36 : f32 to vector<512x128xf32>
      %swap3A_38 = arith.constant 0 : index
      %swap3A_39 = arith.constant 0 : index
      %swap3A_40 = vector.load %arg6[%swap3A_38, %swap3A_39] : memref<512x128xf32, #tpu.memory_space<vmem>>, vector<512x128xf32>
      tpu.vector_store %arg6[%swap3A_38, %swap3A_39], %broadcast_in_dim3A_37 {strides = array<i32>} : memref<512x128xf32, #tpu.memory_space<vmem>>, vector<512x128xf32>,
    } else {
    }
    %get3A = arith.constant 0 : index
    %get3A_2 = arith.constant 0 : index
    %get3A_3 = vector.load %arg1[%get3A, %get3A_2] : memref<2000x64xf32, #tpu.memory_space<vmem>>, vector<2000x64xf32>
    %get3A_4 = arith.constant 0 : index
    %get3A_5 = arith.constant 0 : index
    %get3A_6 = vector.load %arg2[%get3A_4, %get3A_5] : memref<2000x64xf32, #tpu.memory_space<vmem>>, vector<2000x64xf32>
    %get3A_7 = arith.constant 0 : index
    %get3A_8 = arith.constant 0 : index
    %get3A_9 = vector.load %arg4[%get3A_7, %get3A_8] : memref<64x64xf32, #tpu.memory_space<vmem>>, vector<64x64xf32>
    %dot_general3A = arith.constant dense<0.000000e+00> : vector<2000x64xf32>
    %dot_general3A_10 = tpu.matmul %get3A_6, %get3A_9, %dot_general3A {dimension_numbers = #tpu.dot_dimension_numbers<[1], [0], [0], [1], [0, 0, 1, 1], [], []>, transpose_lhs_hint = false} : vector<2000x64xf32>, vector<64x64xf32>, vector<2000x64xf32> -> vector<2000x64xf32>
    %add3A = arith.addf %get3A_3, %dot_general3A_10 : vector<2000x64xf32>
    %max3A = arith.constant 0.000000e+00 : f32
    %max3A_11 = vector.broadcast %max3A : f32 to vector<2000x64xf32>
    %max3A_12 = arith.maximumf %add3A, %max3A_11 : vector<2000x64xf32>
    %broadcast_in_dim3A = arith.constant 1.000000e+00 : f32
    %broadcast_in_dim3A_13 = vector.broadcast %broadcast_in_dim3A : f32 to vector<2000x1xf32>
    %broadcast_in_dim3A_14 = arith.constant 0.000000e+00 : f32
    %broadcast_in_dim3A_15 = vector.broadcast %broadcast_in_dim3A_14 : f32 to vector<2000x63xf32>
    %concatenate3A = tpu.concatenate %max3A_12, %broadcast_in_dim3A_13, %broadcast_in_dim3A_15 in 1 : vector<2000x64xf32>, vector<2000x1xf32>, vector<2000x63xf32> -> vector<2000x128xf32>
    %get3A_16 = arith.constant 0 : index
    %get3A_17 = arith.constant 0 : index
    %get3A_18 = vector.load %arg3[%get3A_16, %get3A_17] : memref<2000x1xi32, #tpu.memory_space<vmem>>, vector<2000x1xi32>
    %iota3A = tpu.iota {dimensions = array<i32: 1>} : vector<2000x512xi32>
    %eq3A_19 = vector.broadcast %get3A_18 : vector<2000x1xi32> to vector<2000x512xi32>
    %eq3A_20 = arith.cmpi eq, %eq3A_19, %iota3A : vector<2000x512xi32>
    %convert_element_type3A_21 = arith.extui %eq3A_20 : vector<2000x512xi1> to vector<2000x512xi32>
    %convert_element_type3A_22 = arith.sitofp %convert_element_type3A_21 : vector<2000x512xi32> to vector<2000x512xf32>
    %get3A_23 = arith.constant 0 : index
    %get3A_24 = arith.constant 0 : index
    %get3A_25 = vector.load %arg6[%get3A_23, %get3A_24] : memref<512x128xf32, #tpu.memory_space<vmem>>, vector<512x128xf32>
    %dot_general3A_26 = arith.constant dense<0.000000e+00> : vector<512x128xf32>
    %dot_general3A_27 = tpu.matmul %convert_element_type3A_22, %concatenate3A, %dot_general3A_26 {dimension_numbers = #tpu.dot_dimension_numbers<[0], [0], [1], [1], [0, 1, 1, 1], [], []>, transpose_lhs_hint = false} : vector<2000x512xf32>, vector<2000x128xf32>, vector<512x128xf32> -> vector<512x128xf32>
    %add3A_28 = arith.addf %get3A_25, %dot_general3A_27 : vector<512x128xf32>
    %swap3A = arith.constant 0 : index
    %swap3A_29 = arith.constant 0 : index
    %swap3A_30 = vector.load %arg6[%swap3A, %swap3A_29] : memref<512x128xf32, #tpu.memory_space<vmem>>, vector<512x128xf32>
    tpu.vector_store %arg6[%swap3A, %swap3A_29], %add3A_28 {strides = array<i32>} : memref<512x128xf32, #tpu.memory_space<vmem>>, vector<512x128xf32>,
    %eq3A_31 = arith.constant 24 : i32
    %eq3A_32 = arith.cmpi eq, %arg0, %eq3A_31 : i32
    %convert_element_type3A_33 = arith.extui %eq3A_32 : i1 to i32
    %cond3A_34 = arith.constant 0 : i32
    %cond3A_35 = arith.cmpi ne, %convert_element_type3A_33, %cond3A_34 : i32
    scf.if %cond3A_35 {
      %get3A_36 = arith.constant 0 : index
      %get3A_37 = arith.constant 0 : index
      %get3A_38 = vector.load %arg6[%get3A_36, %get3A_37] : memref<512x128xf32, #tpu.memory_space<vmem>>, vector<512x128xf32>
      %slice3A = vector.extract_strided_slice %get3A_38 {offsets = [0, 0], sizes = [512, 64], strides = [1, 1]} : vector<512x128xf32> to vector<512x64xf32>
      %slice3A_39 = vector.extract_strided_slice %get3A_38 {offsets = [0, 64], sizes = [512, 1], strides = [1, 1]} : vector<512x128xf32> to vector<512x1xf32>
      %max3A_40 = arith.constant 1.000000e+00 : f32
      %max3A_41 = vector.broadcast %max3A_40 : f32 to vector<512x1xf32>
      %max3A_42 = arith.maximumf %slice3A_39, %max3A_41 : vector<512x1xf32>
      %div3A = vector.broadcast %max3A_42 : vector<512x1xf32> to vector<512x64xf32>
      %div3A_43 = arith.divf %slice3A, %div3A : vector<512x64xf32>
      %swap3A_44 = arith.constant 0 : index
      %swap3A_45 = arith.constant 0 : index
      %swap3A_46 = vector.load %arg5[%swap3A_44, %swap3A_45] : memref<512x64xf32, #tpu.memory_space<vmem>>, vector<512x64xf32>
      tpu.vector_store %arg5[%swap3A_44, %swap3A_45], %div3A_43 {strides = array<i32>} : memref<512x64xf32, #tpu.memory_space<vmem>>, vector<512x64xf32>,
    } else {
    }
    return
  }
  func.func @transform_0(%arg0: i32) -> (i32, i32) {
    %c0_i32 = arith.constant 0 : i32
    %c0_i32_0 = arith.constant 0 : i32
    return %arg0, %c0_i32 : i32, i32
  }
  func.func @transform_1(%arg0: i32) -> (i32, i32) {
    %c0_i32 = arith.constant 0 : i32
    %c0_i32_0 = arith.constant 0 : i32
    return %arg0, %c0_i32 : i32, i32
  }
  func.func @transform_2(%arg0: i32) -> (i32, i32) {
    %c0_i32 = arith.constant 0 : i32
    %c0_i32_0 = arith.constant 0 : i32
    return %arg0, %c0_i32 : i32, i32
  }
  func.func @transform_3(%arg0: i32) -> (i32, i32) {
    %c0_i32 = arith.constant 0 : i32
    %c0_i32_0 = arith.constant 0 : i32
    %c0_i32_1 = arith.constant 0 : i32
    return %c0_i32, %c0_i32_0 : i32, i32
  }
  func.func @transform_4(%arg0: i32) -> (i32, i32) {
    %c0_i32 = arith.constant 0 : i32
    %c0_i32_0 = arith.constant 0 : i32
    %c0_i32_1 = arith.constant 0 : i32
    return %c0_i32, %c0_i32_0 : i32, i32
  }
}

</mosaic_0001>

<sc_bundles>
// kernel: kernel.11.cloned.1.call-start
scs
__scs_entry_jumppad:
0x0: {  	(pc) =	sbr.rel $0x88, $3  }
0x1: {  	(tag) =	ssettag $0x0;
	lr =	simm.s32 $0x1  }
0x2: {  	[smem:$0x3F99] =	sst lr;
	_ =	strace $0xD0000000  }
0x3: {  	_ = 	snop  }
0x4: {  	_ = 	snop  }
0x5: {  	_ = 	snop  }
0x6: {  	_ = 	snop  }
0x7: {  	_ = 	snop  }
__scs_overlays_trampoline_lowered:
0x8: {  	[smem:$0x3FA8] =	sst s0  }
0x9: {  	[smem:$0x3FA9] =	sst s1  }
0xa: {  	[smem:$0x3FAA] =	sst s2  }
0xb: {  	[smem:$0x3FAB] =	sst s3  }
0xc: {  	[smem:$0x3FAC] =	sst s4  }
0xd: {  	[smem:$0x3FAD] =	sst s5  }
0xe: {  	[smem:$0x3FAE] =	sst s6  }
0xf: {  	[smem:$0x3FAF] =	sst s7  }
0x10: {  	[smem:$0x3FB0] =	sst s8  }
0x11: {  	[smem:$0x3FB1] =	sst s9;
	s0 =	simm.s32 @!p0 $0x0  }
0x12: {  	s1 =	sld [smem:$0x3F97];
	s0 =	simm.s32 @p0 $0x1  }
0x13: {  	[smem:$0x3FB2] =	sst s0;
	s0 =	simm.s32 @!p1 $0x0  }
0x14: {  	s2 =	sld [smem:$0x3F96];
	s0 =	simm.s32 @p1 $0x1  }
0x15: {  	[smem:$0x3FB3] =	sst s0;
	s0 =	simm.s32 @!p2 $0x0  }
0x16: {  	s3 =	sld [smem:$0x3FDB];
	s0 =	simm.s32 @p2 $0x1  }
0x17: {  	s4 =	simm.s32 $0x1BF5;
	[smem:$0x3FB5] =	sst s0  }
0x18: {  	s0 =	sld [smem:$0x3F98];
	_ =	swait.ge [sflag:s4], $0x0  }
0x19: {  	s7 =	sld [smem:$0x3F99]  }
0x1a: {  	s8 =	sadd.s32 $0xFFFFE003, lr  }
0x1b: {  	s9 =	sadd.s32 $0xFFFFFEF7, lr;
	s5 =	simm.s32 $0xFFFFFFFF;
	p2 =	slt.u32 s8, $0xFFFFF086  }
0x1c: {  	p1 =	slt.u32 s9, $0xF7A;
	s5 =	simm.s32 @!p2 $0x0  }
0x1d: {  	s5 =	simm.s32 @p1 $0x1;
	p0 =	seq.s32 s7, s2  }
0x1e: {  	s7 =	smul.u32 @!p0 $0xF7A, s2;
	p2 =	seq.s32 @!p0 s5, $0x0  }
0x1f: {  	s9 =	smul.u32 $0xF7A, s1;
	s8 =	simm.s32 @!p0 $0x1BF5;
	p2 =	por !p2, p0  }
0x20: {  	[sflag:s8] =	ssyncset.s32 @!p0 $0xFFFFF086;
	s6 =	sadd.s32 @!p0 s3, s7;
	s7 =	simm.s32 @!p0 $0x108  }
0x21: {  	s3 =	sadd.s32 s3, s9;
	s6 =	sadd.s32 @!p0 $0x88, s6;
	s7 =	simm.s32 @p2 $0x1082  }
0x22: {  	[simem:s7], [sflag:s8] =	dma.local @!p0 [hbm:s6], $0xF7A  }
0x23: {  	s9 =	sor.u32 $0xD0000000, s2;
	s6 =	simm.s32 $0x108;
	_ =	swait.ge @!p0 [sflag:s8], $0x0  }
0x24: {  	s3 =	sadd.s32 $0x88, s3;
	s6 =	simm.s32 @!p1 $0x1082;
	[sflag:s4] =	ssyncset.s32 $0xFFFFF086  }
0x25: {  	[simem:s6], [sflag:s4] =	dma.local [hbm:s3], $0xF7A  }
0x26: {  	[smem:$0x3F99] =	sst s1;
	(tag) =	ssettag s2;
	_ =	strace s9  }
0x27: {  	s1 =	sld [smem:$0x3FA9]  }
0x28: {  	s2 =	sld [smem:$0x3FAA]  }
0x29: {  	s4 =	sld [smem:$0x3FAC]  }
0x2a: {  	p0 =	seq.s32 s5, $0x0;
	s5 =	sld [smem:$0x3FAD]  }
0x2b: {  	s6 =	sld [smem:$0x3FAE]  }
0x2c: {  	s7 =	sld [smem:$0x3FAF]  }
0x2d: {  	s3 =	simm.s32 $0x108;
	s8 =	sld [smem:$0x3FB0]  }
0x2e: {  	s3 =	simm.s32 @!p0 $0x1082;
	s9 =	sld [smem:$0x3FB1]  }
0x2f: {  	lr =	sadd.s32 s0, s3;
	s0 =	sld [smem:$0x3FA8]  }
0x30: {  	s3 =	sld [smem:$0x3FAB]  }
0x31: {  	[smem:$0x3FB4] =	sst s10  }
0x32: {  	s10 =	sld [smem:$0x3FB2];
	_ =	sdelay $0x3  }
0x33: {  	p0 =	seq.s32 s10, $0x1;
	s10 =	sld [smem:$0x3FB4];
	_ =	sdelay $0x3  }
0x34: {  	[smem:$0x3FB4] =	sst s10  }
0x35: {  	s10 =	sld [smem:$0x3FB3];
	_ =	sdelay $0x3  }
0x36: {  	p1 =	seq.s32 s10, $0x1;
	s10 =	sld [smem:$0x3FB4];
	_ =	sdelay $0x3  }
0x37: {  	[smem:$0x3FB4] =	sst s10  }
0x38: {  	s10 =	sld [smem:$0x3FB5]  }
0x39: {  	_ = 	snop;
	(pc) =	sbr.ind lr, $3  }
0x3a: {  	_ = 	snop  }
0x3b: {  	_ = 	snop  }
0x3c: {  	p2 =	seq.s32 s10, $0x1;
	s10 =	sld [smem:$0x3FB4]  }
0x3d: {  	_ =	shalt  }
0x3e: {  	_ =	shalt  }
0x3f: {  	_ =	shalt  }
0x40: {  	_ =	shalt  }
0x41: {  	_ =	shalt  }
0x42: {  	_ =	shalt  }
0x43: {  	_ =	shalt  }
0x44: {  	_ =	shalt  }
0x45: {  	_ =	shalt  }
0x46: {  	_ =	shalt  }
0x47: {  	_ =	shalt  }
0x48: {  	_ =	shalt  }
0x49: {  	_ =	shalt  }
0x4a: {  	_ =	shalt  }
0x4b: {  	_ =	shalt  }
0x4c: {  	_ =	shalt  }
0x4d: {  	_ =	shalt  }
0x4e: {  	_ =	shalt  }
0x4f: {  	_ =	shalt  }
0x50: {  	_ =	shalt  }
0x51: {  	_ =	shalt  }
0x52: {  	_ =	shalt  }
0x53: {  	_ =	shalt  }
0x54: {  	_ =	shalt  }
0x55: {  	_ =	shalt  }
0x56: {  	_ =	shalt  }
0x57: {  	_ =	shalt  }
0x58: {  	_ =	shalt  }
0x59: {  	_ =	shalt  }
0x5a: {  	_ =	shalt  }
0x5b: {  	_ =	shalt  }
0x5c: {  	_ =	shalt  }
0x5d: {  	_ =	shalt  }
0x5e: {  	_ =	shalt  }
0x5f: {  	_ =	shalt  }
0x60: {  	_ =	shalt  }
0x61: {  	_ =	shalt  }
0x62: {  	_ =	shalt  }
0x63: {  	_ =	shalt  }
0x64: {  	_ =	shalt  }
0x65: {  	_ =	shalt  }
0x66: {  	_ =	shalt  }
0x67: {  	_ =	shalt  }
0x68: {  	_ =	shalt  }
0x69: {  	_ =	shalt  }
0x6a: {  	_ =	shalt  }
0x6b: {  	_ =	shalt  }
0x6c: {  	_ =	shalt  }
0x6d: {  	_ =	shalt  }
0x6e: {  	_ =	shalt  }
0x6f: {  	_ =	shalt  }
0x70: {  	_ =	shalt  }
0x71: {  	_ =	shalt  }
0x72: {  	_ =	shalt  }
0x73: {  	_ =	shalt  }
0x74: {  	_ =	shalt  }
0x75: {  	_ =	shalt  }
0x76: {  	_ =	shalt  }
0x77: {  	_ =	shalt  }
0x78: {  	_ =	shalt  }
0x79: {  	_ =	shalt  }
0x7a: {  	_ =	shalt  }
0x7b: {  	_ =	shalt  }
0x7c: {  	_ =	shalt  }
0x7d: {  	_ =	shalt  }
0x7e: {  	_ =	shalt  }
0x7f: {  	_ =	shalt  }
0x80: {  	_ =	shalt  }
0x81: {  	_ =	shalt  }
0x82: {  	_ =	shalt  }
0x83: {  	_ =	shalt  }
0x84: {  	_ =	shalt  }
0x85: {  	_ =	shalt  }
0x86: {  	_ =	shalt  }
0x87: {  	_ =	shalt  }
.Lfunc_end0:
.L_simem_size_0:
called_computation_lowered:
.L_overlay_start_0:
0x88: {  	s2 =	sld [smem:$0x3FD9]  }
0x89: {  	s3 =	sld [smem:$0x3FFE];
	_ =	sdelay $0x1  }
0x8a: {  	s1 =	srdreg.scid  }
0x8b: {  	s0 =	sand.u32 $0x1, s1  }
0x8c: {  	s16 =	sshll.u32 s0, $0xA;
	s2 =	sadd.s32 s3, s2  }
0x8d: {  	s2 =	sadd.s32 s2, s16  }
0x8e: {  	[smem:$0x3FC0] =	sst s2  }
0x8f: {  	_ = 	snop  }
0x90: {  	(tm) =	ssettm $0x1  }
0x91: {  	s17 =	sld [smem:$0x3FFB];
	_ =	sdelay $0x3  }
0x92: {  	_ =	strace s17  }
0x93: {  	s2 =	sld [smem:$0x3FFC];
	_ =	sdelay $0x3  }
0x94: {  	_ =	strace s2  }
0x95: {  	s2 =	sld [smem:$0x3FFD];
	_ =	sdelay $0x3  }
0x96: {  	_ =	strace s2  }
0x97: {  	_ =	strace $0x8FFFFFFF  }
0x98: {  	s18 =	sld [smem:$0x3FDB];
	_ =	sdelay $0x1  }
0x99: {  	s19 =	simm.s32 $_scs_section_size  }
0x9a: {  	s4 =	simm.s32 $_size__tile_overlayer_lowered;
	s5 =	simm.s32 $_tile_overlayer_lowered  }
0x9b: {  	s22 =	simm.s32 $0x1BFF;
	s21 =	sshll.u32 s5, $0x1;
	s2 =	sadd.s32 s19, s18  }
0x9c: {  	s6 =	simm.s32 $0x0;
	s20 =	sshll.u32 s4, $0x1;
	s4 =	sadd.s32 s21, s2  }
0x9d: {  	[timem:s6], [sflag:s22] =	dma.local [hbm:s4], s20  }
0x9e: {  	_ =	swait.ge [sflag:s22], s20  }
0x9f: {  	s3 =	ssub.s32 $0x0, s20;
	[sflag:s22] =	ssyncset.done $0x0  }
0xa0: {  	[sflag:s22] =	ssyncadd.s32 s3;
	_ =	sdelay $0x1  }
0xa1: {  	s23 =	simm.s32 $0x1B8B  }
0xa2: {  	_ =	swait.ge [sflag:s23], $0x1  }
0xa3: {  	[sflag:s23] =	ssyncset.done $0x0  }
0xa4: {  	s25 =	simm.s32 $0x1B8E;
	s24 =	sld [smem:$0x3FFE];
	[sflag:s23] =	ssyncadd.s32 $0xFFFFFFFF  }
0xa5: {  	s26 =	simm.s32 $execute0_lowered;
	[smem:$0x3FD2] =	sst s25  }
0xa6: {  	s4 =	sshll.u32 s26, $0x1;
	_ =	strace $0x80000046;
	[dreg:$0x1] =	wrdreg $0xFFFFFFFF  }
0xa7: {  	s28 =	simm.s32 $_size_execute0_lowered;
	s2 =	sadd.s32 s2, s4;
	[dreg:$0x0] =	wrdreg $0x0  }
0xa8: {  	s4 =	sshll.u32 s28, $0x1;
	[dreg:$0x2] =	wrdreg s2  }
0xa9: {  	[dreg:$0x3] =	wrdreg s4  }
0xaa: {  	[dreg:$0x4] =	wrdreg $0xC0  }
0xab: {  	_ =	task [dreg:s6], $0x5FFFF  }
0xac: {  	[dreg:$0x1] =	wrdreg $0xFFFFFFFF  }
0xad: {  	[dreg:$0x0] =	wrdreg $0x60  }
0xae: {  	[dreg:$0x2] =	wrdreg s24  }
0xaf: {  	[dreg:$0x3] =	wrdreg $0x0  }
0xb0: {  	[dreg:$0x4] =	wrdreg $0x9  }
0xb1: {  	_ =	task.clear_ibuf [dreg:s6], $0x5FFFF;
	_ =	strace $0x90000046  }
0xb2: {  	s29 =	simm.s32 $0x9;
	_ =	strace $0x80000048  }
0xb3: {  	_ =	swait.ge [sflag:s29], $0x1  }
0xb4: {  	[sflag:s29] =	ssyncadd.s32 $0xFFFFFFFF  }
0xb5: {  	_ =	strace $0x90000048  }
0xb6: {  	_ =	sfence  }
0xb7: {  	s30 =	sld [smem:$0x0];
	_ =	sdelay $0x2  }
0xb8: {  	s31 =	sshll.u32 s1, $0xD;
	s1 =	sshrl.u32 s1, $0x2  }
0xb9: {  	s3 =	sand.u32 $0x4000, s31;
	s1 =	sadd.s32 s1, s30  }
0xba: {  	s0 =	sor.u32 s3, s0;
	s1 =	sshll.u32 s1, $0x11  }
0xbb: {  	s0 =	sor.u32 s1, s0  }
0xbc: {  	s0 =	sadd.s32 $0x8F2B, s0  }
0xbd: {  	[sflag:s0] =	ssyncadd.remote.s32 $0x1  }
0xbe: {  	_ =	sfence.sel $0xFFFF  }
0xbf: {  	[dreg:$0x0] =	wrdreg $0xFFFFFFFF;
	(pc) =	sbr.abs _section_cstart, $3  }
0xc0: {  	[dreg:$0x1] =	wrdreg $0xFFFFFFFF  }
0xc1: {  	_ =	task.clear_ibuf [dreg:s6], $0x2FFFF;
	_ =	strace $0x9FFFFFFF  }
0xc2: {  	(tm) =	ssettm $0x7FFFFFFF  }
0xc3: {  	_ =	shalt  }
tec
execute0_lowered:
.L_overlay_start_1:
0x0: {  	(tag) =	ssettag $0x1  }
0x1: {  	s0 =	srdreg.scid  }
0x2: {  	s10 =	stileid.u32;
	s1 =	rddreg [dreg:$0x0]  }
0x3: {  	s2 =	rddreg [dreg:$0x1];
	s3 =	simm.s32 $0x0;
	s4 =	smul.u32 $0x30D40, s10  }
0x4: {  	s28 =	simm.s32 $0x2;
	s29 =	simm.s32 $0x1A7E0;
	s5 =	smul.u32 $0x61A80, s10  }
0x5: {  	s30 =	simm.s32 $0x18820;
	s31 =	simm.s32 $0x1B780;
	s7 =	smul.u32 $0x190, s10  }
0x6: {  	s0 =	sand.u32 $0x1, s0;
	[smem:$0x7FF] =	sst s3;
	s15 =	smul.u32 $0x1900, s10  }
0x7: {  	s8 =	sadd.s32 $0x7CC00, s1;
	s16 =	sshll.u32 s10, $0x6;
	s10 =	smul.u32 $0x30D400, s10  }
0x8: {  	s9 =	sshll.u32 s0, $0x5;
	_ =	strace $0x80000047;
	s0 =	ssub.s32 $0x2, s0  }
0x9: {  	s17 =	sor.u32 $0x1C04, s16;
	s16 =	simm.s32 $0x4;
	s4 =	sor.u32 s9, s4  }
0xa: {  	s6 =	sshrl.u32 s0, $0x1;
	s5 =	sshrl.u32 s5, $0x2;
	[dreg:$0x4] =	wrdreg s17  }
0xb: {  	s18 =	sadd.s32 $0x18E, s7;
	s11 =	sor.u32 s9, s10;
	s4 =	sshrl.u32 s4, $0x3  }
0xc: {  	s0 =	ssub.s32 s0, s6;
	s14 =	sadd.s32 s5, s2;
	s6 =	sadd.s32 s8, s15  }
0xd: {  	s19 =	smul.u32 $0x1F40, s18;
	s20 =	sshll.u32 s18, $0x4;
	s21 =	sadd.s32 $0x305700, s11  }
0xe: {  	s25 =	sadd.s32 $0x3E80, s11;
	s26 =	sshrl.u32 s11, $0x3;
	s15 =	simm.s32 $0x1  }
0xf: {  	s18 =	simm.s32 $0x186A0;
	s4 =	sadd.s32 s4, s1;
	s1 =	sadd.s32 $0x24CA00, s1  }
0x10: {  	s0 =	smax.u32 s0, $0x1;
	s8 =	sadd.s32 s8, s20;
	s22 =	sshrl.u32 s21, $0x3  }
0x11: {  	s11 =	sadd.s32 $0x40, s6;
	s14 =	sshrl.u32 s14, $0x3;
	s20 =	simm.s32 $0x7D  }
0x12: {  	s21 =	simm.s32 $0x188A0;
	s4 =	sadd.s32 $0x2800, s4;
	[dreg:$0x5] =	wrdreg s0  }
0x13: {  	s23 =	sor.u32 s9, s19;
	s9 =	sadd.s32 s1, s22;
	s12 =	sadd.s32 s26, s1  }
0x14: {  	s19 =	simm.s32 $0x187A0;
	s22 =	simm.s32 $0x18720;
	s26 =	simm.s32 $0x40  }
0x15: {  	[dreg:$0x3] =	wrdreg s4;
	s24 =	sshrl.u32 s23, $0x3;
	s4 =	sshrl.u32 s25, $0x3  }
0x16: {  	s23 =	simm.s32 $0x19840;
	s25 =	simm.s32 $0x20;
	s10 =	sadd.s32 s1, s24  }
0x17: {  	s13 =	sadd.s32 s4, s1;
	s24 =	simm.s32 $0x3;
	s1 =	simm.s32 $0x0  }
.LBB2_1:
0x18: {  	s0 =	rddreg [dreg:$0x3]  }
0x19: {  	s4 =	rddreg [dreg:$0x4];
	s5 =	simm.s32 $0x8  }
0x1a: {  	[spmem:s14@s16], [sflag:s4] =	dma.strided [hbm:s0@s5], $0x30D4, s15, $0x4   }
0x1b: {  	_ =	swait.ge [sflag:s16], $0x30D4  }
0x1c: {  	[sflag:s16] =	ssyncset.done $0x0  }
0x1d: {  	[sflag:s16] =	ssyncadd.s32 $0xFFFFCF2C  }
0x1e: {  	[bflag:$0x0] =	sbarrier.arrive $0xFFFF  }
0x1f: {  	[tilespmem:s18], [sflag:$0x1] =	stream.linear.gather [hbm4b:s6+s3], $0x100, $0x38;
	[tilespmem:$0x1C720] =	vst v63  }
0x20: {  	s5 =	sadd.s32 $0xFFFFFFE0, s11  }
0x21: {  	[tilespmem:s19], [sflag:$0x2] =	stream.linear.gather [hbm4b:s5+s3], $0x100, $0x38;
	[tilespmem:$0x1C720] =	vst v63  }
0x22: {  	_ =	swait.ge [sflag:s15], $0x100  }
0x23: {  	[sflag:s15] =	ssyncset.done $0x0  }
0x24: {  	[sflag:s15] =	ssyncadd.s32 $0xFFFFFF00  }
0x25: {  	[tilespmem:s21], [sflag:$0x3] =	stream.indirect.gather [spmem:s2], $0x20, s18, s20, $0xb8;
	[tilespmem:$0x1C720] =	vst v63  }
0x26: {  	_ = 	snop  }
0x27: {  	[tilespmem:s23], [sflag:$0x3] =	stream.indirect.gather [spmem:s2], $0x20, s22, s20, $0xb8;
	[tilespmem:$0x1C720] =	vst v63  }
0x28: {  	_ =	swait.ge [sflag:s24], $0xFA0  }
0x29: {  	[sflag:s24] =	ssyncset.done $0x0  }
0x2a: {  	[sflag:s24] =	ssyncadd.s32 $0xFFFFF060  }
0x2b: {  	_ =	swait.ge [sflag:s24], $0xFA0  }
0x2c: {  	[sflag:s24] =	ssyncset.done $0x0  }
0x2d: {  	s7 =	sadd.s32 $0x0, s12;
	[sflag:s24] =	ssyncadd.s32 $0xFFFFF060  }
0x2e: {  	[hbm4b:s7+s25] =	stream.strided.scatter [tilespmem:s21], [sflag:$0x4], $0x1F40, s26, s25, $0x38;
	[tilespmem:$0x1C720] =	vst v63  }
0x2f: {  	_ =	swait.ge [sflag:s16], $0x1F40  }
0x30: {  	[sflag:s16] =	ssyncset.done $0x0  }
0x31: {  	[sflag:s16] =	ssyncadd.s32 $0xFFFFE0C0  }
0x32: {  	[tilespmem:s18], [sflag:$0x1] =	stream.linear.gather [hbm4b:s11+s3], $0x100, $0x38;
	[tilespmem:$0x1C720] =	vst v63  }
0x33: {  	_ =	swait.ge [sflag:s28], $0x100  }
0x34: {  	[sflag:s28] =	ssyncset.done $0x0  }
0x35: {  	[sflag:s28] =	ssyncadd.s32 $0xFFFFFF00  }
0x36: {  	[tilespmem:s29], [sflag:$0x3] =	stream.indirect.gather [spmem:s2], $0x20, s19, s20, $0xb8;
	[tilespmem:$0x1C720] =	vst v63  }
0x37: {  	_ = 	snop  }
0x38: {  	[tilespmem:s31], [sflag:$0x3] =	stream.indirect.gather [spmem:s2], $0x20, s30, s20, $0xb8;
	[tilespmem:$0x1C720] =	vst v63  }
0x39: {  	_ =	swait.ge [sflag:s24], $0xFA0  }
0x3a: {  	[sflag:s24] =	ssyncset.done $0x0  }
0x3b: {  	[sflag:s24] =	ssyncadd.s32 $0xFFFFF060  }
0x3c: {  	_ =	swait.ge [sflag:s24], $0xFA0  }
0x3d: {  	[sflag:s24] =	ssyncset.done $0x0  }
0x3e: {  	s17 =	sadd.s32 $0x0, s13;
	[sflag:s24] =	ssyncadd.s32 $0xFFFFF060  }
0x3f: {  	[hbm4b:s17+s25] =	stream.strided.scatter [tilespmem:s29], [sflag:$0x4], $0x1F40, s26, s25, $0x38;
	[tilespmem:$0x1C720] =	vst v63  }
0x40: {  	s0 =	simm.s32 $0xFA0;
	_ =	swait.ge [sflag:s16], $0x1F40  }
0x41: {  	s4 =	simm.s32 $0x1F40;
	s17 =	sadd.s32 $0x40, s11;
	[sflag:s16] =	ssyncset.done $0x0  }
.LBB2_2:
0x42: {  	p0 =	sne.s32 s4, $0x5FB40;
	s5 =	sadd.s32 $0xFFFFFFE0, s17;
	[sflag:s16] =	ssyncadd.s32 $0xFFFFE0C0  }
0x43: {  	[tilespmem:s19], [sflag:$0x2] =	stream.linear.gather [hbm4b:s5+s3], $0x100, $0x38;
	[tilespmem:$0x1C720] =	vst v63  }
0x44: {  	s5 =	smov.u32 s4;
	s4 =	sadd.s32 $0xFA0, s4;
	_ =	swait.ge [sflag:s15], $0x100  }
0x45: {  	[sflag:s15] =	ssyncset.done $0x0  }
0x46: {  	[sflag:s15] =	ssyncadd.s32 $0xFFFFFF00  }
0x47: {  	[tilespmem:s21], [sflag:$0x3] =	stream.indirect.gather [spmem:s2], $0x20, s18, s20, $0xb8;
	[tilespmem:$0x1C720] =	vst v63  }
0x48: {  	_ = 	snop  }
0x49: {  	[tilespmem:s23], [sflag:$0x3] =	stream.indirect.gather [spmem:s2], $0x20, s22, s20, $0xb8;
	[tilespmem:$0x1C720] =	vst v63  }
0x4a: {  	_ =	swait.ge [sflag:s24], $0xFA0  }
0x4b: {  	[sflag:s24] =	ssyncset.done $0x0  }
0x4c: {  	[sflag:s24] =	ssyncadd.s32 $0xFFFFF060  }
0x4d: {  	_ =	swait.ge [sflag:s24], $0xFA0  }
0x4e: {  	[sflag:s24] =	ssyncset.done $0x0  }
0x4f: {  	s7 =	sadd.s32 s0, s12;
	[sflag:s24] =	ssyncadd.s32 $0xFFFFF060  }
0x50: {  	[hbm4b:s7+s25] =	stream.strided.scatter [tilespmem:s21], [sflag:$0x4], $0x1F40, s26, s25, $0x38;
	[tilespmem:$0x1C720] =	vst v63  }
0x51: {  	_ =	swait.ge [sflag:s16], $0x1F40  }
0x52: {  	[sflag:s16] =	ssyncset.done $0x0  }
0x53: {  	[sflag:s16] =	ssyncadd.s32 $0xFFFFE0C0  }
0x54: {  	[tilespmem:s18], [sflag:$0x1] =	stream.linear.gather [hbm4b:s17+s3], $0x100, $0x38;
	[tilespmem:$0x1C720] =	vst v63  }
0x55: {  	_ =	swait.ge [sflag:s28], $0x100  }
0x56: {  	[sflag:s28] =	ssyncset.done $0x0  }
0x57: {  	[sflag:s28] =	ssyncadd.s32 $0xFFFFFF00  }
0x58: {  	[tilespmem:s29], [sflag:$0x3] =	stream.indirect.gather [spmem:s2], $0x20, s19, s20, $0xb8;
	[tilespmem:$0x1C720] =	vst v63  }
0x59: {  	_ = 	snop  }
0x5a: {  	[tilespmem:s31], [sflag:$0x3] =	stream.indirect.gather [spmem:s2], $0x20, s30, s20, $0xb8;
	[tilespmem:$0x1C720] =	vst v63  }
0x5b: {  	_ =	swait.ge [sflag:s24], $0xFA0  }
0x5c: {  	[sflag:s24] =	ssyncset.done $0x0  }
0x5d: {  	[sflag:s24] =	ssyncadd.s32 $0xFFFFF060  }
0x5e: {  	_ =	swait.ge [sflag:s24], $0xFA0  }
.Ltmp0:
0x5f: {  	[sflag:s24] =	ssyncset.done $0x0;
	(pc) =	sbr.rel @p0 .LBB2_2-.Ltmp0, $4  }
0x60: {  	s7 =	sadd.s32 s0, s13;
	s0 =	smov.u32 s5;
	[sflag:s24] =	ssyncadd.s32 $0xFFFFF060  }
0x61: {  	[hbm4b:s7+s25] =	stream.strided.scatter [tilespmem:s29], [sflag:$0x4], $0x1F40, s26, s25, $0x38;
	[tilespmem:$0x1C720] =	vst v63  }
0x62: {  	_ =	swait.ge [sflag:s16], $0x1F40  }
0x63: {  	s17 =	sadd.s32 $0x40, s17;
	[sflag:s16] =	ssyncset.done $0x0  }
0x64: {  	s4 =	sadd.s32 $0xFFFFFFE0, s17;
	[sflag:s16] =	ssyncadd.s32 $0xFFFFE0C0  }
0x65: {  	[tilespmem:s19], [sflag:$0x2] =	stream.linear.gather [hbm4b:s4+s3], $0x100, $0x38;
	[tilespmem:$0x1C720] =	vst v63  }
0x66: {  	_ =	swait.ge [sflag:s15], $0x100  }
0x67: {  	[sflag:s15] =	ssyncset.done $0x0  }
0x68: {  	[sflag:s15] =	ssyncadd.s32 $0xFFFFFF00  }
0x69: {  	[tilespmem:s21], [sflag:$0x3] =	stream.indirect.gather [spmem:s2], $0x20, s18, s20, $0xb8;
	[tilespmem:$0x1C720] =	vst v63  }
0x6a: {  	_ = 	snop  }
0x6b: {  	[tilespmem:s23], [sflag:$0x3] =	stream.indirect.gather [spmem:s2], $0x20, s22, s20, $0xb8;
	[tilespmem:$0x1C720] =	vst v63  }
0x6c: {  	_ =	swait.ge [sflag:s24], $0xFA0  }
0x6d: {  	[sflag:s24] =	ssyncset.done $0x0  }
0x6e: {  	[sflag:s24] =	ssyncadd.s32 $0xFFFFF060  }
0x6f: {  	_ =	swait.ge [sflag:s24], $0xFA0  }
0x70: {  	[sflag:s24] =	ssyncset.done $0x0  }
0x71: {  	s5 =	sadd.s32 s0, s12;
	[sflag:s24] =	ssyncadd.s32 $0xFFFFF060  }
0x72: {  	[hbm4b:s5+s25] =	stream.strided.scatter [tilespmem:s21], [sflag:$0x4], $0x1F40, s26, s25, $0x38;
	[tilespmem:$0x1C720] =	vst v63  }
0x73: {  	_ =	swait.ge [sflag:s16], $0x1F40  }
0x74: {  	[sflag:s16] =	ssyncset.done $0x0  }
0x75: {  	[sflag:s16] =	ssyncadd.s32 $0xFFFFE0C0  }
0x76: {  	[tilespmem:s18], [sflag:$0x1] =	stream.linear.gather [hbm4b:s17+s3], $0x100, $0x38;
	[tilespmem:$0x1C720] =	vst v63  }
0x77: {  	_ =	swait.ge [sflag:s28], $0x100  }
0x78: {  	[sflag:s28] =	ssyncset.done $0x0  }
0x79: {  	[sflag:s28] =	ssyncadd.s32 $0xFFFFFF00  }
0x7a: {  	[tilespmem:s29], [sflag:$0x3] =	stream.indirect.gather [spmem:s2], $0x20, s19, s20, $0xb8;
	[tilespmem:$0x1C720] =	vst v63  }
0x7b: {  	_ = 	snop  }
0x7c: {  	[tilespmem:s31], [sflag:$0x3] =	stream.indirect.gather [spmem:s2], $0x20, s30, s20, $0xb8;
	[tilespmem:$0x1C720] =	vst v63  }
0x7d: {  	_ =	swait.ge [sflag:s24], $0xFA0  }
0x7e: {  	[sflag:s24] =	ssyncset.done $0x0  }
0x7f: {  	[sflag:s24] =	ssyncadd.s32 $0xFFFFF060  }
0x80: {  	_ =	swait.ge [sflag:s24], $0xFA0  }
0x81: {  	[sflag:s24] =	ssyncset.done $0x0  }
0x82: {  	s7 =	sadd.s32 s0, s13;
	[sflag:s24] =	ssyncadd.s32 $0xFFFFF060  }
0x83: {  	[hbm4b:s7+s25] =	stream.strided.scatter [tilespmem:s29], [sflag:$0x4], $0x1F40, s26, s25, $0x38;
	[tilespmem:$0x1C720] =	vst v63  }
0x84: {  	_ =	swait.ge [sflag:s16], $0x1F40  }
0x85: {  	[sflag:s16] =	ssyncset.done $0x0  }
0x86: {  	[sflag:s16] =	ssyncadd.s32 $0xFFFFE0C0  }
0x87: {  	[tilespmem:s19], [sflag:$0x2] =	stream.linear.gather [hbm4b:s8+s3], $0x100, $0x38;
	[tilespmem:$0x1C720] =	vst v63  }
0x88: {  	_ =	swait.ge [sflag:s15], $0x100  }
0x89: {  	[sflag:s15] =	ssyncset.done $0x0  }
0x8a: {  	[sflag:s15] =	ssyncadd.s32 $0xFFFFFF00  }
0x8b: {  	[tilespmem:s21], [sflag:$0x3] =	stream.indirect.gather [spmem:s2], $0x20, s18, s20, $0xb8;
	[tilespmem:$0x1C720] =	vst v63  }
0x8c: {  	_ = 	snop  }
0x8d: {  	[tilespmem:s23], [sflag:$0x3] =	stream.indirect.gather [spmem:s2], $0x20, s22, s20, $0xb8;
	[tilespmem:$0x1C720] =	vst v63  }
0x8e: {  	_ =	swait.ge [sflag:s24], $0xFA0  }
0x8f: {  	[sflag:s24] =	ssyncset.done $0x0  }
0x90: {  	[sflag:s24] =	ssyncadd.s32 $0xFFFFF060  }
0x91: {  	_ =	swait.ge [sflag:s24], $0xFA0  }
0x92: {  	[sflag:s24] =	ssyncset.done $0x0  }
0x93: {  	[sflag:s24] =	ssyncadd.s32 $0xFFFFF060  }
0x94: {  	[hbm4b:s9+s25] =	stream.strided.scatter [tilespmem:s21], [sflag:$0x4], $0x1F40, s26, s25, $0x38;
	[tilespmem:$0x1C720] =	vst v63  }
0x95: {  	_ =	swait.ge [sflag:s16], $0x1F40  }
0x96: {  	[sflag:s16] =	ssyncset.done $0x0  }
0x97: {  	[sflag:s16] =	ssyncadd.s32 $0xFFFFE0C0  }
0x98: {  	_ =	swait.ge [sflag:s28], $0x100  }
0x99: {  	[sflag:s28] =	ssyncset.done $0x0  }
0x9a: {  	[sflag:s28] =	ssyncadd.s32 $0xFFFFFF00  }
0x9b: {  	[tilespmem:s29], [sflag:$0x3] =	stream.indirect.gather [spmem:s2], $0x20, s19, s20, $0xb8;
	[tilespmem:$0x1C720] =	vst v63  }
0x9c: {  	_ = 	snop  }
0x9d: {  	[tilespmem:s31], [sflag:$0x3] =	stream.indirect.gather [spmem:s2], $0x20, s30, s20, $0xb8;
	[tilespmem:$0x1C720] =	vst v63  }
0x9e: {  	_ =	swait.ge [sflag:s24], $0xFA0  }
0x9f: {  	[sflag:s24] =	ssyncset.done $0x0  }
0xa0: {  	[sflag:s24] =	ssyncadd.s32 $0xFFFFF060  }
0xa1: {  	_ =	swait.ge [sflag:s24], $0xFA0  }
0xa2: {  	[sflag:s24] =	ssyncset.done $0x0  }
0xa3: {  	[sflag:s24] =	ssyncadd.s32 $0xFFFFF060  }
0xa4: {  	[hbm4b:s10+s25] =	stream.strided.scatter [tilespmem:s29], [sflag:$0x4], $0x1F40, s26, s25, $0x38;
	[tilespmem:$0x1C720] =	vst v63  }
0xa5: {  	_ =	swait.ge [sflag:s16], $0x1F40  }
0xa6: {  	s1 =	sadd.s32 $0x1, s1;
	s17 =	rddreg [dreg:$0x5]  }
0xa7: {  	p0 =	sne.s32 s1, s17  }
.Ltmp1:
0xa8: {  	_ = 	snop;
	(pc) =	sbr.rel @p0 .LBB2_1-.Ltmp1, $3  }
0xa9: {  	_ =	sdelay $0x1  }
0xaa: {  	[sflag:s16] =	ssyncset.done $0x0  }
0xab: {  	[sflag:s16] =	ssyncadd.s32 $0xFFFFE0C0  }
0xac: {  	_ =	sfence.sel $0x180000  }
0xad: {  	[bflag:$0x0] =	sbarrier.arrive $0xFFFF  }
0xae: {  	_ =	strace $0x90000047  }
0xaf: {  	s0 =	stileid.u32;
	[bflag:$0x2] =	sbarrier.arrive $0xFFFF  }
0xb0: {  	p0 =	sne.s32 s0, $0x0;
	s0 =	rddreg [dreg:$0x2]  }
0xb1: {  	s0 =	sadd.s32 @!p0 $0x100000, s0  }
0xb2: {  	[sflag:s0] =	ssyncadd.tile.s32 @!p0 $0x1;
	_ =	shalt  }
.Lfunc_end2:
_tile_overlayer_lowered:
.L_overlay_start_2:
0xb3: {  	(tag) =	ssettag $0x2  }
0xb4: {  	s0 =	rddreg [dreg:$0x0];
	s2 =	stileid.u32  }
0xb5: {  	s1 =	rddreg [dreg:$0x1];
	p0 =	sne.s32 s2, $0x0  }
0xb6: {  	s3 =	rddreg [dreg:$0x2];
	[bflag:$0x3] =	sbarrier.arrive $0xFFFF;
	s2 =	simm.s32 @!p0 $0x1C04  }
0xb7: {  	[timem:s3], [sflag:s2] =	dma.local @!p0 [hbm:s0], s1  }
0xb8: {  	s0 =	simm.s32 @!p0 $0x4  }
0xb9: {  	_ =	swait.ge @!p0 [sflag:s0], s1  }
0xba: {  	s1 =	ssub.s32 @!p0 $0x0, s1;
	[sflag:s0] =	ssyncset.done @!p0 $0x0  }
0xbb: {  	[sflag:s0] =	ssyncadd.s32 @!p0 s1  }
0xbc: {  	[bflag:$0x3] =	sbarrier.arrive $0xFFFF  }
0xbd: {  	_ =	shalt  }

// kernel: kernel.14.cloned.1.call-start
scs
__scs_entry_jumppad:
0x0: {  	(pc) =	sbr.rel $0x88, $3  }
0x1: {  	(tag) =	ssettag $0x0;
	lr =	simm.s32 $0x1  }
0x2: {  	[smem:$0x3F99] =	sst lr;
	_ =	strace $0xD0000000  }
0x3: {  	_ = 	snop  }
0x4: {  	_ = 	snop  }
0x5: {  	_ = 	snop  }
0x6: {  	_ = 	snop  }
0x7: {  	_ = 	snop  }
__scs_overlays_trampoline_lowered:
0x8: {  	[smem:$0x3FA8] =	sst s0  }
0x9: {  	[smem:$0x3FA9] =	sst s1  }
0xa: {  	[smem:$0x3FAA] =	sst s2  }
0xb: {  	[smem:$0x3FAB] =	sst s3  }
0xc: {  	[smem:$0x3FAC] =	sst s4  }
0xd: {  	[smem:$0x3FAD] =	sst s5  }
0xe: {  	[smem:$0x3FAE] =	sst s6  }
0xf: {  	[smem:$0x3FAF] =	sst s7  }
0x10: {  	[smem:$0x3FB0] =	sst s8  }
0x11: {  	[smem:$0x3FB1] =	sst s9;
	s0 =	simm.s32 @!p0 $0x0  }
0x12: {  	s1 =	sld [smem:$0x3F97];
	s0 =	simm.s32 @p0 $0x1  }
0x13: {  	[smem:$0x3FB2] =	sst s0;
	s0 =	simm.s32 @!p1 $0x0  }
0x14: {  	s2 =	sld [smem:$0x3F96];
	s0 =	simm.s32 @p1 $0x1  }
0x15: {  	[smem:$0x3FB3] =	sst s0;
	s0 =	simm.s32 @!p2 $0x0  }
0x16: {  	s3 =	sld [smem:$0x3FDB];
	s0 =	simm.s32 @p2 $0x1  }
0x17: {  	s4 =	simm.s32 $0x1BF5;
	[smem:$0x3FB5] =	sst s0  }
0x18: {  	s0 =	sld [smem:$0x3F98];
	_ =	swait.ge [sflag:s4], $0x0  }
0x19: {  	s7 =	sld [smem:$0x3F99]  }
0x1a: {  	s8 =	sadd.s32 $0xFFFFE003, lr  }
0x1b: {  	s9 =	sadd.s32 $0xFFFFFEF7, lr;
	s5 =	simm.s32 $0xFFFFFFFF;
	p2 =	slt.u32 s8, $0xFFFFF086  }
0x1c: {  	p1 =	slt.u32 s9, $0xF7A;
	s5 =	simm.s32 @!p2 $0x0  }
0x1d: {  	s5 =	simm.s32 @p1 $0x1;
	p0 =	seq.s32 s7, s2  }
0x1e: {  	s7 =	smul.u32 @!p0 $0xF7A, s2;
	p2 =	seq.s32 @!p0 s5, $0x0  }
0x1f: {  	s9 =	smul.u32 $0xF7A, s1;
	s8 =	simm.s32 @!p0 $0x1BF5;
	p2 =	por !p2, p0  }
0x20: {  	[sflag:s8] =	ssyncset.s32 @!p0 $0xFFFFF086;
	s6 =	sadd.s32 @!p0 s3, s7;
	s7 =	simm.s32 @!p0 $0x108  }
0x21: {  	s3 =	sadd.s32 s3, s9;
	s6 =	sadd.s32 @!p0 $0x88, s6;
	s7 =	simm.s32 @p2 $0x1082  }
0x22: {  	[simem:s7], [sflag:s8] =	dma.local @!p0 [hbm:s6], $0xF7A  }
0x23: {  	s9 =	sor.u32 $0xD0000000, s2;
	s6 =	simm.s32 $0x108;
	_ =	swait.ge @!p0 [sflag:s8], $0x0  }
0x24: {  	s3 =	sadd.s32 $0x88, s3;
	s6 =	simm.s32 @!p1 $0x1082;
	[sflag:s4] =	ssyncset.s32 $0xFFFFF086  }
0x25: {  	[simem:s6], [sflag:s4] =	dma.local [hbm:s3], $0xF7A  }
0x26: {  	[smem:$0x3F99] =	sst s1;
	(tag) =	ssettag s2;
	_ =	strace s9  }
0x27: {  	s1 =	sld [smem:$0x3FA9]  }
0x28: {  	s2 =	sld [smem:$0x3FAA]  }
0x29: {  	s4 =	sld [smem:$0x3FAC]  }
0x2a: {  	p0 =	seq.s32 s5, $0x0;
	s5 =	sld [smem:$0x3FAD]  }
0x2b: {  	s6 =	sld [smem:$0x3FAE]  }
0x2c: {  	s7 =	sld [smem:$0x3FAF]  }
0x2d: {  	s3 =	simm.s32 $0x108;
	s8 =	sld [smem:$0x3FB0]  }
0x2e: {  	s3 =	simm.s32 @!p0 $0x1082;
	s9 =	sld [smem:$0x3FB1]  }
0x2f: {  	lr =	sadd.s32 s0, s3;
	s0 =	sld [smem:$0x3FA8]  }
0x30: {  	s3 =	sld [smem:$0x3FAB]  }
0x31: {  	[smem:$0x3FB4] =	sst s10  }
0x32: {  	s10 =	sld [smem:$0x3FB2];
	_ =	sdelay $0x3  }
0x33: {  	p0 =	seq.s32 s10, $0x1;
	s10 =	sld [smem:$0x3FB4];
	_ =	sdelay $0x3  }
0x34: {  	[smem:$0x3FB4] =	sst s10  }
0x35: {  	s10 =	sld [smem:$0x3FB3];
	_ =	sdelay $0x3  }
0x36: {  	p1 =	seq.s32 s10, $0x1;
	s10 =	sld [smem:$0x3FB4];
	_ =	sdelay $0x3  }
0x37: {  	[smem:$0x3FB4] =	sst s10  }
0x38: {  	s10 =	sld [smem:$0x3FB5]  }
0x39: {  	_ = 	snop;
	(pc) =	sbr.ind lr, $3  }
0x3a: {  	_ = 	snop  }
0x3b: {  	_ = 	snop  }
0x3c: {  	p2 =	seq.s32 s10, $0x1;
	s10 =	sld [smem:$0x3FB4]  }
0x3d: {  	_ =	shalt  }
0x3e: {  	_ =	shalt  }
0x3f: {  	_ =	shalt  }
0x40: {  	_ =	shalt  }
0x41: {  	_ =	shalt  }
0x42: {  	_ =	shalt  }
0x43: {  	_ =	shalt  }
0x44: {  	_ =	shalt  }
0x45: {  	_ =	shalt  }
0x46: {  	_ =	shalt  }
0x47: {  	_ =	shalt  }
0x48: {  	_ =	shalt  }
0x49: {  	_ =	shalt  }
0x4a: {  	_ =	shalt  }
0x4b: {  	_ =	shalt  }
0x4c: {  	_ =	shalt  }
0x4d: {  	_ =	shalt  }
0x4e: {  	_ =	shalt  }
0x4f: {  	_ =	shalt  }
0x50: {  	_ =	shalt  }
0x51: {  	_ =	shalt  }
0x52: {  	_ =	shalt  }
0x53: {  	_ =	shalt  }
0x54: {  	_ =	shalt  }
0x55: {  	_ =	shalt  }
0x56: {  	_ =	shalt  }
0x57: {  	_ =	shalt  }
0x58: {  	_ =	shalt  }
0x59: {  	_ =	shalt  }
0x5a: {  	_ =	shalt  }
0x5b: {  	_ =	shalt  }
0x5c: {  	_ =	shalt  }
0x5d: {  	_ =	shalt  }
0x5e: {  	_ =	shalt  }
0x5f: {  	_ =	shalt  }
0x60: {  	_ =	shalt  }
0x61: {  	_ =	shalt  }
0x62: {  	_ =	shalt  }
0x63: {  	_ =	shalt  }
0x64: {  	_ =	shalt  }
0x65: {  	_ =	shalt  }
0x66: {  	_ =	shalt  }
0x67: {  	_ =	shalt  }
0x68: {  	_ =	shalt  }
0x69: {  	_ =	shalt  }
0x6a: {  	_ =	shalt  }
0x6b: {  	_ =	shalt  }
0x6c: {  	_ =	shalt  }
0x6d: {  	_ =	shalt  }
0x6e: {  	_ =	shalt  }
0x6f: {  	_ =	shalt  }
0x70: {  	_ =	shalt  }
0x71: {  	_ =	shalt  }
0x72: {  	_ =	shalt  }
0x73: {  	_ =	shalt  }
0x74: {  	_ =	shalt  }
0x75: {  	_ =	shalt  }
0x76: {  	_ =	shalt  }
0x77: {  	_ =	shalt  }
0x78: {  	_ =	shalt  }
0x79: {  	_ =	shalt  }
0x7a: {  	_ =	shalt  }
0x7b: {  	_ =	shalt  }
0x7c: {  	_ =	shalt  }
0x7d: {  	_ =	shalt  }
0x7e: {  	_ =	shalt  }
0x7f: {  	_ =	shalt  }
0x80: {  	_ =	shalt  }
0x81: {  	_ =	shalt  }
0x82: {  	_ =	shalt  }
0x83: {  	_ =	shalt  }
0x84: {  	_ =	shalt  }
0x85: {  	_ =	shalt  }
0x86: {  	_ =	shalt  }
0x87: {  	_ =	shalt  }
.Lfunc_end0:
.L_simem_size_0:
called_computation.1_lowered:
.L_overlay_start_0:
0x88: {  	s2 =	sld [smem:$0x3FD9]  }
0x89: {  	s3 =	sld [smem:$0x3FFE];
	_ =	sdelay $0x1  }
0x8a: {  	s1 =	srdreg.scid  }
0x8b: {  	s0 =	sand.u32 $0x1, s1  }
0x8c: {  	s16 =	sshll.u32 s0, $0xA;
	s2 =	sadd.s32 s3, s2  }
0x8d: {  	s2 =	sadd.s32 s2, s16  }
0x8e: {  	[smem:$0x3FC0] =	sst s2  }
0x8f: {  	_ = 	snop  }
0x90: {  	(tm) =	ssettm $0x1  }
0x91: {  	s17 =	sld [smem:$0x3FFB];
	_ =	sdelay $0x3  }
0x92: {  	_ =	strace s17  }
0x93: {  	s2 =	sld [smem:$0x3FFC];
	_ =	sdelay $0x3  }
0x94: {  	_ =	strace s2  }
0x95: {  	s2 =	sld [smem:$0x3FFD];
	_ =	sdelay $0x3  }
0x96: {  	_ =	strace s2  }
0x97: {  	_ =	strace $0x8FFFFFFF  }
0x98: {  	s18 =	sld [smem:$0x3FDB];
	_ =	sdelay $0x1  }
0x99: {  	s19 =	simm.s32 $_scs_section_size  }
0x9a: {  	s4 =	simm.s32 $_size__tile_overlayer_lowered;
	s5 =	simm.s32 $_tile_overlayer_lowered  }
0x9b: {  	s22 =	simm.s32 $0x1BFF;
	s21 =	sshll.u32 s5, $0x1;
	s2 =	sadd.s32 s19, s18  }
0x9c: {  	s6 =	simm.s32 $0x0;
	s20 =	sshll.u32 s4, $0x1;
	s4 =	sadd.s32 s21, s2  }
0x9d: {  	[timem:s6], [sflag:s22] =	dma.local [hbm:s4], s20  }
0x9e: {  	_ =	swait.ge [sflag:s22], s20  }
0x9f: {  	s3 =	ssub.s32 $0x0, s20;
	[sflag:s22] =	ssyncset.done $0x0  }
0xa0: {  	[sflag:s22] =	ssyncadd.s32 s3;
	_ =	sdelay $0x1  }
0xa1: {  	s23 =	simm.s32 $0x1B8B  }
0xa2: {  	_ =	swait.ge [sflag:s23], $0x1  }
0xa3: {  	[sflag:s23] =	ssyncset.done $0x0  }
0xa4: {  	s25 =	simm.s32 $0x1B8E;
	s24 =	sld [smem:$0x3FFE];
	[sflag:s23] =	ssyncadd.s32 $0xFFFFFFFF  }
0xa5: {  	s26 =	simm.s32 $execute0_lowered;
	[smem:$0x3FD2] =	sst s25  }
0xa6: {  	s4 =	sshll.u32 s26, $0x1;
	_ =	strace $0x80000049;
	[dreg:$0x1] =	wrdreg $0xFFFFFFFF  }
0xa7: {  	s28 =	simm.s32 $_size_execute0_lowered;
	s2 =	sadd.s32 s2, s4;
	[dreg:$0x0] =	wrdreg $0x0  }
0xa8: {  	s4 =	sshll.u32 s28, $0x1;
	[dreg:$0x2] =	wrdreg s2  }
0xa9: {  	[dreg:$0x3] =	wrdreg s4  }
0xaa: {  	[dreg:$0x4] =	wrdreg $0xC0  }
0xab: {  	_ =	task [dreg:s6], $0x5FFFF  }
0xac: {  	[dreg:$0x1] =	wrdreg $0xFFFFFFFF  }
0xad: {  	[dreg:$0x0] =	wrdreg $0x60  }
0xae: {  	[dreg:$0x2] =	wrdreg s24  }
0xaf: {  	[dreg:$0x3] =	wrdreg $0x0  }
0xb0: {  	[dreg:$0x4] =	wrdreg $0x9  }
0xb1: {  	_ =	task.clear_ibuf [dreg:s6], $0x5FFFF;
	_ =	strace $0x90000049  }
0xb2: {  	s29 =	simm.s32 $0x9;
	_ =	strace $0x8000004B  }
0xb3: {  	_ =	swait.ge [sflag:s29], $0x1  }
0xb4: {  	[sflag:s29] =	ssyncadd.s32 $0xFFFFFFFF  }
0xb5: {  	_ =	strace $0x9000004B  }
0xb6: {  	_ =	sfence  }
0xb7: {  	s30 =	sld [smem:$0x0];
	_ =	sdelay $0x2  }
0xb8: {  	s31 =	sshll.u32 s1, $0xD;
	s1 =	sshrl.u32 s1, $0x2  }
0xb9: {  	s3 =	sand.u32 $0x4000, s31;
	s1 =	sadd.s32 s1, s30  }
0xba: {  	s0 =	sor.u32 s3, s0;
	s1 =	sshll.u32 s1, $0x11  }
0xbb: {  	s0 =	sor.u32 s1, s0  }
0xbc: {  	s0 =	sadd.s32 $0x8F2B, s0  }
0xbd: {  	[sflag:s0] =	ssyncadd.remote.s32 $0x1  }
0xbe: {  	_ =	sfence.sel $0xFFFF  }
0xbf: {  	[dreg:$0x0] =	wrdreg $0xFFFFFFFF;
	(pc) =	sbr.abs _section_cstart, $3  }
0xc0: {  	[dreg:$0x1] =	wrdreg $0xFFFFFFFF  }
0xc1: {  	_ =	task.clear_ibuf [dreg:s6], $0x2FFFF;
	_ =	strace $0x9FFFFFFF  }
0xc2: {  	(tm) =	ssettm $0x7FFFFFFF  }
0xc3: {  	_ =	shalt  }
tec
execute0_lowered:
.L_overlay_start_1:
0x0: {  	(tag) =	ssettag $0x1  }
0x1: {  	s0 =	rddreg [dreg:$0x0]  }
0x2: {  	s1 =	rddreg [dreg:$0x1];
	s2 =	simm.s32 $0x0  }
0x3: {  	s3 =	srdreg.scid;
	s12 =	stileid.u32;
	s28 =	simm.s32 $0x188A0  }
0x4: {  	s29 =	simm.s32 $0x187A0;
	s30 =	simm.s32 $0x1A7E0;
	s31 =	simm.s32 $0x1  }
0x5: {  	[smem:$0x7FF] =	sst s2;
	s4 =	sadd.s32 $0x867200, s0;
	s8 =	smul.u32 $0x61A80, s12  }
0x6: {  	s5 =	sadd.s32 $0x95C00, s0;
	s3 =	sand.u32 $0x1, s3;
	s15 =	smul.u32 $0x30D400, s12  }
0x7: {  	s6 =	sadd.s32 $0x7CC00, s0;
	s9 =	sadd.s32 $0x2800, s0;
	s10 =	smul.u32 $0x190, s12  }
0x8: {  	s0 =	sadd.s32 $0x24CA00, s0;
	s11 =	sshll.u32 s12, $0x6;
	s12 =	smul.u32 $0x1900, s12  }
0x9: {  	_ =	strace $0x8000004A;
	s7 =	ssub.s32 $0x2, s3;
	[dreg:$0x3] =	wrdreg s9  }
0xa: {  	s3 =	sshll.u32 s3, $0x5;
	s11 =	sor.u32 $0x1C06, s11;
	s14 =	sshrl.u32 s7, $0x1  }
0xb: {  	s8 =	sshrl.u32 s8, $0x2;
	s9 =	sor.u32 s3, s15;
	[dreg:$0x4] =	wrdreg s11  }
0xc: {  	s10 =	sadd.s32 $0x18E, s10;
	s11 =	simm.s32 $0x4;
	s7 =	ssub.s32 s7, s14  }
0xd: {  	s8 =	sadd.s32 s8, s1;
	s16 =	sshrl.u32 s9, $0x3;
	s14 =	sadd.s32 s5, s12  }
0xe: {  	s17 =	smul.u32 $0x1F40, s10;
	s12 =	sadd.s32 s6, s12;
	s18 =	sshll.u32 s10, $0x4  }
0xf: {  	s19 =	sadd.s32 $0x305700, s9;
	s22 =	sadd.s32 $0x3E80, s9;
	s25 =	sadd.s32 $0x7D00, s9  }
0x10: {  	s10 =	simm.s32 $0x2;
	s13 =	sadd.s32 s4, s16;
	[dreg:$0x5] =	wrdreg s14  }
0x11: {  	s7 =	smax.u32 s7, $0x1;
	s6 =	sadd.s32 s6, s18;
	[dreg:$0xf] =	wrdreg s25  }
0x12: {  	s5 =	sadd.s32 s5, s18;
	s20 =	sshrl.u32 s19, $0x3;
	[dreg:$0x7] =	wrdreg s12  }
0x13: {  	s23 =	sadd.s32 $0x40, s14;
	s24 =	sshrl.u32 s22, $0x3;
	[dreg:$0x6] =	wrdreg s13  }
0x14: {  	s19 =	sadd.s32 $0x40, s12;
	s26 =	sshrl.u32 s8, $0x3;
	[dreg:$0x8] =	wrdreg s7  }
0x15: {  	s25 =	simm.s32 $0x20;
	s8 =	simm.s32 $0x5;
	[dreg:$0x9] =	wrdreg s6  }
0x16: {  	s12 =	simm.s32 $0x18820;
	s14 =	simm.s32 $0x0;
	[dreg:$0xa] =	wrdreg s5  }
0x17: {  	s3 =	sor.u32 s3, s17;
	s5 =	sadd.s32 s0, s20;
	[dreg:$0xe] =	wrdreg s23  }
0x18: {  	s18 =	sadd.s32 s24, s4;
	s20 =	sadd.s32 s16, s0;
	[dreg:$0x10] =	wrdreg s26  }
0x19: {  	s23 =	simm.s32 $0x6;
	s26 =	simm.s32 $0x40;
	s3 =	sshrl.u32 s3, $0x3  }
0x1a: {  	s6 =	simm.s32 $0x19840;
	[dreg:$0xc] =	wrdreg s5;
	s21 =	sadd.s32 s4, s3  }
0x1b: {  	s13 =	simm.s32 $0x1B780;
	s3 =	sadd.s32 s0, s3;
	[dreg:$0xb] =	wrdreg s21  }
0x1c: {  	s5 =	simm.s32 $0x18720;
	[dreg:$0xd] =	wrdreg s3;
	s21 =	sadd.s32 s24, s0  }
0x1d: {  	s24 =	simm.s32 $0x186A0;
	s0 =	simm.s32 $0x3;
	s3 =	simm.s32 $0x7D  }
.LBB2_1:
0x1e: {  	s7 =	rddreg [dreg:$0x3]  }
0x1f: {  	s9 =	rddreg [dreg:$0x4]  }
0x20: {  	s15 =	rddreg [dreg:$0x10]  }
0x21: {  	[spmem:s15], [sflag:s9] =	dma.local [hbm:s7], $0x30D4  }
0x22: {  	_ =	swait.ge [sflag:s23], $0x30D4  }
0x23: {  	[sflag:s23] =	ssyncset.done $0x0  }
0x24: {  	[sflag:s23] =	ssyncadd.s32 $0xFFFFCF2C  }
0x25: {  	[bflag:$0x0] =	sbarrier.arrive $0xFFFF  }
0x26: {  	s9 =	rddreg [dreg:$0x5]  }
0x27: {  	[tilespmem:s24], [sflag:$0x1] =	stream.linear.gather [hbm4b:s9+s2], $0x100, $0x38;
	[tilespmem:$0x1C720] =	vst v63  }
0x28: {  	s15 =	rddreg [dreg:$0x6]  }
0x29: {  	[tilespmem:s28], [sflag:$0x3] =	stream.strided.gather [hbm4b:s15+s25], $0x1F40, s26, s25, $0x38;
	[tilespmem:$0x1C720] =	vst v63  }
0x2a: {  	s15 =	rddreg [dreg:$0xe]  }
0x2b: {  	s16 =	sadd.s32 $0xFFFFFFE0, s15  }
0x2c: {  	[tilespmem:s29], [sflag:$0x2] =	stream.linear.gather [hbm4b:s16+s2], $0x100, $0x38;
	[tilespmem:$0x1C720] =	vst v63  }
0x2d: {  	s17 =	sadd.s32 $0x0, s18  }
0x2e: {  	[tilespmem:s30], [sflag:$0x4] =	stream.strided.gather [hbm4b:s17+s25], $0x1F40, s26, s25, $0x38;
	[tilespmem:$0x1C720] =	vst v63  }
0x2f: {  	_ =	swait.ge [sflag:s31], $0x100  }
0x30: {  	[sflag:s31] =	ssyncset.done $0x0  }
0x31: {  	[sflag:s31] =	ssyncadd.s32 $0xFFFFFF00  }
0x32: {  	_ =	swait.ge [sflag:s0], $0x1F40  }
0x33: {  	[sflag:s0] =	ssyncset.done $0x0  }
0x34: {  	[sflag:s0] =	ssyncadd.s32 $0xFFFFE0C0  }
0x35: {  	[spmem:s1] =	stream.indirect.scatter.add.f32 [tilespmem:s28], [sflag:$0x5], $0x20, s24, s3, $0xb8;
	[tilespmem:$0x1C720] =	vst v63  }
0x36: {  	_ = 	snop  }
0x37: {  	[spmem:s1] =	stream.indirect.scatter.add.f32 [tilespmem:s6], [sflag:$0x5], $0x20, s5, s3, $0xb8;
	[tilespmem:$0x1C720] =	vst v63  }
0x38: {  	_ =	swait.ge [sflag:s8], $0xFA0  }
0x39: {  	[sflag:s8] =	ssyncset.done $0x0  }
0x3a: {  	[sflag:s8] =	ssyncadd.s32 $0xFFFFF060  }
0x3b: {  	_ =	swait.ge [sflag:s8], $0xFA0  }
0x3c: {  	[sflag:s8] =	ssyncset.done $0x0;
	s17 =	rddreg [dreg:$0xf]  }
0x3d: {  	[sflag:s8] =	ssyncadd.s32 $0xFFFFF060;
	s22 =	sshrl.u32 s17, $0x3  }
0x3e: {  	[tilespmem:s24], [sflag:$0x1] =	stream.linear.gather [hbm4b:s15+s2], $0x100, $0x38;
	[tilespmem:$0x1C720] =	vst v63  }
0x3f: {  	s7 =	sadd.s32 s4, s22  }
0x40: {  	[tilespmem:s28], [sflag:$0x3] =	stream.strided.gather [hbm4b:s7+s25], $0x1F40, s26, s25, $0x38;
	[tilespmem:$0x1C720] =	vst v63  }
0x41: {  	_ =	swait.ge [sflag:s10], $0x100  }
0x42: {  	[sflag:s10] =	ssyncset.done $0x0  }
0x43: {  	[sflag:s10] =	ssyncadd.s32 $0xFFFFFF00  }
0x44: {  	_ =	swait.ge [sflag:s11], $0x1F40  }
0x45: {  	[sflag:s11] =	ssyncset.done $0x0  }
0x46: {  	[sflag:s11] =	ssyncadd.s32 $0xFFFFE0C0  }
0x47: {  	[spmem:s1] =	stream.indirect.scatter.add.f32 [tilespmem:s30], [sflag:$0x5], $0x20, s29, s3, $0xb8;
	[tilespmem:$0x1C720] =	vst v63  }
0x48: {  	_ = 	snop  }
0x49: {  	[spmem:s1] =	stream.indirect.scatter.add.f32 [tilespmem:s13], [sflag:$0x5], $0x20, s12, s3, $0xb8;
	[tilespmem:$0x1C720] =	vst v63  }
0x4a: {  	_ =	swait.ge [sflag:s8], $0xFA0  }
0x4b: {  	[sflag:s8] =	ssyncset.done $0x0  }
0x4c: {  	[sflag:s8] =	ssyncadd.s32 $0xFFFFF060  }
0x4d: {  	s9 =	simm.s32 $0xFA0;
	_ =	swait.ge [sflag:s8], $0xFA0  }
0x4e: {  	s22 =	simm.s32 $0x1F40;
	s7 =	sadd.s32 $0x40, s15;
	[sflag:s8] =	ssyncset.done $0x0  }
.LBB2_2:
0x4f: {  	s15 =	sadd.s32 $0xFFFFFFE0, s7  }
0x50: {  	[sflag:s8] =	ssyncadd.s32 $0xFFFFF060;
	s17 =	sadd.s32 $0x7D00, s17;
	s16 =	smov.u32 s22  }
0x51: {  	[tilespmem:s29], [sflag:$0x2] =	stream.linear.gather [hbm4b:s15+s2], $0x100, $0x38;
	[tilespmem:$0x1C720] =	vst v63  }
0x52: {  	p0 =	sne.s32 s22, $0x5FB40;
	s22 =	sadd.s32 $0xFA0, s22;
	s9 =	sadd.s32 s9, s18  }
0x53: {  	[tilespmem:s30], [sflag:$0x4] =	stream.strided.gather [hbm4b:s9+s25], $0x1F40, s26, s25, $0x38;
	[tilespmem:$0x1C720] =	vst v63  }
0x54: {  	s9 =	smov.u32 s16;
	_ =	swait.ge [sflag:s31], $0x100  }
0x55: {  	[sflag:s31] =	ssyncset.done $0x0  }
0x56: {  	[sflag:s31] =	ssyncadd.s32 $0xFFFFFF00  }
0x57: {  	_ =	swait.ge [sflag:s0], $0x1F40  }
0x58: {  	[sflag:s0] =	ssyncset.done $0x0  }
0x59: {  	[sflag:s0] =	ssyncadd.s32 $0xFFFFE0C0  }
0x5a: {  	[spmem:s1] =	stream.indirect.scatter.add.f32 [tilespmem:s28], [sflag:$0x5], $0x20, s24, s3, $0xb8;
	[tilespmem:$0x1C720] =	vst v63  }
0x5b: {  	_ = 	snop  }
0x5c: {  	[spmem:s1] =	stream.indirect.scatter.add.f32 [tilespmem:s6], [sflag:$0x5], $0x20, s5, s3, $0xb8;
	[tilespmem:$0x1C720] =	vst v63  }
0x5d: {  	_ =	swait.ge [sflag:s8], $0xFA0  }
0x5e: {  	[sflag:s8] =	ssyncset.done $0x0  }
0x5f: {  	[sflag:s8] =	ssyncadd.s32 $0xFFFFF060  }
0x60: {  	_ =	swait.ge [sflag:s8], $0xFA0  }
0x61: {  	[sflag:s8] =	ssyncset.done $0x0  }
0x62: {  	s15 =	sshrl.u32 s17, $0x3;
	[sflag:s8] =	ssyncadd.s32 $0xFFFFF060  }
0x63: {  	[tilespmem:s24], [sflag:$0x1] =	stream.linear.gather [hbm4b:s7+s2], $0x100, $0x38;
	[tilespmem:$0x1C720] =	vst v63  }
0x64: {  	s15 =	sadd.s32 s4, s15  }
0x65: {  	[tilespmem:s28], [sflag:$0x3] =	stream.strided.gather [hbm4b:s15+s25], $0x1F40, s26, s25, $0x38;
	[tilespmem:$0x1C720] =	vst v63  }
0x66: {  	_ =	swait.ge [sflag:s10], $0x100  }
0x67: {  	[sflag:s10] =	ssyncset.done $0x0  }
0x68: {  	[sflag:s10] =	ssyncadd.s32 $0xFFFFFF00  }
0x69: {  	_ =	swait.ge [sflag:s11], $0x1F40  }
0x6a: {  	[sflag:s11] =	ssyncset.done $0x0  }
0x6b: {  	[sflag:s11] =	ssyncadd.s32 $0xFFFFE0C0  }
0x6c: {  	[spmem:s1] =	stream.indirect.scatter.add.f32 [tilespmem:s30], [sflag:$0x5], $0x20, s29, s3, $0xb8;
	[tilespmem:$0x1C720] =	vst v63  }
0x6d: {  	_ = 	snop  }
0x6e: {  	[spmem:s1] =	stream.indirect.scatter.add.f32 [tilespmem:s13], [sflag:$0x5], $0x20, s12, s3, $0xb8;
	[tilespmem:$0x1C720] =	vst v63  }
.Ltmp0:
0x6f: {  	_ =	swait.ge [sflag:s8], $0xFA0;
	(pc) =	sbr.rel @p0 .LBB2_2-.Ltmp0, $4  }
0x70: {  	[sflag:s8] =	ssyncset.done $0x0  }
0x71: {  	[sflag:s8] =	ssyncadd.s32 $0xFFFFF060  }
0x72: {  	_ =	swait.ge [sflag:s8], $0xFA0  }
0x73: {  	s7 =	sadd.s32 $0x40, s7;
	[sflag:s8] =	ssyncset.done $0x0  }
0x74: {  	s15 =	sadd.s32 $0xFFFFFFE0, s7;
	[sflag:s8] =	ssyncadd.s32 $0xFFFFF060  }
0x75: {  	[tilespmem:s29], [sflag:$0x2] =	stream.linear.gather [hbm4b:s15+s2], $0x100, $0x38;
	[tilespmem:$0x1C720] =	vst v63  }
0x76: {  	s9 =	sadd.s32 s9, s18  }
0x77: {  	[tilespmem:s30], [sflag:$0x4] =	stream.strided.gather [hbm4b:s9+s25], $0x1F40, s26, s25, $0x38;
	[tilespmem:$0x1C720] =	vst v63  }
0x78: {  	_ =	swait.ge [sflag:s31], $0x100  }
0x79: {  	[sflag:s31] =	ssyncset.done $0x0  }
0x7a: {  	[sflag:s31] =	ssyncadd.s32 $0xFFFFFF00  }
0x7b: {  	_ =	swait.ge [sflag:s0], $0x1F40  }
0x7c: {  	[sflag:s0] =	ssyncset.done $0x0  }
0x7d: {  	[sflag:s0] =	ssyncadd.s32 $0xFFFFE0C0  }
0x7e: {  	[spmem:s1] =	stream.indirect.scatter.add.f32 [tilespmem:s28], [sflag:$0x5], $0x20, s24, s3, $0xb8;
	[tilespmem:$0x1C720] =	vst v63  }
0x7f: {  	_ = 	snop  }
0x80: {  	[spmem:s1] =	stream.indirect.scatter.add.f32 [tilespmem:s6], [sflag:$0x5], $0x20, s5, s3, $0xb8;
	[tilespmem:$0x1C720] =	vst v63  }
0x81: {  	_ =	swait.ge [sflag:s8], $0xFA0  }
0x82: {  	[sflag:s8] =	ssyncset.done $0x0  }
0x83: {  	[sflag:s8] =	ssyncadd.s32 $0xFFFFF060  }
0x84: {  	_ =	swait.ge [sflag:s8], $0xFA0  }
0x85: {  	s22 =	sadd.s32 $0x7D00, s17;
	[sflag:s8] =	ssyncset.done $0x0  }
0x86: {  	s9 =	sshrl.u32 s22, $0x3;
	[sflag:s8] =	ssyncadd.s32 $0xFFFFF060  }
0x87: {  	[tilespmem:s24], [sflag:$0x1] =	stream.linear.gather [hbm4b:s7+s2], $0x100, $0x38;
	[tilespmem:$0x1C720] =	vst v63  }
0x88: {  	s15 =	sadd.s32 s4, s9  }
0x89: {  	[tilespmem:s28], [sflag:$0x3] =	stream.strided.gather [hbm4b:s15+s25], $0x1F40, s26, s25, $0x38;
	[tilespmem:$0x1C720] =	vst v63  }
0x8a: {  	_ =	swait.ge [sflag:s10], $0x100  }
0x8b: {  	[sflag:s10] =	ssyncset.done $0x0  }
0x8c: {  	[sflag:s10] =	ssyncadd.s32 $0xFFFFFF00  }
0x8d: {  	_ =	swait.ge [sflag:s11], $0x1F40  }
0x8e: {  	[sflag:s11] =	ssyncset.done $0x0  }
0x8f: {  	[sflag:s11] =	ssyncadd.s32 $0xFFFFE0C0  }
0x90: {  	[spmem:s1] =	stream.indirect.scatter.add.f32 [tilespmem:s30], [sflag:$0x5], $0x20, s29, s3, $0xb8;
	[tilespmem:$0x1C720] =	vst v63  }
0x91: {  	_ = 	snop  }
0x92: {  	[spmem:s1] =	stream.indirect.scatter.add.f32 [tilespmem:s13], [sflag:$0x5], $0x20, s12, s3, $0xb8;
	[tilespmem:$0x1C720] =	vst v63  }
0x93: {  	_ =	swait.ge [sflag:s8], $0xFA0  }
0x94: {  	[sflag:s8] =	ssyncset.done $0x0  }
0x95: {  	[sflag:s8] =	ssyncadd.s32 $0xFFFFF060  }
0x96: {  	_ =	swait.ge [sflag:s8], $0xFA0  }
0x97: {  	[sflag:s8] =	ssyncset.done $0x0  }
0x98: {  	s16 =	simm.s32 $0x0;
	s17 =	rddreg [dreg:$0xa];
	[sflag:s8] =	ssyncadd.s32 $0xFFFFF060  }
0x99: {  	[tilespmem:s29], [sflag:$0x2] =	stream.linear.gather [hbm4b:s17+s16], $0x100, $0x38;
	[tilespmem:$0x1C720] =	vst v63  }
0x9a: {  	s22 =	rddreg [dreg:$0xb]  }
0x9b: {  	[tilespmem:s30], [sflag:$0x4] =	stream.strided.gather [hbm4b:s22+s25], $0x1F40, s26, s25, $0x38;
	[tilespmem:$0x1C720] =	vst v63  }
0x9c: {  	_ =	swait.ge [sflag:s31], $0x100  }
0x9d: {  	[sflag:s31] =	ssyncset.done $0x0  }
0x9e: {  	[sflag:s31] =	ssyncadd.s32 $0xFFFFFF00  }
0x9f: {  	_ =	swait.ge [sflag:s0], $0x1F40  }
0xa0: {  	[sflag:s0] =	ssyncset.done $0x0  }
0xa1: {  	[sflag:s0] =	ssyncadd.s32 $0xFFFFE0C0  }
0xa2: {  	[spmem:s1] =	stream.indirect.scatter.add.f32 [tilespmem:s28], [sflag:$0x5], $0x20, s24, s3, $0xb8;
	[tilespmem:$0x1C720] =	vst v63  }
0xa3: {  	_ = 	snop  }
0xa4: {  	[spmem:s1] =	stream.indirect.scatter.add.f32 [tilespmem:s6], [sflag:$0x5], $0x20, s5, s3, $0xb8;
	[tilespmem:$0x1C720] =	vst v63  }
0xa5: {  	_ =	swait.ge [sflag:s8], $0xFA0  }
0xa6: {  	[sflag:s8] =	ssyncset.done $0x0  }
0xa7: {  	[sflag:s8] =	ssyncadd.s32 $0xFFFFF060  }
0xa8: {  	_ =	swait.ge [sflag:s8], $0xFA0  }
0xa9: {  	[sflag:s8] =	ssyncset.done $0x0  }
0xaa: {  	[sflag:s8] =	ssyncadd.s32 $0xFFFFF060  }
0xab: {  	_ =	swait.ge [sflag:s10], $0x100  }
0xac: {  	[sflag:s10] =	ssyncset.done $0x0  }
0xad: {  	[sflag:s10] =	ssyncadd.s32 $0xFFFFFF00  }
0xae: {  	_ =	swait.ge [sflag:s11], $0x1F40  }
0xaf: {  	[sflag:s11] =	ssyncset.done $0x0  }
0xb0: {  	[sflag:s11] =	ssyncadd.s32 $0xFFFFE0C0  }
0xb1: {  	[spmem:s1] =	stream.indirect.scatter.add.f32 [tilespmem:s30], [sflag:$0x5], $0x20, s29, s3, $0xb8;
	[tilespmem:$0x1C720] =	vst v63  }
0xb2: {  	_ = 	snop  }
0xb3: {  	[spmem:s1] =	stream.indirect.scatter.add.f32 [tilespmem:s13], [sflag:$0x5], $0x20, s12, s3, $0xb8;
	[tilespmem:$0x1C720] =	vst v63  }
0xb4: {  	_ =	swait.ge [sflag:s8], $0xFA0  }
0xb5: {  	[sflag:s8] =	ssyncset.done $0x0  }
0xb6: {  	[sflag:s8] =	ssyncadd.s32 $0xFFFFF060  }
0xb7: {  	_ =	swait.ge [sflag:s8], $0xFA0  }
0xb8: {  	[sflag:s8] =	ssyncset.done $0x0  }
0xb9: {  	[sflag:s8] =	ssyncadd.s32 $0xFFFFF060  }
0xba: {  	[bflag:$0x0] =	sbarrier.arrive $0xFFFF  }
0xbb: {  	s15 =	rddreg [dreg:$0x7]  }
0xbc: {  	[tilespmem:s24], [sflag:$0x1] =	stream.linear.gather [hbm4b:s15+s16], $0x100, $0x38;
	[tilespmem:$0x1C720] =	vst v63  }
0xbd: {  	s16 =	sadd.s32 $0xFFFFFFE0, s19  }
0xbe: {  	[tilespmem:s29], [sflag:$0x2] =	stream.linear.gather [hbm4b:s16+s2], $0x100, $0x38;
	[tilespmem:$0x1C720] =	vst v63  }
0xbf: {  	_ =	swait.ge [sflag:s31], $0x100  }
0xc0: {  	[sflag:s31] =	ssyncset.done $0x0  }
0xc1: {  	[sflag:s31] =	ssyncadd.s32 $0xFFFFFF00  }
0xc2: {  	[tilespmem:s28], [sflag:$0x5] =	stream.indirect.gather [spmem:s1], $0x20, s24, s3, $0xb8;
	[tilespmem:$0x1C720] =	vst v63  }
0xc3: {  	_ = 	snop  }
0xc4: {  	[tilespmem:s6], [sflag:$0x5] =	stream.indirect.gather [spmem:s1], $0x20, s5, s3, $0xb8;
	[tilespmem:$0x1C720] =	vst v63  }
0xc5: {  	_ =	swait.ge [sflag:s8], $0xFA0  }
0xc6: {  	[sflag:s8] =	ssyncset.done $0x0  }
0xc7: {  	[sflag:s8] =	ssyncadd.s32 $0xFFFFF060  }
0xc8: {  	_ =	swait.ge [sflag:s8], $0xFA0  }
0xc9: {  	[sflag:s8] =	ssyncset.done $0x0  }
0xca: {  	s17 =	sadd.s32 $0x0, s20;
	[sflag:s8] =	ssyncadd.s32 $0xFFFFF060  }
0xcb: {  	[hbm4b:s17+s25] =	stream.strided.scatter [tilespmem:s28], [sflag:$0x6], $0x1F40, s26, s25, $0x38;
	[tilespmem:$0x1C720] =	vst v63  }
0xcc: {  	_ =	swait.ge [sflag:s23], $0x1F40  }
0xcd: {  	[sflag:s23] =	ssyncset.done $0x0  }
0xce: {  	[sflag:s23] =	ssyncadd.s32 $0xFFFFE0C0  }
0xcf: {  	[tilespmem:s24], [sflag:$0x1] =	stream.linear.gather [hbm4b:s19+s2], $0x100, $0x38;
	[tilespmem:$0x1C720] =	vst v63  }
0xd0: {  	_ =	swait.ge [sflag:s10], $0x100  }
0xd1: {  	[sflag:s10] =	ssyncset.done $0x0  }
0xd2: {  	[sflag:s10] =	ssyncadd.s32 $0xFFFFFF00  }
0xd3: {  	[tilespmem:s30], [sflag:$0x5] =	stream.indirect.gather [spmem:s1], $0x20, s29, s3, $0xb8;
	[tilespmem:$0x1C720] =	vst v63  }
0xd4: {  	_ = 	snop  }
0xd5: {  	[tilespmem:s13], [sflag:$0x5] =	stream.indirect.gather [spmem:s1], $0x20, s12, s3, $0xb8;
	[tilespmem:$0x1C720] =	vst v63  }
0xd6: {  	_ =	swait.ge [sflag:s8], $0xFA0  }
0xd7: {  	[sflag:s8] =	ssyncset.done $0x0  }
0xd8: {  	[sflag:s8] =	ssyncadd.s32 $0xFFFFF060  }
0xd9: {  	_ =	swait.ge [sflag:s8], $0xFA0  }
0xda: {  	[sflag:s8] =	ssyncset.done $0x0  }
0xdb: {  	s22 =	sadd.s32 $0x0, s21;
	[sflag:s8] =	ssyncadd.s32 $0xFFFFF060  }
0xdc: {  	[hbm4b:s22+s25] =	stream.strided.scatter [tilespmem:s30], [sflag:$0x6], $0x1F40, s26, s25, $0x38;
	[tilespmem:$0x1C720] =	vst v63  }
0xdd: {  	s9 =	simm.s32 $0x1F40;
	_ =	swait.ge [sflag:s23], $0x1F40  }
0xde: {  	s7 =	simm.s32 $0xFA0;
	s17 =	sadd.s32 $0x40, s19;
	[sflag:s23] =	ssyncset.done $0x0  }
.LBB2_4:
0xdf: {  	p0 =	sne.s32 s9, $0x5FB40;
	s15 =	sadd.s32 $0xFFFFFFE0, s17;
	[sflag:s23] =	ssyncadd.s32 $0xFFFFE0C0  }
0xe0: {  	[tilespmem:s29], [sflag:$0x2] =	stream.linear.gather [hbm4b:s15+s2], $0x100, $0x38;
	[tilespmem:$0x1C720] =	vst v63  }
0xe1: {  	s15 =	smov.u32 s9;
	s9 =	sadd.s32 $0xFA0, s9;
	_ =	swait.ge [sflag:s31], $0x100  }
0xe2: {  	[sflag:s31] =	ssyncset.done $0x0  }
0xe3: {  	[sflag:s31] =	ssyncadd.s32 $0xFFFFFF00  }
0xe4: {  	[tilespmem:s28], [sflag:$0x5] =	stream.indirect.gather [spmem:s1], $0x20, s24, s3, $0xb8;
	[tilespmem:$0x1C720] =	vst v63  }
0xe5: {  	_ = 	snop  }
0xe6: {  	[tilespmem:s6], [sflag:$0x5] =	stream.indirect.gather [spmem:s1], $0x20, s5, s3, $0xb8;
	[tilespmem:$0x1C720] =	vst v63  }
0xe7: {  	_ =	swait.ge [sflag:s8], $0xFA0  }
0xe8: {  	[sflag:s8] =	ssyncset.done $0x0  }
0xe9: {  	[sflag:s8] =	ssyncadd.s32 $0xFFFFF060  }
0xea: {  	_ =	swait.ge [sflag:s8], $0xFA0  }
0xeb: {  	[sflag:s8] =	ssyncset.done $0x0  }
0xec: {  	s16 =	sadd.s32 s7, s20;
	[sflag:s8] =	ssyncadd.s32 $0xFFFFF060  }
0xed: {  	[hbm4b:s16+s25] =	stream.strided.scatter [tilespmem:s28], [sflag:$0x6], $0x1F40, s26, s25, $0x38;
	[tilespmem:$0x1C720] =	vst v63  }
0xee: {  	_ =	swait.ge [sflag:s23], $0x1F40  }
0xef: {  	[sflag:s23] =	ssyncset.done $0x0  }
0xf0: {  	[sflag:s23] =	ssyncadd.s32 $0xFFFFE0C0  }
0xf1: {  	[tilespmem:s24], [sflag:$0x1] =	stream.linear.gather [hbm4b:s17+s2], $0x100, $0x38;
	[tilespmem:$0x1C720] =	vst v63  }
0xf2: {  	_ =	swait.ge [sflag:s10], $0x100  }
0xf3: {  	[sflag:s10] =	ssyncset.done $0x0  }
0xf4: {  	[sflag:s10] =	ssyncadd.s32 $0xFFFFFF00  }
0xf5: {  	[tilespmem:s30], [sflag:$0x5] =	stream.indirect.gather [spmem:s1], $0x20, s29, s3, $0xb8;
	[tilespmem:$0x1C720] =	vst v63  }
0xf6: {  	_ = 	snop  }
0xf7: {  	[tilespmem:s13], [sflag:$0x5] =	stream.indirect.gather [spmem:s1], $0x20, s12, s3, $0xb8;
	[tilespmem:$0x1C720] =	vst v63  }
0xf8: {  	_ =	swait.ge [sflag:s8], $0xFA0  }
0xf9: {  	[sflag:s8] =	ssyncset.done $0x0  }
0xfa: {  	[sflag:s8] =	ssyncadd.s32 $0xFFFFF060  }
0xfb: {  	_ =	swait.ge [sflag:s8], $0xFA0  }
.Ltmp1:
0xfc: {  	[sflag:s8] =	ssyncset.done $0x0;
	(pc) =	sbr.rel @p0 .LBB2_4-.Ltmp1, $4  }
0xfd: {  	s16 =	sadd.s32 s7, s21;
	s7 =	smov.u32 s15;
	[sflag:s8] =	ssyncadd.s32 $0xFFFFF060  }
0xfe: {  	[hbm4b:s16+s25] =	stream.strided.scatter [tilespmem:s30], [sflag:$0x6], $0x1F40, s26, s25, $0x38;
	[tilespmem:$0x1C720] =	vst v63  }
0xff: {  	_ =	swait.ge [sflag:s23], $0x1F40  }
0x100: {  	s17 =	sadd.s32 $0x40, s17;
	[sflag:s23] =	ssyncset.done $0x0  }
0x101: {  	s9 =	sadd.s32 $0xFFFFFFE0, s17;
	[sflag:s23] =	ssyncadd.s32 $0xFFFFE0C0  }
0x102: {  	[tilespmem:s29], [sflag:$0x2] =	stream.linear.gather [hbm4b:s9+s2], $0x100, $0x38;
	[tilespmem:$0x1C720] =	vst v63  }
0x103: {  	_ =	swait.ge [sflag:s31], $0x100  }
0x104: {  	[sflag:s31] =	ssyncset.done $0x0  }
0x105: {  	[sflag:s31] =	ssyncadd.s32 $0xFFFFFF00  }
0x106: {  	[tilespmem:s28], [sflag:$0x5] =	stream.indirect.gather [spmem:s1], $0x20, s24, s3, $0xb8;
	[tilespmem:$0x1C720] =	vst v63  }
0x107: {  	_ = 	snop  }
0x108: {  	[tilespmem:s6], [sflag:$0x5] =	stream.indirect.gather [spmem:s1], $0x20, s5, s3, $0xb8;
	[tilespmem:$0x1C720] =	vst v63  }
0x109: {  	_ =	swait.ge [sflag:s8], $0xFA0  }
0x10a: {  	[sflag:s8] =	ssyncset.done $0x0  }
0x10b: {  	[sflag:s8] =	ssyncadd.s32 $0xFFFFF060  }
0x10c: {  	_ =	swait.ge [sflag:s8], $0xFA0  }
0x10d: {  	[sflag:s8] =	ssyncset.done $0x0  }
0x10e: {  	s22 =	sadd.s32 s7, s20;
	[sflag:s8] =	ssyncadd.s32 $0xFFFFF060  }
0x10f: {  	[hbm4b:s22+s25] =	stream.strided.scatter [tilespmem:s28], [sflag:$0x6], $0x1F40, s26, s25, $0x38;
	[tilespmem:$0x1C720] =	vst v63  }
0x110: {  	_ =	swait.ge [sflag:s23], $0x1F40  }
0x111: {  	[sflag:s23] =	ssyncset.done $0x0  }
0x112: {  	[sflag:s23] =	ssyncadd.s32 $0xFFFFE0C0  }
0x113: {  	[tilespmem:s24], [sflag:$0x1] =	stream.linear.gather [hbm4b:s17+s2], $0x100, $0x38;
	[tilespmem:$0x1C720] =	vst v63  }
0x114: {  	_ =	swait.ge [sflag:s10], $0x100  }
0x115: {  	[sflag:s10] =	ssyncset.done $0x0  }
0x116: {  	[sflag:s10] =	ssyncadd.s32 $0xFFFFFF00  }
0x117: {  	[tilespmem:s30], [sflag:$0x5] =	stream.indirect.gather [spmem:s1], $0x20, s29, s3, $0xb8;
	[tilespmem:$0x1C720] =	vst v63  }
0x118: {  	_ = 	snop  }
0x119: {  	[tilespmem:s13], [sflag:$0x5] =	stream.indirect.gather [spmem:s1], $0x20, s12, s3, $0xb8;
	[tilespmem:$0x1C720] =	vst v63  }
0x11a: {  	_ =	swait.ge [sflag:s8], $0xFA0  }
0x11b: {  	[sflag:s8] =	ssyncset.done $0x0  }
0x11c: {  	[sflag:s8] =	ssyncadd.s32 $0xFFFFF060  }
0x11d: {  	_ =	swait.ge [sflag:s8], $0xFA0  }
0x11e: {  	[sflag:s8] =	ssyncset.done $0x0  }
0x11f: {  	s9 =	sadd.s32 s7, s21;
	[sflag:s8] =	ssyncadd.s32 $0xFFFFF060  }
0x120: {  	[hbm4b:s9+s25] =	stream.strided.scatter [tilespmem:s30], [sflag:$0x6], $0x1F40, s26, s25, $0x38;
	[tilespmem:$0x1C720] =	vst v63  }
0x121: {  	_ =	swait.ge [sflag:s23], $0x1F40  }
0x122: {  	[sflag:s23] =	ssyncset.done $0x0  }
0x123: {  	s15 =	rddreg [dreg:$0x9];
	[sflag:s23] =	ssyncadd.s32 $0xFFFFE0C0  }
0x124: {  	[tilespmem:s29], [sflag:$0x2] =	stream.linear.gather [hbm4b:s15+s2], $0x100, $0x38;
	[tilespmem:$0x1C720] =	vst v63  }
0x125: {  	_ =	swait.ge [sflag:s31], $0x100  }
0x126: {  	[sflag:s31] =	ssyncset.done $0x0  }
0x127: {  	[sflag:s31] =	ssyncadd.s32 $0xFFFFFF00  }
0x128: {  	[tilespmem:s28], [sflag:$0x5] =	stream.indirect.gather [spmem:s1], $0x20, s24, s3, $0xb8;
	[tilespmem:$0x1C720] =	vst v63  }
0x129: {  	_ = 	snop  }
0x12a: {  	[tilespmem:s6], [sflag:$0x5] =	stream.indirect.gather [spmem:s1], $0x20, s5, s3, $0xb8;
	[tilespmem:$0x1C720] =	vst v63  }
0x12b: {  	_ =	swait.ge [sflag:s8], $0xFA0  }
0x12c: {  	[sflag:s8] =	ssyncset.done $0x0  }
0x12d: {  	[sflag:s8] =	ssyncadd.s32 $0xFFFFF060  }
0x12e: {  	_ =	swait.ge [sflag:s8], $0xFA0  }
0x12f: {  	[sflag:s8] =	ssyncset.done $0x0  }
0x130: {  	s16 =	rddreg [dreg:$0xc];
	[sflag:s8] =	ssyncadd.s32 $0xFFFFF060  }
0x131: {  	[hbm4b:s16+s25] =	stream.strided.scatter [tilespmem:s28], [sflag:$0x6], $0x1F40, s26, s25, $0x38;
	[tilespmem:$0x1C720] =	vst v63  }
0x132: {  	_ =	swait.ge [sflag:s23], $0x1F40  }
0x133: {  	[sflag:s23] =	ssyncset.done $0x0  }
0x134: {  	[sflag:s23] =	ssyncadd.s32 $0xFFFFE0C0  }
0x135: {  	_ =	swait.ge [sflag:s10], $0x100  }
0x136: {  	[sflag:s10] =	ssyncset.done $0x0  }
0x137: {  	[sflag:s10] =	ssyncadd.s32 $0xFFFFFF00  }
0x138: {  	[tilespmem:s30], [sflag:$0x5] =	stream.indirect.gather [spmem:s1], $0x20, s29, s3, $0xb8;
	[tilespmem:$0x1C720] =	vst v63  }
0x139: {  	_ = 	snop  }
0x13a: {  	[tilespmem:s13], [sflag:$0x5] =	stream.indirect.gather [spmem:s1], $0x20, s12, s3, $0xb8;
	[tilespmem:$0x1C720] =	vst v63  }
0x13b: {  	_ =	swait.ge [sflag:s8], $0xFA0  }
0x13c: {  	[sflag:s8] =	ssyncset.done $0x0  }
0x13d: {  	[sflag:s8] =	ssyncadd.s32 $0xFFFFF060  }
0x13e: {  	_ =	swait.ge [sflag:s8], $0xFA0  }
0x13f: {  	[sflag:s8] =	ssyncset.done $0x0  }
0x140: {  	s17 =	rddreg [dreg:$0xd];
	[sflag:s8] =	ssyncadd.s32 $0xFFFFF060  }
0x141: {  	[hbm4b:s17+s25] =	stream.strided.scatter [tilespmem:s30], [sflag:$0x6], $0x1F40, s26, s25, $0x38;
	[tilespmem:$0x1C720] =	vst v63  }
0x142: {  	_ =	swait.ge [sflag:s23], $0x1F40  }
0x143: {  	s14 =	sadd.s32 $0x1, s14;
	s22 =	rddreg [dreg:$0x8]  }
0x144: {  	p0 =	sne.s32 s14, s22  }
.Ltmp2:
0x145: {  	_ = 	snop;
	(pc) =	sbr.rel @p0 .LBB2_1-.Ltmp2, $3  }
0x146: {  	_ =	sdelay $0x1  }
0x147: {  	[sflag:s23] =	ssyncset.done $0x0  }
0x148: {  	[sflag:s23] =	ssyncadd.s32 $0xFFFFE0C0  }
0x149: {  	_ =	sfence.sel $0x180000  }
0x14a: {  	[bflag:$0x0] =	sbarrier.arrive $0xFFFF  }
0x14b: {  	_ =	strace $0x9000004A  }
0x14c: {  	s0 =	stileid.u32;
	[bflag:$0x2] =	sbarrier.arrive $0xFFFF  }
0x14d: {  	p0 =	sne.s32 s0, $0x0;
	s0 =	rddreg [dreg:$0x2]  }
0x14e: {  	s0 =	sadd.s32 @!p0 $0x100000, s0  }
0x14f: {  	[sflag:s0] =	ssyncadd.tile.s32 @!p0 $0x1;
	_ =	shalt  }
.Lfunc_end2:
_tile_overlayer_lowered:
.L_overlay_start_2:
0x150: {  	(tag) =	ssettag $0x2  }
0x151: {  	s0 =	rddreg [dreg:$0x0];
	s2 =	stileid.u32  }
0x152: {  	s1 =	rddreg [dreg:$0x1];
	p0 =	sne.s32 s2, $0x0  }
0x153: {  	s3 =	rddreg [dreg:$0x2];
	[bflag:$0x3] =	sbarrier.arrive $0xFFFF;
	s2 =	simm.s32 @!p0 $0x1C06  }
0x154: {  	[timem:s3], [sflag:s2] =	dma.local @!p0 [hbm:s0], s1  }
0x155: {  	s0 =	simm.s32 @!p0 $0x6  }
0x156: {  	_ =	swait.ge @!p0 [sflag:s0], s1  }
0x157: {  	s1 =	ssub.s32 @!p0 $0x0, s1;
	[sflag:s0] =	ssyncset.done @!p0 $0x0  }
0x158: {  	[sflag:s0] =	ssyncadd.s32 @!p0 s1  }
0x159: {  	[bflag:$0x3] =	sbarrier.arrive $0xFFFF  }
0x15a: {  	_ =	shalt  }

// kernel: kernel.17.cloned.1.call-start
scs
__scs_entry_jumppad:
0x0: {  	(pc) =	sbr.rel $0x88, $3  }
0x1: {  	(tag) =	ssettag $0x0;
	lr =	simm.s32 $0x1  }
0x2: {  	[smem:$0x3F99] =	sst lr;
	_ =	strace $0xD0000000  }
0x3: {  	_ = 	snop  }
0x4: {  	_ = 	snop  }
0x5: {  	_ = 	snop  }
0x6: {  	_ = 	snop  }
0x7: {  	_ = 	snop  }
__scs_overlays_trampoline_lowered:
0x8: {  	[smem:$0x3FA8] =	sst s0  }
0x9: {  	[smem:$0x3FA9] =	sst s1  }
0xa: {  	[smem:$0x3FAA] =	sst s2  }
0xb: {  	[smem:$0x3FAB] =	sst s3  }
0xc: {  	[smem:$0x3FAC] =	sst s4  }
0xd: {  	[smem:$0x3FAD] =	sst s5  }
0xe: {  	[smem:$0x3FAE] =	sst s6  }
0xf: {  	[smem:$0x3FAF] =	sst s7  }
0x10: {  	[smem:$0x3FB0] =	sst s8  }
0x11: {  	[smem:$0x3FB1] =	sst s9;
	s0 =	simm.s32 @!p0 $0x0  }
0x12: {  	s1 =	sld [smem:$0x3F97];
	s0 =	simm.s32 @p0 $0x1  }
0x13: {  	[smem:$0x3FB2] =	sst s0;
	s0 =	simm.s32 @!p1 $0x0  }
0x14: {  	s2 =	sld [smem:$0x3F96];
	s0 =	simm.s32 @p1 $0x1  }
0x15: {  	[smem:$0x3FB3] =	sst s0;
	s0 =	simm.s32 @!p2 $0x0  }
0x16: {  	s3 =	sld [smem:$0x3FDB];
	s0 =	simm.s32 @p2 $0x1  }
0x17: {  	s4 =	simm.s32 $0x1BF5;
	[smem:$0x3FB5] =	sst s0  }
0x18: {  	s0 =	sld [smem:$0x3F98];
	_ =	swait.ge [sflag:s4], $0x0  }
0x19: {  	s7 =	sld [smem:$0x3F99]  }
0x1a: {  	s8 =	sadd.s32 $0xFFFFE003, lr  }
0x1b: {  	s9 =	sadd.s32 $0xFFFFFEF7, lr;
	s5 =	simm.s32 $0xFFFFFFFF;
	p2 =	slt.u32 s8, $0xFFFFF086  }
0x1c: {  	p1 =	slt.u32 s9, $0xF7A;
	s5 =	simm.s32 @!p2 $0x0  }
0x1d: {  	s5 =	simm.s32 @p1 $0x1;
	p0 =	seq.s32 s7, s2  }
0x1e: {  	s7 =	smul.u32 @!p0 $0xF7A, s2;
	p2 =	seq.s32 @!p0 s5, $0x0  }
0x1f: {  	s9 =	smul.u32 $0xF7A, s1;
	s8 =	simm.s32 @!p0 $0x1BF5;
	p2 =	por !p2, p0  }
0x20: {  	[sflag:s8] =	ssyncset.s32 @!p0 $0xFFFFF086;
	s6 =	sadd.s32 @!p0 s3, s7;
	s7 =	simm.s32 @!p0 $0x108  }
0x21: {  	s3 =	sadd.s32 s3, s9;
	s6 =	sadd.s32 @!p0 $0x88, s6;
	s7 =	simm.s32 @p2 $0x1082  }
0x22: {  	[simem:s7], [sflag:s8] =	dma.local @!p0 [hbm:s6], $0xF7A  }
0x23: {  	s9 =	sor.u32 $0xD0000000, s2;
	s6 =	simm.s32 $0x108;
	_ =	swait.ge @!p0 [sflag:s8], $0x0  }
0x24: {  	s3 =	sadd.s32 $0x88, s3;
	s6 =	simm.s32 @!p1 $0x1082;
	[sflag:s4] =	ssyncset.s32 $0xFFFFF086  }
0x25: {  	[simem:s6], [sflag:s4] =	dma.local [hbm:s3], $0xF7A  }
0x26: {  	[smem:$0x3F99] =	sst s1;
	(tag) =	ssettag s2;
	_ =	strace s9  }
0x27: {  	s1 =	sld [smem:$0x3FA9]  }
0x28: {  	s2 =	sld [smem:$0x3FAA]  }
0x29: {  	s4 =	sld [smem:$0x3FAC]  }
0x2a: {  	p0 =	seq.s32 s5, $0x0;
	s5 =	sld [smem:$0x3FAD]  }
0x2b: {  	s6 =	sld [smem:$0x3FAE]  }
0x2c: {  	s7 =	sld [smem:$0x3FAF]  }
0x2d: {  	s3 =	simm.s32 $0x108;
	s8 =	sld [smem:$0x3FB0]  }
0x2e: {  	s3 =	simm.s32 @!p0 $0x1082;
	s9 =	sld [smem:$0x3FB1]  }
0x2f: {  	lr =	sadd.s32 s0, s3;
	s0 =	sld [smem:$0x3FA8]  }
0x30: {  	s3 =	sld [smem:$0x3FAB]  }
0x31: {  	[smem:$0x3FB4] =	sst s10  }
0x32: {  	s10 =	sld [smem:$0x3FB2];
	_ =	sdelay $0x3  }
0x33: {  	p0 =	seq.s32 s10, $0x1;
	s10 =	sld [smem:$0x3FB4];
	_ =	sdelay $0x3  }
0x34: {  	[smem:$0x3FB4] =	sst s10  }
0x35: {  	s10 =	sld [smem:$0x3FB3];
	_ =	sdelay $0x3  }
0x36: {  	p1 =	seq.s32 s10, $0x1;
	s10 =	sld [smem:$0x3FB4];
	_ =	sdelay $0x3  }
0x37: {  	[smem:$0x3FB4] =	sst s10  }
0x38: {  	s10 =	sld [smem:$0x3FB5]  }
0x39: {  	_ = 	snop;
	(pc) =	sbr.ind lr, $3  }
0x3a: {  	_ = 	snop  }
0x3b: {  	_ = 	snop  }
0x3c: {  	p2 =	seq.s32 s10, $0x1;
	s10 =	sld [smem:$0x3FB4]  }
0x3d: {  	_ =	shalt  }
0x3e: {  	_ =	shalt  }
0x3f: {  	_ =	shalt  }
0x40: {  	_ =	shalt  }
0x41: {  	_ =	shalt  }
0x42: {  	_ =	shalt  }
0x43: {  	_ =	shalt  }
0x44: {  	_ =	shalt  }
0x45: {  	_ =	shalt  }
0x46: {  	_ =	shalt  }
0x47: {  	_ =	shalt  }
0x48: {  	_ =	shalt  }
0x49: {  	_ =	shalt  }
0x4a: {  	_ =	shalt  }
0x4b: {  	_ =	shalt  }
0x4c: {  	_ =	shalt  }
0x4d: {  	_ =	shalt  }
0x4e: {  	_ =	shalt  }
0x4f: {  	_ =	shalt  }
0x50: {  	_ =	shalt  }
0x51: {  	_ =	shalt  }
0x52: {  	_ =	shalt  }
0x53: {  	_ =	shalt  }
0x54: {  	_ =	shalt  }
0x55: {  	_ =	shalt  }
0x56: {  	_ =	shalt  }
0x57: {  	_ =	shalt  }
0x58: {  	_ =	shalt  }
0x59: {  	_ =	shalt  }
0x5a: {  	_ =	shalt  }
0x5b: {  	_ =	shalt  }
0x5c: {  	_ =	shalt  }
0x5d: {  	_ =	shalt  }
0x5e: {  	_ =	shalt  }
0x5f: {  	_ =	shalt  }
0x60: {  	_ =	shalt  }
0x61: {  	_ =	shalt  }
0x62: {  	_ =	shalt  }
0x63: {  	_ =	shalt  }
0x64: {  	_ =	shalt  }
0x65: {  	_ =	shalt  }
0x66: {  	_ =	shalt  }
0x67: {  	_ =	shalt  }
0x68: {  	_ =	shalt  }
0x69: {  	_ =	shalt  }
0x6a: {  	_ =	shalt  }
0x6b: {  	_ =	shalt  }
0x6c: {  	_ =	shalt  }
0x6d: {  	_ =	shalt  }
0x6e: {  	_ =	shalt  }
0x6f: {  	_ =	shalt  }
0x70: {  	_ =	shalt  }
0x71: {  	_ =	shalt  }
0x72: {  	_ =	shalt  }
0x73: {  	_ =	shalt  }
0x74: {  	_ =	shalt  }
0x75: {  	_ =	shalt  }
0x76: {  	_ =	shalt  }
0x77: {  	_ =	shalt  }
0x78: {  	_ =	shalt  }
0x79: {  	_ =	shalt  }
0x7a: {  	_ =	shalt  }
0x7b: {  	_ =	shalt  }
0x7c: {  	_ =	shalt  }
0x7d: {  	_ =	shalt  }
0x7e: {  	_ =	shalt  }
0x7f: {  	_ =	shalt  }
0x80: {  	_ =	shalt  }
0x81: {  	_ =	shalt  }
0x82: {  	_ =	shalt  }
0x83: {  	_ =	shalt  }
0x84: {  	_ =	shalt  }
0x85: {  	_ =	shalt  }
0x86: {  	_ =	shalt  }
0x87: {  	_ =	shalt  }
.Lfunc_end0:
.L_simem_size_0:
called_computation.2_lowered:
.L_overlay_start_0:
0x88: {  	s2 =	sld [smem:$0x3FD9]  }
0x89: {  	s3 =	sld [smem:$0x3FFE];
	_ =	sdelay $0x1  }
0x8a: {  	s1 =	srdreg.scid  }
0x8b: {  	s0 =	sand.u32 $0x1, s1  }
0x8c: {  	s16 =	sshll.u32 s0, $0xA;
	s2 =	sadd.s32 s3, s2  }
0x8d: {  	s2 =	sadd.s32 s2, s16  }
0x8e: {  	[smem:$0x3FC0] =	sst s2  }
0x8f: {  	_ = 	snop  }
0x90: {  	(tm) =	ssettm $0x1  }
0x91: {  	s17 =	sld [smem:$0x3FFB];
	_ =	sdelay $0x3  }
0x92: {  	_ =	strace s17  }
0x93: {  	s2 =	sld [smem:$0x3FFC];
	_ =	sdelay $0x3  }
0x94: {  	_ =	strace s2  }
0x95: {  	s2 =	sld [smem:$0x3FFD];
	_ =	sdelay $0x3  }
0x96: {  	_ =	strace s2  }
0x97: {  	_ =	strace $0x8FFFFFFF  }
0x98: {  	s18 =	sld [smem:$0x3FDB];
	_ =	sdelay $0x1  }
0x99: {  	s19 =	simm.s32 $_scs_section_size  }
0x9a: {  	s4 =	simm.s32 $_size__tile_overlayer_lowered;
	s5 =	simm.s32 $_tile_overlayer_lowered  }
0x9b: {  	s22 =	simm.s32 $0x1BFF;
	s21 =	sshll.u32 s5, $0x1;
	s2 =	sadd.s32 s19, s18  }
0x9c: {  	s6 =	simm.s32 $0x0;
	s20 =	sshll.u32 s4, $0x1;
	s4 =	sadd.s32 s21, s2  }
0x9d: {  	[timem:s6], [sflag:s22] =	dma.local [hbm:s4], s20  }
0x9e: {  	_ =	swait.ge [sflag:s22], s20  }
0x9f: {  	s3 =	ssub.s32 $0x0, s20;
	[sflag:s22] =	ssyncset.done $0x0  }
0xa0: {  	[sflag:s22] =	ssyncadd.s32 s3;
	_ =	sdelay $0x1  }
0xa1: {  	s23 =	simm.s32 $0x1B8B  }
0xa2: {  	_ =	swait.ge [sflag:s23], $0x1  }
0xa3: {  	[sflag:s23] =	ssyncset.done $0x0  }
0xa4: {  	s25 =	simm.s32 $0x1B8E;
	s24 =	sld [smem:$0x3FFE];
	[sflag:s23] =	ssyncadd.s32 $0xFFFFFFFF  }
0xa5: {  	s26 =	simm.s32 $execute0_lowered;
	[smem:$0x3FD2] =	sst s25  }
0xa6: {  	s4 =	sshll.u32 s26, $0x1;
	_ =	strace $0x8000004C;
	[dreg:$0x1] =	wrdreg $0xFFFFFFFF  }
0xa7: {  	s28 =	simm.s32 $_size_execute0_lowered;
	s2 =	sadd.s32 s2, s4;
	[dreg:$0x0] =	wrdreg $0x0  }
0xa8: {  	s4 =	sshll.u32 s28, $0x1;
	[dreg:$0x2] =	wrdreg s2  }
0xa9: {  	[dreg:$0x3] =	wrdreg s4  }
0xaa: {  	[dreg:$0x4] =	wrdreg $0xC0  }
0xab: {  	_ =	task [dreg:s6], $0x5FFFF  }
0xac: {  	[dreg:$0x1] =	wrdreg $0xFFFFFFFF  }
0xad: {  	[dreg:$0x0] =	wrdreg $0x60  }
0xae: {  	[dreg:$0x2] =	wrdreg s24  }
0xaf: {  	[dreg:$0x3] =	wrdreg $0x0  }
0xb0: {  	[dreg:$0x4] =	wrdreg $0x9  }
0xb1: {  	_ =	task.clear_ibuf [dreg:s6], $0x5FFFF;
	_ =	strace $0x9000004C  }
0xb2: {  	s29 =	simm.s32 $0x9;
	_ =	strace $0x8000004E  }
0xb3: {  	_ =	swait.ge [sflag:s29], $0x1  }
0xb4: {  	[sflag:s29] =	ssyncadd.s32 $0xFFFFFFFF  }
0xb5: {  	_ =	strace $0x9000004E  }
0xb6: {  	_ =	sfence  }
0xb7: {  	s30 =	sld [smem:$0x0];
	_ =	sdelay $0x2  }
0xb8: {  	s31 =	sshll.u32 s1, $0xD;
	s1 =	sshrl.u32 s1, $0x2  }
0xb9: {  	s3 =	sand.u32 $0x4000, s31;
	s1 =	sadd.s32 s1, s30  }
0xba: {  	s0 =	sor.u32 s3, s0;
	s1 =	sshll.u32 s1, $0x11  }
0xbb: {  	s0 =	sor.u32 s1, s0  }
0xbc: {  	s0 =	sadd.s32 $0x8F2B, s0  }
0xbd: {  	[sflag:s0] =	ssyncadd.remote.s32 $0x1  }
0xbe: {  	_ =	sfence.sel $0xFFFF  }
0xbf: {  	[dreg:$0x0] =	wrdreg $0xFFFFFFFF;
	(pc) =	sbr.abs _section_cstart, $3  }
0xc0: {  	[dreg:$0x1] =	wrdreg $0xFFFFFFFF  }
0xc1: {  	_ =	task.clear_ibuf [dreg:s6], $0x2FFFF;
	_ =	strace $0x9FFFFFFF  }
0xc2: {  	(tm) =	ssettm $0x7FFFFFFF  }
0xc3: {  	_ =	shalt  }
tec
execute0_lowered:
.L_overlay_start_1:
0x0: {  	(tag) =	ssettag $0x1  }
0x1: {  	s0 =	rddreg [dreg:$0x0]  }
0x2: {  	s1 =	rddreg [dreg:$0x1];
	s2 =	simm.s32 $0x0  }
0x3: {  	s3 =	srdreg.scid;
	s12 =	stileid.u32;
	s28 =	simm.s32 $0x188A0  }
0x4: {  	s29 =	simm.s32 $0x187A0;
	s30 =	simm.s32 $0x1A7E0;
	s31 =	simm.s32 $0x1  }
0x5: {  	[smem:$0x7FF] =	sst s2;
	s4 =	sadd.s32 $0x867200, s0;
	s8 =	smul.u32 $0x61A80, s12  }
0x6: {  	s5 =	sadd.s32 $0x95C00, s0;
	s3 =	sand.u32 $0x1, s3;
	s15 =	smul.u32 $0x30D400, s12  }
0x7: {  	s6 =	sadd.s32 $0x7CC00, s0;
	s9 =	sadd.s32 $0x2800, s0;
	s10 =	smul.u32 $0x190, s12  }
0x8: {  	s0 =	sadd.s32 $0x24CA00, s0;
	s11 =	sshll.u32 s12, $0x6;
	s12 =	smul.u32 $0x1900, s12  }
0x9: {  	_ =	strace $0x8000004D;
	s7 =	ssub.s32 $0x2, s3;
	[dreg:$0x3] =	wrdreg s9  }
0xa: {  	s3 =	sshll.u32 s3, $0x5;
	s11 =	sor.u32 $0x1C06, s11;
	s14 =	sshrl.u32 s7, $0x1  }
0xb: {  	s8 =	sshrl.u32 s8, $0x2;
	s9 =	sor.u32 s3, s15;
	[dreg:$0x4] =	wrdreg s11  }
0xc: {  	s10 =	sadd.s32 $0x18E, s10;
	s11 =	simm.s32 $0x4;
	s7 =	ssub.s32 s7, s14  }
0xd: {  	s8 =	sadd.s32 s8, s1;
	s16 =	sshrl.u32 s9, $0x3;
	s14 =	sadd.s32 s5, s12  }
0xe: {  	s17 =	smul.u32 $0x1F40, s10;
	s12 =	sadd.s32 s6, s12;
	s18 =	sshll.u32 s10, $0x4  }
0xf: {  	s19 =	sadd.s32 $0x305700, s9;
	s22 =	sadd.s32 $0x3E80, s9;
	s25 =	sadd.s32 $0x7D00, s9  }
0x10: {  	s10 =	simm.s32 $0x2;
	s13 =	sadd.s32 s4, s16;
	[dreg:$0x5] =	wrdreg s14  }
0x11: {  	s7 =	smax.u32 s7, $0x1;
	s6 =	sadd.s32 s6, s18;
	[dreg:$0xf] =	wrdreg s25  }
0x12: {  	s5 =	sadd.s32 s5, s18;
	s20 =	sshrl.u32 s19, $0x3;
	[dreg:$0x7] =	wrdreg s12  }
0x13: {  	s23 =	sadd.s32 $0x40, s14;
	s24 =	sshrl.u32 s22, $0x3;
	[dreg:$0x6] =	wrdreg s13  }
0x14: {  	s19 =	sadd.s32 $0x40, s12;
	s26 =	sshrl.u32 s8, $0x3;
	[dreg:$0x8] =	wrdreg s7  }
0x15: {  	s25 =	simm.s32 $0x20;
	s8 =	simm.s32 $0x5;
	[dreg:$0x9] =	wrdreg s6  }
0x16: {  	s12 =	simm.s32 $0x18820;
	s14 =	simm.s32 $0x0;
	[dreg:$0xa] =	wrdreg s5  }
0x17: {  	s3 =	sor.u32 s3, s17;
	s5 =	sadd.s32 s0, s20;
	[dreg:$0xe] =	wrdreg s23  }
0x18: {  	s18 =	sadd.s32 s24, s4;
	s20 =	sadd.s32 s16, s0;
	[dreg:$0x10] =	wrdreg s26  }
0x19: {  	s23 =	simm.s32 $0x6;
	s26 =	simm.s32 $0x40;
	s3 =	sshrl.u32 s3, $0x3  }
0x1a: {  	s6 =	simm.s32 $0x19840;
	[dreg:$0xc] =	wrdreg s5;
	s21 =	sadd.s32 s4, s3  }
0x1b: {  	s13 =	simm.s32 $0x1B780;
	s3 =	sadd.s32 s0, s3;
	[dreg:$0xb] =	wrdreg s21  }
0x1c: {  	s5 =	simm.s32 $0x18720;
	[dreg:$0xd] =	wrdreg s3;
	s21 =	sadd.s32 s24, s0  }
0x1d: {  	s24 =	simm.s32 $0x186A0;
	s0 =	simm.s32 $0x3;
	s3 =	simm.s32 $0x7D  }
.LBB2_1:
0x1e: {  	s7 =	rddreg [dreg:$0x3]  }
0x1f: {  	s9 =	rddreg [dreg:$0x4]  }
0x20: {  	s15 =	rddreg [dreg:$0x10]  }
0x21: {  	[spmem:s15], [sflag:s9] =	dma.local [hbm:s7], $0x30D4  }
0x22: {  	_ =	swait.ge [sflag:s23], $0x30D4  }
0x23: {  	[sflag:s23] =	ssyncset.done $0x0  }
0x24: {  	[sflag:s23] =	ssyncadd.s32 $0xFFFFCF2C  }
0x25: {  	[bflag:$0x0] =	sbarrier.arrive $0xFFFF  }
0x26: {  	s9 =	rddreg [dreg:$0x5]  }
0x27: {  	[tilespmem:s24], [sflag:$0x1] =	stream.linear.gather [hbm4b:s9+s2], $0x100, $0x38;
	[tilespmem:$0x1C720] =	vst v63  }
0x28: {  	s15 =	rddreg [dreg:$0x6]  }
0x29: {  	[tilespmem:s28], [sflag:$0x3] =	stream.strided.gather [hbm4b:s15+s25], $0x1F40, s26, s25, $0x38;
	[tilespmem:$0x1C720] =	vst v63  }
0x2a: {  	s15 =	rddreg [dreg:$0xe]  }
0x2b: {  	s16 =	sadd.s32 $0xFFFFFFE0, s15  }
0x2c: {  	[tilespmem:s29], [sflag:$0x2] =	stream.linear.gather [hbm4b:s16+s2], $0x100, $0x38;
	[tilespmem:$0x1C720] =	vst v63  }
0x2d: {  	s17 =	sadd.s32 $0x0, s18  }
0x2e: {  	[tilespmem:s30], [sflag:$0x4] =	stream.strided.gather [hbm4b:s17+s25], $0x1F40, s26, s25, $0x38;
	[tilespmem:$0x1C720] =	vst v63  }
0x2f: {  	_ =	swait.ge [sflag:s31], $0x100  }
0x30: {  	[sflag:s31] =	ssyncset.done $0x0  }
0x31: {  	[sflag:s31] =	ssyncadd.s32 $0xFFFFFF00  }
0x32: {  	_ =	swait.ge [sflag:s0], $0x1F40  }
0x33: {  	[sflag:s0] =	ssyncset.done $0x0  }
0x34: {  	[sflag:s0] =	ssyncadd.s32 $0xFFFFE0C0  }
0x35: {  	[spmem:s1] =	stream.indirect.scatter.add.f32 [tilespmem:s28], [sflag:$0x5], $0x20, s24, s3, $0xb8;
	[tilespmem:$0x1C720] =	vst v63  }
0x36: {  	_ = 	snop  }
0x37: {  	[spmem:s1] =	stream.indirect.scatter.add.f32 [tilespmem:s6], [sflag:$0x5], $0x20, s5, s3, $0xb8;
	[tilespmem:$0x1C720] =	vst v63  }
0x38: {  	_ =	swait.ge [sflag:s8], $0xFA0  }
0x39: {  	[sflag:s8] =	ssyncset.done $0x0  }
0x3a: {  	[sflag:s8] =	ssyncadd.s32 $0xFFFFF060  }
0x3b: {  	_ =	swait.ge [sflag:s8], $0xFA0  }
0x3c: {  	[sflag:s8] =	ssyncset.done $0x0;
	s17 =	rddreg [dreg:$0xf]  }
0x3d: {  	[sflag:s8] =	ssyncadd.s32 $0xFFFFF060;
	s22 =	sshrl.u32 s17, $0x3  }
0x3e: {  	[tilespmem:s24], [sflag:$0x1] =	stream.linear.gather [hbm4b:s15+s2], $0x100, $0x38;
	[tilespmem:$0x1C720] =	vst v63  }
0x3f: {  	s7 =	sadd.s32 s4, s22  }
0x40: {  	[tilespmem:s28], [sflag:$0x3] =	stream.strided.gather [hbm4b:s7+s25], $0x1F40, s26, s25, $0x38;
	[tilespmem:$0x1C720] =	vst v63  }
0x41: {  	_ =	swait.ge [sflag:s10], $0x100  }
0x42: {  	[sflag:s10] =	ssyncset.done $0x0  }
0x43: {  	[sflag:s10] =	ssyncadd.s32 $0xFFFFFF00  }
0x44: {  	_ =	swait.ge [sflag:s11], $0x1F40  }
0x45: {  	[sflag:s11] =	ssyncset.done $0x0  }
0x46: {  	[sflag:s11] =	ssyncadd.s32 $0xFFFFE0C0  }
0x47: {  	[spmem:s1] =	stream.indirect.scatter.add.f32 [tilespmem:s30], [sflag:$0x5], $0x20, s29, s3, $0xb8;
	[tilespmem:$0x1C720] =	vst v63  }
0x48: {  	_ = 	snop  }
0x49: {  	[spmem:s1] =	stream.indirect.scatter.add.f32 [tilespmem:s13], [sflag:$0x5], $0x20, s12, s3, $0xb8;
	[tilespmem:$0x1C720] =	vst v63  }
0x4a: {  	_ =	swait.ge [sflag:s8], $0xFA0  }
0x4b: {  	[sflag:s8] =	ssyncset.done $0x0  }
0x4c: {  	[sflag:s8] =	ssyncadd.s32 $0xFFFFF060  }
0x4d: {  	s9 =	simm.s32 $0xFA0;
	_ =	swait.ge [sflag:s8], $0xFA0  }
0x4e: {  	s22 =	simm.s32 $0x1F40;
	s7 =	sadd.s32 $0x40, s15;
	[sflag:s8] =	ssyncset.done $0x0  }
.LBB2_2:
0x4f: {  	s15 =	sadd.s32 $0xFFFFFFE0, s7  }
0x50: {  	[sflag:s8] =	ssyncadd.s32 $0xFFFFF060;
	s17 =	sadd.s32 $0x7D00, s17;
	s16 =	smov.u32 s22  }
0x51: {  	[tilespmem:s29], [sflag:$0x2] =	stream.linear.gather [hbm4b:s15+s2], $0x100, $0x38;
	[tilespmem:$0x1C720] =	vst v63  }
0x52: {  	p0 =	sne.s32 s22, $0x5FB40;
	s22 =	sadd.s32 $0xFA0, s22;
	s9 =	sadd.s32 s9, s18  }
0x53: {  	[tilespmem:s30], [sflag:$0x4] =	stream.strided.gather [hbm4b:s9+s25], $0x1F40, s26, s25, $0x38;
	[tilespmem:$0x1C720] =	vst v63  }
0x54: {  	s9 =	smov.u32 s16;
	_ =	swait.ge [sflag:s31], $0x100  }
0x55: {  	[sflag:s31] =	ssyncset.done $0x0  }
0x56: {  	[sflag:s31] =	ssyncadd.s32 $0xFFFFFF00  }
0x57: {  	_ =	swait.ge [sflag:s0], $0x1F40  }
0x58: {  	[sflag:s0] =	ssyncset.done $0x0  }
0x59: {  	[sflag:s0] =	ssyncadd.s32 $0xFFFFE0C0  }
0x5a: {  	[spmem:s1] =	stream.indirect.scatter.add.f32 [tilespmem:s28], [sflag:$0x5], $0x20, s24, s3, $0xb8;
	[tilespmem:$0x1C720] =	vst v63  }
0x5b: {  	_ = 	snop  }
0x5c: {  	[spmem:s1] =	stream.indirect.scatter.add.f32 [tilespmem:s6], [sflag:$0x5], $0x20, s5, s3, $0xb8;
	[tilespmem:$0x1C720] =	vst v63  }
0x5d: {  	_ =	swait.ge [sflag:s8], $0xFA0  }
0x5e: {  	[sflag:s8] =	ssyncset.done $0x0  }
0x5f: {  	[sflag:s8] =	ssyncadd.s32 $0xFFFFF060  }
0x60: {  	_ =	swait.ge [sflag:s8], $0xFA0  }
0x61: {  	[sflag:s8] =	ssyncset.done $0x0  }
0x62: {  	s15 =	sshrl.u32 s17, $0x3;
	[sflag:s8] =	ssyncadd.s32 $0xFFFFF060  }
0x63: {  	[tilespmem:s24], [sflag:$0x1] =	stream.linear.gather [hbm4b:s7+s2], $0x100, $0x38;
	[tilespmem:$0x1C720] =	vst v63  }
0x64: {  	s15 =	sadd.s32 s4, s15  }
0x65: {  	[tilespmem:s28], [sflag:$0x3] =	stream.strided.gather [hbm4b:s15+s25], $0x1F40, s26, s25, $0x38;
	[tilespmem:$0x1C720] =	vst v63  }
0x66: {  	_ =	swait.ge [sflag:s10], $0x100  }
0x67: {  	[sflag:s10] =	ssyncset.done $0x0  }
0x68: {  	[sflag:s10] =	ssyncadd.s32 $0xFFFFFF00  }
0x69: {  	_ =	swait.ge [sflag:s11], $0x1F40  }
0x6a: {  	[sflag:s11] =	ssyncset.done $0x0  }
0x6b: {  	[sflag:s11] =	ssyncadd.s32 $0xFFFFE0C0  }
0x6c: {  	[spmem:s1] =	stream.indirect.scatter.add.f32 [tilespmem:s30], [sflag:$0x5], $0x20, s29, s3, $0xb8;
	[tilespmem:$0x1C720] =	vst v63  }
0x6d: {  	_ = 	snop  }
0x6e: {  	[spmem:s1] =	stream.indirect.scatter.add.f32 [tilespmem:s13], [sflag:$0x5], $0x20, s12, s3, $0xb8;
	[tilespmem:$0x1C720] =	vst v63  }
.Ltmp0:
0x6f: {  	_ =	swait.ge [sflag:s8], $0xFA0;
	(pc) =	sbr.rel @p0 .LBB2_2-.Ltmp0, $4  }
0x70: {  	[sflag:s8] =	ssyncset.done $0x0  }
0x71: {  	[sflag:s8] =	ssyncadd.s32 $0xFFFFF060  }
0x72: {  	_ =	swait.ge [sflag:s8], $0xFA0  }
0x73: {  	s7 =	sadd.s32 $0x40, s7;
	[sflag:s8] =	ssyncset.done $0x0  }
0x74: {  	s15 =	sadd.s32 $0xFFFFFFE0, s7;
	[sflag:s8] =	ssyncadd.s32 $0xFFFFF060  }
0x75: {  	[tilespmem:s29], [sflag:$0x2] =	stream.linear.gather [hbm4b:s15+s2], $0x100, $0x38;
	[tilespmem:$0x1C720] =	vst v63  }
0x76: {  	s9 =	sadd.s32 s9, s18  }
0x77: {  	[tilespmem:s30], [sflag:$0x4] =	stream.strided.gather [hbm4b:s9+s25], $0x1F40, s26, s25, $0x38;
	[tilespmem:$0x1C720] =	vst v63  }
0x78: {  	_ =	swait.ge [sflag:s31], $0x100  }
0x79: {  	[sflag:s31] =	ssyncset.done $0x0  }
0x7a: {  	[sflag:s31] =	ssyncadd.s32 $0xFFFFFF00  }
0x7b: {  	_ =	swait.ge [sflag:s0], $0x1F40  }
0x7c: {  	[sflag:s0] =	ssyncset.done $0x0  }
0x7d: {  	[sflag:s0] =	ssyncadd.s32 $0xFFFFE0C0  }
0x7e: {  	[spmem:s1] =	stream.indirect.scatter.add.f32 [tilespmem:s28], [sflag:$0x5], $0x20, s24, s3, $0xb8;
	[tilespmem:$0x1C720] =	vst v63  }
0x7f: {  	_ = 	snop  }
0x80: {  	[spmem:s1] =	stream.indirect.scatter.add.f32 [tilespmem:s6], [sflag:$0x5], $0x20, s5, s3, $0xb8;
	[tilespmem:$0x1C720] =	vst v63  }
0x81: {  	_ =	swait.ge [sflag:s8], $0xFA0  }
0x82: {  	[sflag:s8] =	ssyncset.done $0x0  }
0x83: {  	[sflag:s8] =	ssyncadd.s32 $0xFFFFF060  }
0x84: {  	_ =	swait.ge [sflag:s8], $0xFA0  }
0x85: {  	s22 =	sadd.s32 $0x7D00, s17;
	[sflag:s8] =	ssyncset.done $0x0  }
0x86: {  	s9 =	sshrl.u32 s22, $0x3;
	[sflag:s8] =	ssyncadd.s32 $0xFFFFF060  }
0x87: {  	[tilespmem:s24], [sflag:$0x1] =	stream.linear.gather [hbm4b:s7+s2], $0x100, $0x38;
	[tilespmem:$0x1C720] =	vst v63  }
0x88: {  	s15 =	sadd.s32 s4, s9  }
0x89: {  	[tilespmem:s28], [sflag:$0x3] =	stream.strided.gather [hbm4b:s15+s25], $0x1F40, s26, s25, $0x38;
	[tilespmem:$0x1C720] =	vst v63  }
0x8a: {  	_ =	swait.ge [sflag:s10], $0x100  }
0x8b: {  	[sflag:s10] =	ssyncset.done $0x0  }
0x8c: {  	[sflag:s10] =	ssyncadd.s32 $0xFFFFFF00  }
0x8d: {  	_ =	swait.ge [sflag:s11], $0x1F40  }
0x8e: {  	[sflag:s11] =	ssyncset.done $0x0  }
0x8f: {  	[sflag:s11] =	ssyncadd.s32 $0xFFFFE0C0  }
0x90: {  	[spmem:s1] =	stream.indirect.scatter.add.f32 [tilespmem:s30], [sflag:$0x5], $0x20, s29, s3, $0xb8;
	[tilespmem:$0x1C720] =	vst v63  }
0x91: {  	_ = 	snop  }
0x92: {  	[spmem:s1] =	stream.indirect.scatter.add.f32 [tilespmem:s13], [sflag:$0x5], $0x20, s12, s3, $0xb8;
	[tilespmem:$0x1C720] =	vst v63  }
0x93: {  	_ =	swait.ge [sflag:s8], $0xFA0  }
0x94: {  	[sflag:s8] =	ssyncset.done $0x0  }
0x95: {  	[sflag:s8] =	ssyncadd.s32 $0xFFFFF060  }
0x96: {  	_ =	swait.ge [sflag:s8], $0xFA0  }
0x97: {  	[sflag:s8] =	ssyncset.done $0x0  }
0x98: {  	s16 =	simm.s32 $0x0;
	s17 =	rddreg [dreg:$0xa];
	[sflag:s8] =	ssyncadd.s32 $0xFFFFF060  }
0x99: {  	[tilespmem:s29], [sflag:$0x2] =	stream.linear.gather [hbm4b:s17+s16], $0x100, $0x38;
	[tilespmem:$0x1C720] =	vst v63  }
0x9a: {  	s22 =	rddreg [dreg:$0xb]  }
0x9b: {  	[tilespmem:s30], [sflag:$0x4] =	stream.strided.gather [hbm4b:s22+s25], $0x1F40, s26, s25, $0x38;
	[tilespmem:$0x1C720] =	vst v63  }
0x9c: {  	_ =	swait.ge [sflag:s31], $0x100  }
0x9d: {  	[sflag:s31] =	ssyncset.done $0x0  }
0x9e: {  	[sflag:s31] =	ssyncadd.s32 $0xFFFFFF00  }
0x9f: {  	_ =	swait.ge [sflag:s0], $0x1F40  }
0xa0: {  	[sflag:s0] =	ssyncset.done $0x0  }
0xa1: {  	[sflag:s0] =	ssyncadd.s32 $0xFFFFE0C0  }
0xa2: {  	[spmem:s1] =	stream.indirect.scatter.add.f32 [tilespmem:s28], [sflag:$0x5], $0x20, s24, s3, $0xb8;
	[tilespmem:$0x1C720] =	vst v63  }
0xa3: {  	_ = 	snop  }
0xa4: {  	[spmem:s1] =	stream.indirect.scatter.add.f32 [tilespmem:s6], [sflag:$0x5], $0x20, s5, s3, $0xb8;
	[tilespmem:$0x1C720] =	vst v63  }
0xa5: {  	_ =	swait.ge [sflag:s8], $0xFA0  }
0xa6: {  	[sflag:s8] =	ssyncset.done $0x0  }
0xa7: {  	[sflag:s8] =	ssyncadd.s32 $0xFFFFF060  }
0xa8: {  	_ =	swait.ge [sflag:s8], $0xFA0  }
0xa9: {  	[sflag:s8] =	ssyncset.done $0x0  }
0xaa: {  	[sflag:s8] =	ssyncadd.s32 $0xFFFFF060  }
0xab: {  	_ =	swait.ge [sflag:s10], $0x100  }
0xac: {  	[sflag:s10] =	ssyncset.done $0x0  }
0xad: {  	[sflag:s10] =	ssyncadd.s32 $0xFFFFFF00  }
0xae: {  	_ =	swait.ge [sflag:s11], $0x1F40  }
0xaf: {  	[sflag:s11] =	ssyncset.done $0x0  }
0xb0: {  	[sflag:s11] =	ssyncadd.s32 $0xFFFFE0C0  }
0xb1: {  	[spmem:s1] =	stream.indirect.scatter.add.f32 [tilespmem:s30], [sflag:$0x5], $0x20, s29, s3, $0xb8;
	[tilespmem:$0x1C720] =	vst v63  }
0xb2: {  	_ = 	snop  }
0xb3: {  	[spmem:s1] =	stream.indirect.scatter.add.f32 [tilespmem:s13], [sflag:$0x5], $0x20, s12, s3, $0xb8;
	[tilespmem:$0x1C720] =	vst v63  }
0xb4: {  	_ =	swait.ge [sflag:s8], $0xFA0  }
0xb5: {  	[sflag:s8] =	ssyncset.done $0x0  }
0xb6: {  	[sflag:s8] =	ssyncadd.s32 $0xFFFFF060  }
0xb7: {  	_ =	swait.ge [sflag:s8], $0xFA0  }
0xb8: {  	[sflag:s8] =	ssyncset.done $0x0  }
0xb9: {  	[sflag:s8] =	ssyncadd.s32 $0xFFFFF060  }
0xba: {  	[bflag:$0x0] =	sbarrier.arrive $0xFFFF  }
0xbb: {  	s15 =	rddreg [dreg:$0x7]  }
0xbc: {  	[tilespmem:s24], [sflag:$0x1] =	stream.linear.gather [hbm4b:s15+s16], $0x100, $0x38;
	[tilespmem:$0x1C720] =	vst v63  }
0xbd: {  	s16 =	sadd.s32 $0xFFFFFFE0, s19  }
0xbe: {  	[tilespmem:s29], [sflag:$0x2] =	stream.linear.gather [hbm4b:s16+s2], $0x100, $0x38;
	[tilespmem:$0x1C720] =	vst v63  }
0xbf: {  	_ =	swait.ge [sflag:s31], $0x100  }
0xc0: {  	[sflag:s31] =	ssyncset.done $0x0  }
0xc1: {  	[sflag:s31] =	ssyncadd.s32 $0xFFFFFF00  }
0xc2: {  	[tilespmem:s28], [sflag:$0x5] =	stream.indirect.gather [spmem:s1], $0x20, s24, s3, $0xb8;
	[tilespmem:$0x1C720] =	vst v63  }
0xc3: {  	_ = 	snop  }
0xc4: {  	[tilespmem:s6], [sflag:$0x5] =	stream.indirect.gather [spmem:s1], $0x20, s5, s3, $0xb8;
	[tilespmem:$0x1C720] =	vst v63  }
0xc5: {  	_ =	swait.ge [sflag:s8], $0xFA0  }
0xc6: {  	[sflag:s8] =	ssyncset.done $0x0  }
0xc7: {  	[sflag:s8] =	ssyncadd.s32 $0xFFFFF060  }
0xc8: {  	_ =	swait.ge [sflag:s8], $0xFA0  }
0xc9: {  	[sflag:s8] =	ssyncset.done $0x0  }
0xca: {  	s17 =	sadd.s32 $0x0, s20;
	[sflag:s8] =	ssyncadd.s32 $0xFFFFF060  }
0xcb: {  	[hbm4b:s17+s25] =	stream.strided.scatter [tilespmem:s28], [sflag:$0x6], $0x1F40, s26, s25, $0x38;
	[tilespmem:$0x1C720] =	vst v63  }
0xcc: {  	_ =	swait.ge [sflag:s23], $0x1F40  }
0xcd: {  	[sflag:s23] =	ssyncset.done $0x0  }
0xce: {  	[sflag:s23] =	ssyncadd.s32 $0xFFFFE0C0  }
0xcf: {  	[tilespmem:s24], [sflag:$0x1] =	stream.linear.gather [hbm4b:s19+s2], $0x100, $0x38;
	[tilespmem:$0x1C720] =	vst v63  }
0xd0: {  	_ =	swait.ge [sflag:s10], $0x100  }
0xd1: {  	[sflag:s10] =	ssyncset.done $0x0  }
0xd2: {  	[sflag:s10] =	ssyncadd.s32 $0xFFFFFF00  }
0xd3: {  	[tilespmem:s30], [sflag:$0x5] =	stream.indirect.gather [spmem:s1], $0x20, s29, s3, $0xb8;
	[tilespmem:$0x1C720] =	vst v63  }
0xd4: {  	_ = 	snop  }
0xd5: {  	[tilespmem:s13], [sflag:$0x5] =	stream.indirect.gather [spmem:s1], $0x20, s12, s3, $0xb8;
	[tilespmem:$0x1C720] =	vst v63  }
0xd6: {  	_ =	swait.ge [sflag:s8], $0xFA0  }
0xd7: {  	[sflag:s8] =	ssyncset.done $0x0  }
0xd8: {  	[sflag:s8] =	ssyncadd.s32 $0xFFFFF060  }
0xd9: {  	_ =	swait.ge [sflag:s8], $0xFA0  }
0xda: {  	[sflag:s8] =	ssyncset.done $0x0  }
0xdb: {  	s22 =	sadd.s32 $0x0, s21;
	[sflag:s8] =	ssyncadd.s32 $0xFFFFF060  }
0xdc: {  	[hbm4b:s22+s25] =	stream.strided.scatter [tilespmem:s30], [sflag:$0x6], $0x1F40, s26, s25, $0x38;
	[tilespmem:$0x1C720] =	vst v63  }
0xdd: {  	s9 =	simm.s32 $0x1F40;
	_ =	swait.ge [sflag:s23], $0x1F40  }
0xde: {  	s7 =	simm.s32 $0xFA0;
	s17 =	sadd.s32 $0x40, s19;
	[sflag:s23] =	ssyncset.done $0x0  }
.LBB2_4:
0xdf: {  	p0 =	sne.s32 s9, $0x5FB40;
	s15 =	sadd.s32 $0xFFFFFFE0, s17;
	[sflag:s23] =	ssyncadd.s32 $0xFFFFE0C0  }
0xe0: {  	[tilespmem:s29], [sflag:$0x2] =	stream.linear.gather [hbm4b:s15+s2], $0x100, $0x38;
	[tilespmem:$0x1C720] =	vst v63  }
0xe1: {  	s15 =	smov.u32 s9;
	s9 =	sadd.s32 $0xFA0, s9;
	_ =	swait.ge [sflag:s31], $0x100  }
0xe2: {  	[sflag:s31] =	ssyncset.done $0x0  }
0xe3: {  	[sflag:s31] =	ssyncadd.s32 $0xFFFFFF00  }
0xe4: {  	[tilespmem:s28], [sflag:$0x5] =	stream.indirect.gather [spmem:s1], $0x20, s24, s3, $0xb8;
	[tilespmem:$0x1C720] =	vst v63  }
0xe5: {  	_ = 	snop  }
0xe6: {  	[tilespmem:s6], [sflag:$0x5] =	stream.indirect.gather [spmem:s1], $0x20, s5, s3, $0xb8;
	[tilespmem:$0x1C720] =	vst v63  }
0xe7: {  	_ =	swait.ge [sflag:s8], $0xFA0  }
0xe8: {  	[sflag:s8] =	ssyncset.done $0x0  }
0xe9: {  	[sflag:s8] =	ssyncadd.s32 $0xFFFFF060  }
0xea: {  	_ =	swait.ge [sflag:s8], $0xFA0  }
0xeb: {  	[sflag:s8] =	ssyncset.done $0x0  }
0xec: {  	s16 =	sadd.s32 s7, s20;
	[sflag:s8] =	ssyncadd.s32 $0xFFFFF060  }
0xed: {  	[hbm4b:s16+s25] =	stream.strided.scatter [tilespmem:s28], [sflag:$0x6], $0x1F40, s26, s25, $0x38;
	[tilespmem:$0x1C720] =	vst v63  }
0xee: {  	_ =	swait.ge [sflag:s23], $0x1F40  }
0xef: {  	[sflag:s23] =	ssyncset.done $0x0  }
0xf0: {  	[sflag:s23] =	ssyncadd.s32 $0xFFFFE0C0  }
0xf1: {  	[tilespmem:s24], [sflag:$0x1] =	stream.linear.gather [hbm4b:s17+s2], $0x100, $0x38;
	[tilespmem:$0x1C720] =	vst v63  }
0xf2: {  	_ =	swait.ge [sflag:s10], $0x100  }
0xf3: {  	[sflag:s10] =	ssyncset.done $0x0  }
0xf4: {  	[sflag:s10] =	ssyncadd.s32 $0xFFFFFF00  }
0xf5: {  	[tilespmem:s30], [sflag:$0x5] =	stream.indirect.gather [spmem:s1], $0x20, s29, s3, $0xb8;
	[tilespmem:$0x1C720] =	vst v63  }
0xf6: {  	_ = 	snop  }
0xf7: {  	[tilespmem:s13], [sflag:$0x5] =	stream.indirect.gather [spmem:s1], $0x20, s12, s3, $0xb8;
	[tilespmem:$0x1C720] =	vst v63  }
0xf8: {  	_ =	swait.ge [sflag:s8], $0xFA0  }
0xf9: {  	[sflag:s8] =	ssyncset.done $0x0  }
0xfa: {  	[sflag:s8] =	ssyncadd.s32 $0xFFFFF060  }
0xfb: {  	_ =	swait.ge [sflag:s8], $0xFA0  }
.Ltmp1:
0xfc: {  	[sflag:s8] =	ssyncset.done $0x0;
	(pc) =	sbr.rel @p0 .LBB2_4-.Ltmp1, $4  }
0xfd: {  	s16 =	sadd.s32 s7, s21;
	s7 =	smov.u32 s15;
	[sflag:s8] =	ssyncadd.s32 $0xFFFFF060  }
0xfe: {  	[hbm4b:s16+s25] =	stream.strided.scatter [tilespmem:s30], [sflag:$0x6], $0x1F40, s26, s25, $0x38;
	[tilespmem:$0x1C720] =	vst v63  }
0xff: {  	_ =	swait.ge [sflag:s23], $0x1F40  }
0x100: {  	s17 =	sadd.s32 $0x40, s17;
	[sflag:s23] =	ssyncset.done $0x0  }
0x101: {  	s9 =	sadd.s32 $0xFFFFFFE0, s17;
	[sflag:s23] =	ssyncadd.s32 $0xFFFFE0C0  }
0x102: {  	[tilespmem:s29], [sflag:$0x2] =	stream.linear.gather [hbm4b:s9+s2], $0x100, $0x38;
	[tilespmem:$0x1C720] =	vst v63  }
0x103: {  	_ =	swait.ge [sflag:s31], $0x100  }
0x104: {  	[sflag:s31] =	ssyncset.done $0x0  }
0x105: {  	[sflag:s31] =	ssyncadd.s32 $0xFFFFFF00  }
0x106: {  	[tilespmem:s28], [sflag:$0x5] =	stream.indirect.gather [spmem:s1], $0x20, s24, s3, $0xb8;
	[tilespmem:$0x1C720] =	vst v63  }
0x107: {  	_ = 	snop  }
0x108: {  	[tilespmem:s6], [sflag:$0x5] =	stream.indirect.gather [spmem:s1], $0x20, s5, s3, $0xb8;
	[tilespmem:$0x1C720] =	vst v63  }
0x109: {  	_ =	swait.ge [sflag:s8], $0xFA0  }
0x10a: {  	[sflag:s8] =	ssyncset.done $0x0  }
0x10b: {  	[sflag:s8] =	ssyncadd.s32 $0xFFFFF060  }
0x10c: {  	_ =	swait.ge [sflag:s8], $0xFA0  }
0x10d: {  	[sflag:s8] =	ssyncset.done $0x0  }
0x10e: {  	s22 =	sadd.s32 s7, s20;
	[sflag:s8] =	ssyncadd.s32 $0xFFFFF060  }
0x10f: {  	[hbm4b:s22+s25] =	stream.strided.scatter [tilespmem:s28], [sflag:$0x6], $0x1F40, s26, s25, $0x38;
	[tilespmem:$0x1C720] =	vst v63  }
0x110: {  	_ =	swait.ge [sflag:s23], $0x1F40  }
0x111: {  	[sflag:s23] =	ssyncset.done $0x0  }
0x112: {  	[sflag:s23] =	ssyncadd.s32 $0xFFFFE0C0  }
0x113: {  	[tilespmem:s24], [sflag:$0x1] =	stream.linear.gather [hbm4b:s17+s2], $0x100, $0x38;
	[tilespmem:$0x1C720] =	vst v63  }
0x114: {  	_ =	swait.ge [sflag:s10], $0x100  }
0x115: {  	[sflag:s10] =	ssyncset.done $0x0  }
0x116: {  	[sflag:s10] =	ssyncadd.s32 $0xFFFFFF00  }
0x117: {  	[tilespmem:s30], [sflag:$0x5] =	stream.indirect.gather [spmem:s1], $0x20, s29, s3, $0xb8;
	[tilespmem:$0x1C720] =	vst v63  }
0x118: {  	_ = 	snop  }
0x119: {  	[tilespmem:s13], [sflag:$0x5] =	stream.indirect.gather [spmem:s1], $0x20, s12, s3, $0xb8;
	[tilespmem:$0x1C720] =	vst v63  }
0x11a: {  	_ =	swait.ge [sflag:s8], $0xFA0  }
0x11b: {  	[sflag:s8] =	ssyncset.done $0x0  }
0x11c: {  	[sflag:s8] =	ssyncadd.s32 $0xFFFFF060  }
0x11d: {  	_ =	swait.ge [sflag:s8], $0xFA0  }
0x11e: {  	[sflag:s8] =	ssyncset.done $0x0  }
0x11f: {  	s9 =	sadd.s32 s7, s21;
	[sflag:s8] =	ssyncadd.s32 $0xFFFFF060  }
0x120: {  	[hbm4b:s9+s25] =	stream.strided.scatter [tilespmem:s30], [sflag:$0x6], $0x1F40, s26, s25, $0x38;
	[tilespmem:$0x1C720] =	vst v63  }
0x121: {  	_ =	swait.ge [sflag:s23], $0x1F40  }
0x122: {  	[sflag:s23] =	ssyncset.done $0x0  }
0x123: {  	s15 =	rddreg [dreg:$0x9];
	[sflag:s23] =	ssyncadd.s32 $0xFFFFE0C0  }
0x124: {  	[tilespmem:s29], [sflag:$0x2] =	stream.linear.gather [hbm4b:s15+s2], $0x100, $0x38;
	[tilespmem:$0x1C720] =	vst v63  }
0x125: {  	_ =	swait.ge [sflag:s31], $0x100  }
0x126: {  	[sflag:s31] =	ssyncset.done $0x0  }
0x127: {  	[sflag:s31] =	ssyncadd.s32 $0xFFFFFF00  }
0x128: {  	[tilespmem:s28], [sflag:$0x5] =	stream.indirect.gather [spmem:s1], $0x20, s24, s3, $0xb8;
	[tilespmem:$0x1C720] =	vst v63  }
0x129: {  	_ = 	snop  }
0x12a: {  	[tilespmem:s6], [sflag:$0x5] =	stream.indirect.gather [spmem:s1], $0x20, s5, s3, $0xb8;
	[tilespmem:$0x1C720] =	vst v63  }
0x12b: {  	_ =	swait.ge [sflag:s8], $0xFA0  }
0x12c: {  	[sflag:s8] =	ssyncset.done $0x0  }
0x12d: {  	[sflag:s8] =	ssyncadd.s32 $0xFFFFF060  }
0x12e: {  	_ =	swait.ge [sflag:s8], $0xFA0  }
0x12f: {  	[sflag:s8] =	ssyncset.done $0x0  }
0x130: {  	s16 =	rddreg [dreg:$0xc];
	[sflag:s8] =	ssyncadd.s32 $0xFFFFF060  }
0x131: {  	[hbm4b:s16+s25] =	stream.strided.scatter [tilespmem:s28], [sflag:$0x6], $0x1F40, s26, s25, $0x38;
	[tilespmem:$0x1C720] =	vst v63  }
0x132: {  	_ =	swait.ge [sflag:s23], $0x1F40  }
0x133: {  	[sflag:s23] =	ssyncset.done $0x0  }
0x134: {  	[sflag:s23] =	ssyncadd.s32 $0xFFFFE0C0  }
0x135: {  	_ =	swait.ge [sflag:s10], $0x100  }
0x136: {  	[sflag:s10] =	ssyncset.done $0x0  }
0x137: {  	[sflag:s10] =	ssyncadd.s32 $0xFFFFFF00  }
0x138: {  	[tilespmem:s30], [sflag:$0x5] =	stream.indirect.gather [spmem:s1], $0x20, s29, s3, $0xb8;
	[tilespmem:$0x1C720] =	vst v63  }
0x139: {  	_ = 	snop  }
0x13a: {  	[tilespmem:s13], [sflag:$0x5] =	stream.indirect.gather [spmem:s1], $0x20, s12, s3, $0xb8;
	[tilespmem:$0x1C720] =	vst v63  }
0x13b: {  	_ =	swait.ge [sflag:s8], $0xFA0  }
0x13c: {  	[sflag:s8] =	ssyncset.done $0x0  }
0x13d: {  	[sflag:s8] =	ssyncadd.s32 $0xFFFFF060  }
0x13e: {  	_ =	swait.ge [sflag:s8], $0xFA0  }
0x13f: {  	[sflag:s8] =	ssyncset.done $0x0  }
0x140: {  	s17 =	rddreg [dreg:$0xd];
	[sflag:s8] =	ssyncadd.s32 $0xFFFFF060  }
0x141: {  	[hbm4b:s17+s25] =	stream.strided.scatter [tilespmem:s30], [sflag:$0x6], $0x1F40, s26, s25, $0x38;
	[tilespmem:$0x1C720] =	vst v63  }
0x142: {  	_ =	swait.ge [sflag:s23], $0x1F40  }
0x143: {  	s14 =	sadd.s32 $0x1, s14;
	s22 =	rddreg [dreg:$0x8]  }
0x144: {  	p0 =	sne.s32 s14, s22  }
.Ltmp2:
0x145: {  	_ = 	snop;
	(pc) =	sbr.rel @p0 .LBB2_1-.Ltmp2, $3  }
0x146: {  	_ =	sdelay $0x1  }
0x147: {  	[sflag:s23] =	ssyncset.done $0x0  }
0x148: {  	[sflag:s23] =	ssyncadd.s32 $0xFFFFE0C0  }
0x149: {  	_ =	sfence.sel $0x180000  }
0x14a: {  	[bflag:$0x0] =	sbarrier.arrive $0xFFFF  }
0x14b: {  	_ =	strace $0x9000004D  }
0x14c: {  	s0 =	stileid.u32;
	[bflag:$0x2] =	sbarrier.arrive $0xFFFF  }
0x14d: {  	p0 =	sne.s32 s0, $0x0;
	s0 =	rddreg [dreg:$0x2]  }
0x14e: {  	s0 =	sadd.s32 @!p0 $0x100000, s0  }
0x14f: {  	[sflag:s0] =	ssyncadd.tile.s32 @!p0 $0x1;
	_ =	shalt  }
.Lfunc_end2:
_tile_overlayer_lowered:
.L_overlay_start_2:
0x150: {  	(tag) =	ssettag $0x2  }
0x151: {  	s0 =	rddreg [dreg:$0x0];
	s2 =	stileid.u32  }
0x152: {  	s1 =	rddreg [dreg:$0x1];
	p0 =	sne.s32 s2, $0x0  }
0x153: {  	s3 =	rddreg [dreg:$0x2];
	[bflag:$0x3] =	sbarrier.arrive $0xFFFF;
	s2 =	simm.s32 @!p0 $0x1C06  }
0x154: {  	[timem:s3], [sflag:s2] =	dma.local @!p0 [hbm:s0], s1  }
0x155: {  	s0 =	simm.s32 @!p0 $0x6  }
0x156: {  	_ =	swait.ge @!p0 [sflag:s0], s1  }
0x157: {  	s1 =	ssub.s32 @!p0 $0x0, s1;
	[sflag:s0] =	ssyncset.done @!p0 $0x0  }
0x158: {  	[sflag:s0] =	ssyncadd.s32 @!p0 s1  }
0x159: {  	[bflag:$0x3] =	sbarrier.arrive $0xFFFF  }
0x15a: {  	_ =	shalt  }

// kernel: kernel.20.cloned.1.call-start
scs
__scs_entry_jumppad:
0x0: {  	(pc) =	sbr.rel $0x88, $3  }
0x1: {  	(tag) =	ssettag $0x0;
	lr =	simm.s32 $0x1  }
0x2: {  	[smem:$0x3F99] =	sst lr;
	_ =	strace $0xD0000000  }
0x3: {  	_ = 	snop  }
0x4: {  	_ = 	snop  }
0x5: {  	_ = 	snop  }
0x6: {  	_ = 	snop  }
0x7: {  	_ = 	snop  }
__scs_overlays_trampoline_lowered:
0x8: {  	[smem:$0x3FA8] =	sst s0  }
0x9: {  	[smem:$0x3FA9] =	sst s1  }
0xa: {  	[smem:$0x3FAA] =	sst s2  }
0xb: {  	[smem:$0x3FAB] =	sst s3  }
0xc: {  	[smem:$0x3FAC] =	sst s4  }
0xd: {  	[smem:$0x3FAD] =	sst s5  }
0xe: {  	[smem:$0x3FAE] =	sst s6  }
0xf: {  	[smem:$0x3FAF] =	sst s7  }
0x10: {  	[smem:$0x3FB0] =	sst s8  }
0x11: {  	[smem:$0x3FB1] =	sst s9;
	s0 =	simm.s32 @!p0 $0x0  }
0x12: {  	s1 =	sld [smem:$0x3F97];
	s0 =	simm.s32 @p0 $0x1  }
0x13: {  	[smem:$0x3FB2] =	sst s0;
	s0 =	simm.s32 @!p1 $0x0  }
0x14: {  	s2 =	sld [smem:$0x3F96];
	s0 =	simm.s32 @p1 $0x1  }
0x15: {  	[smem:$0x3FB3] =	sst s0;
	s0 =	simm.s32 @!p2 $0x0  }
0x16: {  	s3 =	sld [smem:$0x3FDB];
	s0 =	simm.s32 @p2 $0x1  }
0x17: {  	s4 =	simm.s32 $0x1BF5;
	[smem:$0x3FB5] =	sst s0  }
0x18: {  	s0 =	sld [smem:$0x3F98];
	_ =	swait.ge [sflag:s4], $0x0  }
0x19: {  	s7 =	sld [smem:$0x3F99]  }
0x1a: {  	s8 =	sadd.s32 $0xFFFFE003, lr  }
0x1b: {  	s9 =	sadd.s32 $0xFFFFFEF7, lr;
	s5 =	simm.s32 $0xFFFFFFFF;
	p2 =	slt.u32 s8, $0xFFFFF086  }
0x1c: {  	p1 =	slt.u32 s9, $0xF7A;
	s5 =	simm.s32 @!p2 $0x0  }
0x1d: {  	s5 =	simm.s32 @p1 $0x1;
	p0 =	seq.s32 s7, s2  }
0x1e: {  	s7 =	smul.u32 @!p0 $0xF7A, s2;
	p2 =	seq.s32 @!p0 s5, $0x0  }
0x1f: {  	s9 =	smul.u32 $0xF7A, s1;
	s8 =	simm.s32 @!p0 $0x1BF5;
	p2 =	por !p2, p0  }
0x20: {  	[sflag:s8] =	ssyncset.s32 @!p0 $0xFFFFF086;
	s6 =	sadd.s32 @!p0 s3, s7;
	s7 =	simm.s32 @!p0 $0x108  }
0x21: {  	s3 =	sadd.s32 s3, s9;
	s6 =	sadd.s32 @!p0 $0x88, s6;
	s7 =	simm.s32 @p2 $0x1082  }
0x22: {  	[simem:s7], [sflag:s8] =	dma.local @!p0 [hbm:s6], $0xF7A  }
0x23: {  	s9 =	sor.u32 $0xD0000000, s2;
	s6 =	simm.s32 $0x108;
	_ =	swait.ge @!p0 [sflag:s8], $0x0  }
0x24: {  	s3 =	sadd.s32 $0x88, s3;
	s6 =	simm.s32 @!p1 $0x1082;
	[sflag:s4] =	ssyncset.s32 $0xFFFFF086  }
0x25: {  	[simem:s6], [sflag:s4] =	dma.local [hbm:s3], $0xF7A  }
0x26: {  	[smem:$0x3F99] =	sst s1;
	(tag) =	ssettag s2;
	_ =	strace s9  }
0x27: {  	s1 =	sld [smem:$0x3FA9]  }
0x28: {  	s2 =	sld [smem:$0x3FAA]  }
0x29: {  	s4 =	sld [smem:$0x3FAC]  }
0x2a: {  	p0 =	seq.s32 s5, $0x0;
	s5 =	sld [smem:$0x3FAD]  }
0x2b: {  	s6 =	sld [smem:$0x3FAE]  }
0x2c: {  	s7 =	sld [smem:$0x3FAF]  }
0x2d: {  	s3 =	simm.s32 $0x108;
	s8 =	sld [smem:$0x3FB0]  }
0x2e: {  	s3 =	simm.s32 @!p0 $0x1082;
	s9 =	sld [smem:$0x3FB1]  }
0x2f: {  	lr =	sadd.s32 s0, s3;
	s0 =	sld [smem:$0x3FA8]  }
0x30: {  	s3 =	sld [smem:$0x3FAB]  }
0x31: {  	[smem:$0x3FB4] =	sst s10  }
0x32: {  	s10 =	sld [smem:$0x3FB2];
	_ =	sdelay $0x3  }
0x33: {  	p0 =	seq.s32 s10, $0x1;
	s10 =	sld [smem:$0x3FB4];
	_ =	sdelay $0x3  }
0x34: {  	[smem:$0x3FB4] =	sst s10  }
0x35: {  	s10 =	sld [smem:$0x3FB3];
	_ =	sdelay $0x3  }
0x36: {  	p1 =	seq.s32 s10, $0x1;
	s10 =	sld [smem:$0x3FB4];
	_ =	sdelay $0x3  }
0x37: {  	[smem:$0x3FB4] =	sst s10  }
0x38: {  	s10 =	sld [smem:$0x3FB5]  }
0x39: {  	_ = 	snop;
	(pc) =	sbr.ind lr, $3  }
0x3a: {  	_ = 	snop  }
0x3b: {  	_ = 	snop  }
0x3c: {  	p2 =	seq.s32 s10, $0x1;
	s10 =	sld [smem:$0x3FB4]  }
0x3d: {  	_ =	shalt  }
0x3e: {  	_ =	shalt  }
0x3f: {  	_ =	shalt  }
0x40: {  	_ =	shalt  }
0x41: {  	_ =	shalt  }
0x42: {  	_ =	shalt  }
0x43: {  	_ =	shalt  }
0x44: {  	_ =	shalt  }
0x45: {  	_ =	shalt  }
0x46: {  	_ =	shalt  }
0x47: {  	_ =	shalt  }
0x48: {  	_ =	shalt  }
0x49: {  	_ =	shalt  }
0x4a: {  	_ =	shalt  }
0x4b: {  	_ =	shalt  }
0x4c: {  	_ =	shalt  }
0x4d: {  	_ =	shalt  }
0x4e: {  	_ =	shalt  }
0x4f: {  	_ =	shalt  }
0x50: {  	_ =	shalt  }
0x51: {  	_ =	shalt  }
0x52: {  	_ =	shalt  }
0x53: {  	_ =	shalt  }
0x54: {  	_ =	shalt  }
0x55: {  	_ =	shalt  }
0x56: {  	_ =	shalt  }
0x57: {  	_ =	shalt  }
0x58: {  	_ =	shalt  }
0x59: {  	_ =	shalt  }
0x5a: {  	_ =	shalt  }
0x5b: {  	_ =	shalt  }
0x5c: {  	_ =	shalt  }
0x5d: {  	_ =	shalt  }
0x5e: {  	_ =	shalt  }
0x5f: {  	_ =	shalt  }
0x60: {  	_ =	shalt  }
0x61: {  	_ =	shalt  }
0x62: {  	_ =	shalt  }
0x63: {  	_ =	shalt  }
0x64: {  	_ =	shalt  }
0x65: {  	_ =	shalt  }
0x66: {  	_ =	shalt  }
0x67: {  	_ =	shalt  }
0x68: {  	_ =	shalt  }
0x69: {  	_ =	shalt  }
0x6a: {  	_ =	shalt  }
0x6b: {  	_ =	shalt  }
0x6c: {  	_ =	shalt  }
0x6d: {  	_ =	shalt  }
0x6e: {  	_ =	shalt  }
0x6f: {  	_ =	shalt  }
0x70: {  	_ =	shalt  }
0x71: {  	_ =	shalt  }
0x72: {  	_ =	shalt  }
0x73: {  	_ =	shalt  }
0x74: {  	_ =	shalt  }
0x75: {  	_ =	shalt  }
0x76: {  	_ =	shalt  }
0x77: {  	_ =	shalt  }
0x78: {  	_ =	shalt  }
0x79: {  	_ =	shalt  }
0x7a: {  	_ =	shalt  }
0x7b: {  	_ =	shalt  }
0x7c: {  	_ =	shalt  }
0x7d: {  	_ =	shalt  }
0x7e: {  	_ =	shalt  }
0x7f: {  	_ =	shalt  }
0x80: {  	_ =	shalt  }
0x81: {  	_ =	shalt  }
0x82: {  	_ =	shalt  }
0x83: {  	_ =	shalt  }
0x84: {  	_ =	shalt  }
0x85: {  	_ =	shalt  }
0x86: {  	_ =	shalt  }
0x87: {  	_ =	shalt  }
.Lfunc_end0:
.L_simem_size_0:
called_computation.3_lowered:
.L_overlay_start_0:
0x88: {  	s2 =	sld [smem:$0x3FD9]  }
0x89: {  	s3 =	sld [smem:$0x3FFE];
	_ =	sdelay $0x1  }
0x8a: {  	s1 =	srdreg.scid  }
0x8b: {  	s0 =	sand.u32 $0x1, s1  }
0x8c: {  	s16 =	sshll.u32 s0, $0xA;
	s2 =	sadd.s32 s3, s2  }
0x8d: {  	s2 =	sadd.s32 s2, s16  }
0x8e: {  	[smem:$0x3FC0] =	sst s2  }
0x8f: {  	_ = 	snop  }
0x90: {  	(tm) =	ssettm $0x1  }
0x91: {  	s17 =	sld [smem:$0x3FFB];
	_ =	sdelay $0x3  }
0x92: {  	_ =	strace s17  }
0x93: {  	s2 =	sld [smem:$0x3FFC];
	_ =	sdelay $0x3  }
0x94: {  	_ =	strace s2  }
0x95: {  	s2 =	sld [smem:$0x3FFD];
	_ =	sdelay $0x3  }
0x96: {  	_ =	strace s2  }
0x97: {  	_ =	strace $0x8FFFFFFF  }
0x98: {  	s18 =	sld [smem:$0x3FDB];
	_ =	sdelay $0x1  }
0x99: {  	s19 =	simm.s32 $_scs_section_size  }
0x9a: {  	s4 =	simm.s32 $_size__tile_overlayer_lowered;
	s5 =	simm.s32 $_tile_overlayer_lowered  }
0x9b: {  	s22 =	simm.s32 $0x1BFF;
	s21 =	sshll.u32 s5, $0x1;
	s2 =	sadd.s32 s19, s18  }
0x9c: {  	s6 =	simm.s32 $0x0;
	s20 =	sshll.u32 s4, $0x1;
	s4 =	sadd.s32 s21, s2  }
0x9d: {  	[timem:s6], [sflag:s22] =	dma.local [hbm:s4], s20  }
0x9e: {  	_ =	swait.ge [sflag:s22], s20  }
0x9f: {  	s3 =	ssub.s32 $0x0, s20;
	[sflag:s22] =	ssyncset.done $0x0  }
0xa0: {  	[sflag:s22] =	ssyncadd.s32 s3;
	_ =	sdelay $0x1  }
0xa1: {  	s23 =	simm.s32 $0x1B8B  }
0xa2: {  	_ =	swait.ge [sflag:s23], $0x1  }
0xa3: {  	[sflag:s23] =	ssyncset.done $0x0  }
0xa4: {  	s25 =	simm.s32 $0x1B8E;
	s24 =	sld [smem:$0x3FFE];
	[sflag:s23] =	ssyncadd.s32 $0xFFFFFFFF  }
0xa5: {  	s26 =	simm.s32 $execute0_lowered;
	[smem:$0x3FD2] =	sst s25  }
0xa6: {  	s4 =	sshll.u32 s26, $0x1;
	_ =	strace $0x8000004F;
	[dreg:$0x1] =	wrdreg $0xFFFFFFFF  }
0xa7: {  	s28 =	simm.s32 $_size_execute0_lowered;
	s2 =	sadd.s32 s2, s4;
	[dreg:$0x0] =	wrdreg $0x0  }
0xa8: {  	s4 =	sshll.u32 s28, $0x1;
	[dreg:$0x2] =	wrdreg s2  }
0xa9: {  	[dreg:$0x3] =	wrdreg s4  }
0xaa: {  	[dreg:$0x4] =	wrdreg $0xC0  }
0xab: {  	_ =	task [dreg:s6], $0x5FFFF  }
0xac: {  	[dreg:$0x1] =	wrdreg $0xFFFFFFFF  }
0xad: {  	[dreg:$0x0] =	wrdreg $0x60  }
0xae: {  	[dreg:$0x2] =	wrdreg s24  }
0xaf: {  	[dreg:$0x3] =	wrdreg $0x0  }
0xb0: {  	[dreg:$0x4] =	wrdreg $0x9  }
0xb1: {  	_ =	task.clear_ibuf [dreg:s6], $0x5FFFF;
	_ =	strace $0x9000004F  }
0xb2: {  	s29 =	simm.s32 $0x9;
	_ =	strace $0x80000051  }
0xb3: {  	_ =	swait.ge [sflag:s29], $0x1  }
0xb4: {  	[sflag:s29] =	ssyncadd.s32 $0xFFFFFFFF  }
0xb5: {  	_ =	strace $0x90000051  }
0xb6: {  	_ =	sfence  }
0xb7: {  	s30 =	sld [smem:$0x0];
	_ =	sdelay $0x2  }
0xb8: {  	s31 =	sshll.u32 s1, $0xD;
	s1 =	sshrl.u32 s1, $0x2  }
0xb9: {  	s3 =	sand.u32 $0x4000, s31;
	s1 =	sadd.s32 s1, s30  }
0xba: {  	s0 =	sor.u32 s3, s0;
	s1 =	sshll.u32 s1, $0x11  }
0xbb: {  	s0 =	sor.u32 s1, s0  }
0xbc: {  	s0 =	sadd.s32 $0x8F2B, s0  }
0xbd: {  	[sflag:s0] =	ssyncadd.remote.s32 $0x1  }
0xbe: {  	_ =	sfence.sel $0xFFFF  }
0xbf: {  	[dreg:$0x0] =	wrdreg $0xFFFFFFFF;
	(pc) =	sbr.abs _section_cstart, $3  }
0xc0: {  	[dreg:$0x1] =	wrdreg $0xFFFFFFFF  }
0xc1: {  	_ =	task.clear_ibuf [dreg:s6], $0x2FFFF;
	_ =	strace $0x9FFFFFFF  }
0xc2: {  	(tm) =	ssettm $0x7FFFFFFF  }
0xc3: {  	_ =	shalt  }
tec
execute0_lowered:
.L_overlay_start_1:
0x0: {  	(tag) =	ssettag $0x1  }
0x1: {  	s0 =	rddreg [dreg:$0x0]  }
0x2: {  	s2 =	rddreg [dreg:$0x1];
	s3 =	simm.s32 $0x0  }
0x3: {  	s1 =	srdreg.scid;
	s11 =	stileid.u32;
	s28 =	simm.s32 $0x18720  }
0x4: {  	s29 =	simm.s32 $0x19840;
	s30 =	simm.s32 $0x5;
	s5 =	smul.u32 $0x30D40, s11  }
0x5: {  	s31 =	simm.s32 $0x2;
	[smem:$0x7FF] =	sst s3;
	s17 =	smul.u32 $0x61A80, s11  }
0x6: {  	s1 =	sand.u32 $0x1, s1;
	s4 =	sadd.s32 $0x149C200, s0;
	s9 =	smul.u32 $0x190, s11  }
0x7: {  	s8 =	sadd.s32 $0x95C00, s0;
	s6 =	sadd.s32 $0x2800, s0;
	s20 =	smul.u32 $0x30D400, s11  }
0x8: {  	s10 =	smul.u32 $0x1900, s11;
	s11 =	sshll.u32 s11, $0x6;
	_ =	strace $0x80000050  }
0x9: {  	s7 =	sshll.u32 s1, $0x5;
	[dreg:$0x3] =	wrdreg s6;
	s1 =	ssub.s32 $0x2, s1  }
0xa: {  	s11 =	sor.u32 $0x1C06, s11;
	s5 =	sor.u32 s7, s5;
	s18 =	sshrl.u32 s1, $0x1  }
0xb: {  	s19 =	sshrl.u32 s17, $0x2;
	s9 =	sadd.s32 $0x18E, s9;
	s14 =	sor.u32 s7, s20  }
0xc: {  	s21 =	sadd.s32 s8, s10;
	s17 =	simm.s32 $0x6;
	s20 =	simm.s32 $0x40  }
0xd: {  	s5 =	sshrl.u32 s5, $0x3;
	s1 =	ssub.s32 s1, s18;
	s12 =	smul.u32 $0x1F40, s9  }
0xe: {  	s22 =	sshrl.u32 s14, $0x3;
	s24 =	sshll.u32 s9, $0x4;
	s25 =	sadd.s32 $0x3E80, s14  }
0xf: {  	[dreg:$0x4] =	wrdreg s21;
	s13 =	sadd.s32 $0x40, s21;
	s26 =	sadd.s32 $0x7D00, s14  }
0x10: {  	s18 =	simm.s32 $0x186A0;
	s21 =	simm.s32 $0x188A0;
	s0 =	sadd.s32 s5, s0  }
0x11: {  	s5 =	sadd.s32 s19, s2;
	s10 =	sadd.s32 s4, s22;
	s1 =	smax.u32 s1, $0x1  }
0x12: {  	[dreg:$0xa] =	wrdreg s26;
	s19 =	simm.s32 $0x20;
	s22 =	simm.s32 $0x187A0  }
0x13: {  	s26 =	simm.s32 $0x7D;
	[dreg:$0x5] =	wrdreg s10;
	s0 =	sadd.s32 $0x5A00, s0  }
0x14: {  	s23 =	sor.u32 s7, s12;
	[dreg:$0x7] =	wrdreg s1;
	s1 =	sadd.s32 s8, s24  }
0x15: {  	s16 =	sshrl.u32 s5, $0x3;
	s24 =	simm.s32 $0x1;
	s5 =	simm.s32 $0x1B780  }
0x16: {  	s8 =	simm.s32 $0x0;
	[dreg:$0x6] =	wrdreg s0;
	s0 =	sshrl.u32 s23, $0x3  }
0x17: {  	[dreg:$0x8] =	wrdreg s1;
	s23 =	simm.s32 $0x1A7E0;
	s0 =	sadd.s32 s4, s0  }
0x18: {  	s1 =	simm.s32 $0x18820;
	[dreg:$0x9] =	wrdreg s0;
	s0 =	sshrl.u32 s25, $0x3  }
0x19: {  	s25 =	simm.s32 $0x3;
	s15 =	sadd.s32 s0, s4;
	s0 =	simm.s32 $0x4  }
.LBB2_1:
0x1a: {  	s6 =	rddreg [dreg:$0x3]  }
0x1b: {  	[spmem:s16], [sflag:s11] =	dma.local [hbm:s6], $0x30D4  }
0x1c: {  	_ =	swait.ge [sflag:s17], $0x30D4  }
0x1d: {  	[sflag:s17] =	ssyncset.done $0x0  }
0x1e: {  	[sflag:s17] =	ssyncadd.s32 $0xFFFFCF2C  }
0x1f: {  	[bflag:$0x0] =	sbarrier.arrive $0xFFFF  }
0x20: {  	s7 =	rddreg [dreg:$0x4]  }
0x21: {  	[tilespmem:s18], [sflag:$0x1] =	stream.linear.gather [hbm4b:s7+s3], $0x100, $0x38;
	[tilespmem:$0x1C720] =	vst v63  }
0x22: {  	s9 =	rddreg [dreg:$0x5]  }
0x23: {  	[tilespmem:s21], [sflag:$0x3] =	stream.strided.gather [hbm4b:s9+s19], $0x1F40, s20, s19, $0x38;
	[tilespmem:$0x1C720] =	vst v63  }
0x24: {  	s7 =	sadd.s32 $0xFFFFFFE0, s13  }
0x25: {  	[tilespmem:s22], [sflag:$0x2] =	stream.linear.gather [hbm4b:s7+s3], $0x100, $0x38;
	[tilespmem:$0x1C720] =	vst v63  }
0x26: {  	s10 =	smov.u32 s11;
	s11 =	sadd.s32 $0x0, s15  }
0x27: {  	[tilespmem:s23], [sflag:$0x4] =	stream.strided.gather [hbm4b:s11+s19], $0x1F40, s20, s19, $0x38;
	[tilespmem:$0x1C720] =	vst v63  }
0x28: {  	_ =	swait.ge [sflag:s24], $0x100  }
0x29: {  	[sflag:s24] =	ssyncset.done $0x0  }
0x2a: {  	[sflag:s24] =	ssyncadd.s32 $0xFFFFFF00  }
0x2b: {  	_ =	swait.ge [sflag:s25], $0x1F40  }
0x2c: {  	[sflag:s25] =	ssyncset.done $0x0  }
0x2d: {  	[sflag:s25] =	ssyncadd.s32 $0xFFFFE0C0  }
0x2e: {  	[spmem:s2] =	stream.indirect.scatter.add.f32 [tilespmem:s21], [sflag:$0x5], $0x20, s18, s26, $0xb8;
	[tilespmem:$0x1C720] =	vst v63  }
0x2f: {  	_ = 	snop  }
0x30: {  	[spmem:s2] =	stream.indirect.scatter.add.f32 [tilespmem:s29], [sflag:$0x5], $0x20, s28, s26, $0xb8;
	[tilespmem:$0x1C720] =	vst v63  }
0x31: {  	_ =	swait.ge [sflag:s30], $0xFA0  }
0x32: {  	[sflag:s30] =	ssyncset.done $0x0  }
0x33: {  	[sflag:s30] =	ssyncadd.s32 $0xFFFFF060  }
0x34: {  	_ =	swait.ge [sflag:s30], $0xFA0  }
0x35: {  	[sflag:s30] =	ssyncset.done $0x0;
	s14 =	rddreg [dreg:$0xa]  }
0x36: {  	[sflag:s30] =	ssyncadd.s32 $0xFFFFF060;
	s12 =	sshrl.u32 s14, $0x3  }
0x37: {  	[tilespmem:s18], [sflag:$0x1] =	stream.linear.gather [hbm4b:s13+s3], $0x100, $0x38;
	[tilespmem:$0x1C720] =	vst v63  }
0x38: {  	s7 =	sadd.s32 s4, s12  }
0x39: {  	[tilespmem:s21], [sflag:$0x3] =	stream.strided.gather [hbm4b:s7+s19], $0x1F40, s20, s19, $0x38;
	[tilespmem:$0x1C720] =	vst v63  }
0x3a: {  	_ =	swait.ge [sflag:s31], $0x100  }
0x3b: {  	[sflag:s31] =	ssyncset.done $0x0  }
0x3c: {  	[sflag:s31] =	ssyncadd.s32 $0xFFFFFF00  }
0x3d: {  	_ =	swait.ge [sflag:s0], $0x1F40  }
0x3e: {  	[sflag:s0] =	ssyncset.done $0x0  }
0x3f: {  	[sflag:s0] =	ssyncadd.s32 $0xFFFFE0C0  }
0x40: {  	[spmem:s2] =	stream.indirect.scatter.add.f32 [tilespmem:s23], [sflag:$0x5], $0x20, s22, s26, $0xb8;
	[tilespmem:$0x1C720] =	vst v63  }
0x41: {  	_ = 	snop  }
0x42: {  	[spmem:s2] =	stream.indirect.scatter.add.f32 [tilespmem:s5], [sflag:$0x5], $0x20, s1, s26, $0xb8;
	[tilespmem:$0x1C720] =	vst v63  }
0x43: {  	_ =	swait.ge [sflag:s30], $0xFA0  }
0x44: {  	[sflag:s30] =	ssyncset.done $0x0  }
0x45: {  	[sflag:s30] =	ssyncadd.s32 $0xFFFFF060  }
0x46: {  	s9 =	sadd.s32 $0x40, s13;
	_ =	swait.ge [sflag:s30], $0xFA0  }
0x47: {  	s11 =	simm.s32 $0x1F40;
	s7 =	simm.s32 $0xFA0;
	[sflag:s30] =	ssyncset.done $0x0  }
.LBB2_2:
0x48: {  	s12 =	sadd.s32 $0xFFFFFFE0, s9  }
0x49: {  	[sflag:s30] =	ssyncadd.s32 $0xFFFFF060;
	s14 =	sadd.s32 $0x7D00, s14;
	s6 =	smov.u32 s11  }
0x4a: {  	[tilespmem:s22], [sflag:$0x2] =	stream.linear.gather [hbm4b:s12+s3], $0x100, $0x38;
	[tilespmem:$0x1C720] =	vst v63  }
0x4b: {  	p0 =	sne.s32 s11, $0x5FB40;
	s11 =	sadd.s32 $0xFA0, s11;
	s7 =	sadd.s32 s7, s15  }
0x4c: {  	[tilespmem:s23], [sflag:$0x4] =	stream.strided.gather [hbm4b:s7+s19], $0x1F40, s20, s19, $0x38;
	[tilespmem:$0x1C720] =	vst v63  }
0x4d: {  	s7 =	smov.u32 s6;
	_ =	swait.ge [sflag:s24], $0x100  }
0x4e: {  	[sflag:s24] =	ssyncset.done $0x0  }
0x4f: {  	[sflag:s24] =	ssyncadd.s32 $0xFFFFFF00  }
0x50: {  	_ =	swait.ge [sflag:s25], $0x1F40  }
0x51: {  	[sflag:s25] =	ssyncset.done $0x0  }
0x52: {  	[sflag:s25] =	ssyncadd.s32 $0xFFFFE0C0  }
0x53: {  	[spmem:s2] =	stream.indirect.scatter.add.f32 [tilespmem:s21], [sflag:$0x5], $0x20, s18, s26, $0xb8;
	[tilespmem:$0x1C720] =	vst v63  }
0x54: {  	_ = 	snop  }
0x55: {  	[spmem:s2] =	stream.indirect.scatter.add.f32 [tilespmem:s29], [sflag:$0x5], $0x20, s28, s26, $0xb8;
	[tilespmem:$0x1C720] =	vst v63  }
0x56: {  	_ =	swait.ge [sflag:s30], $0xFA0  }
0x57: {  	[sflag:s30] =	ssyncset.done $0x0  }
0x58: {  	[sflag:s30] =	ssyncadd.s32 $0xFFFFF060  }
0x59: {  	_ =	swait.ge [sflag:s30], $0xFA0  }
0x5a: {  	[sflag:s30] =	ssyncset.done $0x0  }
0x5b: {  	s6 =	sshrl.u32 s14, $0x3;
	[sflag:s30] =	ssyncadd.s32 $0xFFFFF060  }
0x5c: {  	[tilespmem:s18], [sflag:$0x1] =	stream.linear.gather [hbm4b:s9+s3], $0x100, $0x38;
	[tilespmem:$0x1C720] =	vst v63  }
0x5d: {  	s6 =	sadd.s32 s4, s6  }
0x5e: {  	[tilespmem:s21], [sflag:$0x3] =	stream.strided.gather [hbm4b:s6+s19], $0x1F40, s20, s19, $0x38;
	[tilespmem:$0x1C720] =	vst v63  }
0x5f: {  	_ =	swait.ge [sflag:s31], $0x100  }
0x60: {  	[sflag:s31] =	ssyncset.done $0x0  }
0x61: {  	[sflag:s31] =	ssyncadd.s32 $0xFFFFFF00  }
0x62: {  	_ =	swait.ge [sflag:s0], $0x1F40  }
0x63: {  	[sflag:s0] =	ssyncset.done $0x0  }
0x64: {  	[sflag:s0] =	ssyncadd.s32 $0xFFFFE0C0  }
0x65: {  	[spmem:s2] =	stream.indirect.scatter.add.f32 [tilespmem:s23], [sflag:$0x5], $0x20, s22, s26, $0xb8;
	[tilespmem:$0x1C720] =	vst v63  }
0x66: {  	_ = 	snop  }
0x67: {  	[spmem:s2] =	stream.indirect.scatter.add.f32 [tilespmem:s5], [sflag:$0x5], $0x20, s1, s26, $0xb8;
	[tilespmem:$0x1C720] =	vst v63  }
.Ltmp0:
0x68: {  	_ =	swait.ge [sflag:s30], $0xFA0;
	(pc) =	sbr.rel @p0 .LBB2_2-.Ltmp0, $4  }
0x69: {  	[sflag:s30] =	ssyncset.done $0x0  }
0x6a: {  	[sflag:s30] =	ssyncadd.s32 $0xFFFFF060  }
0x6b: {  	_ =	swait.ge [sflag:s30], $0xFA0  }
0x6c: {  	s9 =	sadd.s32 $0x40, s9;
	[sflag:s30] =	ssyncset.done $0x0  }
0x6d: {  	s6 =	sadd.s32 $0xFFFFFFE0, s9;
	[sflag:s30] =	ssyncadd.s32 $0xFFFFF060  }
0x6e: {  	[tilespmem:s22], [sflag:$0x2] =	stream.linear.gather [hbm4b:s6+s3], $0x100, $0x38;
	[tilespmem:$0x1C720] =	vst v63  }
0x6f: {  	s11 =	sadd.s32 s7, s15  }
0x70: {  	[tilespmem:s23], [sflag:$0x4] =	stream.strided.gather [hbm4b:s11+s19], $0x1F40, s20, s19, $0x38;
	[tilespmem:$0x1C720] =	vst v63  }
0x71: {  	_ =	swait.ge [sflag:s24], $0x100  }
0x72: {  	[sflag:s24] =	ssyncset.done $0x0  }
0x73: {  	[sflag:s24] =	ssyncadd.s32 $0xFFFFFF00  }
0x74: {  	_ =	swait.ge [sflag:s25], $0x1F40  }
0x75: {  	[sflag:s25] =	ssyncset.done $0x0  }
0x76: {  	[sflag:s25] =	ssyncadd.s32 $0xFFFFE0C0  }
0x77: {  	[spmem:s2] =	stream.indirect.scatter.add.f32 [tilespmem:s21], [sflag:$0x5], $0x20, s18, s26, $0xb8;
	[tilespmem:$0x1C720] =	vst v63  }
0x78: {  	_ = 	snop  }
0x79: {  	[spmem:s2] =	stream.indirect.scatter.add.f32 [tilespmem:s29], [sflag:$0x5], $0x20, s28, s26, $0xb8;
	[tilespmem:$0x1C720] =	vst v63  }
0x7a: {  	_ =	swait.ge [sflag:s30], $0xFA0  }
0x7b: {  	[sflag:s30] =	ssyncset.done $0x0  }
0x7c: {  	[sflag:s30] =	ssyncadd.s32 $0xFFFFF060  }
0x7d: {  	_ =	swait.ge [sflag:s30], $0xFA0  }
0x7e: {  	s12 =	sadd.s32 $0x7D00, s14;
	[sflag:s30] =	ssyncset.done $0x0  }
0x7f: {  	s6 =	sshrl.u32 s12, $0x3;
	[sflag:s30] =	ssyncadd.s32 $0xFFFFF060  }
0x80: {  	[tilespmem:s18], [sflag:$0x1] =	stream.linear.gather [hbm4b:s9+s3], $0x100, $0x38;
	[tilespmem:$0x1C720] =	vst v63  }
0x81: {  	s6 =	sadd.s32 s4, s6  }
0x82: {  	[tilespmem:s21], [sflag:$0x3] =	stream.strided.gather [hbm4b:s6+s19], $0x1F40, s20, s19, $0x38;
	[tilespmem:$0x1C720] =	vst v63  }
0x83: {  	_ =	swait.ge [sflag:s31], $0x100  }
0x84: {  	[sflag:s31] =	ssyncset.done $0x0  }
0x85: {  	[sflag:s31] =	ssyncadd.s32 $0xFFFFFF00  }
0x86: {  	_ =	swait.ge [sflag:s0], $0x1F40  }
0x87: {  	[sflag:s0] =	ssyncset.done $0x0  }
0x88: {  	[sflag:s0] =	ssyncadd.s32 $0xFFFFE0C0  }
0x89: {  	[spmem:s2] =	stream.indirect.scatter.add.f32 [tilespmem:s23], [sflag:$0x5], $0x20, s22, s26, $0xb8;
	[tilespmem:$0x1C720] =	vst v63  }
0x8a: {  	_ = 	snop  }
0x8b: {  	[spmem:s2] =	stream.indirect.scatter.add.f32 [tilespmem:s5], [sflag:$0x5], $0x20, s1, s26, $0xb8;
	[tilespmem:$0x1C720] =	vst v63  }
0x8c: {  	_ =	swait.ge [sflag:s30], $0xFA0  }
0x8d: {  	[sflag:s30] =	ssyncset.done $0x0  }
0x8e: {  	[sflag:s30] =	ssyncadd.s32 $0xFFFFF060  }
0x8f: {  	_ =	swait.ge [sflag:s30], $0xFA0  }
0x90: {  	[sflag:s30] =	ssyncset.done $0x0  }
0x91: {  	s14 =	rddreg [dreg:$0x8];
	[sflag:s30] =	ssyncadd.s32 $0xFFFFF060  }
0x92: {  	[tilespmem:s22], [sflag:$0x2] =	stream.linear.gather [hbm4b:s14+s3], $0x100, $0x38;
	[tilespmem:$0x1C720] =	vst v63  }
0x93: {  	s7 =	rddreg [dreg:$0x9]  }
0x94: {  	[tilespmem:s23], [sflag:$0x4] =	stream.strided.gather [hbm4b:s7+s19], $0x1F40, s20, s19, $0x38;
	[tilespmem:$0x1C720] =	vst v63  }
0x95: {  	_ =	swait.ge [sflag:s24], $0x100  }
0x96: {  	[sflag:s24] =	ssyncset.done $0x0  }
0x97: {  	[sflag:s24] =	ssyncadd.s32 $0xFFFFFF00  }
0x98: {  	_ =	swait.ge [sflag:s25], $0x1F40  }
0x99: {  	[sflag:s25] =	ssyncset.done $0x0  }
0x9a: {  	[sflag:s25] =	ssyncadd.s32 $0xFFFFE0C0  }
0x9b: {  	[spmem:s2] =	stream.indirect.scatter.add.f32 [tilespmem:s21], [sflag:$0x5], $0x20, s18, s26, $0xb8;
	[tilespmem:$0x1C720] =	vst v63  }
0x9c: {  	_ = 	snop  }
0x9d: {  	[spmem:s2] =	stream.indirect.scatter.add.f32 [tilespmem:s29], [sflag:$0x5], $0x20, s28, s26, $0xb8;
	[tilespmem:$0x1C720] =	vst v63  }
0x9e: {  	_ =	swait.ge [sflag:s30], $0xFA0  }
0x9f: {  	[sflag:s30] =	ssyncset.done $0x0  }
0xa0: {  	[sflag:s30] =	ssyncadd.s32 $0xFFFFF060  }
0xa1: {  	_ =	swait.ge [sflag:s30], $0xFA0  }
0xa2: {  	[sflag:s30] =	ssyncset.done $0x0  }
0xa3: {  	[sflag:s30] =	ssyncadd.s32 $0xFFFFF060  }
0xa4: {  	_ =	swait.ge [sflag:s31], $0x100  }
0xa5: {  	[sflag:s31] =	ssyncset.done $0x0  }
0xa6: {  	[sflag:s31] =	ssyncadd.s32 $0xFFFFFF00  }
0xa7: {  	_ =	swait.ge [sflag:s0], $0x1F40  }
0xa8: {  	[sflag:s0] =	ssyncset.done $0x0  }
0xa9: {  	[sflag:s0] =	ssyncadd.s32 $0xFFFFE0C0  }
0xaa: {  	[spmem:s2] =	stream.indirect.scatter.add.f32 [tilespmem:s23], [sflag:$0x5], $0x20, s22, s26, $0xb8;
	[tilespmem:$0x1C720] =	vst v63  }
0xab: {  	_ = 	snop  }
0xac: {  	[spmem:s2] =	stream.indirect.scatter.add.f32 [tilespmem:s5], [sflag:$0x5], $0x20, s1, s26, $0xb8;
	[tilespmem:$0x1C720] =	vst v63  }
0xad: {  	_ =	swait.ge [sflag:s30], $0xFA0  }
0xae: {  	[sflag:s30] =	ssyncset.done $0x0  }
0xaf: {  	[sflag:s30] =	ssyncadd.s32 $0xFFFFF060  }
0xb0: {  	_ =	swait.ge [sflag:s30], $0xFA0  }
0xb1: {  	[sflag:s30] =	ssyncset.done $0x0  }
0xb2: {  	[sflag:s30] =	ssyncadd.s32 $0xFFFFF060  }
0xb3: {  	[bflag:$0x0] =	sbarrier.arrive $0xFFFF  }
0xb4: {  	s12 =	simm.s32 $0x8;
	s9 =	rddreg [dreg:$0x6]  }
0xb5: {  	[hbm:s9@s12], [sflag:s10] =	dma.strided [spmem:s16@s0], $0x30D4, s24, $0x4   }
0xb6: {  	_ =	swait.ge [sflag:s17], $0x30D4  }
0xb7: {  	s8 =	sadd.s32 $0x1, s8;
	s14 =	rddreg [dreg:$0x7]  }
0xb8: {  	p0 =	sne.s32 s8, s14  }
.Ltmp1:
0xb9: {  	_ = 	snop;
	(pc) =	sbr.rel @p0 .LBB2_1-.Ltmp1, $3  }
0xba: {  	_ =	sdelay $0x1  }
0xbb: {  	[sflag:s17] =	ssyncset.done $0x0  }
0xbc: {  	s11 =	smov.u32 s10;
	[sflag:s17] =	ssyncadd.s32 $0xFFFFCF2C  }
0xbd: {  	_ =	sfence.sel $0x180000  }
0xbe: {  	[bflag:$0x0] =	sbarrier.arrive $0xFFFF  }
0xbf: {  	_ =	strace $0x90000050  }
0xc0: {  	s0 =	stileid.u32;
	[bflag:$0x2] =	sbarrier.arrive $0xFFFF  }
0xc1: {  	p0 =	sne.s32 s0, $0x0;
	s0 =	rddreg [dreg:$0x2]  }
0xc2: {  	s0 =	sadd.s32 @!p0 $0x100000, s0  }
0xc3: {  	[sflag:s0] =	ssyncadd.tile.s32 @!p0 $0x1;
	_ =	shalt  }
.Lfunc_end2:
_tile_overlayer_lowered:
.L_overlay_start_2:
0xc4: {  	(tag) =	ssettag $0x2  }
0xc5: {  	s0 =	rddreg [dreg:$0x0];
	s2 =	stileid.u32  }
0xc6: {  	s1 =	rddreg [dreg:$0x1];
	p0 =	sne.s32 s2, $0x0  }
0xc7: {  	s3 =	rddreg [dreg:$0x2];
	[bflag:$0x3] =	sbarrier.arrive $0xFFFF;
	s2 =	simm.s32 @!p0 $0x1C06  }
0xc8: {  	[timem:s3], [sflag:s2] =	dma.local @!p0 [hbm:s0], s1  }
0xc9: {  	s0 =	simm.s32 @!p0 $0x6  }
0xca: {  	_ =	swait.ge @!p0 [sflag:s0], s1  }
0xcb: {  	s1 =	ssub.s32 @!p0 $0x0, s1;
	[sflag:s0] =	ssyncset.done @!p0 $0x0  }
0xcc: {  	[sflag:s0] =	ssyncadd.s32 @!p0 s1  }
0xcd: {  	[bflag:$0x3] =	sbarrier.arrive $0xFFFF  }
0xce: {  	_ =	shalt  }

</sc_bundles>
